<compile_context>
chip_gen: v7x
topology: tpu7x:2x2x1
jax: 0.10.2.dev20260603
libtpu: 0.0.44.dev20260713+nightly
codegen_flags: <defaults>
</compile_context>

<pallas_src>
import functools

import jax
import jax.numpy as jnp
from jax import lax
from jax.experimental import pallas as pl
from jax.experimental.pallas import tpu as pltpu
from jax.experimental.pallas import tpu_sc as plsc

N = 10000
D = 128
E = 320000
NNZ = 128000

NC = 2
NS = 16
NW = NC * NS
L = 16

ROWS_PER_W = (N + NW - 1) // NW
N_PAD = ROWS_PER_W * NW
SCAT_CHUNK = 8000
E_PER_W = E // NW
EDGE_CHUNK = 80
GROUPS = EDGE_CHUNK // L
NBUF = 3
NCHUNK = E_PER_W // EDGE_CHUNK

_mesh = plsc.VectorSubcoreMesh(core_axis_name="c", subcore_axis_name="s")
_sc_params = pltpu.CompilerParams(needs_layout_passes=False)


def _worker_id():
    return lax.axis_index("s") * NC + lax.axis_index("c")


@functools.partial(
    pl.kernel,
    out_type=jax.ShapeDtypeStruct((N_PAD * D,), jnp.float32),
    mesh=_mesh,
    scratch_types=[
        pltpu.VMEM((2 * SCAT_CHUNK,), jnp.int32),
        pltpu.VMEM((2 * SCAT_CHUNK,), jnp.int32),
        pltpu.VMEM((2 * SCAT_CHUNK,), jnp.float32),
        pltpu.VMEM((ROWS_PER_W * D,), jnp.float32),
        pltpu.SemaphoreType.DMA((2,)),
        pltpu.SemaphoreType.DMA((2,)),
        pltpu.SemaphoreType.DMA((2,)),
    ],
    compiler_params=_sc_params,
)
def _scatter_coo(rows_hbm, cols_hbm, vals_hbm, xd_hbm, rows_v, cols_v,
                 vals_v, local_v, sem_r, sem_c, sem_v):
    wid = _worker_id()
    row_base = wid * ROWS_PER_W
    flat_base = row_base * D
    n_chunk = NNZ // SCAT_CHUNK

    def issue(c):
        b = lax.rem(c, 2)
        off = c * SCAT_CHUNK
        boff = b * SCAT_CHUNK
        pltpu.async_copy(rows_hbm.at[pl.ds(off, SCAT_CHUNK)],
                         rows_v.at[pl.ds(boff, SCAT_CHUNK)], sem_r.at[b])
        pltpu.async_copy(cols_hbm.at[pl.ds(off, SCAT_CHUNK)],
                         cols_v.at[pl.ds(boff, SCAT_CHUNK)], sem_c.at[b])
        pltpu.async_copy(vals_hbm.at[pl.ds(off, SCAT_CHUNK)],
                         vals_v.at[pl.ds(boff, SCAT_CHUNK)], sem_v.at[b])

    issue(jnp.int32(0))

    def zero_body(i, _):
        local_v[pl.ds(i * L, L)] = jnp.zeros((L,), jnp.float32)
        return 0

    lax.fori_loop(0, (ROWS_PER_W * D) // L, zero_body, 0, unroll=8)

    def chunk_body(c, _):
        b = lax.rem(c, 2)
        off = c * SCAT_CHUNK
        boff = b * SCAT_CHUNK

        @pl.when(c + 1 < n_chunk)
        def _():
            issue(c + 1)

        pltpu.make_async_copy(
            rows_hbm.at[pl.ds(off, SCAT_CHUNK)],
            rows_v.at[pl.ds(boff, SCAT_CHUNK)], sem_r.at[b]).wait()
        pltpu.make_async_copy(
            cols_hbm.at[pl.ds(off, SCAT_CHUNK)],
            cols_v.at[pl.ds(boff, SCAT_CHUNK)], sem_c.at[b]).wait()
        pltpu.make_async_copy(
            vals_hbm.at[pl.ds(off, SCAT_CHUNK)],
            vals_v.at[pl.ds(boff, SCAT_CHUNK)], sem_v.at[b]).wait()

        def grp_body(g, _):
            r = rows_v[pl.ds(boff + g * L, L)]
            cc = cols_v[pl.ds(boff + g * L, L)]
            v = vals_v[pl.ds(boff + g * L, L)]
            idx = (r - row_base) * D + cc
            m = (r >= row_base) & (r < row_base + ROWS_PER_W)
            plsc.addupdate_scatter(local_v, [idx], v, mask=m)
            return 0

        lax.fori_loop(0, SCAT_CHUNK // L, grp_body, 0, unroll=4)
        return 0

    lax.fori_loop(0, n_chunk, chunk_body, 0)
    pltpu.sync_copy(local_v, xd_hbm.at[pl.ds(flat_base, ROWS_PER_W * D)])


def _mm_body(x_ref, w_ref, o_ref):
    o_ref[...] = jnp.dot(x_ref[...], w_ref[...],
                         preferred_element_type=jnp.float32)


_MM_BLK = 400


def _matmul(x_dense, W):
    return pl.pallas_call(
        _mm_body,
        out_shape=jax.ShapeDtypeStruct((N, D), jnp.float32),
        grid=(N // _MM_BLK,),
        in_specs=[
            pl.BlockSpec((_MM_BLK, D), lambda i: (i, 0)),
            pl.BlockSpec((D, D), lambda i: (0, 0)),
        ],
        out_specs=pl.BlockSpec((_MM_BLK, D), lambda i: (i, 0)),
    )(x_dense, W)


@functools.partial(
    pl.kernel,
    out_type=jax.ShapeDtypeStruct((E,), jnp.float32),
    mesh=_mesh,
    scratch_types=[
        pltpu.VMEM((E_PER_W,), jnp.int32),
        pltpu.VMEM((E_PER_W,), jnp.int32),
        pltpu.VMEM((E_PER_W,), jnp.float32),
        pltpu.VMEM((NBUF * EDGE_CHUNK, D), jnp.float32),
        pltpu.VMEM((NBUF * EDGE_CHUNK, D), jnp.float32),
        pltpu.VMEM((N,), jnp.float32),
        pltpu.VMEM((D,), jnp.float32),
        pltpu.VMEM((E_PER_W,), jnp.float32),
        pltpu.VMEM((L * 17,), jnp.float32),
        pltpu.SemaphoreType.DMA((NBUF,)),
        pltpu.SemaphoreType.DMA((NBUF,)),
    ],
    compiler_params=_sc_params,
)
def _edge_scores(h_hbm, gp_hbm, src_hbm, dst_hbm, adj_hbm, a_hbm, ev_hbm,
                 src_v, dst_v, adj_v, rows_s, rows_d, gp_v, a_v, out_v,
                 red_v, sem_s, sem_d):
    wid = _worker_id()
    e_base = wid * E_PER_W
    pltpu.sync_copy(gp_hbm, gp_v)
    pltpu.sync_copy(a_hbm, a_v)
    pltpu.sync_copy(src_hbm.at[pl.ds(e_base, E_PER_W)], src_v)
    pltpu.sync_copy(dst_hbm.at[pl.ds(e_base, E_PER_W)], dst_v)
    pltpu.sync_copy(adj_hbm.at[pl.ds(e_base, E_PER_W)], adj_v)
    lane = lax.iota(jnp.int32, L)

    def _round_bf16(x):
        xb = plsc.bitcast(x, jnp.int32)
        xb = (xb + 0x7FFF + ((xb >> 16) & 1)) & jnp.int32(-65536)
        return plsc.bitcast(xb, jnp.float32)

    a_blk = [_round_bf16(a_v[pl.ds(j * L, L)]) for j in range(D // L)]
    col_c = [j * L + lane for j in range(D // L)]
    lane17 = lane * 17

    def issue(c):
        b = lax.rem(c, NBUF)
        loff = c * EDGE_CHUNK
        pltpu.async_copy(
            h_hbm.at[src_v.at[pl.ds(loff, EDGE_CHUNK)]],
            rows_s.at[pl.ds(b * EDGE_CHUNK, EDGE_CHUNK), :], sem_s.at[b])
        pltpu.async_copy(
            h_hbm.at[dst_v.at[pl.ds(loff, EDGE_CHUNK)]],
            rows_d.at[pl.ds(b * EDGE_CHUNK, EDGE_CHUNK), :], sem_d.at[b])

    for c0 in range(NBUF - 1):
        issue(jnp.int32(c0))

    def chunk_body(it, _):
        loff = it * EDGE_CHUNK
        b = lax.rem(it, NBUF)
        boff = b * EDGE_CHUNK

        @pl.when(it + (NBUF - 1) < NCHUNK)
        def _():
            issue(it + (NBUF - 1))

        pltpu.make_async_copy(
            h_hbm.at[src_v.at[pl.ds(loff, EDGE_CHUNK)]],
            rows_s.at[pl.ds(boff, EDGE_CHUNK), :], sem_s.at[b]).wait()
        pltpu.make_async_copy(
            h_hbm.at[dst_v.at[pl.ds(loff, EDGE_CHUNK)]],
            rows_d.at[pl.ds(boff, EDGE_CHUNK), :], sem_d.at[b]).wait()

        def grp_body(g, _):
            gbase = boff + g * L
            gs = plsc.load_gather(gp_v, [src_v[pl.ds(loff + g * L, L)]])
            gd = plsc.load_gather(gp_v, [dst_v[pl.ds(loff + g * L, L)]])
            gpd = jnp.abs(gs - gd)
            for e in range(L):
                rs = jnp.full((L,), gbase + e, jnp.int32)
                ge = gpd[e]
                acc = jnp.zeros((L,), jnp.float32)
                for j in range(D // L):
                    colv = col_c[j]
                    hs = plsc.load_gather(rows_s, [rs, colv])
                    hd = plsc.load_gather(rows_d, [rs, colv])
                    tb = plsc.bitcast(jnp.abs(hs - hd) * ge, jnp.int32)
                    t = plsc.bitcast((tb + 0x8000) & jnp.int32(-65536),
                                     jnp.float32)
                    acc = acc + t * a_blk[j]
                red_v[pl.ds(e * 17, L)] = acc
            tot = plsc.load_gather(red_v, [lane17])
            for l in range(1, L):
                tot = tot + plsc.load_gather(red_v, [lane17 + l])
            z = jnp.maximum(tot, 0.0)
            r = z * 1.4426950408889634
            y = r + 8388608.0
            nf = y - 8388608.0
            n_i = plsc.bitcast(y, jnp.int32) - 0x4B000000
            gexp = (z - nf * 0.693145751953125) - nf * 1.428606765330187e-06
            p = 1.0 / 5040.0
            p = p * gexp + 1.0 / 720.0
            p = p * gexp + 1.0 / 120.0
            p = p * gexp + 1.0 / 24.0
            p = p * gexp + 1.0 / 6.0
            p = p * gexp + 0.5
            p = p * gexp + 1.0
            p = p * gexp + 1.0
            scale = plsc.bitcast((n_i + 127) << 23, jnp.float32)
            ez = p * scale
            av = adj_v[pl.ds(loff + g * L, L)]
            a2 = av * av
            a4 = a2 * a2
            a8 = a4 * a4
            a16 = a8 * a8
            out_v[pl.ds(loff + g * L, L)] = ez * (a16 * a8 * av)
            return 0

        lax.fori_loop(0, GROUPS, grp_body, 0)
        return 0

    lax.fori_loop(0, E_PER_W // EDGE_CHUNK, chunk_body, 0)
    pltpu.sync_copy(out_v, ev_hbm.at[pl.ds(e_base, E_PER_W)])


def kernel(x_rows, x_cols, x_vals, edge, adj_vals, gene_p, W, a):
    xd_flat = _scatter_coo(x_rows, x_cols, x_vals)
    x_dense = xd_flat.reshape(N_PAD, D)
    h = _matmul(x_dense, W)
    ev = _edge_scores(h, gene_p, edge[0], edge[1], adj_vals,
                      a.reshape(-1))
    return h, ev

# --- scband reference (transcript-rebuilt; emitter-appended) ---
"""Pipeline reference for scband-sparse-graph-learn-24953759990540 (READ-ONLY COPY).

The authoritative reference and input builder live on the scoring server;
editing this copy changes nothing except your own understanding.
"""

import jax, jax.numpy as jnp
import numpy as np

N = 10000
D_IN = 128
D_OUT = 128
E = 320000
NNZ = 128000


def setup_inputs(seed: int = 0):
    key = jax.random.key(seed)
    ks = jax.random.split(key, 8)
    x_rows = jax.random.randint(ks[0], (NNZ,), 0, N)
    x_cols = jax.random.randint(ks[1], (NNZ,), 0, D_IN)
    x_vals = jax.random.normal(ks[2], (NNZ,), dtype=jnp.float32)
    edge = jax.random.randint(ks[3], (2, E), 0, N)
    adj_vals = jax.random.uniform(ks[4], (E,), dtype=jnp.float32, minval=0.9, maxval=1.0)
    gene_p = jax.random.normal(ks[5], (N,), dtype=jnp.float32)
    # xavier_uniform with gain sqrt(2) for weights
    gain = 2.0 ** 0.5
    w_scale = gain * (6.0 / (D_IN + D_OUT)) ** 0.5
    W = jax.random.uniform(ks[6], (D_IN, D_OUT), dtype=jnp.float32, minval=-w_scale, maxval=w_scale)
    a_scale = (6.0 / (D_OUT + 1)) ** 0.5
    a = jax.random.uniform(ks[7], (D_OUT, 1), dtype=jnp.float32, minval=-a_scale, maxval=a_scale)
    return {"x_rows": x_rows, "x_cols": x_cols, "x_vals": x_vals, "edge": edge,
            "adj_vals": adj_vals, "gene_p": gene_p, "W": W, "a": a}


def reference(x_rows, x_cols, x_vals, edge, adj_vals, gene_p, W, a):
    # sparse COO input -> dense (equivalent to torch.sparse.mm(x, W))
    x_dense = jnp.zeros((N, D_IN), dtype=jnp.float32).at[x_rows, x_cols].add(x_vals)
    h = x_dense @ W
    gp = gene_p[:, None]  # gene_p.unsqueeze(1)
    src = edge[0]
    dst = edge[1]
    edge_v = jnp.abs(h[src] - h[dst])
    edge_v_p = jnp.abs(gp[src] - gp[dst])
    edge_v = edge_v * edge_v_p
    edge_v = jnp.squeeze(jax.nn.relu(edge_v @ a))
    edge_v = jnp.exp(edge_v) * jnp.power(adj_vals, 25)
    # original returns (h, sparse_coo(edge, edge_v, [N, N]));
    # we return h and the sparse-graph values (indices == edge, constant)
    return (h, edge_v)

if __name__ == "__main__":
    import jax
    _d = setup_inputs()
    print(jax.jit(kernel)(*tuple(_d.values())))

</pallas_src>

<mosaic_0001>
#map = affine_map<(d0, d1) -> (0)>
module attributes {stable_mosaic.version = 14 : i64} {
  func.func @_scatter_coo(%arg0: i32, %arg1: i32, %arg2: memref<128000xi32, #tpu.memory_space<hbm>>, %arg3: memref<128000xi32, #tpu.memory_space<hbm>>, %arg4: memref<128000xf32, #tpu.memory_space<hbm>>, %arg5: memref<1282048xf32, #tpu.memory_space<hbm>>, %arg6: memref<16000xi32, #tpu.memory_space<vmem>>, %arg7: memref<16000xi32, #tpu.memory_space<vmem>>, %arg8: memref<16000xf32, #tpu.memory_space<vmem>>, %arg9: memref<40064xf32, #tpu.memory_space<vmem>>, %arg10: memref<2x!tpu.dma_semaphore, #tpu.memory_space<semaphore_mem>>, %arg11: memref<2x!tpu.dma_semaphore, #tpu.memory_space<semaphore_mem>>, %arg12: memref<2x!tpu.dma_semaphore, #tpu.memory_space<semaphore_mem>>) attributes {dimension_semantics = [#tpu.dimension_semantics<core_parallel>, #tpu.dimension_semantics<subcore_parallel>], iteration_bounds = array<i64: 2, 16>, scalar_prefetch = 0 : i64, scratch_operands = 7 : i64, tpu.core_type = #tpu.core_type<sc_vector_subcore>, window_params = [{transform_indices = #map}, {transform_indices = #map}, {transform_indices = #map}, {transform_indices = #map}]} {
    %mul3A = arith.constant 2 : i32
    %mul3A_0 = arith.muli %arg1, %mul3A : i32
    %add3A = arith.addi %mul3A_0, %arg0 : i32
    %mul3A_1 = arith.constant 313 : i32
    %mul3A_2 = arith.muli %add3A, %mul3A_1 : i32
    %mul3A_3 = arith.constant 128 : i32
    %mul3A_4 = arith.muli %mul3A_2, %mul3A_3 : i32
    %rem3A = arith.constant 0 : i32
    %rem3A_5 = arith.constant 2 : i32
    %rem3A_6 = arith.remsi %rem3A, %rem3A_5 : i32
    %mul3A_7 = arith.constant 0 : i32
    %mul3A_8 = arith.constant 8000 : i32
    %mul3A_9 = arith.muli %mul3A_7, %mul3A_8 : i32
    %mul3A_10 = arith.constant 8000 : i32
    %mul3A_11 = arith.muli %rem3A_6, %mul3A_10 : i32
    %dma_start3A = tpu.memref_slice %arg6[%mul3A_11] : memref<16000xi32, #tpu.memory_space<vmem>> -> memref<8000xi32, #tpu.memory_space<vmem>>
    %dma_start3A_12 = tpu.memref_slice %arg2[%mul3A_9] : memref<128000xi32, #tpu.memory_space<hbm>> -> memref<8000xi32, #tpu.memory_space<hbm>>
    %dma_start3A_13 = tpu.memref_slice %arg10[%rem3A_6] : memref<2x!tpu.dma_semaphore, #tpu.memory_space<semaphore_mem>> -> memref<1x!tpu.dma_semaphore, #tpu.memory_space<semaphore_mem>>
    %dma_start3A_14 = tpu.memref_squeeze %dma_start3A_13 : memref<1x!tpu.dma_semaphore, #tpu.memory_space<semaphore_mem>> -> memref<!tpu.dma_semaphore, #tpu.memory_space<semaphore_mem>>
    %dma_start3A_15 = tpu.memref_slice %arg6[%mul3A_11] : memref<16000xi32, #tpu.memory_space<vmem>> -> memref<8000xi32, #tpu.memory_space<vmem>>
    %dma_start3A_16 = tpu.memref_slice %arg2[%mul3A_9] : memref<128000xi32, #tpu.memory_space<hbm>> -> memref<8000xi32, #tpu.memory_space<hbm>>
    tpu.enqueue_dma source(%dma_start3A_16 : memref<8000xi32, #tpu.memory_space<hbm>>) target(%dma_start3A_15 : memref<8000xi32, #tpu.memory_space<vmem>>) target_semaphore(%dma_start3A_14 : memref<!tpu.dma_semaphore, #tpu.memory_space<semaphore_mem>>)
    %dma_start3A_17 = tpu.memref_slice %arg7[%mul3A_11] : memref<16000xi32, #tpu.memory_space<vmem>> -> memref<8000xi32, #tpu.memory_space<vmem>>
    %dma_start3A_18 = tpu.memref_slice %arg3[%mul3A_9] : memref<128000xi32, #tpu.memory_space<hbm>> -> memref<8000xi32, #tpu.memory_space<hbm>>
    %dma_start3A_19 = tpu.memref_slice %arg11[%rem3A_6] : memref<2x!tpu.dma_semaphore, #tpu.memory_space<semaphore_mem>> -> memref<1x!tpu.dma_semaphore, #tpu.memory_space<semaphore_mem>>
    %dma_start3A_20 = tpu.memref_squeeze %dma_start3A_19 : memref<1x!tpu.dma_semaphore, #tpu.memory_space<semaphore_mem>> -> memref<!tpu.dma_semaphore, #tpu.memory_space<semaphore_mem>>
    %dma_start3A_21 = tpu.memref_slice %arg7[%mul3A_11] : memref<16000xi32, #tpu.memory_space<vmem>> -> memref<8000xi32, #tpu.memory_space<vmem>>
    %dma_start3A_22 = tpu.memref_slice %arg3[%mul3A_9] : memref<128000xi32, #tpu.memory_space<hbm>> -> memref<8000xi32, #tpu.memory_space<hbm>>
    tpu.enqueue_dma source(%dma_start3A_22 : memref<8000xi32, #tpu.memory_space<hbm>>) target(%dma_start3A_21 : memref<8000xi32, #tpu.memory_space<vmem>>) target_semaphore(%dma_start3A_20 : memref<!tpu.dma_semaphore, #tpu.memory_space<semaphore_mem>>)
    %dma_start3A_23 = tpu.memref_slice %arg8[%mul3A_11] : memref<16000xf32, #tpu.memory_space<vmem>> -> memref<8000xf32, #tpu.memory_space<vmem>>
    %dma_start3A_24 = tpu.memref_slice %arg4[%mul3A_9] : memref<128000xf32, #tpu.memory_space<hbm>> -> memref<8000xf32, #tpu.memory_space<hbm>>
    %dma_start3A_25 = tpu.memref_slice %arg12[%rem3A_6] : memref<2x!tpu.dma_semaphore, #tpu.memory_space<semaphore_mem>> -> memref<1x!tpu.dma_semaphore, #tpu.memory_space<semaphore_mem>>
    %dma_start3A_26 = tpu.memref_squeeze %dma_start3A_25 : memref<1x!tpu.dma_semaphore, #tpu.memory_space<semaphore_mem>> -> memref<!tpu.dma_semaphore, #tpu.memory_space<semaphore_mem>>
    %dma_start3A_27 = tpu.memref_slice %arg8[%mul3A_11] : memref<16000xf32, #tpu.memory_space<vmem>> -> memref<8000xf32, #tpu.memory_space<vmem>>
    %dma_start3A_28 = tpu.memref_slice %arg4[%mul3A_9] : memref<128000xf32, #tpu.memory_space<hbm>> -> memref<8000xf32, #tpu.memory_space<hbm>>
    tpu.enqueue_dma source(%dma_start3A_28 : memref<8000xf32, #tpu.memory_space<hbm>>) target(%dma_start3A_27 : memref<8000xf32, #tpu.memory_space<vmem>>) target_semaphore(%dma_start3A_26 : memref<!tpu.dma_semaphore, #tpu.memory_space<semaphore_mem>>)
    %scan3A = arith.constant 0 : i32
    %scan3A_29 = arith.constant 0 : i32
    %scan3A_30 = arith.constant 2504 : i32
    %scan3A_31 = arith.addi %scan3A_29, %scan3A_30 : i32
    %scan3A_32 = arith.constant 8 : i32
    %scan3A_33 = scf.for %scan3A_42 = %scan3A_29 to %scan3A_31 step %scan3A_32 iter_args(%scan3A_43 = %scan3A) -> (i32)  : i32 {
      %broadcast_in_dim3A = arith.constant 0.000000e+00 : f32
      %broadcast_in_dim3A_44 = vector.broadcast %broadcast_in_dim3A : f32 to vector<16xf32>
      %mul3A_45 = arith.constant 16 : i32
      %mul3A_46 = arith.muli %scan3A_42, %mul3A_45 : i32
      %swap3A = arith.index_cast %mul3A_46 : i32 to index
      %swap3A_47 = tpu.vector_load %arg9[%swap3A] {strides = array<i32>} : memref<40064xf32, #tpu.memory_space<vmem>>, vector<16xf32>,
      tpu.vector_store %arg9[%swap3A], %broadcast_in_dim3A_44 {strides = array<i32>} : memref<40064xf32, #tpu.memory_space<vmem>>, vector<16xf32>,
      %scan3A_48 = arith.constant 0 : i32
      %scan3A_49 = arith.constant 1 : i32
      %scan3A_50 = arith.addi %scan3A_42, %scan3A_49 : i32
      %broadcast_in_dim3A_51 = arith.constant 0.000000e+00 : f32
      %broadcast_in_dim3A_52 = vector.broadcast %broadcast_in_dim3A_51 : f32 to vector<16xf32>
      %mul3A_53 = arith.constant 16 : i32
      %mul3A_54 = arith.muli %scan3A_50, %mul3A_53 : i32
      %swap3A_55 = arith.index_cast %mul3A_54 : i32 to index
      %swap3A_56 = tpu.vector_load %arg9[%swap3A_55] {strides = array<i32>} : memref<40064xf32, #tpu.memory_space<vmem>>, vector<16xf32>,
      tpu.vector_store %arg9[%swap3A_55], %broadcast_in_dim3A_52 {strides = array<i32>} : memref<40064xf32, #tpu.memory_space<vmem>>, vector<16xf32>,
      %scan3A_57 = arith.constant 0 : i32
      %scan3A_58 = arith.constant 2 : i32
      %scan3A_59 = arith.addi %scan3A_42, %scan3A_58 : i32
      %broadcast_in_dim3A_60 = arith.constant 0.000000e+00 : f32
      %broadcast_in_dim3A_61 = vector.broadcast %broadcast_in_dim3A_60 : f32 to vector<16xf32>
      %mul3A_62 = arith.constant 16 : i32
      %mul3A_63 = arith.muli %scan3A_59, %mul3A_62 : i32
      %swap3A_64 = arith.index_cast %mul3A_63 : i32 to index
      %swap3A_65 = tpu.vector_load %arg9[%swap3A_64] {strides = array<i32>} : memref<40064xf32, #tpu.memory_space<vmem>>, vector<16xf32>,
      tpu.vector_store %arg9[%swap3A_64], %broadcast_in_dim3A_61 {strides = array<i32>} : memref<40064xf32, #tpu.memory_space<vmem>>, vector<16xf32>,
      %scan3A_66 = arith.constant 0 : i32
      %scan3A_67 = arith.constant 3 : i32
      %scan3A_68 = arith.addi %scan3A_42, %scan3A_67 : i32
      %broadcast_in_dim3A_69 = arith.constant 0.000000e+00 : f32
      %broadcast_in_dim3A_70 = vector.broadcast %broadcast_in_dim3A_69 : f32 to vector<16xf32>
      %mul3A_71 = arith.constant 16 : i32
      %mul3A_72 = arith.muli %scan3A_68, %mul3A_71 : i32
      %swap3A_73 = arith.index_cast %mul3A_72 : i32 to index
      %swap3A_74 = tpu.vector_load %arg9[%swap3A_73] {strides = array<i32>} : memref<40064xf32, #tpu.memory_space<vmem>>, vector<16xf32>,
      tpu.vector_store %arg9[%swap3A_73], %broadcast_in_dim3A_70 {strides = array<i32>} : memref<40064xf32, #tpu.memory_space<vmem>>, vector<16xf32>,
      %scan3A_75 = arith.constant 0 : i32
      %scan3A_76 = arith.constant 4 : i32
      %scan3A_77 = arith.addi %scan3A_42, %scan3A_76 : i32
      %broadcast_in_dim3A_78 = arith.constant 0.000000e+00 : f32
      %broadcast_in_dim3A_79 = vector.broadcast %broadcast_in_dim3A_78 : f32 to vector<16xf32>
      %mul3A_80 = arith.constant 16 : i32
      %mul3A_81 = arith.muli %scan3A_77, %mul3A_80 : i32
      %swap3A_82 = arith.index_cast %mul3A_81 : i32 to index
      %swap3A_83 = tpu.vector_load %arg9[%swap3A_82] {strides = array<i32>} : memref<40064xf32, #tpu.memory_space<vmem>>, vector<16xf32>,
      tpu.vector_store %arg9[%swap3A_82], %broadcast_in_dim3A_79 {strides = array<i32>} : memref<40064xf32, #tpu.memory_space<vmem>>, vector<16xf32>,
      %scan3A_84 = arith.constant 0 : i32
      %scan3A_85 = arith.constant 5 : i32
      %scan3A_86 = arith.addi %scan3A_42, %scan3A_85 : i32
      %broadcast_in_dim3A_87 = arith.constant 0.000000e+00 : f32
      %broadcast_in_dim3A_88 = vector.broadcast %broadcast_in_dim3A_87 : f32 to vector<16xf32>
      %mul3A_89 = arith.constant 16 : i32
      %mul3A_90 = arith.muli %scan3A_86, %mul3A_89 : i32
      %swap3A_91 = arith.index_cast %mul3A_90 : i32 to index
      %swap3A_92 = tpu.vector_load %arg9[%swap3A_91] {strides = array<i32>} : memref<40064xf32, #tpu.memory_space<vmem>>, vector<16xf32>,
      tpu.vector_store %arg9[%swap3A_91], %broadcast_in_dim3A_88 {strides = array<i32>} : memref<40064xf32, #tpu.memory_space<vmem>>, vector<16xf32>,
      %scan3A_93 = arith.constant 0 : i32
      %scan3A_94 = arith.constant 6 : i32
      %scan3A_95 = arith.addi %scan3A_42, %scan3A_94 : i32
      %broadcast_in_dim3A_96 = arith.constant 0.000000e+00 : f32
      %broadcast_in_dim3A_97 = vector.broadcast %broadcast_in_dim3A_96 : f32 to vector<16xf32>
      %mul3A_98 = arith.constant 16 : i32
      %mul3A_99 = arith.muli %scan3A_95, %mul3A_98 : i32
      %swap3A_100 = arith.index_cast %mul3A_99 : i32 to index
      %swap3A_101 = tpu.vector_load %arg9[%swap3A_100] {strides = array<i32>} : memref<40064xf32, #tpu.memory_space<vmem>>, vector<16xf32>,
      tpu.vector_store %arg9[%swap3A_100], %broadcast_in_dim3A_97 {strides = array<i32>} : memref<40064xf32, #tpu.memory_space<vmem>>, vector<16xf32>,
      %scan3A_102 = arith.constant 0 : i32
      %scan3A_103 = arith.constant 7 : i32
      %scan3A_104 = arith.addi %scan3A_42, %scan3A_103 : i32
      %broadcast_in_dim3A_105 = arith.constant 0.000000e+00 : f32
      %broadcast_in_dim3A_106 = vector.broadcast %broadcast_in_dim3A_105 : f32 to vector<16xf32>
      %mul3A_107 = arith.constant 16 : i32
      %mul3A_108 = arith.muli %scan3A_104, %mul3A_107 : i32
      %swap3A_109 = arith.index_cast %mul3A_108 : i32 to index
      %swap3A_110 = tpu.vector_load %arg9[%swap3A_109] {strides = array<i32>} : memref<40064xf32, #tpu.memory_space<vmem>>, vector<16xf32>,
      tpu.vector_store %arg9[%swap3A_109], %broadcast_in_dim3A_106 {strides = array<i32>} : memref<40064xf32, #tpu.memory_space<vmem>>, vector<16xf32>,
      %scan3A_111 = arith.constant 0 : i32
      scf.yield %scan3A_111 : i32
    }
    %scan3A_34 = arith.constant 2504 : i32
    %scan3A_35 = arith.constant 0 : i32
    %scan3A_36 = arith.constant 0 : i32
    %scan3A_37 = arith.constant 16 : i32
    %scan3A_38 = arith.addi %scan3A_36, %scan3A_37 : i32
    %scan3A_39 = arith.constant 1 : i32
    %scan3A_40 = scf.for %scan3A_42 = %scan3A_36 to %scan3A_38 step %scan3A_39 iter_args(%scan3A_43 = %scan3A_35) -> (i32)  : i32 {
      %rem3A_44 = arith.constant 2 : i32
      %rem3A_45 = arith.remsi %scan3A_42, %rem3A_44 : i32
      %mul3A_46 = arith.constant 8000 : i32
      %mul3A_47 = arith.muli %scan3A_42, %mul3A_46 : i32
      %mul3A_48 = arith.constant 8000 : i32
      %mul3A_49 = arith.muli %rem3A_45, %mul3A_48 : i32
      %add3A_50 = arith.constant 1 : i32
      %add3A_51 = arith.addi %scan3A_42, %add3A_50 : i32
      %lt3A = arith.constant 16 : i32
      %lt3A_52 = arith.cmpi slt, %add3A_51, %lt3A : i32
      %convert_element_type3A = arith.extui %lt3A_52 : i1 to i32
      %cond3A = arith.constant 0 : i32
      %cond3A_53 = arith.cmpi ne, %convert_element_type3A, %cond3A : i32
      scf.if %cond3A_53 {
        %add3A_79 = arith.constant 1 : i32
        %add3A_80 = arith.addi %scan3A_42, %add3A_79 : i32
        %rem3A_81 = arith.constant 2 : i32
        %rem3A_82 = arith.remsi %add3A_80, %rem3A_81 : i32
        %mul3A_83 = arith.constant 8000 : i32
        %mul3A_84 = arith.muli %add3A_80, %mul3A_83 : i32
        %mul3A_85 = arith.constant 8000 : i32
        %mul3A_86 = arith.muli %rem3A_82, %mul3A_85 : i32
        %dma_start3A_87 = tpu.memref_slice %arg6[%mul3A_86] : memref<16000xi32, #tpu.memory_space<vmem>> -> memref<8000xi32, #tpu.memory_space<vmem>>
        %dma_start3A_88 = tpu.memref_slice %arg2[%mul3A_84] : memref<128000xi32, #tpu.memory_space<hbm>> -> memref<8000xi32, #tpu.memory_space<hbm>>
        %dma_start3A_89 = tpu.memref_slice %arg10[%rem3A_82] : memref<2x!tpu.dma_semaphore, #tpu.memory_space<semaphore_mem>> -> memref<1x!tpu.dma_semaphore, #tpu.memory_space<semaphore_mem>>
        %dma_start3A_90 = tpu.memref_squeeze %dma_start3A_89 : memref<1x!tpu.dma_semaphore, #tpu.memory_space<semaphore_mem>> -> memref<!tpu.dma_semaphore, #tpu.memory_space<semaphore_mem>>
        %dma_start3A_91 = tpu.memref_slice %arg6[%mul3A_86] : memref<16000xi32, #tpu.memory_space<vmem>> -> memref<8000xi32, #tpu.memory_space<vmem>>
        %dma_start3A_92 = tpu.memref_slice %arg2[%mul3A_84] : memref<128000xi32, #tpu.memory_space<hbm>> -> memref<8000xi32, #tpu.memory_space<hbm>>
        tpu.enqueue_dma source(%dma_start3A_92 : memref<8000xi32, #tpu.memory_space<hbm>>) target(%dma_start3A_91 : memref<8000xi32, #tpu.memory_space<vmem>>) target_semaphore(%dma_start3A_90 : memref<!tpu.dma_semaphore, #tpu.memory_space<semaphore_mem>>)
        %dma_start3A_93 = tpu.memref_slice %arg7[%mul3A_86] : memref<16000xi32, #tpu.memory_space<vmem>> -> memref<8000xi32, #tpu.memory_space<vmem>>
        %dma_start3A_94 = tpu.memref_slice %arg3[%mul3A_84] : memref<128000xi32, #tpu.memory_space<hbm>> -> memref<8000xi32, #tpu.memory_space<hbm>>
        %dma_start3A_95 = tpu.memref_slice %arg11[%rem3A_82] : memref<2x!tpu.dma_semaphore, #tpu.memory_space<semaphore_mem>> -> memref<1x!tpu.dma_semaphore, #tpu.memory_space<semaphore_mem>>
        %dma_start3A_96 = tpu.memref_squeeze %dma_start3A_95 : memref<1x!tpu.dma_semaphore, #tpu.memory_space<semaphore_mem>> -> memref<!tpu.dma_semaphore, #tpu.memory_space<semaphore_mem>>
        %dma_start3A_97 = tpu.memref_slice %arg7[%mul3A_86] : memref<16000xi32, #tpu.memory_space<vmem>> -> memref<8000xi32, #tpu.memory_space<vmem>>
        %dma_start3A_98 = tpu.memref_slice %arg3[%mul3A_84] : memref<128000xi32, #tpu.memory_space<hbm>> -> memref<8000xi32, #tpu.memory_space<hbm>>
        tpu.enqueue_dma source(%dma_start3A_98 : memref<8000xi32, #tpu.memory_space<hbm>>) target(%dma_start3A_97 : memref<8000xi32, #tpu.memory_space<vmem>>) target_semaphore(%dma_start3A_96 : memref<!tpu.dma_semaphore, #tpu.memory_space<semaphore_mem>>)
        %dma_start3A_99 = tpu.memref_slice %arg8[%mul3A_86] : memref<16000xf32, #tpu.memory_space<vmem>> -> memref<8000xf32, #tpu.memory_space<vmem>>
        %dma_start3A_100 = tpu.memref_slice %arg4[%mul3A_84] : memref<128000xf32, #tpu.memory_space<hbm>> -> memref<8000xf32, #tpu.memory_space<hbm>>
        %dma_start3A_101 = tpu.memref_slice %arg12[%rem3A_82] : memref<2x!tpu.dma_semaphore, #tpu.memory_space<semaphore_mem>> -> memref<1x!tpu.dma_semaphore, #tpu.memory_space<semaphore_mem>>
        %dma_start3A_102 = tpu.memref_squeeze %dma_start3A_101 : memref<1x!tpu.dma_semaphore, #tpu.memory_space<semaphore_mem>> -> memref<!tpu.dma_semaphore, #tpu.memory_space<semaphore_mem>>
        %dma_start3A_103 = tpu.memref_slice %arg8[%mul3A_86] : memref<16000xf32, #tpu.memory_space<vmem>> -> memref<8000xf32, #tpu.memory_space<vmem>>
        %dma_start3A_104 = tpu.memref_slice %arg4[%mul3A_84] : memref<128000xf32, #tpu.memory_space<hbm>> -> memref<8000xf32, #tpu.memory_space<hbm>>
        tpu.enqueue_dma source(%dma_start3A_104 : memref<8000xf32, #tpu.memory_space<hbm>>) target(%dma_start3A_103 : memref<8000xf32, #tpu.memory_space<vmem>>) target_semaphore(%dma_start3A_102 : memref<!tpu.dma_semaphore, #tpu.memory_space<semaphore_mem>>)
      } else {
      }
      %dma_wait3A = tpu.memref_slice %arg6[%mul3A_49] : memref<16000xi32, #tpu.memory_space<vmem>> -> memref<8000xi32, #tpu.memory_space<vmem>>
      %dma_wait3A_54 = tpu.memref_slice %arg2[%mul3A_47] : memref<128000xi32, #tpu.memory_space<hbm>> -> memref<8000xi32, #tpu.memory_space<hbm>>
      %dma_wait3A_55 = tpu.memref_slice %arg10[%rem3A_45] : memref<2x!tpu.dma_semaphore, #tpu.memory_space<semaphore_mem>> -> memref<1x!tpu.dma_semaphore, #tpu.memory_space<semaphore_mem>>
      %dma_wait3A_56 = tpu.memref_squeeze %dma_wait3A_55 : memref<1x!tpu.dma_semaphore, #tpu.memory_space<semaphore_mem>> -> memref<!tpu.dma_semaphore, #tpu.memory_space<semaphore_mem>>
      %dma_wait3A_57 = tpu.memref_slice %arg6[%mul3A_49] : memref<16000xi32, #tpu.memory_space<vmem>> -> memref<8000xi32, #tpu.memory_space<vmem>>
      %dma_wait3A_58 = tpu.memref_slice %arg2[%mul3A_47] : memref<128000xi32, #tpu.memory_space<hbm>> -> memref<8000xi32, #tpu.memory_space<hbm>>
      tpu.wait_dma2 semaphore(%dma_wait3A_56 : memref<!tpu.dma_semaphore, #tpu.memory_space<semaphore_mem>>) src(%dma_wait3A_58 : memref<8000xi32, #tpu.memory_space<hbm>>) dst(%dma_wait3A_57 : memref<8000xi32, #tpu.memory_space<vmem>>)
      %dma_wait3A_59 = tpu.memref_slice %arg7[%mul3A_49] : memref<16000xi32, #tpu.memory_space<vmem>> -> memref<8000xi32, #tpu.memory_space<vmem>>
      %dma_wait3A_60 = tpu.memref_slice %arg3[%mul3A_47] : memref<128000xi32, #tpu.memory_space<hbm>> -> memref<8000xi32, #tpu.memory_space<hbm>>
      %dma_wait3A_61 = tpu.memref_slice %arg11[%rem3A_45] : memref<2x!tpu.dma_semaphore, #tpu.memory_space<semaphore_mem>> -> memref<1x!tpu.dma_semaphore, #tpu.memory_space<semaphore_mem>>
      %dma_wait3A_62 = tpu.memref_squeeze %dma_wait3A_61 : memref<1x!tpu.dma_semaphore, #tpu.memory_space<semaphore_mem>> -> memref<!tpu.dma_semaphore, #tpu.memory_space<semaphore_mem>>
      %dma_wait3A_63 = tpu.memref_slice %arg7[%mul3A_49] : memref<16000xi32, #tpu.memory_space<vmem>> -> memref<8000xi32, #tpu.memory_space<vmem>>
      %dma_wait3A_64 = tpu.memref_slice %arg3[%mul3A_47] : memref<128000xi32, #tpu.memory_space<hbm>> -> memref<8000xi32, #tpu.memory_space<hbm>>
      tpu.wait_dma2 semaphore(%dma_wait3A_62 : memref<!tpu.dma_semaphore, #tpu.memory_space<semaphore_mem>>) src(%dma_wait3A_64 : memref<8000xi32, #tpu.memory_space<hbm>>) dst(%dma_wait3A_63 : memref<8000xi32, #tpu.memory_space<vmem>>)
      %dma_wait3A_65 = tpu.memref_slice %arg8[%mul3A_49] : memref<16000xf32, #tpu.memory_space<vmem>> -> memref<8000xf32, #tpu.memory_space<vmem>>
      %dma_wait3A_66 = tpu.memref_slice %arg4[%mul3A_47] : memref<128000xf32, #tpu.memory_space<hbm>> -> memref<8000xf32, #tpu.memory_space<hbm>>
      %dma_wait3A_67 = tpu.memref_slice %arg12[%rem3A_45] : memref<2x!tpu.dma_semaphore, #tpu.memory_space<semaphore_mem>> -> memref<1x!tpu.dma_semaphore, #tpu.memory_space<semaphore_mem>>
      %dma_wait3A_68 = tpu.memref_squeeze %dma_wait3A_67 : memref<1x!tpu.dma_semaphore, #tpu.memory_space<semaphore_mem>> -> memref<!tpu.dma_semaphore, #tpu.memory_space<semaphore_mem>>
      %dma_wait3A_69 = tpu.memref_slice %arg8[%mul3A_49] : memref<16000xf32, #tpu.memory_space<vmem>> -> memref<8000xf32, #tpu.memory_space<vmem>>
      %dma_wait3A_70 = tpu.memref_slice %arg4[%mul3A_47] : memref<128000xf32, #tpu.memory_space<hbm>> -> memref<8000xf32, #tpu.memory_space<hbm>>
      tpu.wait_dma2 semaphore(%dma_wait3A_68 : memref<!tpu.dma_semaphore, #tpu.memory_space<semaphore_mem>>) src(%dma_wait3A_70 : memref<8000xf32, #tpu.memory_space<hbm>>) dst(%dma_wait3A_69 : memref<8000xf32, #tpu.memory_space<vmem>>)
      %scan3A_71 = arith.constant 0 : i32
      %scan3A_72 = arith.constant 0 : i32
      %scan3A_73 = arith.constant 500 : i32
      %scan3A_74 = arith.addi %scan3A_72, %scan3A_73 : i32
      %scan3A_75 = arith.constant 4 : i32
      %scan3A_76 = scf.for %scan3A_79 = %scan3A_72 to %scan3A_74 step %scan3A_75 iter_args(%scan3A_80 = %scan3A_71) -> (i32)  : i32 {
        %mul3A_81 = arith.constant 16 : i32
        %mul3A_82 = arith.muli %scan3A_79, %mul3A_81 : i32
        %add3A_83 = arith.addi %mul3A_49, %mul3A_82 : i32
        %get3A = arith.index_cast %add3A_83 : i32 to index
        %get3A_84 = tpu.vector_load %arg6[%get3A] {strides = array<i32>} : memref<16000xi32, #tpu.memory_space<vmem>>, vector<16xi32>,
        %mul3A_85 = arith.constant 16 : i32
        %mul3A_86 = arith.muli %scan3A_79, %mul3A_85 : i32
        %add3A_87 = arith.addi %mul3A_49, %mul3A_86 : i32
        %get3A_88 = arith.index_cast %add3A_87 : i32 to index
        %get3A_89 = tpu.vector_load %arg7[%get3A_88] {strides = array<i32>} : memref<16000xi32, #tpu.memory_space<vmem>>, vector<16xi32>,
        %mul3A_90 = arith.constant 16 : i32
        %mul3A_91 = arith.muli %scan3A_79, %mul3A_90 : i32
        %add3A_92 = arith.addi %mul3A_49, %mul3A_91 : i32
        %get3A_93 = arith.index_cast %add3A_92 : i32 to index
        %get3A_94 = tpu.vector_load %arg8[%get3A_93] {strides = array<i32>} : memref<16000xf32, #tpu.memory_space<vmem>>, vector<16xf32>,
        %sub3A = vector.broadcast %mul3A_2 : i32 to vector<16xi32>
        %sub3A_95 = arith.subi %get3A_84, %sub3A : vector<16xi32>
        %mul3A_96 = arith.constant 128 : i32
        %mul3A_97 = vector.broadcast %mul3A_96 : i32 to vector<16xi32>
        %mul3A_98 = arith.muli %sub3A_95, %mul3A_97 : vector<16xi32>
        %add3A_99 = arith.addi %mul3A_98, %get3A_89 : vector<16xi32>
        %ge3A = vector.broadcast %mul3A_2 : i32 to vector<16xi32>
        %ge3A_100 = arith.cmpi sge, %get3A_84, %ge3A : vector<16xi32>
        %add3A_101 = arith.constant 313 : i32
        %add3A_102 = arith.addi %mul3A_2, %add3A_101 : i32
        %lt3A_103 = vector.broadcast %add3A_102 : i32 to vector<16xi32>
        %lt3A_104 = arith.cmpi slt, %get3A_84, %lt3A_103 : vector<16xi32>
        %and3A = arith.andi %ge3A_100, %lt3A_104 : vector<16xi1>
        tpu.vector_store_idx %arg9[%add3A_99], %get3A_94 masked %and3A {add = true} : memref<40064xf32, #tpu.memory_space<vmem>>[vector<16xi32>], vector<16xf32>, vector<16xi1>
        %scan3A_105 = arith.constant 0 : i32
        %scan3A_106 = arith.constant 1 : i32
        %scan3A_107 = arith.addi %scan3A_79, %scan3A_106 : i32
        %mul3A_108 = arith.constant 16 : i32
        %mul3A_109 = arith.muli %scan3A_107, %mul3A_108 : i32
        %add3A_110 = arith.addi %mul3A_49, %mul3A_109 : i32
        %get3A_111 = arith.index_cast %add3A_110 : i32 to index
        %get3A_112 = tpu.vector_load %arg6[%get3A_111] {strides = array<i32>} : memref<16000xi32, #tpu.memory_space<vmem>>, vector<16xi32>,
        %mul3A_113 = arith.constant 16 : i32
        %mul3A_114 = arith.muli %scan3A_107, %mul3A_113 : i32
        %add3A_115 = arith.addi %mul3A_49, %mul3A_114 : i32
        %get3A_116 = arith.index_cast %add3A_115 : i32 to index
        %get3A_117 = tpu.vector_load %arg7[%get3A_116] {strides = array<i32>} : memref<16000xi32, #tpu.memory_space<vmem>>, vector<16xi32>,
        %mul3A_118 = arith.constant 16 : i32
        %mul3A_119 = arith.muli %scan3A_107, %mul3A_118 : i32
        %add3A_120 = arith.addi %mul3A_49, %mul3A_119 : i32
        %get3A_121 = arith.index_cast %add3A_120 : i32 to index
        %get3A_122 = tpu.vector_load %arg8[%get3A_121] {strides = array<i32>} : memref<16000xf32, #tpu.memory_space<vmem>>, vector<16xf32>,
        %sub3A_123 = vector.broadcast %mul3A_2 : i32 to vector<16xi32>
        %sub3A_124 = arith.subi %get3A_112, %sub3A_123 : vector<16xi32>
        %mul3A_125 = arith.constant 128 : i32
        %mul3A_126 = vector.broadcast %mul3A_125 : i32 to vector<16xi32>
        %mul3A_127 = arith.muli %sub3A_124, %mul3A_126 : vector<16xi32>
        %add3A_128 = arith.addi %mul3A_127, %get3A_117 : vector<16xi32>
        %ge3A_129 = vector.broadcast %mul3A_2 : i32 to vector<16xi32>
        %ge3A_130 = arith.cmpi sge, %get3A_112, %ge3A_129 : vector<16xi32>
        %add3A_131 = arith.constant 313 : i32
        %add3A_132 = arith.addi %mul3A_2, %add3A_131 : i32
        %lt3A_133 = vector.broadcast %add3A_132 : i32 to vector<16xi32>
        %lt3A_134 = arith.cmpi slt, %get3A_112, %lt3A_133 : vector<16xi32>
        %and3A_135 = arith.andi %ge3A_130, %lt3A_134 : vector<16xi1>
        tpu.vector_store_idx %arg9[%add3A_128], %get3A_122 masked %and3A_135 {add = true} : memref<40064xf32, #tpu.memory_space<vmem>>[vector<16xi32>], vector<16xf32>, vector<16xi1>
        %scan3A_136 = arith.constant 0 : i32
        %scan3A_137 = arith.constant 2 : i32
        %scan3A_138 = arith.addi %scan3A_79, %scan3A_137 : i32
        %mul3A_139 = arith.constant 16 : i32
        %mul3A_140 = arith.muli %scan3A_138, %mul3A_139 : i32
        %add3A_141 = arith.addi %mul3A_49, %mul3A_140 : i32
        %get3A_142 = arith.index_cast %add3A_141 : i32 to index
        %get3A_143 = tpu.vector_load %arg6[%get3A_142] {strides = array<i32>} : memref<16000xi32, #tpu.memory_space<vmem>>, vector<16xi32>,
        %mul3A_144 = arith.constant 16 : i32
        %mul3A_145 = arith.muli %scan3A_138, %mul3A_144 : i32
        %add3A_146 = arith.addi %mul3A_49, %mul3A_145 : i32
        %get3A_147 = arith.index_cast %add3A_146 : i32 to index
        %get3A_148 = tpu.vector_load %arg7[%get3A_147] {strides = array<i32>} : memref<16000xi32, #tpu.memory_space<vmem>>, vector<16xi32>,
        %mul3A_149 = arith.constant 16 : i32
        %mul3A_150 = arith.muli %scan3A_138, %mul3A_149 : i32
        %add3A_151 = arith.addi %mul3A_49, %mul3A_150 : i32
        %get3A_152 = arith.index_cast %add3A_151 : i32 to index
        %get3A_153 = tpu.vector_load %arg8[%get3A_152] {strides = array<i32>} : memref<16000xf32, #tpu.memory_space<vmem>>, vector<16xf32>,
        %sub3A_154 = vector.broadcast %mul3A_2 : i32 to vector<16xi32>
        %sub3A_155 = arith.subi %get3A_143, %sub3A_154 : vector<16xi32>
        %mul3A_156 = arith.constant 128 : i32
        %mul3A_157 = vector.broadcast %mul3A_156 : i32 to vector<16xi32>
        %mul3A_158 = arith.muli %sub3A_155, %mul3A_157 : vector<16xi32>
        %add3A_159 = arith.addi %mul3A_158, %get3A_148 : vector<16xi32>
        %ge3A_160 = vector.broadcast %mul3A_2 : i32 to vector<16xi32>
        %ge3A_161 = arith.cmpi sge, %get3A_143, %ge3A_160 : vector<16xi32>
        %add3A_162 = arith.constant 313 : i32
        %add3A_163 = arith.addi %mul3A_2, %add3A_162 : i32
        %lt3A_164 = vector.broadcast %add3A_163 : i32 to vector<16xi32>
        %lt3A_165 = arith.cmpi slt, %get3A_143, %lt3A_164 : vector<16xi32>
        %and3A_166 = arith.andi %ge3A_161, %lt3A_165 : vector<16xi1>
        tpu.vector_store_idx %arg9[%add3A_159], %get3A_153 masked %and3A_166 {add = true} : memref<40064xf32, #tpu.memory_space<vmem>>[vector<16xi32>], vector<16xf32>, vector<16xi1>
        %scan3A_167 = arith.constant 0 : i32
        %scan3A_168 = arith.constant 3 : i32
        %scan3A_169 = arith.addi %scan3A_79, %scan3A_168 : i32
        %mul3A_170 = arith.constant 16 : i32
        %mul3A_171 = arith.muli %scan3A_169, %mul3A_170 : i32
        %add3A_172 = arith.addi %mul3A_49, %mul3A_171 : i32
        %get3A_173 = arith.index_cast %add3A_172 : i32 to index
        %get3A_174 = tpu.vector_load %arg6[%get3A_173] {strides = array<i32>} : memref<16000xi32, #tpu.memory_space<vmem>>, vector<16xi32>,
        %mul3A_175 = arith.constant 16 : i32
        %mul3A_176 = arith.muli %scan3A_169, %mul3A_175 : i32
        %add3A_177 = arith.addi %mul3A_49, %mul3A_176 : i32
        %get3A_178 = arith.index_cast %add3A_177 : i32 to index
        %get3A_179 = tpu.vector_load %arg7[%get3A_178] {strides = array<i32>} : memref<16000xi32, #tpu.memory_space<vmem>>, vector<16xi32>,
        %mul3A_180 = arith.constant 16 : i32
        %mul3A_181 = arith.muli %scan3A_169, %mul3A_180 : i32
        %add3A_182 = arith.addi %mul3A_49, %mul3A_181 : i32
        %get3A_183 = arith.index_cast %add3A_182 : i32 to index
        %get3A_184 = tpu.vector_load %arg8[%get3A_183] {strides = array<i32>} : memref<16000xf32, #tpu.memory_space<vmem>>, vector<16xf32>,
        %sub3A_185 = vector.broadcast %mul3A_2 : i32 to vector<16xi32>
        %sub3A_186 = arith.subi %get3A_174, %sub3A_185 : vector<16xi32>
        %mul3A_187 = arith.constant 128 : i32
        %mul3A_188 = vector.broadcast %mul3A_187 : i32 to vector<16xi32>
        %mul3A_189 = arith.muli %sub3A_186, %mul3A_188 : vector<16xi32>
        %add3A_190 = arith.addi %mul3A_189, %get3A_179 : vector<16xi32>
        %ge3A_191 = vector.broadcast %mul3A_2 : i32 to vector<16xi32>
        %ge3A_192 = arith.cmpi sge, %get3A_174, %ge3A_191 : vector<16xi32>
        %add3A_193 = arith.constant 313 : i32
        %add3A_194 = arith.addi %mul3A_2, %add3A_193 : i32
        %lt3A_195 = vector.broadcast %add3A_194 : i32 to vector<16xi32>
        %lt3A_196 = arith.cmpi slt, %get3A_174, %lt3A_195 : vector<16xi32>
        %and3A_197 = arith.andi %ge3A_192, %lt3A_196 : vector<16xi1>
        tpu.vector_store_idx %arg9[%add3A_190], %get3A_184 masked %and3A_197 {add = true} : memref<40064xf32, #tpu.memory_space<vmem>>[vector<16xi32>], vector<16xf32>, vector<16xi1>
        %scan3A_198 = arith.constant 0 : i32
        scf.yield %scan3A_198 : i32
      }
      %scan3A_77 = arith.constant 500 : i32
      %scan3A_78 = arith.constant 0 : i32
      scf.yield %scan3A_78 : i32
    }
    %scan3A_41 = arith.constant 16 : i32
    "tpu.region"() ({
      %run_scoped3A = tpu.sem_alloc : memref<!tpu.dma_semaphore, #tpu.memory_space<semaphore_mem>>
      %dma_start3A_42 = tpu.memref_slice %arg5[%mul3A_4] : memref<1282048xf32, #tpu.memory_space<hbm>> -> memref<40064xf32, #tpu.memory_space<hbm>>
      %dma_start3A_43 = tpu.memref_slice %arg5[%mul3A_4] : memref<1282048xf32, #tpu.memory_space<hbm>> -> memref<40064xf32, #tpu.memory_space<hbm>>
      tpu.enqueue_dma source(%arg9 : memref<40064xf32, #tpu.memory_space<vmem>>) target(%dma_start3A_43 : memref<40064xf32, #tpu.memory_space<hbm>>) target_semaphore(%run_scoped3A : memref<!tpu.dma_semaphore, #tpu.memory_space<semaphore_mem>>)
      %dma_wait3A = tpu.memref_slice %arg5[%mul3A_4] : memref<1282048xf32, #tpu.memory_space<hbm>> -> memref<40064xf32, #tpu.memory_space<hbm>>
      %dma_wait3A_44 = tpu.memref_slice %arg5[%mul3A_4] : memref<1282048xf32, #tpu.memory_space<hbm>> -> memref<40064xf32, #tpu.memory_space<hbm>>
      tpu.wait_dma2 semaphore(%run_scoped3A : memref<!tpu.dma_semaphore, #tpu.memory_space<semaphore_mem>>) src(%arg9 : memref<40064xf32, #tpu.memory_space<vmem>>) dst(%dma_wait3A_44 : memref<40064xf32, #tpu.memory_space<hbm>>)
      tpu.yield
    }) : () -> ()
    return
  }
}

#map = affine_map<(d0, d1) -> (0, 0)>
#map1 = affine_map<(d0, d1) -> (0)>
module attributes {stable_mosaic.version = 14 : i64} {
  func.func @_edge_scores(%arg0: i32, %arg1: i32, %arg2: memref<10000x128xf32, #tpu.memory_space<hbm>>, %arg3: memref<10000xf32, #tpu.memory_space<hbm>>, %arg4: memref<320000xi32, #tpu.memory_space<hbm>>, %arg5: memref<320000xi32, #tpu.memory_space<hbm>>, %arg6: memref<320000xf32, #tpu.memory_space<hbm>>, %arg7: memref<128xf32, #tpu.memory_space<hbm>>, %arg8: memref<320000xf32, #tpu.memory_space<hbm>>, %arg9: memref<10000xi32, #tpu.memory_space<vmem>>, %arg10: memref<10000xi32, #tpu.memory_space<vmem>>, %arg11: memref<10000xf32, #tpu.memory_space<vmem>>, %arg12: memref<240x128xf32, #tpu.memory_space<vmem>>, %arg13: memref<240x128xf32, #tpu.memory_space<vmem>>, %arg14: memref<10000xf32, #tpu.memory_space<vmem>>, %arg15: memref<128xf32, #tpu.memory_space<vmem>>, %arg16: memref<10000xf32, #tpu.memory_space<vmem>>, %arg17: memref<272xf32, #tpu.memory_space<vmem>>, %arg18: memref<3x!tpu.dma_semaphore, #tpu.memory_space<semaphore_mem>>, %arg19: memref<3x!tpu.dma_semaphore, #tpu.memory_space<semaphore_mem>>) attributes {dimension_semantics = [#tpu.dimension_semantics<core_parallel>, #tpu.dimension_semantics<subcore_parallel>], iteration_bounds = array<i64: 2, 16>, scalar_prefetch = 0 : i64, scratch_operands = 11 : i64, tpu.core_type = #tpu.core_type<sc_vector_subcore>, window_params = [{transform_indices = #map}, {transform_indices = #map1}, {transform_indices = #map1}, {transform_indices = #map1}, {transform_indices = #map1}, {transform_indices = #map1}, {transform_indices = #map1}]} {
    %mul3A = arith.constant 2 : i32
    %mul3A_0 = arith.muli %arg1, %mul3A : i32
    %add3A = arith.addi %mul3A_0, %arg0 : i32
    %mul3A_1 = arith.constant 10000 : i32
    %mul3A_2 = arith.muli %add3A, %mul3A_1 : i32
    "tpu.region"() ({
      %run_scoped3A = tpu.sem_alloc : memref<!tpu.dma_semaphore, #tpu.memory_space<semaphore_mem>>
      tpu.enqueue_dma source(%arg3 : memref<10000xf32, #tpu.memory_space<hbm>>) target(%arg14 : memref<10000xf32, #tpu.memory_space<vmem>>) target_semaphore(%run_scoped3A : memref<!tpu.dma_semaphore, #tpu.memory_space<semaphore_mem>>)
      tpu.wait_dma2 semaphore(%run_scoped3A : memref<!tpu.dma_semaphore, #tpu.memory_space<semaphore_mem>>) src(%arg3 : memref<10000xf32, #tpu.memory_space<hbm>>) dst(%arg14 : memref<10000xf32, #tpu.memory_space<vmem>>)
      tpu.yield
    }) : () -> ()
    "tpu.region"() ({
      %run_scoped3A = tpu.sem_alloc : memref<!tpu.dma_semaphore, #tpu.memory_space<semaphore_mem>>
      tpu.enqueue_dma source(%arg7 : memref<128xf32, #tpu.memory_space<hbm>>) target(%arg15 : memref<128xf32, #tpu.memory_space<vmem>>) target_semaphore(%run_scoped3A : memref<!tpu.dma_semaphore, #tpu.memory_space<semaphore_mem>>)
      tpu.wait_dma2 semaphore(%run_scoped3A : memref<!tpu.dma_semaphore, #tpu.memory_space<semaphore_mem>>) src(%arg7 : memref<128xf32, #tpu.memory_space<hbm>>) dst(%arg15 : memref<128xf32, #tpu.memory_space<vmem>>)
      tpu.yield
    }) : () -> ()
    "tpu.region"() ({
      %run_scoped3A = tpu.sem_alloc : memref<!tpu.dma_semaphore, #tpu.memory_space<semaphore_mem>>
      %dma_start3A_218 = tpu.memref_slice %arg4[%mul3A_2] : memref<320000xi32, #tpu.memory_space<hbm>> -> memref<10000xi32, #tpu.memory_space<hbm>>
      %dma_start3A_219 = tpu.memref_slice %arg4[%mul3A_2] : memref<320000xi32, #tpu.memory_space<hbm>> -> memref<10000xi32, #tpu.memory_space<hbm>>
      tpu.enqueue_dma source(%dma_start3A_219 : memref<10000xi32, #tpu.memory_space<hbm>>) target(%arg9 : memref<10000xi32, #tpu.memory_space<vmem>>) target_semaphore(%run_scoped3A : memref<!tpu.dma_semaphore, #tpu.memory_space<semaphore_mem>>)
      %dma_wait3A = tpu.memref_slice %arg4[%mul3A_2] : memref<320000xi32, #tpu.memory_space<hbm>> -> memref<10000xi32, #tpu.memory_space<hbm>>
      %dma_wait3A_220 = tpu.memref_slice %arg4[%mul3A_2] : memref<320000xi32, #tpu.memory_space<hbm>> -> memref<10000xi32, #tpu.memory_space<hbm>>
      tpu.wait_dma2 semaphore(%run_scoped3A : memref<!tpu.dma_semaphore, #tpu.memory_space<semaphore_mem>>) src(%dma_wait3A_220 : memref<10000xi32, #tpu.memory_space<hbm>>) dst(%arg9 : memref<10000xi32, #tpu.memory_space<vmem>>)
      tpu.yield
    }) : () -> ()
    "tpu.region"() ({
      %run_scoped3A = tpu.sem_alloc : memref<!tpu.dma_semaphore, #tpu.memory_space<semaphore_mem>>
      %dma_start3A_218 = tpu.memref_slice %arg5[%mul3A_2] : memref<320000xi32, #tpu.memory_space<hbm>> -> memref<10000xi32, #tpu.memory_space<hbm>>
      %dma_start3A_219 = tpu.memref_slice %arg5[%mul3A_2] : memref<320000xi32, #tpu.memory_space<hbm>> -> memref<10000xi32, #tpu.memory_space<hbm>>
      tpu.enqueue_dma source(%dma_start3A_219 : memref<10000xi32, #tpu.memory_space<hbm>>) target(%arg10 : memref<10000xi32, #tpu.memory_space<vmem>>) target_semaphore(%run_scoped3A : memref<!tpu.dma_semaphore, #tpu.memory_space<semaphore_mem>>)
      %dma_wait3A = tpu.memref_slice %arg5[%mul3A_2] : memref<320000xi32, #tpu.memory_space<hbm>> -> memref<10000xi32, #tpu.memory_space<hbm>>
      %dma_wait3A_220 = tpu.memref_slice %arg5[%mul3A_2] : memref<320000xi32, #tpu.memory_space<hbm>> -> memref<10000xi32, #tpu.memory_space<hbm>>
      tpu.wait_dma2 semaphore(%run_scoped3A : memref<!tpu.dma_semaphore, #tpu.memory_space<semaphore_mem>>) src(%dma_wait3A_220 : memref<10000xi32, #tpu.memory_space<hbm>>) dst(%arg10 : memref<10000xi32, #tpu.memory_space<vmem>>)
      tpu.yield
    }) : () -> ()
    "tpu.region"() ({
      %run_scoped3A = tpu.sem_alloc : memref<!tpu.dma_semaphore, #tpu.memory_space<semaphore_mem>>
      %dma_start3A_218 = tpu.memref_slice %arg6[%mul3A_2] : memref<320000xf32, #tpu.memory_space<hbm>> -> memref<10000xf32, #tpu.memory_space<hbm>>
      %dma_start3A_219 = tpu.memref_slice %arg6[%mul3A_2] : memref<320000xf32, #tpu.memory_space<hbm>> -> memref<10000xf32, #tpu.memory_space<hbm>>
      tpu.enqueue_dma source(%dma_start3A_219 : memref<10000xf32, #tpu.memory_space<hbm>>) target(%arg11 : memref<10000xf32, #tpu.memory_space<vmem>>) target_semaphore(%run_scoped3A : memref<!tpu.dma_semaphore, #tpu.memory_space<semaphore_mem>>)
      %dma_wait3A = tpu.memref_slice %arg6[%mul3A_2] : memref<320000xf32, #tpu.memory_space<hbm>> -> memref<10000xf32, #tpu.memory_space<hbm>>
      %dma_wait3A_220 = tpu.memref_slice %arg6[%mul3A_2] : memref<320000xf32, #tpu.memory_space<hbm>> -> memref<10000xf32, #tpu.memory_space<hbm>>
      tpu.wait_dma2 semaphore(%run_scoped3A : memref<!tpu.dma_semaphore, #tpu.memory_space<semaphore_mem>>) src(%dma_wait3A_220 : memref<10000xf32, #tpu.memory_space<hbm>>) dst(%arg11 : memref<10000xf32, #tpu.memory_space<vmem>>)
      tpu.yield
    }) : () -> ()
    %iota3A = tpu.iota {dimensions = array<i32: 0>} : vector<16xi32>
    %get3A = arith.constant 0 : index
    %get3A_3 = tpu.vector_load %arg15[%get3A] {strides = array<i32>} : memref<128xf32, #tpu.memory_space<vmem>>, vector<16xf32>,
    %bitcast3A = vector.bitcast %get3A_3 : vector<16xf32> to vector<16xi32>
    %add3A_4 = arith.constant 32767 : i32
    %add3A_5 = vector.broadcast %add3A_4 : i32 to vector<16xi32>
    %add3A_6 = arith.addi %bitcast3A, %add3A_5 : vector<16xi32>
    %shift_right_arithmetic3A = arith.constant 16 : i32
    %shift_right_arithmetic3A_7 = vector.broadcast %shift_right_arithmetic3A : i32 to vector<16xi32>
    %shift_right_arithmetic3A_8 = arith.shrsi %bitcast3A, %shift_right_arithmetic3A_7 : vector<16xi32>
    %and3A = arith.constant 1 : i32
    %and3A_9 = vector.broadcast %and3A : i32 to vector<16xi32>
    %and3A_10 = arith.andi %shift_right_arithmetic3A_8, %and3A_9 : vector<16xi32>
    %add3A_11 = arith.addi %add3A_6, %and3A_10 : vector<16xi32>
    %and3A_12 = arith.constant -65536 : i32
    %and3A_13 = vector.broadcast %and3A_12 : i32 to vector<16xi32>
    %and3A_14 = arith.andi %add3A_11, %and3A_13 : vector<16xi32>
    %bitcast3A_15 = vector.bitcast %and3A_14 : vector<16xi32> to vector<16xf32>
    %get3A_16 = arith.constant 16 : index
    %get3A_17 = tpu.vector_load %arg15[%get3A_16] {strides = array<i32>} : memref<128xf32, #tpu.memory_space<vmem>>, vector<16xf32>,
    %bitcast3A_18 = vector.bitcast %get3A_17 : vector<16xf32> to vector<16xi32>
    %add3A_19 = arith.constant 32767 : i32
    %add3A_20 = vector.broadcast %add3A_19 : i32 to vector<16xi32>
    %add3A_21 = arith.addi %bitcast3A_18, %add3A_20 : vector<16xi32>
    %shift_right_arithmetic3A_22 = arith.constant 16 : i32
    %shift_right_arithmetic3A_23 = vector.broadcast %shift_right_arithmetic3A_22 : i32 to vector<16xi32>
    %shift_right_arithmetic3A_24 = arith.shrsi %bitcast3A_18, %shift_right_arithmetic3A_23 : vector<16xi32>
    %and3A_25 = arith.constant 1 : i32
    %and3A_26 = vector.broadcast %and3A_25 : i32 to vector<16xi32>
    %and3A_27 = arith.andi %shift_right_arithmetic3A_24, %and3A_26 : vector<16xi32>
    %add3A_28 = arith.addi %add3A_21, %and3A_27 : vector<16xi32>
    %and3A_29 = arith.constant -65536 : i32
    %and3A_30 = vector.broadcast %and3A_29 : i32 to vector<16xi32>
    %and3A_31 = arith.andi %add3A_28, %and3A_30 : vector<16xi32>
    %bitcast3A_32 = vector.bitcast %and3A_31 : vector<16xi32> to vector<16xf32>
    %get3A_33 = arith.constant 32 : index
    %get3A_34 = tpu.vector_load %arg15[%get3A_33] {strides = array<i32>} : memref<128xf32, #tpu.memory_space<vmem>>, vector<16xf32>,
    %bitcast3A_35 = vector.bitcast %get3A_34 : vector<16xf32> to vector<16xi32>
    %add3A_36 = arith.constant 32767 : i32
    %add3A_37 = vector.broadcast %add3A_36 : i32 to vector<16xi32>
    %add3A_38 = arith.addi %bitcast3A_35, %add3A_37 : vector<16xi32>
    %shift_right_arithmetic3A_39 = arith.constant 16 : i32
    %shift_right_arithmetic3A_40 = vector.broadcast %shift_right_arithmetic3A_39 : i32 to vector<16xi32>
    %shift_right_arithmetic3A_41 = arith.shrsi %bitcast3A_35, %shift_right_arithmetic3A_40 : vector<16xi32>
    %and3A_42 = arith.constant 1 : i32
    %and3A_43 = vector.broadcast %and3A_42 : i32 to vector<16xi32>
    %and3A_44 = arith.andi %shift_right_arithmetic3A_41, %and3A_43 : vector<16xi32>
    %add3A_45 = arith.addi %add3A_38, %and3A_44 : vector<16xi32>
    %and3A_46 = arith.constant -65536 : i32
    %and3A_47 = vector.broadcast %and3A_46 : i32 to vector<16xi32>
    %and3A_48 = arith.andi %add3A_45, %and3A_47 : vector<16xi32>
    %bitcast3A_49 = vector.bitcast %and3A_48 : vector<16xi32> to vector<16xf32>
    %get3A_50 = arith.constant 48 : index
    %get3A_51 = tpu.vector_load %arg15[%get3A_50] {strides = array<i32>} : memref<128xf32, #tpu.memory_space<vmem>>, vector<16xf32>,
    %bitcast3A_52 = vector.bitcast %get3A_51 : vector<16xf32> to vector<16xi32>
    %add3A_53 = arith.constant 32767 : i32
    %add3A_54 = vector.broadcast %add3A_53 : i32 to vector<16xi32>
    %add3A_55 = arith.addi %bitcast3A_52, %add3A_54 : vector<16xi32>
    %shift_right_arithmetic3A_56 = arith.constant 16 : i32
    %shift_right_arithmetic3A_57 = vector.broadcast %shift_right_arithmetic3A_56 : i32 to vector<16xi32>
    %shift_right_arithmetic3A_58 = arith.shrsi %bitcast3A_52, %shift_right_arithmetic3A_57 : vector<16xi32>
    %and3A_59 = arith.constant 1 : i32
    %and3A_60 = vector.broadcast %and3A_59 : i32 to vector<16xi32>
    %and3A_61 = arith.andi %shift_right_arithmetic3A_58, %and3A_60 : vector<16xi32>
    %add3A_62 = arith.addi %add3A_55, %and3A_61 : vector<16xi32>
    %and3A_63 = arith.constant -65536 : i32
    %and3A_64 = vector.broadcast %and3A_63 : i32 to vector<16xi32>
    %and3A_65 = arith.andi %add3A_62, %and3A_64 : vector<16xi32>
    %bitcast3A_66 = vector.bitcast %and3A_65 : vector<16xi32> to vector<16xf32>
    %get3A_67 = arith.constant 64 : index
    %get3A_68 = tpu.vector_load %arg15[%get3A_67] {strides = array<i32>} : memref<128xf32, #tpu.memory_space<vmem>>, vector<16xf32>,
    %bitcast3A_69 = vector.bitcast %get3A_68 : vector<16xf32> to vector<16xi32>
    %add3A_70 = arith.constant 32767 : i32
    %add3A_71 = vector.broadcast %add3A_70 : i32 to vector<16xi32>
    %add3A_72 = arith.addi %bitcast3A_69, %add3A_71 : vector<16xi32>
    %shift_right_arithmetic3A_73 = arith.constant 16 : i32
    %shift_right_arithmetic3A_74 = vector.broadcast %shift_right_arithmetic3A_73 : i32 to vector<16xi32>
    %shift_right_arithmetic3A_75 = arith.shrsi %bitcast3A_69, %shift_right_arithmetic3A_74 : vector<16xi32>
    %and3A_76 = arith.constant 1 : i32
    %and3A_77 = vector.broadcast %and3A_76 : i32 to vector<16xi32>
    %and3A_78 = arith.andi %shift_right_arithmetic3A_75, %and3A_77 : vector<16xi32>
    %add3A_79 = arith.addi %add3A_72, %and3A_78 : vector<16xi32>
    %and3A_80 = arith.constant -65536 : i32
    %and3A_81 = vector.broadcast %and3A_80 : i32 to vector<16xi32>
    %and3A_82 = arith.andi %add3A_79, %and3A_81 : vector<16xi32>
    %bitcast3A_83 = vector.bitcast %and3A_82 : vector<16xi32> to vector<16xf32>
    %get3A_84 = arith.constant 80 : index
    %get3A_85 = tpu.vector_load %arg15[%get3A_84] {strides = array<i32>} : memref<128xf32, #tpu.memory_space<vmem>>, vector<16xf32>,
    %bitcast3A_86 = vector.bitcast %get3A_85 : vector<16xf32> to vector<16xi32>
    %add3A_87 = arith.constant 32767 : i32
    %add3A_88 = vector.broadcast %add3A_87 : i32 to vector<16xi32>
    %add3A_89 = arith.addi %bitcast3A_86, %add3A_88 : vector<16xi32>
    %shift_right_arithmetic3A_90 = arith.constant 16 : i32
    %shift_right_arithmetic3A_91 = vector.broadcast %shift_right_arithmetic3A_90 : i32 to vector<16xi32>
    %shift_right_arithmetic3A_92 = arith.shrsi %bitcast3A_86, %shift_right_arithmetic3A_91 : vector<16xi32>
    %and3A_93 = arith.constant 1 : i32
    %and3A_94 = vector.broadcast %and3A_93 : i32 to vector<16xi32>
    %and3A_95 = arith.andi %shift_right_arithmetic3A_92, %and3A_94 : vector<16xi32>
    %add3A_96 = arith.addi %add3A_89, %and3A_95 : vector<16xi32>
    %and3A_97 = arith.constant -65536 : i32
    %and3A_98 = vector.broadcast %and3A_97 : i32 to vector<16xi32>
    %and3A_99 = arith.andi %add3A_96, %and3A_98 : vector<16xi32>
    %bitcast3A_100 = vector.bitcast %and3A_99 : vector<16xi32> to vector<16xf32>
    %get3A_101 = arith.constant 96 : index
    %get3A_102 = tpu.vector_load %arg15[%get3A_101] {strides = array<i32>} : memref<128xf32, #tpu.memory_space<vmem>>, vector<16xf32>,
    %bitcast3A_103 = vector.bitcast %get3A_102 : vector<16xf32> to vector<16xi32>
    %add3A_104 = arith.constant 32767 : i32
    %add3A_105 = vector.broadcast %add3A_104 : i32 to vector<16xi32>
    %add3A_106 = arith.addi %bitcast3A_103, %add3A_105 : vector<16xi32>
    %shift_right_arithmetic3A_107 = arith.constant 16 : i32
    %shift_right_arithmetic3A_108 = vector.broadcast %shift_right_arithmetic3A_107 : i32 to vector<16xi32>
    %shift_right_arithmetic3A_109 = arith.shrsi %bitcast3A_103, %shift_right_arithmetic3A_108 : vector<16xi32>
    %and3A_110 = arith.constant 1 : i32
    %and3A_111 = vector.broadcast %and3A_110 : i32 to vector<16xi32>
    %and3A_112 = arith.andi %shift_right_arithmetic3A_109, %and3A_111 : vector<16xi32>
    %add3A_113 = arith.addi %add3A_106, %and3A_112 : vector<16xi32>
    %and3A_114 = arith.constant -65536 : i32
    %and3A_115 = vector.broadcast %and3A_114 : i32 to vector<16xi32>
    %and3A_116 = arith.andi %add3A_113, %and3A_115 : vector<16xi32>
    %bitcast3A_117 = vector.bitcast %and3A_116 : vector<16xi32> to vector<16xf32>
    %get3A_118 = arith.constant 112 : index
    %get3A_119 = tpu.vector_load %arg15[%get3A_118] {strides = array<i32>} : memref<128xf32, #tpu.memory_space<vmem>>, vector<16xf32>,
    %bitcast3A_120 = vector.bitcast %get3A_119 : vector<16xf32> to vector<16xi32>
    %add3A_121 = arith.constant 32767 : i32
    %add3A_122 = vector.broadcast %add3A_121 : i32 to vector<16xi32>
    %add3A_123 = arith.addi %bitcast3A_120, %add3A_122 : vector<16xi32>
    %shift_right_arithmetic3A_124 = arith.constant 16 : i32
    %shift_right_arithmetic3A_125 = vector.broadcast %shift_right_arithmetic3A_124 : i32 to vector<16xi32>
    %shift_right_arithmetic3A_126 = arith.shrsi %bitcast3A_120, %shift_right_arithmetic3A_125 : vector<16xi32>
    %and3A_127 = arith.constant 1 : i32
    %and3A_128 = vector.broadcast %and3A_127 : i32 to vector<16xi32>
    %and3A_129 = arith.andi %shift_right_arithmetic3A_126, %and3A_128 : vector<16xi32>
    %add3A_130 = arith.addi %add3A_123, %and3A_129 : vector<16xi32>
    %and3A_131 = arith.constant -65536 : i32
    %and3A_132 = vector.broadcast %and3A_131 : i32 to vector<16xi32>
    %and3A_133 = arith.andi %add3A_130, %and3A_132 : vector<16xi32>
    %bitcast3A_134 = vector.bitcast %and3A_133 : vector<16xi32> to vector<16xf32>
    %add3A_135 = arith.constant 0 : i32
    %add3A_136 = vector.broadcast %add3A_135 : i32 to vector<16xi32>
    %add3A_137 = arith.addi %add3A_136, %iota3A : vector<16xi32>
    %add3A_138 = arith.constant 16 : i32
    %add3A_139 = vector.broadcast %add3A_138 : i32 to vector<16xi32>
    %add3A_140 = arith.addi %add3A_139, %iota3A : vector<16xi32>
    %add3A_141 = arith.constant 32 : i32
    %add3A_142 = vector.broadcast %add3A_141 : i32 to vector<16xi32>
    %add3A_143 = arith.addi %add3A_142, %iota3A : vector<16xi32>
    %add3A_144 = arith.constant 48 : i32
    %add3A_145 = vector.broadcast %add3A_144 : i32 to vector<16xi32>
    %add3A_146 = arith.addi %add3A_145, %iota3A : vector<16xi32>
    %add3A_147 = arith.constant 64 : i32
    %add3A_148 = vector.broadcast %add3A_147 : i32 to vector<16xi32>
    %add3A_149 = arith.addi %add3A_148, %iota3A : vector<16xi32>
    %add3A_150 = arith.constant 80 : i32
    %add3A_151 = vector.broadcast %add3A_150 : i32 to vector<16xi32>
    %add3A_152 = arith.addi %add3A_151, %iota3A : vector<16xi32>
    %add3A_153 = arith.constant 96 : i32
    %add3A_154 = vector.broadcast %add3A_153 : i32 to vector<16xi32>
    %add3A_155 = arith.addi %add3A_154, %iota3A : vector<16xi32>
    %add3A_156 = arith.constant 112 : i32
    %add3A_157 = vector.broadcast %add3A_156 : i32 to vector<16xi32>
    %add3A_158 = arith.addi %add3A_157, %iota3A : vector<16xi32>
    %mul3A_159 = arith.constant 17 : i32
    %mul3A_160 = vector.broadcast %mul3A_159 : i32 to vector<16xi32>
    %mul3A_161 = arith.muli %iota3A, %mul3A_160 : vector<16xi32>
    %rem3A = arith.constant 0 : i32
    %rem3A_162 = arith.constant 3 : i32
    %rem3A_163 = arith.remsi %rem3A, %rem3A_162 : i32
    %mul3A_164 = arith.constant 0 : i32
    %mul3A_165 = arith.constant 80 : i32
    %mul3A_166 = arith.muli %mul3A_164, %mul3A_165 : i32
    %mul3A_167 = arith.constant 80 : i32
    %mul3A_168 = arith.muli %rem3A_163, %mul3A_167 : i32
    %dma_start3A = arith.constant 0 : i32
    %dma_start3A_169 = tpu.memref_slice %arg12[%mul3A_168, %dma_start3A] : memref<240x128xf32, #tpu.memory_space<vmem>> -> memref<80x128xf32, #tpu.memory_space<vmem>>
    %dma_start3A_170 = tpu.memref_slice %arg9[%mul3A_166] : memref<10000xi32, #tpu.memory_space<vmem>> -> memref<80xi32, #tpu.memory_space<vmem>>
    %dma_start3A_171 = arith.constant 0 : i32
    %dma_start3A_172 = arith.constant 0 : i32
    %dma_start3A_173 = tpu.memref_slice %arg2[%dma_start3A_171, %dma_start3A_172] : memref<10000x128xf32, #tpu.memory_space<hbm>> -> memref<10000x128xf32, #tpu.memory_space<hbm>>
    %dma_start3A_174 = tpu.memref_slice %arg18[%rem3A_163] : memref<3x!tpu.dma_semaphore, #tpu.memory_space<semaphore_mem>> -> memref<1x!tpu.dma_semaphore, #tpu.memory_space<semaphore_mem>>
    %dma_start3A_175 = tpu.memref_squeeze %dma_start3A_174 : memref<1x!tpu.dma_semaphore, #tpu.memory_space<semaphore_mem>> -> memref<!tpu.dma_semaphore, #tpu.memory_space<semaphore_mem>>
    tpu.enqueue_indirect_dma source(%dma_start3A_173 : memref<10000x128xf32, #tpu.memory_space<hbm>>) target(%dma_start3A_169 : memref<80x128xf32, #tpu.memory_space<vmem>>) offsets(%dma_start3A_170 : memref<80xi32, #tpu.memory_space<vmem>>) semaphore(%dma_start3A_175 : memref<!tpu.dma_semaphore, #tpu.memory_space<semaphore_mem>>)
    %mul3A_176 = arith.constant 80 : i32
    %mul3A_177 = arith.muli %rem3A_163, %mul3A_176 : i32
    %dma_start3A_178 = arith.constant 0 : i32
    %dma_start3A_179 = tpu.memref_slice %arg13[%mul3A_177, %dma_start3A_178] : memref<240x128xf32, #tpu.memory_space<vmem>> -> memref<80x128xf32, #tpu.memory_space<vmem>>
    %dma_start3A_180 = tpu.memref_slice %arg10[%mul3A_166] : memref<10000xi32, #tpu.memory_space<vmem>> -> memref<80xi32, #tpu.memory_space<vmem>>
    %dma_start3A_181 = arith.constant 0 : i32
    %dma_start3A_182 = arith.constant 0 : i32
    %dma_start3A_183 = tpu.memref_slice %arg2[%dma_start3A_181, %dma_start3A_182] : memref<10000x128xf32, #tpu.memory_space<hbm>> -> memref<10000x128xf32, #tpu.memory_space<hbm>>
    %dma_start3A_184 = tpu.memref_slice %arg19[%rem3A_163] : memref<3x!tpu.dma_semaphore, #tpu.memory_space<semaphore_mem>> -> memref<1x!tpu.dma_semaphore, #tpu.memory_space<semaphore_mem>>
    %dma_start3A_185 = tpu.memref_squeeze %dma_start3A_184 : memref<1x!tpu.dma_semaphore, #tpu.memory_space<semaphore_mem>> -> memref<!tpu.dma_semaphore, #tpu.memory_space<semaphore_mem>>
    tpu.enqueue_indirect_dma source(%dma_start3A_183 : memref<10000x128xf32, #tpu.memory_space<hbm>>) target(%dma_start3A_179 : memref<80x128xf32, #tpu.memory_space<vmem>>) offsets(%dma_start3A_180 : memref<80xi32, #tpu.memory_space<vmem>>) semaphore(%dma_start3A_185 : memref<!tpu.dma_semaphore, #tpu.memory_space<semaphore_mem>>)
    %rem3A_186 = arith.constant 1 : i32
    %rem3A_187 = arith.constant 3 : i32
    %rem3A_188 = arith.remsi %rem3A_186, %rem3A_187 : i32
    %mul3A_189 = arith.constant 1 : i32
    %mul3A_190 = arith.constant 80 : i32
    %mul3A_191 = arith.muli %mul3A_189, %mul3A_190 : i32
    %mul3A_192 = arith.constant 80 : i32
    %mul3A_193 = arith.muli %rem3A_188, %mul3A_192 : i32
    %dma_start3A_194 = arith.constant 0 : i32
    %dma_start3A_195 = tpu.memref_slice %arg12[%mul3A_193, %dma_start3A_194] : memref<240x128xf32, #tpu.memory_space<vmem>> -> memref<80x128xf32, #tpu.memory_space<vmem>>
    %dma_start3A_196 = tpu.memref_slice %arg9[%mul3A_191] : memref<10000xi32, #tpu.memory_space<vmem>> -> memref<80xi32, #tpu.memory_space<vmem>>
    %dma_start3A_197 = arith.constant 0 : i32
    %dma_start3A_198 = arith.constant 0 : i32
    %dma_start3A_199 = tpu.memref_slice %arg2[%dma_start3A_197, %dma_start3A_198] : memref<10000x128xf32, #tpu.memory_space<hbm>> -> memref<10000x128xf32, #tpu.memory_space<hbm>>
    %dma_start3A_200 = tpu.memref_slice %arg18[%rem3A_188] : memref<3x!tpu.dma_semaphore, #tpu.memory_space<semaphore_mem>> -> memref<1x!tpu.dma_semaphore, #tpu.memory_space<semaphore_mem>>
    %dma_start3A_201 = tpu.memref_squeeze %dma_start3A_200 : memref<1x!tpu.dma_semaphore, #tpu.memory_space<semaphore_mem>> -> memref<!tpu.dma_semaphore, #tpu.memory_space<semaphore_mem>>
    tpu.enqueue_indirect_dma source(%dma_start3A_199 : memref<10000x128xf32, #tpu.memory_space<hbm>>) target(%dma_start3A_195 : memref<80x128xf32, #tpu.memory_space<vmem>>) offsets(%dma_start3A_196 : memref<80xi32, #tpu.memory_space<vmem>>) semaphore(%dma_start3A_201 : memref<!tpu.dma_semaphore, #tpu.memory_space<semaphore_mem>>)
    %mul3A_202 = arith.constant 80 : i32
    %mul3A_203 = arith.muli %rem3A_188, %mul3A_202 : i32
    %dma_start3A_204 = arith.constant 0 : i32
    %dma_start3A_205 = tpu.memref_slice %arg13[%mul3A_203, %dma_start3A_204] : memref<240x128xf32, #tpu.memory_space<vmem>> -> memref<80x128xf32, #tpu.memory_space<vmem>>
    %dma_start3A_206 = tpu.memref_slice %arg10[%mul3A_191] : memref<10000xi32, #tpu.memory_space<vmem>> -> memref<80xi32, #tpu.memory_space<vmem>>
    %dma_start3A_207 = arith.constant 0 : i32
    %dma_start3A_208 = arith.constant 0 : i32
    %dma_start3A_209 = tpu.memref_slice %arg2[%dma_start3A_207, %dma_start3A_208] : memref<10000x128xf32, #tpu.memory_space<hbm>> -> memref<10000x128xf32, #tpu.memory_space<hbm>>
    %dma_start3A_210 = tpu.memref_slice %arg19[%rem3A_188] : memref<3x!tpu.dma_semaphore, #tpu.memory_space<semaphore_mem>> -> memref<1x!tpu.dma_semaphore, #tpu.memory_space<semaphore_mem>>
    %dma_start3A_211 = tpu.memref_squeeze %dma_start3A_210 : memref<1x!tpu.dma_semaphore, #tpu.memory_space<semaphore_mem>> -> memref<!tpu.dma_semaphore, #tpu.memory_space<semaphore_mem>>
    tpu.enqueue_indirect_dma source(%dma_start3A_209 : memref<10000x128xf32, #tpu.memory_space<hbm>>) target(%dma_start3A_205 : memref<80x128xf32, #tpu.memory_space<vmem>>) offsets(%dma_start3A_206 : memref<80xi32, #tpu.memory_space<vmem>>) semaphore(%dma_start3A_211 : memref<!tpu.dma_semaphore, #tpu.memory_space<semaphore_mem>>)
    %scan3A = arith.constant 0 : i32
    %scan3A_212 = arith.constant 0 : i32
    %scan3A_213 = arith.constant 125 : i32
    %scan3A_214 = arith.addi %scan3A_212, %scan3A_213 : i32
    %scan3A_215 = arith.constant 1 : i32
    %scan3A_216 = scf.for %scan3A_218 = %scan3A_212 to %scan3A_214 step %scan3A_215 iter_args(%scan3A_219 = %scan3A) -> (i32)  : i32 {
      %mul3A_220 = arith.constant 80 : i32
      %mul3A_221 = arith.muli %scan3A_218, %mul3A_220 : i32
      %rem3A_222 = arith.constant 3 : i32
      %rem3A_223 = arith.remsi %scan3A_218, %rem3A_222 : i32
      %mul3A_224 = arith.constant 80 : i32
      %mul3A_225 = arith.muli %rem3A_223, %mul3A_224 : i32
      %add3A_226 = arith.constant 2 : i32
      %add3A_227 = arith.addi %scan3A_218, %add3A_226 : i32
      %lt3A = arith.constant 125 : i32
      %lt3A_228 = arith.cmpi slt, %add3A_227, %lt3A : i32
      %convert_element_type3A = arith.extui %lt3A_228 : i1 to i32
      %cond3A = arith.constant 0 : i32
      %cond3A_229 = arith.cmpi ne, %convert_element_type3A, %cond3A : i32
      scf.if %cond3A_229 {
        %add3A_253 = arith.constant 2 : i32
        %add3A_254 = arith.addi %scan3A_218, %add3A_253 : i32
        %rem3A_255 = arith.constant 3 : i32
        %rem3A_256 = arith.remsi %add3A_254, %rem3A_255 : i32
        %mul3A_257 = arith.constant 80 : i32
        %mul3A_258 = arith.muli %add3A_254, %mul3A_257 : i32
        %mul3A_259 = arith.constant 80 : i32
        %mul3A_260 = arith.muli %rem3A_256, %mul3A_259 : i32
        %dma_start3A_261 = arith.constant 0 : i32
        %dma_start3A_262 = tpu.memref_slice %arg12[%mul3A_260, %dma_start3A_261] : memref<240x128xf32, #tpu.memory_space<vmem>> -> memref<80x128xf32, #tpu.memory_space<vmem>>
        %dma_start3A_263 = tpu.memref_slice %arg9[%mul3A_258] : memref<10000xi32, #tpu.memory_space<vmem>> -> memref<80xi32, #tpu.memory_space<vmem>>
        %dma_start3A_264 = arith.constant 0 : i32
        %dma_start3A_265 = arith.constant 0 : i32
        %dma_start3A_266 = tpu.memref_slice %arg2[%dma_start3A_264, %dma_start3A_265] : memref<10000x128xf32, #tpu.memory_space<hbm>> -> memref<10000x128xf32, #tpu.memory_space<hbm>>
        %dma_start3A_267 = tpu.memref_slice %arg18[%rem3A_256] : memref<3x!tpu.dma_semaphore, #tpu.memory_space<semaphore_mem>> -> memref<1x!tpu.dma_semaphore, #tpu.memory_space<semaphore_mem>>
        %dma_start3A_268 = tpu.memref_squeeze %dma_start3A_267 : memref<1x!tpu.dma_semaphore, #tpu.memory_space<semaphore_mem>> -> memref<!tpu.dma_semaphore, #tpu.memory_space<semaphore_mem>>
        tpu.enqueue_indirect_dma source(%dma_start3A_266 : memref<10000x128xf32, #tpu.memory_space<hbm>>) target(%dma_start3A_262 : memref<80x128xf32, #tpu.memory_space<vmem>>) offsets(%dma_start3A_263 : memref<80xi32, #tpu.memory_space<vmem>>) semaphore(%dma_start3A_268 : memref<!tpu.dma_semaphore, #tpu.memory_space<semaphore_mem>>)
        %mul3A_269 = arith.constant 80 : i32
        %mul3A_270 = arith.muli %rem3A_256, %mul3A_269 : i32
        %dma_start3A_271 = arith.constant 0 : i32
        %dma_start3A_272 = tpu.memref_slice %arg13[%mul3A_270, %dma_start3A_271] : memref<240x128xf32, #tpu.memory_space<vmem>> -> memref<80x128xf32, #tpu.memory_space<vmem>>
        %dma_start3A_273 = tpu.memref_slice %arg10[%mul3A_258] : memref<10000xi32, #tpu.memory_space<vmem>> -> memref<80xi32, #tpu.memory_space<vmem>>
        %dma_start3A_274 = arith.constant 0 : i32
        %dma_start3A_275 = arith.constant 0 : i32
        %dma_start3A_276 = tpu.memref_slice %arg2[%dma_start3A_274, %dma_start3A_275] : memref<10000x128xf32, #tpu.memory_space<hbm>> -> memref<10000x128xf32, #tpu.memory_space<hbm>>
        %dma_start3A_277 = tpu.memref_slice %arg19[%rem3A_256] : memref<3x!tpu.dma_semaphore, #tpu.memory_space<semaphore_mem>> -> memref<1x!tpu.dma_semaphore, #tpu.memory_space<semaphore_mem>>
        %dma_start3A_278 = tpu.memref_squeeze %dma_start3A_277 : memref<1x!tpu.dma_semaphore, #tpu.memory_space<semaphore_mem>> -> memref<!tpu.dma_semaphore, #tpu.memory_space<semaphore_mem>>
        tpu.enqueue_indirect_dma source(%dma_start3A_276 : memref<10000x128xf32, #tpu.memory_space<hbm>>) target(%dma_start3A_272 : memref<80x128xf32, #tpu.memory_space<vmem>>) offsets(%dma_start3A_273 : memref<80xi32, #tpu.memory_space<vmem>>) semaphore(%dma_start3A_278 : memref<!tpu.dma_semaphore, #tpu.memory_space<semaphore_mem>>)
      } else {
      }
      %dma_wait3A = arith.constant 0 : i32
      %dma_wait3A_230 = tpu.memref_slice %arg12[%mul3A_225, %dma_wait3A] : memref<240x128xf32, #tpu.memory_space<vmem>> -> memref<80x128xf32, #tpu.memory_space<vmem>>
      %dma_wait3A_231 = tpu.memref_slice %arg9[%mul3A_221] : memref<10000xi32, #tpu.memory_space<vmem>> -> memref<80xi32, #tpu.memory_space<vmem>>
      %dma_wait3A_232 = arith.constant 0 : i32
      %dma_wait3A_233 = arith.constant 0 : i32
      %dma_wait3A_234 = tpu.memref_slice %arg2[%dma_wait3A_232, %dma_wait3A_233] : memref<10000x128xf32, #tpu.memory_space<hbm>> -> memref<10000x128xf32, #tpu.memory_space<hbm>>
      %dma_wait3A_235 = tpu.memref_slice %arg18[%rem3A_223] : memref<3x!tpu.dma_semaphore, #tpu.memory_space<semaphore_mem>> -> memref<1x!tpu.dma_semaphore, #tpu.memory_space<semaphore_mem>>
      %dma_wait3A_236 = tpu.memref_squeeze %dma_wait3A_235 : memref<1x!tpu.dma_semaphore, #tpu.memory_space<semaphore_mem>> -> memref<!tpu.dma_semaphore, #tpu.memory_space<semaphore_mem>>
      tpu.wait_indirect_dma semaphore(%dma_wait3A_236 : memref<!tpu.dma_semaphore, #tpu.memory_space<semaphore_mem>>) src(%dma_wait3A_234 : memref<10000x128xf32, #tpu.memory_space<hbm>>) dst(%dma_wait3A_230 : memref<80x128xf32, #tpu.memory_space<vmem>>)
      %dma_wait3A_237 = arith.constant 0 : i32
      %dma_wait3A_238 = tpu.memref_slice %arg13[%mul3A_225, %dma_wait3A_237] : memref<240x128xf32, #tpu.memory_space<vmem>> -> memref<80x128xf32, #tpu.memory_space<vmem>>
      %dma_wait3A_239 = tpu.memref_slice %arg10[%mul3A_221] : memref<10000xi32, #tpu.memory_space<vmem>> -> memref<80xi32, #tpu.memory_space<vmem>>
      %dma_wait3A_240 = arith.constant 0 : i32
      %dma_wait3A_241 = arith.constant 0 : i32
      %dma_wait3A_242 = tpu.memref_slice %arg2[%dma_wait3A_240, %dma_wait3A_241] : memref<10000x128xf32, #tpu.memory_space<hbm>> -> memref<10000x128xf32, #tpu.memory_space<hbm>>
      %dma_wait3A_243 = tpu.memref_slice %arg19[%rem3A_223] : memref<3x!tpu.dma_semaphore, #tpu.memory_space<semaphore_mem>> -> memref<1x!tpu.dma_semaphore, #tpu.memory_space<semaphore_mem>>
      %dma_wait3A_244 = tpu.memref_squeeze %dma_wait3A_243 : memref<1x!tpu.dma_semaphore, #tpu.memory_space<semaphore_mem>> -> memref<!tpu.dma_semaphore, #tpu.memory_space<semaphore_mem>>
      tpu.wait_indirect_dma semaphore(%dma_wait3A_244 : memref<!tpu.dma_semaphore, #tpu.memory_space<semaphore_mem>>) src(%dma_wait3A_242 : memref<10000x128xf32, #tpu.memory_space<hbm>>) dst(%dma_wait3A_238 : memref<80x128xf32, #tpu.memory_space<vmem>>)
      %scan3A_245 = arith.constant 0 : i32
      %scan3A_246 = arith.constant 0 : i32
      %scan3A_247 = arith.constant 5 : i32
      %scan3A_248 = arith.addi %scan3A_246, %scan3A_247 : i32
      %scan3A_249 = arith.constant 1 : i32
      %scan3A_250 = scf.for %scan3A_253 = %scan3A_246 to %scan3A_248 step %scan3A_249 iter_args(%scan3A_254 = %scan3A_245) -> (i32)  : i32 {
        %mul3A_255 = arith.constant 16 : i32
        %mul3A_256 = arith.muli %scan3A_253, %mul3A_255 : i32
        %add3A_257 = arith.addi %mul3A_225, %mul3A_256 : i32
        %mul3A_258 = arith.constant 16 : i32
        %mul3A_259 = arith.muli %scan3A_253, %mul3A_258 : i32
        %add3A_260 = arith.addi %mul3A_221, %mul3A_259 : i32
        %get3A_261 = arith.index_cast %add3A_260 : i32 to index
        %get3A_262 = tpu.vector_load %arg9[%get3A_261] {strides = array<i32>} : memref<10000xi32, #tpu.memory_space<vmem>>, vector<16xi32>,
        %gather3A = tpu.vector_load_idx %arg14[%get3A_262] : memref<10000xf32, #tpu.memory_space<vmem>>[vector<16xi32>], vector<16xf32>,
        %mul3A_263 = arith.constant 16 : i32
        %mul3A_264 = arith.muli %scan3A_253, %mul3A_263 : i32
        %add3A_265 = arith.addi %mul3A_221, %mul3A_264 : i32
        %get3A_266 = arith.index_cast %add3A_265 : i32 to index
        %get3A_267 = tpu.vector_load %arg10[%get3A_266] {strides = array<i32>} : memref<10000xi32, #tpu.memory_space<vmem>>, vector<16xi32>,
        %gather3A_268 = tpu.vector_load_idx %arg14[%get3A_267] : memref<10000xf32, #tpu.memory_space<vmem>>[vector<16xi32>], vector<16xf32>,
        %sub3A = arith.subf %gather3A, %gather3A_268 : vector<16xf32>
        %abs3A = math.absf %sub3A : vector<16xf32>
        %add3A_269 = arith.constant 0 : i32
        %add3A_270 = arith.addi %add3A_257, %add3A_269 : i32
        %broadcast_in_dim3A = vector.broadcast %add3A_270 : i32 to vector<16xi32>
        %slice3A = vector.extract_strided_slice %abs3A {offsets = [0], sizes = [1], strides = [1]} : vector<16xf32> to vector<1xf32>
        %squeeze3A = vector.extract %slice3A[0] : f32 from vector<1xf32>
        %broadcast_in_dim3A_271 = arith.constant 0.000000e+00 : f32
        %broadcast_in_dim3A_272 = vector.broadcast %broadcast_in_dim3A_271 : f32 to vector<16xf32>
        %gather3A_273 = tpu.vector_load_idx %arg12[%broadcast_in_dim3A, %add3A_137] : memref<240x128xf32, #tpu.memory_space<vmem>>[vector<16xi32>, vector<16xi32>], vector<16xf32>,
        %gather3A_274 = tpu.vector_load_idx %arg13[%broadcast_in_dim3A, %add3A_137] : memref<240x128xf32, #tpu.memory_space<vmem>>[vector<16xi32>, vector<16xi32>], vector<16xf32>,
        %sub3A_275 = arith.subf %gather3A_273, %gather3A_274 : vector<16xf32>
        %abs3A_276 = math.absf %sub3A_275 : vector<16xf32>
        %mul3A_277 = vector.broadcast %squeeze3A : f32 to vector<16xf32>
        %mul3A_278 = arith.mulf %abs3A_276, %mul3A_277 : vector<16xf32>
        %bitcast3A_279 = vector.bitcast %mul3A_278 : vector<16xf32> to vector<16xi32>
        %add3A_280 = arith.constant 32768 : i32
        %add3A_281 = vector.broadcast %add3A_280 : i32 to vector<16xi32>
        %add3A_282 = arith.addi %bitcast3A_279, %add3A_281 : vector<16xi32>
        %and3A_283 = arith.constant -65536 : i32
        %and3A_284 = vector.broadcast %and3A_283 : i32 to vector<16xi32>
        %and3A_285 = arith.andi %add3A_282, %and3A_284 : vector<16xi32>
        %bitcast3A_286 = vector.bitcast %and3A_285 : vector<16xi32> to vector<16xf32>
        %mul3A_287 = arith.mulf %bitcast3A_286, %bitcast3A_15 : vector<16xf32>
        %add3A_288 = arith.addf %broadcast_in_dim3A_272, %mul3A_287 : vector<16xf32>
        %gather3A_289 = tpu.vector_load_idx %arg12[%broadcast_in_dim3A, %add3A_140] : memref<240x128xf32, #tpu.memory_space<vmem>>[vector<16xi32>, vector<16xi32>], vector<16xf32>,
        %gather3A_290 = tpu.vector_load_idx %arg13[%broadcast_in_dim3A, %add3A_140] : memref<240x128xf32, #tpu.memory_space<vmem>>[vector<16xi32>, vector<16xi32>], vector<16xf32>,
        %sub3A_291 = arith.subf %gather3A_289, %gather3A_290 : vector<16xf32>
        %abs3A_292 = math.absf %sub3A_291 : vector<16xf32>
        %mul3A_293 = vector.broadcast %squeeze3A : f32 to vector<16xf32>
        %mul3A_294 = arith.mulf %abs3A_292, %mul3A_293 : vector<16xf32>
        %bitcast3A_295 = vector.bitcast %mul3A_294 : vector<16xf32> to vector<16xi32>
        %add3A_296 = arith.constant 32768 : i32
        %add3A_297 = vector.broadcast %add3A_296 : i32 to vector<16xi32>
        %add3A_298 = arith.addi %bitcast3A_295, %add3A_297 : vector<16xi32>
        %and3A_299 = arith.constant -65536 : i32
        %and3A_300 = vector.broadcast %and3A_299 : i32 to vector<16xi32>
        %and3A_301 = arith.andi %add3A_298, %and3A_300 : vector<16xi32>
        %bitcast3A_302 = vector.bitcast %and3A_301 : vector<16xi32> to vector<16xf32>
        %mul3A_303 = arith.mulf %bitcast3A_302, %bitcast3A_32 : vector<16xf32>
        %add3A_304 = arith.addf %add3A_288, %mul3A_303 : vector<16xf32>
        %gather3A_305 = tpu.vector_load_idx %arg12[%broadcast_in_dim3A, %add3A_143] : memref<240x128xf32, #tpu.memory_space<vmem>>[vector<16xi32>, vector<16xi32>], vector<16xf32>,
        %gather3A_306 = tpu.vector_load_idx %arg13[%broadcast_in_dim3A, %add3A_143] : memref<240x128xf32, #tpu.memory_space<vmem>>[vector<16xi32>, vector<16xi32>], vector<16xf32>,
        %sub3A_307 = arith.subf %gather3A_305, %gather3A_306 : vector<16xf32>
        %abs3A_308 = math.absf %sub3A_307 : vector<16xf32>
        %mul3A_309 = vector.broadcast %squeeze3A : f32 to vector<16xf32>
        %mul3A_310 = arith.mulf %abs3A_308, %mul3A_309 : vector<16xf32>
        %bitcast3A_311 = vector.bitcast %mul3A_310 : vector<16xf32> to vector<16xi32>
        %add3A_312 = arith.constant 32768 : i32
        %add3A_313 = vector.broadcast %add3A_312 : i32 to vector<16xi32>
        %add3A_314 = arith.addi %bitcast3A_311, %add3A_313 : vector<16xi32>
        %and3A_315 = arith.constant -65536 : i32
        %and3A_316 = vector.broadcast %and3A_315 : i32 to vector<16xi32>
        %and3A_317 = arith.andi %add3A_314, %and3A_316 : vector<16xi32>
        %bitcast3A_318 = vector.bitcast %and3A_317 : vector<16xi32> to vector<16xf32>
        %mul3A_319 = arith.mulf %bitcast3A_318, %bitcast3A_49 : vector<16xf32>
        %add3A_320 = arith.addf %add3A_304, %mul3A_319 : vector<16xf32>
        %gather3A_321 = tpu.vector_load_idx %arg12[%broadcast_in_dim3A, %add3A_146] : memref<240x128xf32, #tpu.memory_space<vmem>>[vector<16xi32>, vector<16xi32>], vector<16xf32>,
        %gather3A_322 = tpu.vector_load_idx %arg13[%broadcast_in_dim3A, %add3A_146] : memref<240x128xf32, #tpu.memory_space<vmem>>[vector<16xi32>, vector<16xi32>], vector<16xf32>,
        %sub3A_323 = arith.subf %gather3A_321, %gather3A_322 : vector<16xf32>
        %abs3A_324 = math.absf %sub3A_323 : vector<16xf32>
        %mul3A_325 = vector.broadcast %squeeze3A : f32 to vector<16xf32>
        %mul3A_326 = arith.mulf %abs3A_324, %mul3A_325 : vector<16xf32>
        %bitcast3A_327 = vector.bitcast %mul3A_326 : vector<16xf32> to vector<16xi32>
        %add3A_328 = arith.constant 32768 : i32
        %add3A_329 = vector.broadcast %add3A_328 : i32 to vector<16xi32>
        %add3A_330 = arith.addi %bitcast3A_327, %add3A_329 : vector<16xi32>
        %and3A_331 = arith.constant -65536 : i32
        %and3A_332 = vector.broadcast %and3A_331 : i32 to vector<16xi32>
        %and3A_333 = arith.andi %add3A_330, %and3A_332 : vector<16xi32>
        %bitcast3A_334 = vector.bitcast %and3A_333 : vector<16xi32> to vector<16xf32>
        %mul3A_335 = arith.mulf %bitcast3A_334, %bitcast3A_66 : vector<16xf32>
        %add3A_336 = arith.addf %add3A_320, %mul3A_335 : vector<16xf32>
        %gather3A_337 = tpu.vector_load_idx %arg12[%broadcast_in_dim3A, %add3A_149] : memref<240x128xf32, #tpu.memory_space<vmem>>[vector<16xi32>, vector<16xi32>], vector<16xf32>,
        %gather3A_338 = tpu.vector_load_idx %arg13[%broadcast_in_dim3A, %add3A_149] : memref<240x128xf32, #tpu.memory_space<vmem>>[vector<16xi32>, vector<16xi32>], vector<16xf32>,
        %sub3A_339 = arith.subf %gather3A_337, %gather3A_338 : vector<16xf32>
        %abs3A_340 = math.absf %sub3A_339 : vector<16xf32>
        %mul3A_341 = vector.broadcast %squeeze3A : f32 to vector<16xf32>
        %mul3A_342 = arith.mulf %abs3A_340, %mul3A_341 : vector<16xf32>
        %bitcast3A_343 = vector.bitcast %mul3A_342 : vector<16xf32> to vector<16xi32>
        %add3A_344 = arith.constant 32768 : i32
        %add3A_345 = vector.broadcast %add3A_344 : i32 to vector<16xi32>
        %add3A_346 = arith.addi %bitcast3A_343, %add3A_345 : vector<16xi32>
        %and3A_347 = arith.constant -65536 : i32
        %and3A_348 = vector.broadcast %and3A_347 : i32 to vector<16xi32>
        %and3A_349 = arith.andi %add3A_346, %and3A_348 : vector<16xi32>
        %bitcast3A_350 = vector.bitcast %and3A_349 : vector<16xi32> to vector<16xf32>
        %mul3A_351 = arith.mulf %bitcast3A_350, %bitcast3A_83 : vector<16xf32>
        %add3A_352 = arith.addf %add3A_336, %mul3A_351 : vector<16xf32>
        %gather3A_353 = tpu.vector_load_idx %arg12[%broadcast_in_dim3A, %add3A_152] : memref<240x128xf32, #tpu.memory_space<vmem>>[vector<16xi32>, vector<16xi32>], vector<16xf32>,
        %gather3A_354 = tpu.vector_load_idx %arg13[%broadcast_in_dim3A, %add3A_152] : memref<240x128xf32, #tpu.memory_space<vmem>>[vector<16xi32>, vector<16xi32>], vector<16xf32>,
        %sub3A_355 = arith.subf %gather3A_353, %gather3A_354 : vector<16xf32>
        %abs3A_356 = math.absf %sub3A_355 : vector<16xf32>
        %mul3A_357 = vector.broadcast %squeeze3A : f32 to vector<16xf32>
        %mul3A_358 = arith.mulf %abs3A_356, %mul3A_357 : vector<16xf32>
        %bitcast3A_359 = vector.bitcast %mul3A_358 : vector<16xf32> to vector<16xi32>
        %add3A_360 = arith.constant 32768 : i32
        %add3A_361 = vector.broadcast %add3A_360 : i32 to vector<16xi32>
        %add3A_362 = arith.addi %bitcast3A_359, %add3A_361 : vector<16xi32>
        %and3A_363 = arith.constant -65536 : i32
        %and3A_364 = vector.broadcast %and3A_363 : i32 to vector<16xi32>
        %and3A_365 = arith.andi %add3A_362, %and3A_364 : vector<16xi32>
        %bitcast3A_366 = vector.bitcast %and3A_365 : vector<16xi32> to vector<16xf32>
        %mul3A_367 = arith.mulf %bitcast3A_366, %bitcast3A_100 : vector<16xf32>
        %add3A_368 = arith.addf %add3A_352, %mul3A_367 : vector<16xf32>
        %gather3A_369 = tpu.vector_load_idx %arg12[%broadcast_in_dim3A, %add3A_155] : memref<240x128xf32, #tpu.memory_space<vmem>>[vector<16xi32>, vector<16xi32>], vector<16xf32>,
        %gather3A_370 = tpu.vector_load_idx %arg13[%broadcast_in_dim3A, %add3A_155] : memref<240x128xf32, #tpu.memory_space<vmem>>[vector<16xi32>, vector<16xi32>], vector<16xf32>,
        %sub3A_371 = arith.subf %gather3A_369, %gather3A_370 : vector<16xf32>
        %abs3A_372 = math.absf %sub3A_371 : vector<16xf32>
        %mul3A_373 = vector.broadcast %squeeze3A : f32 to vector<16xf32>
        %mul3A_374 = arith.mulf %abs3A_372, %mul3A_373 : vector<16xf32>
        %bitcast3A_375 = vector.bitcast %mul3A_374 : vector<16xf32> to vector<16xi32>
        %add3A_376 = arith.constant 32768 : i32
        %add3A_377 = vector.broadcast %add3A_376 : i32 to vector<16xi32>
        %add3A_378 = arith.addi %bitcast3A_375, %add3A_377 : vector<16xi32>
        %and3A_379 = arith.constant -65536 : i32
        %and3A_380 = vector.broadcast %and3A_379 : i32 to vector<16xi32>
        %and3A_381 = arith.andi %add3A_378, %and3A_380 : vector<16xi32>
        %bitcast3A_382 = vector.bitcast %and3A_381 : vector<16xi32> to vector<16xf32>
        %mul3A_383 = arith.mulf %bitcast3A_382, %bitcast3A_117 : vector<16xf32>
        %add3A_384 = arith.addf %add3A_368, %mul3A_383 : vector<16xf32>
        %gather3A_385 = tpu.vector_load_idx %arg12[%broadcast_in_dim3A, %add3A_158] : memref<240x128xf32, #tpu.memory_space<vmem>>[vector<16xi32>, vector<16xi32>], vector<16xf32>,
        %gather3A_386 = tpu.vector_load_idx %arg13[%broadcast_in_dim3A, %add3A_158] : memref<240x128xf32, #tpu.memory_space<vmem>>[vector<16xi32>, vector<16xi32>], vector<16xf32>,
        %sub3A_387 = arith.subf %gather3A_385, %gather3A_386 : vector<16xf32>
        %abs3A_388 = math.absf %sub3A_387 : vector<16xf32>
        %mul3A_389 = vector.broadcast %squeeze3A : f32 to vector<16xf32>
        %mul3A_390 = arith.mulf %abs3A_388, %mul3A_389 : vector<16xf32>
        %bitcast3A_391 = vector.bitcast %mul3A_390 : vector<16xf32> to vector<16xi32>
        %add3A_392 = arith.constant 32768 : i32
        %add3A_393 = vector.broadcast %add3A_392 : i32 to vector<16xi32>
        %add3A_394 = arith.addi %bitcast3A_391, %add3A_393 : vector<16xi32>
        %and3A_395 = arith.constant -65536 : i32
        %and3A_396 = vector.broadcast %and3A_395 : i32 to vector<16xi32>
        %and3A_397 = arith.andi %add3A_394, %and3A_396 : vector<16xi32>
        %bitcast3A_398 = vector.bitcast %and3A_397 : vector<16xi32> to vector<16xf32>
        %mul3A_399 = arith.mulf %bitcast3A_398, %bitcast3A_134 : vector<16xf32>
        %add3A_400 = arith.addf %add3A_384, %mul3A_399 : vector<16xf32>
        %swap3A = arith.constant 0 : index
        %swap3A_401 = tpu.vector_load %arg17[%swap3A] {strides = array<i32>} : memref<272xf32, #tpu.memory_space<vmem>>, vector<16xf32>,
        tpu.vector_store %arg17[%swap3A], %add3A_400 {strides = array<i32>} : memref<272xf32, #tpu.memory_space<vmem>>, vector<16xf32>,
        %add3A_402 = arith.constant 1 : i32
        %add3A_403 = arith.addi %add3A_257, %add3A_402 : i32
        %broadcast_in_dim3A_404 = vector.broadcast %add3A_403 : i32 to vector<16xi32>
        %slice3A_405 = vector.extract_strided_slice %abs3A {offsets = [1], sizes = [1], strides = [1]} : vector<16xf32> to vector<1xf32>
        %squeeze3A_406 = vector.extract %slice3A_405[0] : f32 from vector<1xf32>
        %broadcast_in_dim3A_407 = arith.constant 0.000000e+00 : f32
        %broadcast_in_dim3A_408 = vector.broadcast %broadcast_in_dim3A_407 : f32 to vector<16xf32>
        %gather3A_409 = tpu.vector_load_idx %arg12[%broadcast_in_dim3A_404, %add3A_137] : memref<240x128xf32, #tpu.memory_space<vmem>>[vector<16xi32>, vector<16xi32>], vector<16xf32>,
        %gather3A_410 = tpu.vector_load_idx %arg13[%broadcast_in_dim3A_404, %add3A_137] : memref<240x128xf32, #tpu.memory_space<vmem>>[vector<16xi32>, vector<16xi32>], vector<16xf32>,
        %sub3A_411 = arith.subf %gather3A_409, %gather3A_410 : vector<16xf32>
        %abs3A_412 = math.absf %sub3A_411 : vector<16xf32>
        %mul3A_413 = vector.broadcast %squeeze3A_406 : f32 to vector<16xf32>
        %mul3A_414 = arith.mulf %abs3A_412, %mul3A_413 : vector<16xf32>
        %bitcast3A_415 = vector.bitcast %mul3A_414 : vector<16xf32> to vector<16xi32>
        %add3A_416 = arith.constant 32768 : i32
        %add3A_417 = vector.broadcast %add3A_416 : i32 to vector<16xi32>
        %add3A_418 = arith.addi %bitcast3A_415, %add3A_417 : vector<16xi32>
        %and3A_419 = arith.constant -65536 : i32
        %and3A_420 = vector.broadcast %and3A_419 : i32 to vector<16xi32>
        %and3A_421 = arith.andi %add3A_418, %and3A_420 : vector<16xi32>
        %bitcast3A_422 = vector.bitcast %and3A_421 : vector<16xi32> to vector<16xf32>
        %mul3A_423 = arith.mulf %bitcast3A_422, %bitcast3A_15 : vector<16xf32>
        %add3A_424 = arith.addf %broadcast_in_dim3A_408, %mul3A_423 : vector<16xf32>
        %gather3A_425 = tpu.vector_load_idx %arg12[%broadcast_in_dim3A_404, %add3A_140] : memref<240x128xf32, #tpu.memory_space<vmem>>[vector<16xi32>, vector<16xi32>], vector<16xf32>,
        %gather3A_426 = tpu.vector_load_idx %arg13[%broadcast_in_dim3A_404, %add3A_140] : memref<240x128xf32, #tpu.memory_space<vmem>>[vector<16xi32>, vector<16xi32>], vector<16xf32>,
        %sub3A_427 = arith.subf %gather3A_425, %gather3A_426 : vector<16xf32>
        %abs3A_428 = math.absf %sub3A_427 : vector<16xf32>
        %mul3A_429 = vector.broadcast %squeeze3A_406 : f32 to vector<16xf32>
        %mul3A_430 = arith.mulf %abs3A_428, %mul3A_429 : vector<16xf32>
        %bitcast3A_431 = vector.bitcast %mul3A_430 : vector<16xf32> to vector<16xi32>
        %add3A_432 = arith.constant 32768 : i32
        %add3A_433 = vector.broadcast %add3A_432 : i32 to vector<16xi32>
        %add3A_434 = arith.addi %bitcast3A_431, %add3A_433 : vector<16xi32>
        %and3A_435 = arith.constant -65536 : i32
        %and3A_436 = vector.broadcast %and3A_435 : i32 to vector<16xi32>
        %and3A_437 = arith.andi %add3A_434, %and3A_436 : vector<16xi32>
        %bitcast3A_438 = vector.bitcast %and3A_437 : vector<16xi32> to vector<16xf32>
        %mul3A_439 = arith.mulf %bitcast3A_438, %bitcast3A_32 : vector<16xf32>
        %add3A_440 = arith.addf %add3A_424, %mul3A_439 : vector<16xf32>
        %gather3A_441 = tpu.vector_load_idx %arg12[%broadcast_in_dim3A_404, %add3A_143] : memref<240x128xf32, #tpu.memory_space<vmem>>[vector<16xi32>, vector<16xi32>], vector<16xf32>,
        %gather3A_442 = tpu.vector_load_idx %arg13[%broadcast_in_dim3A_404, %add3A_143] : memref<240x128xf32, #tpu.memory_space<vmem>>[vector<16xi32>, vector<16xi32>], vector<16xf32>,
        %sub3A_443 = arith.subf %gather3A_441, %gather3A_442 : vector<16xf32>
        %abs3A_444 = math.absf %sub3A_443 : vector<16xf32>
        %mul3A_445 = vector.broadcast %squeeze3A_406 : f32 to vector<16xf32>
        %mul3A_446 = arith.mulf %abs3A_444, %mul3A_445 : vector<16xf32>
        %bitcast3A_447 = vector.bitcast %mul3A_446 : vector<16xf32> to vector<16xi32>
        %add3A_448 = arith.constant 32768 : i32
        %add3A_449 = vector.broadcast %add3A_448 : i32 to vector<16xi32>
        %add3A_450 = arith.addi %bitcast3A_447, %add3A_449 : vector<16xi32>
        %and3A_451 = arith.constant -65536 : i32
        %and3A_452 = vector.broadcast %and3A_451 : i32 to vector<16xi32>
        %and3A_453 = arith.andi %add3A_450, %and3A_452 : vector<16xi32>
        %bitcast3A_454 = vector.bitcast %and3A_453 : vector<16xi32> to vector<16xf32>
        %mul3A_455 = arith.mulf %bitcast3A_454, %bitcast3A_49 : vector<16xf32>
        %add3A_456 = arith.addf %add3A_440, %mul3A_455 : vector<16xf32>
        %gather3A_457 = tpu.vector_load_idx %arg12[%broadcast_in_dim3A_404, %add3A_146] : memref<240x128xf32, #tpu.memory_space<vmem>>[vector<16xi32>, vector<16xi32>], vector<16xf32>,
        %gather3A_458 = tpu.vector_load_idx %arg13[%broadcast_in_dim3A_404, %add3A_146] : memref<240x128xf32, #tpu.memory_space<vmem>>[vector<16xi32>, vector<16xi32>], vector<16xf32>,
        %sub3A_459 = arith.subf %gather3A_457, %gather3A_458 : vector<16xf32>
        %abs3A_460 = math.absf %sub3A_459 : vector<16xf32>
        %mul3A_461 = vector.broadcast %squeeze3A_406 : f32 to vector<16xf32>
        %mul3A_462 = arith.mulf %abs3A_460, %mul3A_461 : vector<16xf32>
        %bitcast3A_463 = vector.bitcast %mul3A_462 : vector<16xf32> to vector<16xi32>
        %add3A_464 = arith.constant 32768 : i32
        %add3A_465 = vector.broadcast %add3A_464 : i32 to vector<16xi32>
        %add3A_466 = arith.addi %bitcast3A_463, %add3A_465 : vector<16xi32>
        %and3A_467 = arith.constant -65536 : i32
        %and3A_468 = vector.broadcast %and3A_467 : i32 to vector<16xi32>
        %and3A_469 = arith.andi %add3A_466, %and3A_468 : vector<16xi32>
        %bitcast3A_470 = vector.bitcast %and3A_469 : vector<16xi32> to vector<16xf32>
        %mul3A_471 = arith.mulf %bitcast3A_470, %bitcast3A_66 : vector<16xf32>
        %add3A_472 = arith.addf %add3A_456, %mul3A_471 : vector<16xf32>
        %gather3A_473 = tpu.vector_load_idx %arg12[%broadcast_in_dim3A_404, %add3A_149] : memref<240x128xf32, #tpu.memory_space<vmem>>[vector<16xi32>, vector<16xi32>], vector<16xf32>,
        %gather3A_474 = tpu.vector_load_idx %arg13[%broadcast_in_dim3A_404, %add3A_149] : memref<240x128xf32, #tpu.memory_space<vmem>>[vector<16xi32>, vector<16xi32>], vector<16xf32>,
        %sub3A_475 = arith.subf %gather3A_473, %gather3A_474 : vector<16xf32>
        %abs3A_476 = math.absf %sub3A_475 : vector<16xf32>
        %mul3A_477 = vector.broadcast %squeeze3A_406 : f32 to vector<16xf32>
        %mul3A_478 = arith.mulf %abs3A_476, %mul3A_477 : vector<16xf32>
        %bitcast3A_479 = vector.bitcast %mul3A_478 : vector<16xf32> to vector<16xi32>
        %add3A_480 = arith.constant 32768 : i32
        %add3A_481 = vector.broadcast %add3A_480 : i32 to vector<16xi32>
        %add3A_482 = arith.addi %bitcast3A_479, %add3A_481 : vector<16xi32>
        %and3A_483 = arith.constant -65536 : i32
        %and3A_484 = vector.broadcast %and3A_483 : i32 to vector<16xi32>
        %and3A_485 = arith.andi %add3A_482, %and3A_484 : vector<16xi32>
        %bitcast3A_486 = vector.bitcast %and3A_485 : vector<16xi32> to vector<16xf32>
        %mul3A_487 = arith.mulf %bitcast3A_486, %bitcast3A_83 : vector<16xf32>
        %add3A_488 = arith.addf %add3A_472, %mul3A_487 : vector<16xf32>
        %gather3A_489 = tpu.vector_load_idx %arg12[%broadcast_in_dim3A_404, %add3A_152] : memref<240x128xf32, #tpu.memory_space<vmem>>[vector<16xi32>, vector<16xi32>], vector<16xf32>,
        %gather3A_490 = tpu.vector_load_idx %arg13[%broadcast_in_dim3A_404, %add3A_152] : memref<240x128xf32, #tpu.memory_space<vmem>>[vector<16xi32>, vector<16xi32>], vector<16xf32>,
        %sub3A_491 = arith.subf %gather3A_489, %gather3A_490 : vector<16xf32>
        %abs3A_492 = math.absf %sub3A_491 : vector<16xf32>
        %mul3A_493 = vector.broadcast %squeeze3A_406 : f32 to vector<16xf32>
        %mul3A_494 = arith.mulf %abs3A_492, %mul3A_493 : vector<16xf32>
        %bitcast3A_495 = vector.bitcast %mul3A_494 : vector<16xf32> to vector<16xi32>
        %add3A_496 = arith.constant 32768 : i32
        %add3A_497 = vector.broadcast %add3A_496 : i32 to vector<16xi32>
        %add3A_498 = arith.addi %bitcast3A_495, %add3A_497 : vector<16xi32>
        %and3A_499 = arith.constant -65536 : i32
        %and3A_500 = vector.broadcast %and3A_499 : i32 to vector<16xi32>
        %and3A_501 = arith.andi %add3A_498, %and3A_500 : vector<16xi32>
        %bitcast3A_502 = vector.bitcast %and3A_501 : vector<16xi32> to vector<16xf32>
        %mul3A_503 = arith.mulf %bitcast3A_502, %bitcast3A_100 : vector<16xf32>
        %add3A_504 = arith.addf %add3A_488, %mul3A_503 : vector<16xf32>
        %gather3A_505 = tpu.vector_load_idx %arg12[%broadcast_in_dim3A_404, %add3A_155] : memref<240x128xf32, #tpu.memory_space<vmem>>[vector<16xi32>, vector<16xi32>], vector<16xf32>,
        %gather3A_506 = tpu.vector_load_idx %arg13[%broadcast_in_dim3A_404, %add3A_155] : memref<240x128xf32, #tpu.memory_space<vmem>>[vector<16xi32>, vector<16xi32>], vector<16xf32>,
        %sub3A_507 = arith.subf %gather3A_505, %gather3A_506 : vector<16xf32>
        %abs3A_508 = math.absf %sub3A_507 : vector<16xf32>
        %mul3A_509 = vector.broadcast %squeeze3A_406 : f32 to vector<16xf32>
        %mul3A_510 = arith.mulf %abs3A_508, %mul3A_509 : vector<16xf32>
        %bitcast3A_511 = vector.bitcast %mul3A_510 : vector<16xf32> to vector<16xi32>
        %add3A_512 = arith.constant 32768 : i32
        %add3A_513 = vector.broadcast %add3A_512 : i32 to vector<16xi32>
        %add3A_514 = arith.addi %bitcast3A_511, %add3A_513 : vector<16xi32>
        %and3A_515 = arith.constant -65536 : i32
        %and3A_516 = vector.broadcast %and3A_515 : i32 to vector<16xi32>
        %and3A_517 = arith.andi %add3A_514, %and3A_516 : vector<16xi32>
        %bitcast3A_518 = vector.bitcast %and3A_517 : vector<16xi32> to vector<16xf32>
        %mul3A_519 = arith.mulf %bitcast3A_518, %bitcast3A_117 : vector<16xf32>
        %add3A_520 = arith.addf %add3A_504, %mul3A_519 : vector<16xf32>
        %gather3A_521 = tpu.vector_load_idx %arg12[%broadcast_in_dim3A_404, %add3A_158] : memref<240x128xf32, #tpu.memory_space<vmem>>[vector<16xi32>, vector<16xi32>], vector<16xf32>,
        %gather3A_522 = tpu.vector_load_idx %arg13[%broadcast_in_dim3A_404, %add3A_158] : memref<240x128xf32, #tpu.memory_space<vmem>>[vector<16xi32>, vector<16xi32>], vector<16xf32>,
        %sub3A_523 = arith.subf %gather3A_521, %gather3A_522 : vector<16xf32>
        %abs3A_524 = math.absf %sub3A_523 : vector<16xf32>
        %mul3A_525 = vector.broadcast %squeeze3A_406 : f32 to vector<16xf32>
        %mul3A_526 = arith.mulf %abs3A_524, %mul3A_525 : vector<16xf32>
        %bitcast3A_527 = vector.bitcast %mul3A_526 : vector<16xf32> to vector<16xi32>
        %add3A_528 = arith.constant 32768 : i32
        %add3A_529 = vector.broadcast %add3A_528 : i32 to vector<16xi32>
        %add3A_530 = arith.addi %bitcast3A_527, %add3A_529 : vector<16xi32>
        %and3A_531 = arith.constant -65536 : i32
        %and3A_532 = vector.broadcast %and3A_531 : i32 to vector<16xi32>
        %and3A_533 = arith.andi %add3A_530, %and3A_532 : vector<16xi32>
        %bitcast3A_534 = vector.bitcast %and3A_533 : vector<16xi32> to vector<16xf32>
        %mul3A_535 = arith.mulf %bitcast3A_534, %bitcast3A_134 : vector<16xf32>
        %add3A_536 = arith.addf %add3A_520, %mul3A_535 : vector<16xf32>
        %swap3A_537 = arith.constant 17 : index
        %swap3A_538 = tpu.vector_load %arg17[%swap3A_537] {strides = array<i32>} : memref<272xf32, #tpu.memory_space<vmem>>, vector<16xf32>,
        tpu.vector_store %arg17[%swap3A_537], %add3A_536 {strides = array<i32>} : memref<272xf32, #tpu.memory_space<vmem>>, vector<16xf32>,
        %add3A_539 = arith.constant 2 : i32
        %add3A_540 = arith.addi %add3A_257, %add3A_539 : i32
        %broadcast_in_dim3A_541 = vector.broadcast %add3A_540 : i32 to vector<16xi32>
        %slice3A_542 = vector.extract_strided_slice %abs3A {offsets = [2], sizes = [1], strides = [1]} : vector<16xf32> to vector<1xf32>
        %squeeze3A_543 = vector.extract %slice3A_542[0] : f32 from vector<1xf32>
        %broadcast_in_dim3A_544 = arith.constant 0.000000e+00 : f32
        %broadcast_in_dim3A_545 = vector.broadcast %broadcast_in_dim3A_544 : f32 to vector<16xf32>
        %gather3A_546 = tpu.vector_load_idx %arg12[%broadcast_in_dim3A_541, %add3A_137] : memref<240x128xf32, #tpu.memory_space<vmem>>[vector<16xi32>, vector<16xi32>], vector<16xf32>,
        %gather3A_547 = tpu.vector_load_idx %arg13[%broadcast_in_dim3A_541, %add3A_137] : memref<240x128xf32, #tpu.memory_space<vmem>>[vector<16xi32>, vector<16xi32>], vector<16xf32>,
        %sub3A_548 = arith.subf %gather3A_546, %gather3A_547 : vector<16xf32>
        %abs3A_549 = math.absf %sub3A_548 : vector<16xf32>
        %mul3A_550 = vector.broadcast %squeeze3A_543 : f32 to vector<16xf32>
        %mul3A_551 = arith.mulf %abs3A_549, %mul3A_550 : vector<16xf32>
        %bitcast3A_552 = vector.bitcast %mul3A_551 : vector<16xf32> to vector<16xi32>
        %add3A_553 = arith.constant 32768 : i32
        %add3A_554 = vector.broadcast %add3A_553 : i32 to vector<16xi32>
        %add3A_555 = arith.addi %bitcast3A_552, %add3A_554 : vector<16xi32>
        %and3A_556 = arith.constant -65536 : i32
        %and3A_557 = vector.broadcast %and3A_556 : i32 to vector<16xi32>
        %and3A_558 = arith.andi %add3A_555, %and3A_557 : vector<16xi32>
        %bitcast3A_559 = vector.bitcast %and3A_558 : vector<16xi32> to vector<16xf32>
        %mul3A_560 = arith.mulf %bitcast3A_559, %bitcast3A_15 : vector<16xf32>
        %add3A_561 = arith.addf %broadcast_in_dim3A_545, %mul3A_560 : vector<16xf32>
        %gather3A_562 = tpu.vector_load_idx %arg12[%broadcast_in_dim3A_541, %add3A_140] : memref<240x128xf32, #tpu.memory_space<vmem>>[vector<16xi32>, vector<16xi32>], vector<16xf32>,
        %gather3A_563 = tpu.vector_load_idx %arg13[%broadcast_in_dim3A_541, %add3A_140] : memref<240x128xf32, #tpu.memory_space<vmem>>[vector<16xi32>, vector<16xi32>], vector<16xf32>,
        %sub3A_564 = arith.subf %gather3A_562, %gather3A_563 : vector<16xf32>
        %abs3A_565 = math.absf %sub3A_564 : vector<16xf32>
        %mul3A_566 = vector.broadcast %squeeze3A_543 : f32 to vector<16xf32>
        %mul3A_567 = arith.mulf %abs3A_565, %mul3A_566 : vector<16xf32>
        %bitcast3A_568 = vector.bitcast %mul3A_567 : vector<16xf32> to vector<16xi32>
        %add3A_569 = arith.constant 32768 : i32
        %add3A_570 = vector.broadcast %add3A_569 : i32 to vector<16xi32>
        %add3A_571 = arith.addi %bitcast3A_568, %add3A_570 : vector<16xi32>
        %and3A_572 = arith.constant -65536 : i32
        %and3A_573 = vector.broadcast %and3A_572 : i32 to vector<16xi32>
        %and3A_574 = arith.andi %add3A_571, %and3A_573 : vector<16xi32>
        %bitcast3A_575 = vector.bitcast %and3A_574 : vector<16xi32> to vector<16xf32>
        %mul3A_576 = arith.mulf %bitcast3A_575, %bitcast3A_32 : vector<16xf32>
        %add3A_577 = arith.addf %add3A_561, %mul3A_576 : vector<16xf32>
        %gather3A_578 = tpu.vector_load_idx %arg12[%broadcast_in_dim3A_541, %add3A_143] : memref<240x128xf32, #tpu.memory_space<vmem>>[vector<16xi32>, vector<16xi32>], vector<16xf32>,
        %gather3A_579 = tpu.vector_load_idx %arg13[%broadcast_in_dim3A_541, %add3A_143] : memref<240x128xf32, #tpu.memory_space<vmem>>[vector<16xi32>, vector<16xi32>], vector<16xf32>,
        %sub3A_580 = arith.subf %gather3A_578, %gather3A_579 : vector<16xf32>
        %abs3A_581 = math.absf %sub3A_580 : vector<16xf32>
        %mul3A_582 = vector.broadcast %squeeze3A_543 : f32 to vector<16xf32>
        %mul3A_583 = arith.mulf %abs3A_581, %mul3A_582 : vector<16xf32>
        %bitcast3A_584 = vector.bitcast %mul3A_583 : vector<16xf32> to vector<16xi32>
        %add3A_585 = arith.constant 32768 : i32
        %add3A_586 = vector.broadcast %add3A_585 : i32 to vector<16xi32>
        %add3A_587 = arith.addi %bitcast3A_584, %add3A_586 : vector<16xi32>
        %and3A_588 = arith.constant -65536 : i32
        %and3A_589 = vector.broadcast %and3A_588 : i32 to vector<16xi32>
        %and3A_590 = arith.andi %add3A_587, %and3A_589 : vector<16xi32>
        %bitcast3A_591 = vector.bitcast %and3A_590 : vector<16xi32> to vector<16xf32>
        %mul3A_592 = arith.mulf %bitcast3A_591, %bitcast3A_49 : vector<16xf32>
        %add3A_593 = arith.addf %add3A_577, %mul3A_592 : vector<16xf32>
        %gather3A_594 = tpu.vector_load_idx %arg12[%broadcast_in_dim3A_541, %add3A_146] : memref<240x128xf32, #tpu.memory_space<vmem>>[vector<16xi32>, vector<16xi32>], vector<16xf32>,
        %gather3A_595 = tpu.vector_load_idx %arg13[%broadcast_in_dim3A_541, %add3A_146] : memref<240x128xf32, #tpu.memory_space<vmem>>[vector<16xi32>, vector<16xi32>], vector<16xf32>,
        %sub3A_596 = arith.subf %gather3A_594, %gather3A_595 : vector<16xf32>
        %abs3A_597 = math.absf %sub3A_596 : vector<16xf32>
        %mul3A_598 = vector.broadcast %squeeze3A_543 : f32 to vector<16xf32>
        %mul3A_599 = arith.mulf %abs3A_597, %mul3A_598 : vector<16xf32>
        %bitcast3A_600 = vector.bitcast %mul3A_599 : vector<16xf32> to vector<16xi32>
        %add3A_601 = arith.constant 32768 : i32
        %add3A_602 = vector.broadcast %add3A_601 : i32 to vector<16xi32>
        %add3A_603 = arith.addi %bitcast3A_600, %add3A_602 : vector<16xi32>
        %and3A_604 = arith.constant -65536 : i32
        %and3A_605 = vector.broadcast %and3A_604 : i32 to vector<16xi32>
        %and3A_606 = arith.andi %add3A_603, %and3A_605 : vector<16xi32>
        %bitcast3A_607 = vector.bitcast %and3A_606 : vector<16xi32> to vector<16xf32>
        %mul3A_608 = arith.mulf %bitcast3A_607, %bitcast3A_66 : vector<16xf32>
        %add3A_609 = arith.addf %add3A_593, %mul3A_608 : vector<16xf32>
        %gather3A_610 = tpu.vector_load_idx %arg12[%broadcast_in_dim3A_541, %add3A_149] : memref<240x128xf32, #tpu.memory_space<vmem>>[vector<16xi32>, vector<16xi32>], vector<16xf32>,
        %gather3A_611 = tpu.vector_load_idx %arg13[%broadcast_in_dim3A_541, %add3A_149] : memref<240x128xf32, #tpu.memory_space<vmem>>[vector<16xi32>, vector<16xi32>], vector<16xf32>,
        %sub3A_612 = arith.subf %gather3A_610, %gather3A_611 : vector<16xf32>
        %abs3A_613 = math.absf %sub3A_612 : vector<16xf32>
        %mul3A_614 = vector.broadcast %squeeze3A_543 : f32 to vector<16xf32>
        %mul3A_615 = arith.mulf %abs3A_613, %mul3A_614 : vector<16xf32>
        %bitcast3A_616 = vector.bitcast %mul3A_615 : vector<16xf32> to vector<16xi32>
        %add3A_617 = arith.constant 32768 : i32
        %add3A_618 = vector.broadcast %add3A_617 : i32 to vector<16xi32>
        %add3A_619 = arith.addi %bitcast3A_616, %add3A_618 : vector<16xi32>
        %and3A_620 = arith.constant -65536 : i32
        %and3A_621 = vector.broadcast %and3A_620 : i32 to vector<16xi32>
        %and3A_622 = arith.andi %add3A_619, %and3A_621 : vector<16xi32>
        %bitcast3A_623 = vector.bitcast %and3A_622 : vector<16xi32> to vector<16xf32>
        %mul3A_624 = arith.mulf %bitcast3A_623, %bitcast3A_83 : vector<16xf32>
        %add3A_625 = arith.addf %add3A_609, %mul3A_624 : vector<16xf32>
        %gather3A_626 = tpu.vector_load_idx %arg12[%broadcast_in_dim3A_541, %add3A_152] : memref<240x128xf32, #tpu.memory_space<vmem>>[vector<16xi32>, vector<16xi32>], vector<16xf32>,
        %gather3A_627 = tpu.vector_load_idx %arg13[%broadcast_in_dim3A_541, %add3A_152] : memref<240x128xf32, #tpu.memory_space<vmem>>[vector<16xi32>, vector<16xi32>], vector<16xf32>,
        %sub3A_628 = arith.subf %gather3A_626, %gather3A_627 : vector<16xf32>
        %abs3A_629 = math.absf %sub3A_628 : vector<16xf32>
        %mul3A_630 = vector.broadcast %squeeze3A_543 : f32 to vector<16xf32>
        %mul3A_631 = arith.mulf %abs3A_629, %mul3A_630 : vector<16xf32>
        %bitcast3A_632 = vector.bitcast %mul3A_631 : vector<16xf32> to vector<16xi32>
        %add3A_633 = arith.constant 32768 : i32
        %add3A_634 = vector.broadcast %add3A_633 : i32 to vector<16xi32>
        %add3A_635 = arith.addi %bitcast3A_632, %add3A_634 : vector<16xi32>
        %and3A_636 = arith.constant -65536 : i32
        %and3A_637 = vector.broadcast %and3A_636 : i32 to vector<16xi32>
        %and3A_638 = arith.andi %add3A_635, %and3A_637 : vector<16xi32>
        %bitcast3A_639 = vector.bitcast %and3A_638 : vector<16xi32> to vector<16xf32>
        %mul3A_640 = arith.mulf %bitcast3A_639, %bitcast3A_100 : vector<16xf32>
        %add3A_641 = arith.addf %add3A_625, %mul3A_640 : vector<16xf32>
        %gather3A_642 = tpu.vector_load_idx %arg12[%broadcast_in_dim3A_541, %add3A_155] : memref<240x128xf32, #tpu.memory_space<vmem>>[vector<16xi32>, vector<16xi32>], vector<16xf32>,
        %gather3A_643 = tpu.vector_load_idx %arg13[%broadcast_in_dim3A_541, %add3A_155] : memref<240x128xf32, #tpu.memory_space<vmem>>[vector<16xi32>, vector<16xi32>], vector<16xf32>,
        %sub3A_644 = arith.subf %gather3A_642, %gather3A_643 : vector<16xf32>
        %abs3A_645 = math.absf %sub3A_644 : vector<16xf32>
        %mul3A_646 = vector.broadcast %squeeze3A_543 : f32 to vector<16xf32>
        %mul3A_647 = arith.mulf %abs3A_645, %mul3A_646 : vector<16xf32>
        %bitcast3A_648 = vector.bitcast %mul3A_647 : vector<16xf32> to vector<16xi32>
        %add3A_649 = arith.constant 32768 : i32
        %add3A_650 = vector.broadcast %add3A_649 : i32 to vector<16xi32>
        %add3A_651 = arith.addi %bitcast3A_648, %add3A_650 : vector<16xi32>
        %and3A_652 = arith.constant -65536 : i32
        %and3A_653 = vector.broadcast %and3A_652 : i32 to vector<16xi32>
        %and3A_654 = arith.andi %add3A_651, %and3A_653 : vector<16xi32>
        %bitcast3A_655 = vector.bitcast %and3A_654 : vector<16xi32> to vector<16xf32>
        %mul3A_656 = arith.mulf %bitcast3A_655, %bitcast3A_117 : vector<16xf32>
        %add3A_657 = arith.addf %add3A_641, %mul3A_656 : vector<16xf32>
        %gather3A_658 = tpu.vector_load_idx %arg12[%broadcast_in_dim3A_541, %add3A_158] : memref<240x128xf32, #tpu.memory_space<vmem>>[vector<16xi32>, vector<16xi32>], vector<16xf32>,
        %gather3A_659 = tpu.vector_load_idx %arg13[%broadcast_in_dim3A_541, %add3A_158] : memref<240x128xf32, #tpu.memory_space<vmem>>[vector<16xi32>, vector<16xi32>], vector<16xf32>,
        %sub3A_660 = arith.subf %gather3A_658, %gather3A_659 : vector<16xf32>
        %abs3A_661 = math.absf %sub3A_660 : vector<16xf32>
        %mul3A_662 = vector.broadcast %squeeze3A_543 : f32 to vector<16xf32>
        %mul3A_663 = arith.mulf %abs3A_661, %mul3A_662 : vector<16xf32>
        %bitcast3A_664 = vector.bitcast %mul3A_663 : vector<16xf32> to vector<16xi32>
        %add3A_665 = arith.constant 32768 : i32
        %add3A_666 = vector.broadcast %add3A_665 : i32 to vector<16xi32>
        %add3A_667 = arith.addi %bitcast3A_664, %add3A_666 : vector<16xi32>
        %and3A_668 = arith.constant -65536 : i32
        %and3A_669 = vector.broadcast %and3A_668 : i32 to vector<16xi32>
        %and3A_670 = arith.andi %add3A_667, %and3A_669 : vector<16xi32>
        %bitcast3A_671 = vector.bitcast %and3A_670 : vector<16xi32> to vector<16xf32>
        %mul3A_672 = arith.mulf %bitcast3A_671, %bitcast3A_134 : vector<16xf32>
        %add3A_673 = arith.addf %add3A_657, %mul3A_672 : vector<16xf32>
        %swap3A_674 = arith.constant 34 : index
        %swap3A_675 = tpu.vector_load %arg17[%swap3A_674] {strides = array<i32>} : memref<272xf32, #tpu.memory_space<vmem>>, vector<16xf32>,
        tpu.vector_store %arg17[%swap3A_674], %add3A_673 {strides = array<i32>} : memref<272xf32, #tpu.memory_space<vmem>>, vector<16xf32>,
        %add3A_676 = arith.constant 3 : i32
        %add3A_677 = arith.addi %add3A_257, %add3A_676 : i32
        %broadcast_in_dim3A_678 = vector.broadcast %add3A_677 : i32 to vector<16xi32>
        %slice3A_679 = vector.extract_strided_slice %abs3A {offsets = [3], sizes = [1], strides = [1]} : vector<16xf32> to vector<1xf32>
        %squeeze3A_680 = vector.extract %slice3A_679[0] : f32 from vector<1xf32>
        %broadcast_in_dim3A_681 = arith.constant 0.000000e+00 : f32
        %broadcast_in_dim3A_682 = vector.broadcast %broadcast_in_dim3A_681 : f32 to vector<16xf32>
        %gather3A_683 = tpu.vector_load_idx %arg12[%broadcast_in_dim3A_678, %add3A_137] : memref<240x128xf32, #tpu.memory_space<vmem>>[vector<16xi32>, vector<16xi32>], vector<16xf32>,
        %gather3A_684 = tpu.vector_load_idx %arg13[%broadcast_in_dim3A_678, %add3A_137] : memref<240x128xf32, #tpu.memory_space<vmem>>[vector<16xi32>, vector<16xi32>], vector<16xf32>,
        %sub3A_685 = arith.subf %gather3A_683, %gather3A_684 : vector<16xf32>
        %abs3A_686 = math.absf %sub3A_685 : vector<16xf32>
        %mul3A_687 = vector.broadcast %squeeze3A_680 : f32 to vector<16xf32>
        %mul3A_688 = arith.mulf %abs3A_686, %mul3A_687 : vector<16xf32>
        %bitcast3A_689 = vector.bitcast %mul3A_688 : vector<16xf32> to vector<16xi32>
        %add3A_690 = arith.constant 32768 : i32
        %add3A_691 = vector.broadcast %add3A_690 : i32 to vector<16xi32>
        %add3A_692 = arith.addi %bitcast3A_689, %add3A_691 : vector<16xi32>
        %and3A_693 = arith.constant -65536 : i32
        %and3A_694 = vector.broadcast %and3A_693 : i32 to vector<16xi32>
        %and3A_695 = arith.andi %add3A_692, %and3A_694 : vector<16xi32>
        %bitcast3A_696 = vector.bitcast %and3A_695 : vector<16xi32> to vector<16xf32>
        %mul3A_697 = arith.mulf %bitcast3A_696, %bitcast3A_15 : vector<16xf32>
        %add3A_698 = arith.addf %broadcast_in_dim3A_682, %mul3A_697 : vector<16xf32>
        %gather3A_699 = tpu.vector_load_idx %arg12[%broadcast_in_dim3A_678, %add3A_140] : memref<240x128xf32, #tpu.memory_space<vmem>>[vector<16xi32>, vector<16xi32>], vector<16xf32>,
        %gather3A_700 = tpu.vector_load_idx %arg13[%broadcast_in_dim3A_678, %add3A_140] : memref<240x128xf32, #tpu.memory_space<vmem>>[vector<16xi32>, vector<16xi32>], vector<16xf32>,
        %sub3A_701 = arith.subf %gather3A_699, %gather3A_700 : vector<16xf32>
        %abs3A_702 = math.absf %sub3A_701 : vector<16xf32>
        %mul3A_703 = vector.broadcast %squeeze3A_680 : f32 to vector<16xf32>
        %mul3A_704 = arith.mulf %abs3A_702, %mul3A_703 : vector<16xf32>
        %bitcast3A_705 = vector.bitcast %mul3A_704 : vector<16xf32> to vector<16xi32>
        %add3A_706 = arith.constant 32768 : i32
        %add3A_707 = vector.broadcast %add3A_706 : i32 to vector<16xi32>
        %add3A_708 = arith.addi %bitcast3A_705, %add3A_707 : vector<16xi32>
        %and3A_709 = arith.constant -65536 : i32
        %and3A_710 = vector.broadcast %and3A_709 : i32 to vector<16xi32>
        %and3A_711 = arith.andi %add3A_708, %and3A_710 : vector<16xi32>
        %bitcast3A_712 = vector.bitcast %and3A_711 : vector<16xi32> to vector<16xf32>
        %mul3A_713 = arith.mulf %bitcast3A_712, %bitcast3A_32 : vector<16xf32>
        %add3A_714 = arith.addf %add3A_698, %mul3A_713 : vector<16xf32>
        %gather3A_715 = tpu.vector_load_idx %arg12[%broadcast_in_dim3A_678, %add3A_143] : memref<240x128xf32, #tpu.memory_space<vmem>>[vector<16xi32>, vector<16xi32>], vector<16xf32>,
        %gather3A_716 = tpu.vector_load_idx %arg13[%broadcast_in_dim3A_678, %add3A_143] : memref<240x128xf32, #tpu.memory_space<vmem>>[vector<16xi32>, vector<16xi32>], vector<16xf32>,
        %sub3A_717 = arith.subf %gather3A_715, %gather3A_716 : vector<16xf32>
        %abs3A_718 = math.absf %sub3A_717 : vector<16xf32>
        %mul3A_719 = vector.broadcast %squeeze3A_680 : f32 to vector<16xf32>
        %mul3A_720 = arith.mulf %abs3A_718, %mul3A_719 : vector<16xf32>
        %bitcast3A_721 = vector.bitcast %mul3A_720 : vector<16xf32> to vector<16xi32>
        %add3A_722 = arith.constant 32768 : i32
        %add3A_723 = vector.broadcast %add3A_722 : i32 to vector<16xi32>
        %add3A_724 = arith.addi %bitcast3A_721, %add3A_723 : vector<16xi32>
        %and3A_725 = arith.constant -65536 : i32
        %and3A_726 = vector.broadcast %and3A_725 : i32 to vector<16xi32>
        %and3A_727 = arith.andi %add3A_724, %and3A_726 : vector<16xi32>
        %bitcast3A_728 = vector.bitcast %and3A_727 : vector<16xi32> to vector<16xf32>
        %mul3A_729 = arith.mulf %bitcast3A_728, %bitcast3A_49 : vector<16xf32>
        %add3A_730 = arith.addf %add3A_714, %mul3A_729 : vector<16xf32>
        %gather3A_731 = tpu.vector_load_idx %arg12[%broadcast_in_dim3A_678, %add3A_146] : memref<240x128xf32, #tpu.memory_space<vmem>>[vector<16xi32>, vector<16xi32>], vector<16xf32>,
        %gather3A_732 = tpu.vector_load_idx %arg13[%broadcast_in_dim3A_678, %add3A_146] : memref<240x128xf32, #tpu.memory_space<vmem>>[vector<16xi32>, vector<16xi32>], vector<16xf32>,
        %sub3A_733 = arith.subf %gather3A_731, %gather3A_732 : vector<16xf32>
        %abs3A_734 = math.absf %sub3A_733 : vector<16xf32>
        %mul3A_735 = vector.broadcast %squeeze3A_680 : f32 to vector<16xf32>
        %mul3A_736 = arith.mulf %abs3A_734, %mul3A_735 : vector<16xf32>
        %bitcast3A_737 = vector.bitcast %mul3A_736 : vector<16xf32> to vector<16xi32>
        %add3A_738 = arith.constant 32768 : i32
        %add3A_739 = vector.broadcast %add3A_738 : i32 to vector<16xi32>
        %add3A_740 = arith.addi %bitcast3A_737, %add3A_739 : vector<16xi32>
        %and3A_741 = arith.constant -65536 : i32
        %and3A_742 = vector.broadcast %and3A_741 : i32 to vector<16xi32>
        %and3A_743 = arith.andi %add3A_740, %and3A_742 : vector<16xi32>
        %bitcast3A_744 = vector.bitcast %and3A_743 : vector<16xi32> to vector<16xf32>
        %mul3A_745 = arith.mulf %bitcast3A_744, %bitcast3A_66 : vector<16xf32>
        %add3A_746 = arith.addf %add3A_730, %mul3A_745 : vector<16xf32>
        %gather3A_747 = tpu.vector_load_idx %arg12[%broadcast_in_dim3A_678, %add3A_149] : memref<240x128xf32, #tpu.memory_space<vmem>>[vector<16xi32>, vector<16xi32>], vector<16xf32>,
        %gather3A_748 = tpu.vector_load_idx %arg13[%broadcast_in_dim3A_678, %add3A_149] : memref<240x128xf32, #tpu.memory_space<vmem>>[vector<16xi32>, vector<16xi32>], vector<16xf32>,
        %sub3A_749 = arith.subf %gather3A_747, %gather3A_748 : vector<16xf32>
        %abs3A_750 = math.absf %sub3A_749 : vector<16xf32>
        %mul3A_751 = vector.broadcast %squeeze3A_680 : f32 to vector<16xf32>
        %mul3A_752 = arith.mulf %abs3A_750, %mul3A_751 : vector<16xf32>
        %bitcast3A_753 = vector.bitcast %mul3A_752 : vector<16xf32> to vector<16xi32>
        %add3A_754 = arith.constant 32768 : i32
        %add3A_755 = vector.broadcast %add3A_754 : i32 to vector<16xi32>
        %add3A_756 = arith.addi %bitcast3A_753, %add3A_755 : vector<16xi32>
        %and3A_757 = arith.constant -65536 : i32
        %and3A_758 = vector.broadcast %and3A_757 : i32 to vector<16xi32>
        %and3A_759 = arith.andi %add3A_756, %and3A_758 : vector<16xi32>
        %bitcast3A_760 = vector.bitcast %and3A_759 : vector<16xi32> to vector<16xf32>
        %mul3A_761 = arith.mulf %bitcast3A_760, %bitcast3A_83 : vector<16xf32>
        %add3A_762 = arith.addf %add3A_746, %mul3A_761 : vector<16xf32>
        %gather3A_763 = tpu.vector_load_idx %arg12[%broadcast_in_dim3A_678, %add3A_152] : memref<240x128xf32, #tpu.memory_space<vmem>>[vector<16xi32>, vector<16xi32>], vector<16xf32>,
        %gather3A_764 = tpu.vector_load_idx %arg13[%broadcast_in_dim3A_678, %add3A_152] : memref<240x128xf32, #tpu.memory_space<vmem>>[vector<16xi32>, vector<16xi32>], vector<16xf32>,
        %sub3A_765 = arith.subf %gather3A_763, %gather3A_764 : vector<16xf32>
        %abs3A_766 = math.absf %sub3A_765 : vector<16xf32>
        %mul3A_767 = vector.broadcast %squeeze3A_680 : f32 to vector<16xf32>
        %mul3A_768 = arith.mulf %abs3A_766, %mul3A_767 : vector<16xf32>
        %bitcast3A_769 = vector.bitcast %mul3A_768 : vector<16xf32> to vector<16xi32>
        %add3A_770 = arith.constant 32768 : i32
        %add3A_771 = vector.broadcast %add3A_770 : i32 to vector<16xi32>
        %add3A_772 = arith.addi %bitcast3A_769, %add3A_771 : vector<16xi32>
        %and3A_773 = arith.constant -65536 : i32
        %and3A_774 = vector.broadcast %and3A_773 : i32 to vector<16xi32>
        %and3A_775 = arith.andi %add3A_772, %and3A_774 : vector<16xi32>
        %bitcast3A_776 = vector.bitcast %and3A_775 : vector<16xi32> to vector<16xf32>
        %mul3A_777 = arith.mulf %bitcast3A_776, %bitcast3A_100 : vector<16xf32>
        %add3A_778 = arith.addf %add3A_762, %mul3A_777 : vector<16xf32>
        %gather3A_779 = tpu.vector_load_idx %arg12[%broadcast_in_dim3A_678, %add3A_155] : memref<240x128xf32, #tpu.memory_space<vmem>>[vector<16xi32>, vector<16xi32>], vector<16xf32>,
        %gather3A_780 = tpu.vector_load_idx %arg13[%broadcast_in_dim3A_678, %add3A_155] : memref<240x128xf32, #tpu.memory_space<vmem>>[vector<16xi32>, vector<16xi32>], vector<16xf32>,
        %sub3A_781 = arith.subf %gather3A_779, %gather3A_780 : vector<16xf32>
        %abs3A_782 = math.absf %sub3A_781 : vector<16xf32>
        %mul3A_783 = vector.broadcast %squeeze3A_680 : f32 to vector<16xf32>
        %mul3A_784 = arith.mulf %abs3A_782, %mul3A_783 : vector<16xf32>
        %bitcast3A_785 = vector.bitcast %mul3A_784 : vector<16xf32> to vector<16xi32>
        %add3A_786 = arith.constant 32768 : i32
        %add3A_787 = vector.broadcast %add3A_786 : i32 to vector<16xi32>
        %add3A_788 = arith.addi %bitcast3A_785, %add3A_787 : vector<16xi32>
        %and3A_789 = arith.constant -65536 : i32
        %and3A_790 = vector.broadcast %and3A_789 : i32 to vector<16xi32>
        %and3A_791 = arith.andi %add3A_788, %and3A_790 : vector<16xi32>
        %bitcast3A_792 = vector.bitcast %and3A_791 : vector<16xi32> to vector<16xf32>
        %mul3A_793 = arith.mulf %bitcast3A_792, %bitcast3A_117 : vector<16xf32>
        %add3A_794 = arith.addf %add3A_778, %mul3A_793 : vector<16xf32>
        %gather3A_795 = tpu.vector_load_idx %arg12[%broadcast_in_dim3A_678, %add3A_158] : memref<240x128xf32, #tpu.memory_space<vmem>>[vector<16xi32>, vector<16xi32>], vector<16xf32>,
        %gather3A_796 = tpu.vector_load_idx %arg13[%broadcast_in_dim3A_678, %add3A_158] : memref<240x128xf32, #tpu.memory_space<vmem>>[vector<16xi32>, vector<16xi32>], vector<16xf32>,
        %sub3A_797 = arith.subf %gather3A_795, %gather3A_796 : vector<16xf32>
        %abs3A_798 = math.absf %sub3A_797 : vector<16xf32>
        %mul3A_799 = vector.broadcast %squeeze3A_680 : f32 to vector<16xf32>
        %mul3A_800 = arith.mulf %abs3A_798, %mul3A_799 : vector<16xf32>
        %bitcast3A_801 = vector.bitcast %mul3A_800 : vector<16xf32> to vector<16xi32>
        %add3A_802 = arith.constant 32768 : i32
        %add3A_803 = vector.broadcast %add3A_802 : i32 to vector<16xi32>
        %add3A_804 = arith.addi %bitcast3A_801, %add3A_803 : vector<16xi32>
        %and3A_805 = arith.constant -65536 : i32
        %and3A_806 = vector.broadcast %and3A_805 : i32 to vector<16xi32>
        %and3A_807 = arith.andi %add3A_804, %and3A_806 : vector<16xi32>
        %bitcast3A_808 = vector.bitcast %and3A_807 : vector<16xi32> to vector<16xf32>
        %mul3A_809 = arith.mulf %bitcast3A_808, %bitcast3A_134 : vector<16xf32>
        %add3A_810 = arith.addf %add3A_794, %mul3A_809 : vector<16xf32>
        %swap3A_811 = arith.constant 51 : index
        %swap3A_812 = tpu.vector_load %arg17[%swap3A_811] {strides = array<i32>} : memref<272xf32, #tpu.memory_space<vmem>>, vector<16xf32>,
        tpu.vector_store %arg17[%swap3A_811], %add3A_810 {strides = array<i32>} : memref<272xf32, #tpu.memory_space<vmem>>, vector<16xf32>,
        %add3A_813 = arith.constant 4 : i32
        %add3A_814 = arith.addi %add3A_257, %add3A_813 : i32
        %broadcast_in_dim3A_815 = vector.broadcast %add3A_814 : i32 to vector<16xi32>
        %slice3A_816 = vector.extract_strided_slice %abs3A {offsets = [4], sizes = [1], strides = [1]} : vector<16xf32> to vector<1xf32>
        %squeeze3A_817 = vector.extract %slice3A_816[0] : f32 from vector<1xf32>
        %broadcast_in_dim3A_818 = arith.constant 0.000000e+00 : f32
        %broadcast_in_dim3A_819 = vector.broadcast %broadcast_in_dim3A_818 : f32 to vector<16xf32>
        %gather3A_820 = tpu.vector_load_idx %arg12[%broadcast_in_dim3A_815, %add3A_137] : memref<240x128xf32, #tpu.memory_space<vmem>>[vector<16xi32>, vector<16xi32>], vector<16xf32>,
        %gather3A_821 = tpu.vector_load_idx %arg13[%broadcast_in_dim3A_815, %add3A_137] : memref<240x128xf32, #tpu.memory_space<vmem>>[vector<16xi32>, vector<16xi32>], vector<16xf32>,
        %sub3A_822 = arith.subf %gather3A_820, %gather3A_821 : vector<16xf32>
        %abs3A_823 = math.absf %sub3A_822 : vector<16xf32>
        %mul3A_824 = vector.broadcast %squeeze3A_817 : f32 to vector<16xf32>
        %mul3A_825 = arith.mulf %abs3A_823, %mul3A_824 : vector<16xf32>
        %bitcast3A_826 = vector.bitcast %mul3A_825 : vector<16xf32> to vector<16xi32>
        %add3A_827 = arith.constant 32768 : i32
        %add3A_828 = vector.broadcast %add3A_827 : i32 to vector<16xi32>
        %add3A_829 = arith.addi %bitcast3A_826, %add3A_828 : vector<16xi32>
        %and3A_830 = arith.constant -65536 : i32
        %and3A_831 = vector.broadcast %and3A_830 : i32 to vector<16xi32>
        %and3A_832 = arith.andi %add3A_829, %and3A_831 : vector<16xi32>
        %bitcast3A_833 = vector.bitcast %and3A_832 : vector<16xi32> to vector<16xf32>
        %mul3A_834 = arith.mulf %bitcast3A_833, %bitcast3A_15 : vector<16xf32>
        %add3A_835 = arith.addf %broadcast_in_dim3A_819, %mul3A_834 : vector<16xf32>
        %gather3A_836 = tpu.vector_load_idx %arg12[%broadcast_in_dim3A_815, %add3A_140] : memref<240x128xf32, #tpu.memory_space<vmem>>[vector<16xi32>, vector<16xi32>], vector<16xf32>,
        %gather3A_837 = tpu.vector_load_idx %arg13[%broadcast_in_dim3A_815, %add3A_140] : memref<240x128xf32, #tpu.memory_space<vmem>>[vector<16xi32>, vector<16xi32>], vector<16xf32>,
        %sub3A_838 = arith.subf %gather3A_836, %gather3A_837 : vector<16xf32>
        %abs3A_839 = math.absf %sub3A_838 : vector<16xf32>
        %mul3A_840 = vector.broadcast %squeeze3A_817 : f32 to vector<16xf32>
        %mul3A_841 = arith.mulf %abs3A_839, %mul3A_840 : vector<16xf32>
        %bitcast3A_842 = vector.bitcast %mul3A_841 : vector<16xf32> to vector<16xi32>
        %add3A_843 = arith.constant 32768 : i32
        %add3A_844 = vector.broadcast %add3A_843 : i32 to vector<16xi32>
        %add3A_845 = arith.addi %bitcast3A_842, %add3A_844 : vector<16xi32>
        %and3A_846 = arith.constant -65536 : i32
        %and3A_847 = vector.broadcast %and3A_846 : i32 to vector<16xi32>
        %and3A_848 = arith.andi %add3A_845, %and3A_847 : vector<16xi32>
        %bitcast3A_849 = vector.bitcast %and3A_848 : vector<16xi32> to vector<16xf32>
        %mul3A_850 = arith.mulf %bitcast3A_849, %bitcast3A_32 : vector<16xf32>
        %add3A_851 = arith.addf %add3A_835, %mul3A_850 : vector<16xf32>
        %gather3A_852 = tpu.vector_load_idx %arg12[%broadcast_in_dim3A_815, %add3A_143] : memref<240x128xf32, #tpu.memory_space<vmem>>[vector<16xi32>, vector<16xi32>], vector<16xf32>,
        %gather3A_853 = tpu.vector_load_idx %arg13[%broadcast_in_dim3A_815, %add3A_143] : memref<240x128xf32, #tpu.memory_space<vmem>>[vector<16xi32>, vector<16xi32>], vector<16xf32>,
        %sub3A_854 = arith.subf %gather3A_852, %gather3A_853 : vector<16xf32>
        %abs3A_855 = math.absf %sub3A_854 : vector<16xf32>
        %mul3A_856 = vector.broadcast %squeeze3A_817 : f32 to vector<16xf32>
        %mul3A_857 = arith.mulf %abs3A_855, %mul3A_856 : vector<16xf32>
        %bitcast3A_858 = vector.bitcast %mul3A_857 : vector<16xf32> to vector<16xi32>
        %add3A_859 = arith.constant 32768 : i32
        %add3A_860 = vector.broadcast %add3A_859 : i32 to vector<16xi32>
        %add3A_861 = arith.addi %bitcast3A_858, %add3A_860 : vector<16xi32>
        %and3A_862 = arith.constant -65536 : i32
        %and3A_863 = vector.broadcast %and3A_862 : i32 to vector<16xi32>
        %and3A_864 = arith.andi %add3A_861, %and3A_863 : vector<16xi32>
        %bitcast3A_865 = vector.bitcast %and3A_864 : vector<16xi32> to vector<16xf32>
        %mul3A_866 = arith.mulf %bitcast3A_865, %bitcast3A_49 : vector<16xf32>
        %add3A_867 = arith.addf %add3A_851, %mul3A_866 : vector<16xf32>
        %gather3A_868 = tpu.vector_load_idx %arg12[%broadcast_in_dim3A_815, %add3A_146] : memref<240x128xf32, #tpu.memory_space<vmem>>[vector<16xi32>, vector<16xi32>], vector<16xf32>,
        %gather3A_869 = tpu.vector_load_idx %arg13[%broadcast_in_dim3A_815, %add3A_146] : memref<240x128xf32, #tpu.memory_space<vmem>>[vector<16xi32>, vector<16xi32>], vector<16xf32>,
        %sub3A_870 = arith.subf %gather3A_868, %gather3A_869 : vector<16xf32>
        %abs3A_871 = math.absf %sub3A_870 : vector<16xf32>
        %mul3A_872 = vector.broadcast %squeeze3A_817 : f32 to vector<16xf32>
        %mul3A_873 = arith.mulf %abs3A_871, %mul3A_872 : vector<16xf32>
        %bitcast3A_874 = vector.bitcast %mul3A_873 : vector<16xf32> to vector<16xi32>
        %add3A_875 = arith.constant 32768 : i32
        %add3A_876 = vector.broadcast %add3A_875 : i32 to vector<16xi32>
        %add3A_877 = arith.addi %bitcast3A_874, %add3A_876 : vector<16xi32>
        %and3A_878 = arith.constant -65536 : i32
        %and3A_879 = vector.broadcast %and3A_878 : i32 to vector<16xi32>
        %and3A_880 = arith.andi %add3A_877, %and3A_879 : vector<16xi32>
        %bitcast3A_881 = vector.bitcast %and3A_880 : vector<16xi32> to vector<16xf32>
        %mul3A_882 = arith.mulf %bitcast3A_881, %bitcast3A_66 : vector<16xf32>
        %add3A_883 = arith.addf %add3A_867, %mul3A_882 : vector<16xf32>
        %gather3A_884 = tpu.vector_load_idx %arg12[%broadcast_in_dim3A_815, %add3A_149] : memref<240x128xf32, #tpu.memory_space<vmem>>[vector<16xi32>, vector<16xi32>], vector<16xf32>,
        %gather3A_885 = tpu.vector_load_idx %arg13[%broadcast_in_dim3A_815, %add3A_149] : memref<240x128xf32, #tpu.memory_space<vmem>>[vector<16xi32>, vector<16xi32>], vector<16xf32>,
        %sub3A_886 = arith.subf %gather3A_884, %gather3A_885 : vector<16xf32>
        %abs3A_887 = math.absf %sub3A_886 : vector<16xf32>
        %mul3A_888 = vector.broadcast %squeeze3A_817 : f32 to vector<16xf32>
        %mul3A_889 = arith.mulf %abs3A_887, %mul3A_888 : vector<16xf32>
        %bitcast3A_890 = vector.bitcast %mul3A_889 : vector<16xf32> to vector<16xi32>
        %add3A_891 = arith.constant 32768 : i32
        %add3A_892 = vector.broadcast %add3A_891 : i32 to vector<16xi32>
        %add3A_893 = arith.addi %bitcast3A_890, %add3A_892 : vector<16xi32>
        %and3A_894 = arith.constant -65536 : i32
        %and3A_895 = vector.broadcast %and3A_894 : i32 to vector<16xi32>
        %and3A_896 = arith.andi %add3A_893, %and3A_895 : vector<16xi32>
        %bitcast3A_897 = vector.bitcast %and3A_896 : vector<16xi32> to vector<16xf32>
        %mul3A_898 = arith.mulf %bitcast3A_897, %bitcast3A_83 : vector<16xf32>
        %add3A_899 = arith.addf %add3A_883, %mul3A_898 : vector<16xf32>
        %gather3A_900 = tpu.vector_load_idx %arg12[%broadcast_in_dim3A_815, %add3A_152] : memref<240x128xf32, #tpu.memory_space<vmem>>[vector<16xi32>, vector<16xi32>], vector<16xf32>,
        %gather3A_901 = tpu.vector_load_idx %arg13[%broadcast_in_dim3A_815, %add3A_152] : memref<240x128xf32, #tpu.memory_space<vmem>>[vector<16xi32>, vector<16xi32>], vector<16xf32>,
        %sub3A_902 = arith.subf %gather3A_900, %gather3A_901 : vector<16xf32>
        %abs3A_903 = math.absf %sub3A_902 : vector<16xf32>
        %mul3A_904 = vector.broadcast %squeeze3A_817 : f32 to vector<16xf32>
        %mul3A_905 = arith.mulf %abs3A_903, %mul3A_904 : vector<16xf32>
        %bitcast3A_906 = vector.bitcast %mul3A_905 : vector<16xf32> to vector<16xi32>
        %add3A_907 = arith.constant 32768 : i32
        %add3A_908 = vector.broadcast %add3A_907 : i32 to vector<16xi32>
        %add3A_909 = arith.addi %bitcast3A_906, %add3A_908 : vector<16xi32>
        %and3A_910 = arith.constant -65536 : i32
        %and3A_911 = vector.broadcast %and3A_910 : i32 to vector<16xi32>
        %and3A_912 = arith.andi %add3A_909, %and3A_911 : vector<16xi32>
        %bitcast3A_913 = vector.bitcast %and3A_912 : vector<16xi32> to vector<16xf32>
        %mul3A_914 = arith.mulf %bitcast3A_913, %bitcast3A_100 : vector<16xf32>
        %add3A_915 = arith.addf %add3A_899, %mul3A_914 : vector<16xf32>
        %gather3A_916 = tpu.vector_load_idx %arg12[%broadcast_in_dim3A_815, %add3A_155] : memref<240x128xf32, #tpu.memory_space<vmem>>[vector<16xi32>, vector<16xi32>], vector<16xf32>,
        %gather3A_917 = tpu.vector_load_idx %arg13[%broadcast_in_dim3A_815, %add3A_155] : memref<240x128xf32, #tpu.memory_space<vmem>>[vector<16xi32>, vector<16xi32>], vector<16xf32>,
        %sub3A_918 = arith.subf %gather3A_916, %gather3A_917 : vector<16xf32>
        %abs3A_919 = math.absf %sub3A_918 : vector<16xf32>
        %mul3A_920 = vector.broadcast %squeeze3A_817 : f32 to vector<16xf32>
        %mul3A_921 = arith.mulf %abs3A_919, %mul3A_920 : vector<16xf32>
        %bitcast3A_922 = vector.bitcast %mul3A_921 : vector<16xf32> to vector<16xi32>
        %add3A_923 = arith.constant 32768 : i32
        %add3A_924 = vector.broadcast %add3A_923 : i32 to vector<16xi32>
        %add3A_925 = arith.addi %bitcast3A_922, %add3A_924 : vector<16xi32>
        %and3A_926 = arith.constant -65536 : i32
        %and3A_927 = vector.broadcast %and3A_926 : i32 to vector<16xi32>
        %and3A_928 = arith.andi %add3A_925, %and3A_927 : vector<16xi32>
        %bitcast3A_929 = vector.bitcast %and3A_928 : vector<16xi32> to vector<16xf32>
        %mul3A_930 = arith.mulf %bitcast3A_929, %bitcast3A_117 : vector<16xf32>
        %add3A_931 = arith.addf %add3A_915, %mul3A_930 : vector<16xf32>
        %gather3A_932 = tpu.vector_load_idx %arg12[%broadcast_in_dim3A_815, %add3A_158] : memref<240x128xf32, #tpu.memory_space<vmem>>[vector<16xi32>, vector<16xi32>], vector<16xf32>,
        %gather3A_933 = tpu.vector_load_idx %arg13[%broadcast_in_dim3A_815, %add3A_158] : memref<240x128xf32, #tpu.memory_space<vmem>>[vector<16xi32>, vector<16xi32>], vector<16xf32>,
        %sub3A_934 = arith.subf %gather3A_932, %gather3A_933 : vector<16xf32>
        %abs3A_935 = math.absf %sub3A_934 : vector<16xf32>
        %mul3A_936 = vector.broadcast %squeeze3A_817 : f32 to vector<16xf32>
        %mul3A_937 = arith.mulf %abs3A_935, %mul3A_936 : vector<16xf32>
        %bitcast3A_938 = vector.bitcast %mul3A_937 : vector<16xf32> to vector<16xi32>
        %add3A_939 = arith.constant 32768 : i32
        %add3A_940 = vector.broadcast %add3A_939 : i32 to vector<16xi32>
        %add3A_941 = arith.addi %bitcast3A_938, %add3A_940 : vector<16xi32>
        %and3A_942 = arith.constant -65536 : i32
        %and3A_943 = vector.broadcast %and3A_942 : i32 to vector<16xi32>
        %and3A_944 = arith.andi %add3A_941, %and3A_943 : vector<16xi32>
        %bitcast3A_945 = vector.bitcast %and3A_944 : vector<16xi32> to vector<16xf32>
        %mul3A_946 = arith.mulf %bitcast3A_945, %bitcast3A_134 : vector<16xf32>
        %add3A_947 = arith.addf %add3A_931, %mul3A_946 : vector<16xf32>
        %swap3A_948 = arith.constant 68 : index
        %swap3A_949 = tpu.vector_load %arg17[%swap3A_948] {strides = array<i32>} : memref<272xf32, #tpu.memory_space<vmem>>, vector<16xf32>,
        tpu.vector_store %arg17[%swap3A_948], %add3A_947 {strides = array<i32>} : memref<272xf32, #tpu.memory_space<vmem>>, vector<16xf32>,
        %add3A_950 = arith.constant 5 : i32
        %add3A_951 = arith.addi %add3A_257, %add3A_950 : i32
        %broadcast_in_dim3A_952 = vector.broadcast %add3A_951 : i32 to vector<16xi32>
        %slice3A_953 = vector.extract_strided_slice %abs3A {offsets = [5], sizes = [1], strides = [1]} : vector<16xf32> to vector<1xf32>
        %squeeze3A_954 = vector.extract %slice3A_953[0] : f32 from vector<1xf32>
        %broadcast_in_dim3A_955 = arith.constant 0.000000e+00 : f32
        %broadcast_in_dim3A_956 = vector.broadcast %broadcast_in_dim3A_955 : f32 to vector<16xf32>
        %gather3A_957 = tpu.vector_load_idx %arg12[%broadcast_in_dim3A_952, %add3A_137] : memref<240x128xf32, #tpu.memory_space<vmem>>[vector<16xi32>, vector<16xi32>], vector<16xf32>,
        %gather3A_958 = tpu.vector_load_idx %arg13[%broadcast_in_dim3A_952, %add3A_137] : memref<240x128xf32, #tpu.memory_space<vmem>>[vector<16xi32>, vector<16xi32>], vector<16xf32>,
        %sub3A_959 = arith.subf %gather3A_957, %gather3A_958 : vector<16xf32>
        %abs3A_960 = math.absf %sub3A_959 : vector<16xf32>
        %mul3A_961 = vector.broadcast %squeeze3A_954 : f32 to vector<16xf32>
        %mul3A_962 = arith.mulf %abs3A_960, %mul3A_961 : vector<16xf32>
        %bitcast3A_963 = vector.bitcast %mul3A_962 : vector<16xf32> to vector<16xi32>
        %add3A_964 = arith.constant 32768 : i32
        %add3A_965 = vector.broadcast %add3A_964 : i32 to vector<16xi32>
        %add3A_966 = arith.addi %bitcast3A_963, %add3A_965 : vector<16xi32>
        %and3A_967 = arith.constant -65536 : i32
        %and3A_968 = vector.broadcast %and3A_967 : i32 to vector<16xi32>
        %and3A_969 = arith.andi %add3A_966, %and3A_968 : vector<16xi32>
        %bitcast3A_970 = vector.bitcast %and3A_969 : vector<16xi32> to vector<16xf32>
        %mul3A_971 = arith.mulf %bitcast3A_970, %bitcast3A_15 : vector<16xf32>
        %add3A_972 = arith.addf %broadcast_in_dim3A_956, %mul3A_971 : vector<16xf32>
        %gather3A_973 = tpu.vector_load_idx %arg12[%broadcast_in_dim3A_952, %add3A_140] : memref<240x128xf32, #tpu.memory_space<vmem>>[vector<16xi32>, vector<16xi32>], vector<16xf32>,
        %gather3A_974 = tpu.vector_load_idx %arg13[%broadcast_in_dim3A_952, %add3A_140] : memref<240x128xf32, #tpu.memory_space<vmem>>[vector<16xi32>, vector<16xi32>], vector<16xf32>,
        %sub3A_975 = arith.subf %gather3A_973, %gather3A_974 : vector<16xf32>
        %abs3A_976 = math.absf %sub3A_975 : vector<16xf32>
        %mul3A_977 = vector.broadcast %squeeze3A_954 : f32 to vector<16xf32>
        %mul3A_978 = arith.mulf %abs3A_976, %mul3A_977 : vector<16xf32>
        %bitcast3A_979 = vector.bitcast %mul3A_978 : vector<16xf32> to vector<16xi32>
        %add3A_980 = arith.constant 32768 : i32
        %add3A_981 = vector.broadcast %add3A_980 : i32 to vector<16xi32>
        %add3A_982 = arith.addi %bitcast3A_979, %add3A_981 : vector<16xi32>
        %and3A_983 = arith.constant -65536 : i32
        %and3A_984 = vector.broadcast %and3A_983 : i32 to vector<16xi32>
        %and3A_985 = arith.andi %add3A_982, %and3A_984 : vector<16xi32>
        %bitcast3A_986 = vector.bitcast %and3A_985 : vector<16xi32> to vector<16xf32>
        %mul3A_987 = arith.mulf %bitcast3A_986, %bitcast3A_32 : vector<16xf32>
        %add3A_988 = arith.addf %add3A_972, %mul3A_987 : vector<16xf32>
        %gather3A_989 = tpu.vector_load_idx %arg12[%broadcast_in_dim3A_952, %add3A_143] : memref<240x128xf32, #tpu.memory_space<vmem>>[vector<16xi32>, vector<16xi32>], vector<16xf32>,
        %gather3A_990 = tpu.vector_load_idx %arg13[%broadcast_in_dim3A_952, %add3A_143] : memref<240x128xf32, #tpu.memory_space<vmem>>[vector<16xi32>, vector<16xi32>], vector<16xf32>,
        %sub3A_991 = arith.subf %gather3A_989, %gather3A_990 : vector<16xf32>
        %abs3A_992 = math.absf %sub3A_991 : vector<16xf32>
        %mul3A_993 = vector.broadcast %squeeze3A_954 : f32 to vector<16xf32>
        %mul3A_994 = arith.mulf %abs3A_992, %mul3A_993 : vector<16xf32>
        %bitcast3A_995 = vector.bitcast %mul3A_994 : vector<16xf32> to vector<16xi32>
        %add3A_996 = arith.constant 32768 : i32
        %add3A_997 = vector.broadcast %add3A_996 : i32 to vector<16xi32>
        %add3A_998 = arith.addi %bitcast3A_995, %add3A_997 : vector<16xi32>
        %and3A_999 = arith.constant -65536 : i32
        %and3A_1000 = vector.broadcast %and3A_999 : i32 to vector<16xi32>
        %and3A_1001 = arith.andi %add3A_998, %and3A_1000 : vector<16xi32>
        %bitcast3A_1002 = vector.bitcast %and3A_1001 : vector<16xi32> to vector<16xf32>
        %mul3A_1003 = arith.mulf %bitcast3A_1002, %bitcast3A_49 : vector<16xf32>
        %add3A_1004 = arith.addf %add3A_988, %mul3A_1003 : vector<16xf32>
        %gather3A_1005 = tpu.vector_load_idx %arg12[%broadcast_in_dim3A_952, %add3A_146] : memref<240x128xf32, #tpu.memory_space<vmem>>[vector<16xi32>, vector<16xi32>], vector<16xf32>,
        %gather3A_1006 = tpu.vector_load_idx %arg13[%broadcast_in_dim3A_952, %add3A_146] : memref<240x128xf32, #tpu.memory_space<vmem>>[vector<16xi32>, vector<16xi32>], vector<16xf32>,
        %sub3A_1007 = arith.subf %gather3A_1005, %gather3A_1006 : vector<16xf32>
        %abs3A_1008 = math.absf %sub3A_1007 : vector<16xf32>
        %mul3A_1009 = vector.broadcast %squeeze3A_954 : f32 to vector<16xf32>
        %mul3A_1010 = arith.mulf %abs3A_1008, %mul3A_1009 : vector<16xf32>
        %bitcast3A_1011 = vector.bitcast %mul3A_1010 : vector<16xf32> to vector<16xi32>
        %add3A_1012 = arith.constant 32768 : i32
        %add3A_1013 = vector.broadcast %add3A_1012 : i32 to vector<16xi32>
        %add3A_1014 = arith.addi %bitcast3A_1011, %add3A_1013 : vector<16xi32>
        %and3A_1015 = arith.constant -65536 : i32
        %and3A_1016 = vector.broadcast %and3A_1015 : i32 to vector<16xi32>
        %and3A_1017 = arith.andi %add3A_1014, %and3A_1016 : vector<16xi32>
        %bitcast3A_1018 = vector.bitcast %and3A_1017 : vector<16xi32> to vector<16xf32>
        %mul3A_1019 = arith.mulf %bitcast3A_1018, %bitcast3A_66 : vector<16xf32>
        %add3A_1020 = arith.addf %add3A_1004, %mul3A_1019 : vector<16xf32>
        %gather3A_1021 = tpu.vector_load_idx %arg12[%broadcast_in_dim3A_952, %add3A_149] : memref<240x128xf32, #tpu.memory_space<vmem>>[vector<16xi32>, vector<16xi32>], vector<16xf32>,
        %gather3A_1022 = tpu.vector_load_idx %arg13[%broadcast_in_dim3A_952, %add3A_149] : memref<240x128xf32, #tpu.memory_space<vmem>>[vector<16xi32>, vector<16xi32>], vector<16xf32>,
        %sub3A_1023 = arith.subf %gather3A_1021, %gather3A_1022 : vector<16xf32>
        %abs3A_1024 = math.absf %sub3A_1023 : vector<16xf32>
        %mul3A_1025 = vector.broadcast %squeeze3A_954 : f32 to vector<16xf32>
        %mul3A_1026 = arith.mulf %abs3A_1024, %mul3A_1025 : vector<16xf32>
        %bitcast3A_1027 = vector.bitcast %mul3A_1026 : vector<16xf32> to vector<16xi32>
        %add3A_1028 = arith.constant 32768 : i32
        %add3A_1029 = vector.broadcast %add3A_1028 : i32 to vector<16xi32>
        %add3A_1030 = arith.addi %bitcast3A_1027, %add3A_1029 : vector<16xi32>
        %and3A_1031 = arith.constant -65536 : i32
        %and3A_1032 = vector.broadcast %and3A_1031 : i32 to vector<16xi32>
        %and3A_1033 = arith.andi %add3A_1030, %and3A_1032 : vector<16xi32>
        %bitcast3A_1034 = vector.bitcast %and3A_1033 : vector<16xi32> to vector<16xf32>
        %mul3A_1035 = arith.mulf %bitcast3A_1034, %bitcast3A_83 : vector<16xf32>
        %add3A_1036 = arith.addf %add3A_1020, %mul3A_1035 : vector<16xf32>
        %gather3A_1037 = tpu.vector_load_idx %arg12[%broadcast_in_dim3A_952, %add3A_152] : memref<240x128xf32, #tpu.memory_space<vmem>>[vector<16xi32>, vector<16xi32>], vector<16xf32>,
        %gather3A_1038 = tpu.vector_load_idx %arg13[%broadcast_in_dim3A_952, %add3A_152] : memref<240x128xf32, #tpu.memory_space<vmem>>[vector<16xi32>, vector<16xi32>], vector<16xf32>,
        %sub3A_1039 = arith.subf %gather3A_1037, %gather3A_1038 : vector<16xf32>
        %abs3A_1040 = math.absf %sub3A_1039 : vector<16xf32>
        %mul3A_1041 = vector.broadcast %squeeze3A_954 : f32 to vector<16xf32>
        %mul3A_1042 = arith.mulf %abs3A_1040, %mul3A_1041 : vector<16xf32>
        %bitcast3A_1043 = vector.bitcast %mul3A_1042 : vector<16xf32> to vector<16xi32>
        %add3A_1044 = arith.constant 32768 : i32
        %add3A_1045 = vector.broadcast %add3A_1044 : i32 to vector<16xi32>
        %add3A_1046 = arith.addi %bitcast3A_1043, %add3A_1045 : vector<16xi32>
        %and3A_1047 = arith.constant -65536 : i32
        %and3A_1048 = vector.broadcast %and3A_1047 : i32 to vector<16xi32>
        %and3A_1049 = arith.andi %add3A_1046, %and3A_1048 : vector<16xi32>
        %bitcast3A_1050 = vector.bitcast %and3A_1049 : vector<16xi32> to vector<16xf32>
        %mul3A_1051 = arith.mulf %bitcast3A_1050, %bitcast3A_100 : vector<16xf32>
        %add3A_1052 = arith.addf %add3A_1036, %mul3A_1051 : vector<16xf32>
        %gather3A_1053 = tpu.vector_load_idx %arg12[%broadcast_in_dim3A_952, %add3A_155] : memref<240x128xf32, #tpu.memory_space<vmem>>[vector<16xi32>, vector<16xi32>], vector<16xf32>,
        %gather3A_1054 = tpu.vector_load_idx %arg13[%broadcast_in_dim3A_952, %add3A_155] : memref<240x128xf32, #tpu.memory_space<vmem>>[vector<16xi32>, vector<16xi32>], vector<16xf32>,
        %sub3A_1055 = arith.subf %gather3A_1053, %gather3A_1054 : vector<16xf32>
        %abs3A_1056 = math.absf %sub3A_1055 : vector<16xf32>
        %mul3A_1057 = vector.broadcast %squeeze3A_954 : f32 to vector<16xf32>
        %mul3A_1058 = arith.mulf %abs3A_1056, %mul3A_1057 : vector<16xf32>
        %bitcast3A_1059 = vector.bitcast %mul3A_1058 : vector<16xf32> to vector<16xi32>
        %add3A_1060 = arith.constant 32768 : i32
        %add3A_1061 = vector.broadcast %add3A_1060 : i32 to vector<16xi32>
        %add3A_1062 = arith.addi %bitcast3A_1059, %add3A_1061 : vector<16xi32>
        %and3A_1063 = arith.constant -65536 : i32
        %and3A_1064 = vector.broadcast %and3A_1063 : i32 to vector<16xi32>
        %and3A_1065 = arith.andi %add3A_1062, %and3A_1064 : vector<16xi32>
        %bitcast3A_1066 = vector.bitcast %and3A_1065 : vector<16xi32> to vector<16xf32>
        %mul3A_1067 = arith.mulf %bitcast3A_1066, %bitcast3A_117 : vector<16xf32>
        %add3A_1068 = arith.addf %add3A_1052, %mul3A_1067 : vector<16xf32>
        %gather3A_1069 = tpu.vector_load_idx %arg12[%broadcast_in_dim3A_952, %add3A_158] : memref<240x128xf32, #tpu.memory_space<vmem>>[vector<16xi32>, vector<16xi32>], vector<16xf32>,
        %gather3A_1070 = tpu.vector_load_idx %arg13[%broadcast_in_dim3A_952, %add3A_158] : memref<240x128xf32, #tpu.memory_space<vmem>>[vector<16xi32>, vector<16xi32>], vector<16xf32>,
        %sub3A_1071 = arith.subf %gather3A_1069, %gather3A_1070 : vector<16xf32>
        %abs3A_1072 = math.absf %sub3A_1071 : vector<16xf32>
        %mul3A_1073 = vector.broadcast %squeeze3A_954 : f32 to vector<16xf32>
        %mul3A_1074 = arith.mulf %abs3A_1072, %mul3A_1073 : vector<16xf32>
        %bitcast3A_1075 = vector.bitcast %mul3A_1074 : vector<16xf32> to vector<16xi32>
        %add3A_1076 = arith.constant 32768 : i32
        %add3A_1077 = vector.broadcast %add3A_1076 : i32 to vector<16xi32>
        %add3A_1078 = arith.addi %bitcast3A_1075, %add3A_1077 : vector<16xi32>
        %and3A_1079 = arith.constant -65536 : i32
        %and3A_1080 = vector.broadcast %and3A_1079 : i32 to vector<16xi32>
        %and3A_1081 = arith.andi %add3A_1078, %and3A_1080 : vector<16xi32>
        %bitcast3A_1082 = vector.bitcast %and3A_1081 : vector<16xi32> to vector<16xf32>
        %mul3A_1083 = arith.mulf %bitcast3A_1082, %bitcast3A_134 : vector<16xf32>
        %add3A_1084 = arith.addf %add3A_1068, %mul3A_1083 : vector<16xf32>
        %swap3A_1085 = arith.constant 85 : index
        %swap3A_1086 = tpu.vector_load %arg17[%swap3A_1085] {strides = array<i32>} : memref<272xf32, #tpu.memory_space<vmem>>, vector<16xf32>,
        tpu.vector_store %arg17[%swap3A_1085], %add3A_1084 {strides = array<i32>} : memref<272xf32, #tpu.memory_space<vmem>>, vector<16xf32>,
        %add3A_1087 = arith.constant 6 : i32
        %add3A_1088 = arith.addi %add3A_257, %add3A_1087 : i32
        %broadcast_in_dim3A_1089 = vector.broadcast %add3A_1088 : i32 to vector<16xi32>
        %slice3A_1090 = vector.extract_strided_slice %abs3A {offsets = [6], sizes = [1], strides = [1]} : vector<16xf32> to vector<1xf32>
        %squeeze3A_1091 = vector.extract %slice3A_1090[0] : f32 from vector<1xf32>
        %broadcast_in_dim3A_1092 = arith.constant 0.000000e+00 : f32
        %broadcast_in_dim3A_1093 = vector.broadcast %broadcast_in_dim3A_1092 : f32 to vector<16xf32>
        %gather3A_1094 = tpu.vector_load_idx %arg12[%broadcast_in_dim3A_1089, %add3A_137] : memref<240x128xf32, #tpu.memory_space<vmem>>[vector<16xi32>, vector<16xi32>], vector<16xf32>,
        %gather3A_1095 = tpu.vector_load_idx %arg13[%broadcast_in_dim3A_1089, %add3A_137] : memref<240x128xf32, #tpu.memory_space<vmem>>[vector<16xi32>, vector<16xi32>], vector<16xf32>,
        %sub3A_1096 = arith.subf %gather3A_1094, %gather3A_1095 : vector<16xf32>
        %abs3A_1097 = math.absf %sub3A_1096 : vector<16xf32>
        %mul3A_1098 = vector.broadcast %squeeze3A_1091 : f32 to vector<16xf32>
        %mul3A_1099 = arith.mulf %abs3A_1097, %mul3A_1098 : vector<16xf32>
        %bitcast3A_1100 = vector.bitcast %mul3A_1099 : vector<16xf32> to vector<16xi32>
        %add3A_1101 = arith.constant 32768 : i32
        %add3A_1102 = vector.broadcast %add3A_1101 : i32 to vector<16xi32>
        %add3A_1103 = arith.addi %bitcast3A_1100, %add3A_1102 : vector<16xi32>
        %and3A_1104 = arith.constant -65536 : i32
        %and3A_1105 = vector.broadcast %and3A_1104 : i32 to vector<16xi32>
        %and3A_1106 = arith.andi %add3A_1103, %and3A_1105 : vector<16xi32>
        %bitcast3A_1107 = vector.bitcast %and3A_1106 : vector<16xi32> to vector<16xf32>
        %mul3A_1108 = arith.mulf %bitcast3A_1107, %bitcast3A_15 : vector<16xf32>
        %add3A_1109 = arith.addf %broadcast_in_dim3A_1093, %mul3A_1108 : vector<16xf32>
        %gather3A_1110 = tpu.vector_load_idx %arg12[%broadcast_in_dim3A_1089, %add3A_140] : memref<240x128xf32, #tpu.memory_space<vmem>>[vector<16xi32>, vector<16xi32>], vector<16xf32>,
        %gather3A_1111 = tpu.vector_load_idx %arg13[%broadcast_in_dim3A_1089, %add3A_140] : memref<240x128xf32, #tpu.memory_space<vmem>>[vector<16xi32>, vector<16xi32>], vector<16xf32>,
        %sub3A_1112 = arith.subf %gather3A_1110, %gather3A_1111 : vector<16xf32>
        %abs3A_1113 = math.absf %sub3A_1112 : vector<16xf32>
        %mul3A_1114 = vector.broadcast %squeeze3A_1091 : f32 to vector<16xf32>
        %mul3A_1115 = arith.mulf %abs3A_1113, %mul3A_1114 : vector<16xf32>
        %bitcast3A_1116 = vector.bitcast %mul3A_1115 : vector<16xf32> to vector<16xi32>
        %add3A_1117 = arith.constant 32768 : i32
        %add3A_1118 = vector.broadcast %add3A_1117 : i32 to vector<16xi32>
        %add3A_1119 = arith.addi %bitcast3A_1116, %add3A_1118 : vector<16xi32>
        %and3A_1120 = arith.constant -65536 : i32
        %and3A_1121 = vector.broadcast %and3A_1120 : i32 to vector<16xi32>
        %and3A_1122 = arith.andi %add3A_1119, %and3A_1121 : vector<16xi32>
        %bitcast3A_1123 = vector.bitcast %and3A_1122 : vector<16xi32> to vector<16xf32>
        %mul3A_1124 = arith.mulf %bitcast3A_1123, %bitcast3A_32 : vector<16xf32>
        %add3A_1125 = arith.addf %add3A_1109, %mul3A_1124 : vector<16xf32>
        %gather3A_1126 = tpu.vector_load_idx %arg12[%broadcast_in_dim3A_1089, %add3A_143] : memref<240x128xf32, #tpu.memory_space<vmem>>[vector<16xi32>, vector<16xi32>], vector<16xf32>,
        %gather3A_1127 = tpu.vector_load_idx %arg13[%broadcast_in_dim3A_1089, %add3A_143] : memref<240x128xf32, #tpu.memory_space<vmem>>[vector<16xi32>, vector<16xi32>], vector<16xf32>,
        %sub3A_1128 = arith.subf %gather3A_1126, %gather3A_1127 : vector<16xf32>
        %abs3A_1129 = math.absf %sub3A_1128 : vector<16xf32>
        %mul3A_1130 = vector.broadcast %squeeze3A_1091 : f32 to vector<16xf32>
        %mul3A_1131 = arith.mulf %abs3A_1129, %mul3A_1130 : vector<16xf32>
        %bitcast3A_1132 = vector.bitcast %mul3A_1131 : vector<16xf32> to vector<16xi32>
        %add3A_1133 = arith.constant 32768 : i32
        %add3A_1134 = vector.broadcast %add3A_1133 : i32 to vector<16xi32>
        %add3A_1135 = arith.addi %bitcast3A_1132, %add3A_1134 : vector<16xi32>
        %and3A_1136 = arith.constant -65536 : i32
        %and3A_1137 = vector.broadcast %and3A_1136 : i32 to vector<16xi32>
        %and3A_1138 = arith.andi %add3A_1135, %and3A_1137 : vector<16xi32>
        %bitcast3A_1139 = vector.bitcast %and3A_1138 : vector<16xi32> to vector<16xf32>
        %mul3A_1140 = arith.mulf %bitcast3A_1139, %bitcast3A_49 : vector<16xf32>
        %add3A_1141 = arith.addf %add3A_1125, %mul3A_1140 : vector<16xf32>
        %gather3A_1142 = tpu.vector_load_idx %arg12[%broadcast_in_dim3A_1089, %add3A_146] : memref<240x128xf32, #tpu.memory_space<vmem>>[vector<16xi32>, vector<16xi32>], vector<16xf32>,
        %gather3A_1143 = tpu.vector_load_idx %arg13[%broadcast_in_dim3A_1089, %add3A_146] : memref<240x128xf32, #tpu.memory_space<vmem>>[vector<16xi32>, vector<16xi32>], vector<16xf32>,
        %sub3A_1144 = arith.subf %gather3A_1142, %gather3A_1143 : vector<16xf32>
        %abs3A_1145 = math.absf %sub3A_1144 : vector<16xf32>
        %mul3A_1146 = vector.broadcast %squeeze3A_1091 : f32 to vector<16xf32>
        %mul3A_1147 = arith.mulf %abs3A_1145, %mul3A_1146 : vector<16xf32>
        %bitcast3A_1148 = vector.bitcast %mul3A_1147 : vector<16xf32> to vector<16xi32>
        %add3A_1149 = arith.constant 32768 : i32
        %add3A_1150 = vector.broadcast %add3A_1149 : i32 to vector<16xi32>
        %add3A_1151 = arith.addi %bitcast3A_1148, %add3A_1150 : vector<16xi32>
        %and3A_1152 = arith.constant -65536 : i32
        %and3A_1153 = vector.broadcast %and3A_1152 : i32 to vector<16xi32>
        %and3A_1154 = arith.andi %add3A_1151, %and3A_1153 : vector<16xi32>
        %bitcast3A_1155 = vector.bitcast %and3A_1154 : vector<16xi32> to vector<16xf32>
        %mul3A_1156 = arith.mulf %bitcast3A_1155, %bitcast3A_66 : vector<16xf32>
        %add3A_1157 = arith.addf %add3A_1141, %mul3A_1156 : vector<16xf32>
        %gather3A_1158 = tpu.vector_load_idx %arg12[%broadcast_in_dim3A_1089, %add3A_149] : memref<240x128xf32, #tpu.memory_space<vmem>>[vector<16xi32>, vector<16xi32>], vector<16xf32>,
        %gather3A_1159 = tpu.vector_load_idx %arg13[%broadcast_in_dim3A_1089, %add3A_149] : memref<240x128xf32, #tpu.memory_space<vmem>>[vector<16xi32>, vector<16xi32>], vector<16xf32>,
        %sub3A_1160 = arith.subf %gather3A_1158, %gather3A_1159 : vector<16xf32>
        %abs3A_1161 = math.absf %sub3A_1160 : vector<16xf32>
        %mul3A_1162 = vector.broadcast %squeeze3A_1091 : f32 to vector<16xf32>
        %mul3A_1163 = arith.mulf %abs3A_1161, %mul3A_1162 : vector<16xf32>
        %bitcast3A_1164 = vector.bitcast %mul3A_1163 : vector<16xf32> to vector<16xi32>
        %add3A_1165 = arith.constant 32768 : i32
        %add3A_1166 = vector.broadcast %add3A_1165 : i32 to vector<16xi32>
        %add3A_1167 = arith.addi %bitcast3A_1164, %add3A_1166 : vector<16xi32>
        %and3A_1168 = arith.constant -65536 : i32
        %and3A_1169 = vector.broadcast %and3A_1168 : i32 to vector<16xi32>
        %and3A_1170 = arith.andi %add3A_1167, %and3A_1169 : vector<16xi32>
        %bitcast3A_1171 = vector.bitcast %and3A_1170 : vector<16xi32> to vector<16xf32>
        %mul3A_1172 = arith.mulf %bitcast3A_1171, %bitcast3A_83 : vector<16xf32>
        %add3A_1173 = arith.addf %add3A_1157, %mul3A_1172 : vector<16xf32>
        %gather3A_1174 = tpu.vector_load_idx %arg12[%broadcast_in_dim3A_1089, %add3A_152] : memref<240x128xf32, #tpu.memory_space<vmem>>[vector<16xi32>, vector<16xi32>], vector<16xf32>,
        %gather3A_1175 = tpu.vector_load_idx %arg13[%broadcast_in_dim3A_1089, %add3A_152] : memref<240x128xf32, #tpu.memory_space<vmem>>[vector<16xi32>, vector<16xi32>], vector<16xf32>,
        %sub3A_1176 = arith.subf %gather3A_1174, %gather3A_1175 : vector<16xf32>
        %abs3A_1177 = math.absf %sub3A_1176 : vector<16xf32>
        %mul3A_1178 = vector.broadcast %squeeze3A_1091 : f32 to vector<16xf32>
        %mul3A_1179 = arith.mulf %abs3A_1177, %mul3A_1178 : vector<16xf32>
        %bitcast3A_1180 = vector.bitcast %mul3A_1179 : vector<16xf32> to vector<16xi32>
        %add3A_1181 = arith.constant 32768 : i32
        %add3A_1182 = vector.broadcast %add3A_1181 : i32 to vector<16xi32>
        %add3A_1183 = arith.addi %bitcast3A_1180, %add3A_1182 : vector<16xi32>
        %and3A_1184 = arith.constant -65536 : i32
        %and3A_1185 = vector.broadcast %and3A_1184 : i32 to vector<16xi32>
        %and3A_1186 = arith.andi %add3A_1183, %and3A_1185 : vector<16xi32>
        %bitcast3A_1187 = vector.bitcast %and3A_1186 : vector<16xi32> to vector<16xf32>
        %mul3A_1188 = arith.mulf %bitcast3A_1187, %bitcast3A_100 : vector<16xf32>
        %add3A_1189 = arith.addf %add3A_1173, %mul3A_1188 : vector<16xf32>
        %gather3A_1190 = tpu.vector_load_idx %arg12[%broadcast_in_dim3A_1089, %add3A_155] : memref<240x128xf32, #tpu.memory_space<vmem>>[vector<16xi32>, vector<16xi32>], vector<16xf32>,
        %gather3A_1191 = tpu.vector_load_idx %arg13[%broadcast_in_dim3A_1089, %add3A_155] : memref<240x128xf32, #tpu.memory_space<vmem>>[vector<16xi32>, vector<16xi32>], vector<16xf32>,
        %sub3A_1192 = arith.subf %gather3A_1190, %gather3A_1191 : vector<16xf32>
        %abs3A_1193 = math.absf %sub3A_1192 : vector<16xf32>
        %mul3A_1194 = vector.broadcast %squeeze3A_1091 : f32 to vector<16xf32>
        %mul3A_1195 = arith.mulf %abs3A_1193, %mul3A_1194 : vector<16xf32>
        %bitcast3A_1196 = vector.bitcast %mul3A_1195 : vector<16xf32> to vector<16xi32>
        %add3A_1197 = arith.constant 32768 : i32
        %add3A_1198 = vector.broadcast %add3A_1197 : i32 to vector<16xi32>
        %add3A_1199 = arith.addi %bitcast3A_1196, %add3A_1198 : vector<16xi32>
        %and3A_1200 = arith.constant -65536 : i32
        %and3A_1201 = vector.broadcast %and3A_1200 : i32 to vector<16xi32>
        %and3A_1202 = arith.andi %add3A_1199, %and3A_1201 : vector<16xi32>
        %bitcast3A_1203 = vector.bitcast %and3A_1202 : vector<16xi32> to vector<16xf32>
        %mul3A_1204 = arith.mulf %bitcast3A_1203, %bitcast3A_117 : vector<16xf32>
        %add3A_1205 = arith.addf %add3A_1189, %mul3A_1204 : vector<16xf32>
        %gather3A_1206 = tpu.vector_load_idx %arg12[%broadcast_in_dim3A_1089, %add3A_158] : memref<240x128xf32, #tpu.memory_space<vmem>>[vector<16xi32>, vector<16xi32>], vector<16xf32>,
        %gather3A_1207 = tpu.vector_load_idx %arg13[%broadcast_in_dim3A_1089, %add3A_158] : memref<240x128xf32, #tpu.memory_space<vmem>>[vector<16xi32>, vector<16xi32>], vector<16xf32>,
        %sub3A_1208 = arith.subf %gather3A_1206, %gather3A_1207 : vector<16xf32>
        %abs3A_1209 = math.absf %sub3A_1208 : vector<16xf32>
        %mul3A_1210 = vector.broadcast %squeeze3A_1091 : f32 to vector<16xf32>
        %mul3A_1211 = arith.mulf %abs3A_1209, %mul3A_1210 : vector<16xf32>
        %bitcast3A_1212 = vector.bitcast %mul3A_1211 : vector<16xf32> to vector<16xi32>
        %add3A_1213 = arith.constant 32768 : i32
        %add3A_1214 = vector.broadcast %add3A_1213 : i32 to vector<16xi32>
        %add3A_1215 = arith.addi %bitcast3A_1212, %add3A_1214 : vector<16xi32>
        %and3A_1216 = arith.constant -65536 : i32
        %and3A_1217 = vector.broadcast %and3A_1216 : i32 to vector<16xi32>
        %and3A_1218 = arith.andi %add3A_1215, %and3A_1217 : vector<16xi32>
        %bitcast3A_1219 = vector.bitcast %and3A_1218 : vector<16xi32> to vector<16xf32>
        %mul3A_1220 = arith.mulf %bitcast3A_1219, %bitcast3A_134 : vector<16xf32>
        %add3A_1221 = arith.addf %add3A_1205, %mul3A_1220 : vector<16xf32>
        %swap3A_1222 = arith.constant 102 : index
        %swap3A_1223 = tpu.vector_load %arg17[%swap3A_1222] {strides = array<i32>} : memref<272xf32, #tpu.memory_space<vmem>>, vector<16xf32>,
        tpu.vector_store %arg17[%swap3A_1222], %add3A_1221 {strides = array<i32>} : memref<272xf32, #tpu.memory_space<vmem>>, vector<16xf32>,
        %add3A_1224 = arith.constant 7 : i32
        %add3A_1225 = arith.addi %add3A_257, %add3A_1224 : i32
        %broadcast_in_dim3A_1226 = vector.broadcast %add3A_1225 : i32 to vector<16xi32>
        %slice3A_1227 = vector.extract_strided_slice %abs3A {offsets = [7], sizes = [1], strides = [1]} : vector<16xf32> to vector<1xf32>
        %squeeze3A_1228 = vector.extract %slice3A_1227[0] : f32 from vector<1xf32>
        %broadcast_in_dim3A_1229 = arith.constant 0.000000e+00 : f32
        %broadcast_in_dim3A_1230 = vector.broadcast %broadcast_in_dim3A_1229 : f32 to vector<16xf32>
        %gather3A_1231 = tpu.vector_load_idx %arg12[%broadcast_in_dim3A_1226, %add3A_137] : memref<240x128xf32, #tpu.memory_space<vmem>>[vector<16xi32>, vector<16xi32>], vector<16xf32>,
        %gather3A_1232 = tpu.vector_load_idx %arg13[%broadcast_in_dim3A_1226, %add3A_137] : memref<240x128xf32, #tpu.memory_space<vmem>>[vector<16xi32>, vector<16xi32>], vector<16xf32>,
        %sub3A_1233 = arith.subf %gather3A_1231, %gather3A_1232 : vector<16xf32>
        %abs3A_1234 = math.absf %sub3A_1233 : vector<16xf32>
        %mul3A_1235 = vector.broadcast %squeeze3A_1228 : f32 to vector<16xf32>
        %mul3A_1236 = arith.mulf %abs3A_1234, %mul3A_1235 : vector<16xf32>
        %bitcast3A_1237 = vector.bitcast %mul3A_1236 : vector<16xf32> to vector<16xi32>
        %add3A_1238 = arith.constant 32768 : i32
        %add3A_1239 = vector.broadcast %add3A_1238 : i32 to vector<16xi32>
        %add3A_1240 = arith.addi %bitcast3A_1237, %add3A_1239 : vector<16xi32>
        %and3A_1241 = arith.constant -65536 : i32
        %and3A_1242 = vector.broadcast %and3A_1241 : i32 to vector<16xi32>
        %and3A_1243 = arith.andi %add3A_1240, %and3A_1242 : vector<16xi32>
        %bitcast3A_1244 = vector.bitcast %and3A_1243 : vector<16xi32> to vector<16xf32>
        %mul3A_1245 = arith.mulf %bitcast3A_1244, %bitcast3A_15 : vector<16xf32>
        %add3A_1246 = arith.addf %broadcast_in_dim3A_1230, %mul3A_1245 : vector<16xf32>
        %gather3A_1247 = tpu.vector_load_idx %arg12[%broadcast_in_dim3A_1226, %add3A_140] : memref<240x128xf32, #tpu.memory_space<vmem>>[vector<16xi32>, vector<16xi32>], vector<16xf32>,
        %gather3A_1248 = tpu.vector_load_idx %arg13[%broadcast_in_dim3A_1226, %add3A_140] : memref<240x128xf32, #tpu.memory_space<vmem>>[vector<16xi32>, vector<16xi32>], vector<16xf32>,
        %sub3A_1249 = arith.subf %gather3A_1247, %gather3A_1248 : vector<16xf32>
        %abs3A_1250 = math.absf %sub3A_1249 : vector<16xf32>
        %mul3A_1251 = vector.broadcast %squeeze3A_1228 : f32 to vector<16xf32>
        %mul3A_1252 = arith.mulf %abs3A_1250, %mul3A_1251 : vector<16xf32>
        %bitcast3A_1253 = vector.bitcast %mul3A_1252 : vector<16xf32> to vector<16xi32>
        %add3A_1254 = arith.constant 32768 : i32
        %add3A_1255 = vector.broadcast %add3A_1254 : i32 to vector<16xi32>
        %add3A_1256 = arith.addi %bitcast3A_1253, %add3A_1255 : vector<16xi32>
        %and3A_1257 = arith.constant -65536 : i32
        %and3A_1258 = vector.broadcast %and3A_1257 : i32 to vector<16xi32>
        %and3A_1259 = arith.andi %add3A_1256, %and3A_1258 : vector<16xi32>
        %bitcast3A_1260 = vector.bitcast %and3A_1259 : vector<16xi32> to vector<16xf32>
        %mul3A_1261 = arith.mulf %bitcast3A_1260, %bitcast3A_32 : vector<16xf32>
        %add3A_1262 = arith.addf %add3A_1246, %mul3A_1261 : vector<16xf32>
        %gather3A_1263 = tpu.vector_load_idx %arg12[%broadcast_in_dim3A_1226, %add3A_143] : memref<240x128xf32, #tpu.memory_space<vmem>>[vector<16xi32>, vector<16xi32>], vector<16xf32>,
        %gather3A_1264 = tpu.vector_load_idx %arg13[%broadcast_in_dim3A_1226, %add3A_143] : memref<240x128xf32, #tpu.memory_space<vmem>>[vector<16xi32>, vector<16xi32>], vector<16xf32>,
        %sub3A_1265 = arith.subf %gather3A_1263, %gather3A_1264 : vector<16xf32>
        %abs3A_1266 = math.absf %sub3A_1265 : vector<16xf32>
        %mul3A_1267 = vector.broadcast %squeeze3A_1228 : f32 to vector<16xf32>
        %mul3A_1268 = arith.mulf %abs3A_1266, %mul3A_1267 : vector<16xf32>
        %bitcast3A_1269 = vector.bitcast %mul3A_1268 : vector<16xf32> to vector<16xi32>
        %add3A_1270 = arith.constant 32768 : i32
        %add3A_1271 = vector.broadcast %add3A_1270 : i32 to vector<16xi32>
        %add3A_1272 = arith.addi %bitcast3A_1269, %add3A_1271 : vector<16xi32>
        %and3A_1273 = arith.constant -65536 : i32
        %and3A_1274 = vector.broadcast %and3A_1273 : i32 to vector<16xi32>
        %and3A_1275 = arith.andi %add3A_1272, %and3A_1274 : vector<16xi32>
        %bitcast3A_1276 = vector.bitcast %and3A_1275 : vector<16xi32> to vector<16xf32>
        %mul3A_1277 = arith.mulf %bitcast3A_1276, %bitcast3A_49 : vector<16xf32>
        %add3A_1278 = arith.addf %add3A_1262, %mul3A_1277 : vector<16xf32>
        %gather3A_1279 = tpu.vector_load_idx %arg12[%broadcast_in_dim3A_1226, %add3A_146] : memref<240x128xf32, #tpu.memory_space<vmem>>[vector<16xi32>, vector<16xi32>], vector<16xf32>,
        %gather3A_1280 = tpu.vector_load_idx %arg13[%broadcast_in_dim3A_1226, %add3A_146] : memref<240x128xf32, #tpu.memory_space<vmem>>[vector<16xi32>, vector<16xi32>], vector<16xf32>,
        %sub3A_1281 = arith.subf %gather3A_1279, %gather3A_1280 : vector<16xf32>
        %abs3A_1282 = math.absf %sub3A_1281 : vector<16xf32>
        %mul3A_1283 = vector.broadcast %squeeze3A_1228 : f32 to vector<16xf32>
        %mul3A_1284 = arith.mulf %abs3A_1282, %mul3A_1283 : vector<16xf32>
        %bitcast3A_1285 = vector.bitcast %mul3A_1284 : vector<16xf32> to vector<16xi32>
        %add3A_1286 = arith.constant 32768 : i32
        %add3A_1287 = vector.broadcast %add3A_1286 : i32 to vector<16xi32>
        %add3A_1288 = arith.addi %bitcast3A_1285, %add3A_1287 : vector<16xi32>
        %and3A_1289 = arith.constant -65536 : i32
        %and3A_1290 = vector.broadcast %and3A_1289 : i32 to vector<16xi32>
        %and3A_1291 = arith.andi %add3A_1288, %and3A_1290 : vector<16xi32>
        %bitcast3A_1292 = vector.bitcast %and3A_1291 : vector<16xi32> to vector<16xf32>
        %mul3A_1293 = arith.mulf %bitcast3A_1292, %bitcast3A_66 : vector<16xf32>
        %add3A_1294 = arith.addf %add3A_1278, %mul3A_1293 : vector<16xf32>
        %gather3A_1295 = tpu.vector_load_idx %arg12[%broadcast_in_dim3A_1226, %add3A_149] : memref<240x128xf32, #tpu.memory_space<vmem>>[vector<16xi32>, vector<16xi32>], vector<16xf32>,
        %gather3A_1296 = tpu.vector_load_idx %arg13[%broadcast_in_dim3A_1226, %add3A_149] : memref<240x128xf32, #tpu.memory_space<vmem>>[vector<16xi32>, vector<16xi32>], vector<16xf32>,
        %sub3A_1297 = arith.subf %gather3A_1295, %gather3A_1296 : vector<16xf32>
        %abs3A_1298 = math.absf %sub3A_1297 : vector<16xf32>
        %mul3A_1299 = vector.broadcast %squeeze3A_1228 : f32 to vector<16xf32>
        %mul3A_1300 = arith.mulf %abs3A_1298, %mul3A_1299 : vector<16xf32>
        %bitcast3A_1301 = vector.bitcast %mul3A_1300 : vector<16xf32> to vector<16xi32>
        %add3A_1302 = arith.constant 32768 : i32
        %add3A_1303 = vector.broadcast %add3A_1302 : i32 to vector<16xi32>
        %add3A_1304 = arith.addi %bitcast3A_1301, %add3A_1303 : vector<16xi32>
        %and3A_1305 = arith.constant -65536 : i32
        %and3A_1306 = vector.broadcast %and3A_1305 : i32 to vector<16xi32>
        %and3A_1307 = arith.andi %add3A_1304, %and3A_1306 : vector<16xi32>
        %bitcast3A_1308 = vector.bitcast %and3A_1307 : vector<16xi32> to vector<16xf32>
        %mul3A_1309 = arith.mulf %bitcast3A_1308, %bitcast3A_83 : vector<16xf32>
        %add3A_1310 = arith.addf %add3A_1294, %mul3A_1309 : vector<16xf32>
        %gather3A_1311 = tpu.vector_load_idx %arg12[%broadcast_in_dim3A_1226, %add3A_152] : memref<240x128xf32, #tpu.memory_space<vmem>>[vector<16xi32>, vector<16xi32>], vector<16xf32>,
        %gather3A_1312 = tpu.vector_load_idx %arg13[%broadcast_in_dim3A_1226, %add3A_152] : memref<240x128xf32, #tpu.memory_space<vmem>>[vector<16xi32>, vector<16xi32>], vector<16xf32>,
        %sub3A_1313 = arith.subf %gather3A_1311, %gather3A_1312 : vector<16xf32>
        %abs3A_1314 = math.absf %sub3A_1313 : vector<16xf32>
        %mul3A_1315 = vector.broadcast %squeeze3A_1228 : f32 to vector<16xf32>
        %mul3A_1316 = arith.mulf %abs3A_1314, %mul3A_1315 : vector<16xf32>
        %bitcast3A_1317 = vector.bitcast %mul3A_1316 : vector<16xf32> to vector<16xi32>
        %add3A_1318 = arith.constant 32768 : i32
        %add3A_1319 = vector.broadcast %add3A_1318 : i32 to vector<16xi32>
        %add3A_1320 = arith.addi %bitcast3A_1317, %add3A_1319 : vector<16xi32>
        %and3A_1321 = arith.constant -65536 : i32
        %and3A_1322 = vector.broadcast %and3A_1321 : i32 to vector<16xi32>
        %and3A_1323 = arith.andi %add3A_1320, %and3A_1322 : vector<16xi32>
        %bitcast3A_1324 = vector.bitcast %and3A_1323 : vector<16xi32> to vector<16xf32>
        %mul3A_1325 = arith.mulf %bitcast3A_1324, %bitcast3A_100 : vector<16xf32>
        %add3A_1326 = arith.addf %add3A_1310, %mul3A_1325 : vector<16xf32>
        %gather3A_1327 = tpu.vector_load_idx %arg12[%broadcast_in_dim3A_1226, %add3A_155] : memref<240x128xf32, #tpu.memory_space<vmem>>[vector<16xi32>, vector<16xi32>], vector<16xf32>,
        %gather3A_1328 = tpu.vector_load_idx %arg13[%broadcast_in_dim3A_1226, %add3A_155] : memref<240x128xf32, #tpu.memory_space<vmem>>[vector<16xi32>, vector<16xi32>], vector<16xf32>,
        %sub3A_1329 = arith.subf %gather3A_1327, %gather3A_1328 : vector<16xf32>
        %abs3A_1330 = math.absf %sub3A_1329 : vector<16xf32>
        %mul3A_1331 = vector.broadcast %squeeze3A_1228 : f32 to vector<16xf32>
        %mul3A_1332 = arith.mulf %abs3A_1330, %mul3A_1331 : vector<16xf32>
        %bitcast3A_1333 = vector.bitcast %mul3A_1332 : vector<16xf32> to vector<16xi32>
        %add3A_1334 = arith.constant 32768 : i32
        %add3A_1335 = vector.broadcast %add3A_1334 : i32 to vector<16xi32>
        %add3A_1336 = arith.addi %bitcast3A_1333, %add3A_1335 : vector<16xi32>
        %and3A_1337 = arith.constant -65536 : i32
        %and3A_1338 = vector.broadcast %and3A_1337 : i32 to vector<16xi32>
        %and3A_1339 = arith.andi %add3A_1336, %and3A_1338 : vector<16xi32>
        %bitcast3A_1340 = vector.bitcast %and3A_1339 : vector<16xi32> to vector<16xf32>
        %mul3A_1341 = arith.mulf %bitcast3A_1340, %bitcast3A_117 : vector<16xf32>
        %add3A_1342 = arith.addf %add3A_1326, %mul3A_1341 : vector<16xf32>
        %gather3A_1343 = tpu.vector_load_idx %arg12[%broadcast_in_dim3A_1226, %add3A_158] : memref<240x128xf32, #tpu.memory_space<vmem>>[vector<16xi32>, vector<16xi32>], vector<16xf32>,
        %gather3A_1344 = tpu.vector_load_idx %arg13[%broadcast_in_dim3A_1226, %add3A_158] : memref<240x128xf32, #tpu.memory_space<vmem>>[vector<16xi32>, vector<16xi32>], vector<16xf32>,
        %sub3A_1345 = arith.subf %gather3A_1343, %gather3A_1344 : vector<16xf32>
        %abs3A_1346 = math.absf %sub3A_1345 : vector<16xf32>
        %mul3A_1347 = vector.broadcast %squeeze3A_1228 : f32 to vector<16xf32>
        %mul3A_1348 = arith.mulf %abs3A_1346, %mul3A_1347 : vector<16xf32>
        %bitcast3A_1349 = vector.bitcast %mul3A_1348 : vector<16xf32> to vector<16xi32>
        %add3A_1350 = arith.constant 32768 : i32
        %add3A_1351 = vector.broadcast %add3A_1350 : i32 to vector<16xi32>
        %add3A_1352 = arith.addi %bitcast3A_1349, %add3A_1351 : vector<16xi32>
        %and3A_1353 = arith.constant -65536 : i32
        %and3A_1354 = vector.broadcast %and3A_1353 : i32 to vector<16xi32>
        %and3A_1355 = arith.andi %add3A_1352, %and3A_1354 : vector<16xi32>
        %bitcast3A_1356 = vector.bitcast %and3A_1355 : vector<16xi32> to vector<16xf32>
        %mul3A_1357 = arith.mulf %bitcast3A_1356, %bitcast3A_134 : vector<16xf32>
        %add3A_1358 = arith.addf %add3A_1342, %mul3A_1357 : vector<16xf32>
        %swap3A_1359 = arith.constant 119 : index
        %swap3A_1360 = tpu.vector_load %arg17[%swap3A_1359] {strides = array<i32>} : memref<272xf32, #tpu.memory_space<vmem>>, vector<16xf32>,
        tpu.vector_store %arg17[%swap3A_1359], %add3A_1358 {strides = array<i32>} : memref<272xf32, #tpu.memory_space<vmem>>, vector<16xf32>,
        %add3A_1361 = arith.constant 8 : i32
        %add3A_1362 = arith.addi %add3A_257, %add3A_1361 : i32
        %broadcast_in_dim3A_1363 = vector.broadcast %add3A_1362 : i32 to vector<16xi32>
        %slice3A_1364 = vector.extract_strided_slice %abs3A {offsets = [8], sizes = [1], strides = [1]} : vector<16xf32> to vector<1xf32>
        %squeeze3A_1365 = vector.extract %slice3A_1364[0] : f32 from vector<1xf32>
        %broadcast_in_dim3A_1366 = arith.constant 0.000000e+00 : f32
        %broadcast_in_dim3A_1367 = vector.broadcast %broadcast_in_dim3A_1366 : f32 to vector<16xf32>
        %gather3A_1368 = tpu.vector_load_idx %arg12[%broadcast_in_dim3A_1363, %add3A_137] : memref<240x128xf32, #tpu.memory_space<vmem>>[vector<16xi32>, vector<16xi32>], vector<16xf32>,
        %gather3A_1369 = tpu.vector_load_idx %arg13[%broadcast_in_dim3A_1363, %add3A_137] : memref<240x128xf32, #tpu.memory_space<vmem>>[vector<16xi32>, vector<16xi32>], vector<16xf32>,
        %sub3A_1370 = arith.subf %gather3A_1368, %gather3A_1369 : vector<16xf32>
        %abs3A_1371 = math.absf %sub3A_1370 : vector<16xf32>
        %mul3A_1372 = vector.broadcast %squeeze3A_1365 : f32 to vector<16xf32>
        %mul3A_1373 = arith.mulf %abs3A_1371, %mul3A_1372 : vector<16xf32>
        %bitcast3A_1374 = vector.bitcast %mul3A_1373 : vector<16xf32> to vector<16xi32>
        %add3A_1375 = arith.constant 32768 : i32
        %add3A_1376 = vector.broadcast %add3A_1375 : i32 to vector<16xi32>
        %add3A_1377 = arith.addi %bitcast3A_1374, %add3A_1376 : vector<16xi32>
        %and3A_1378 = arith.constant -65536 : i32
        %and3A_1379 = vector.broadcast %and3A_1378 : i32 to vector<16xi32>
        %and3A_1380 = arith.andi %add3A_1377, %and3A_1379 : vector<16xi32>
        %bitcast3A_1381 = vector.bitcast %and3A_1380 : vector<16xi32> to vector<16xf32>
        %mul3A_1382 = arith.mulf %bitcast3A_1381, %bitcast3A_15 : vector<16xf32>
        %add3A_1383 = arith.addf %broadcast_in_dim3A_1367, %mul3A_1382 : vector<16xf32>
        %gather3A_1384 = tpu.vector_load_idx %arg12[%broadcast_in_dim3A_1363, %add3A_140] : memref<240x128xf32, #tpu.memory_space<vmem>>[vector<16xi32>, vector<16xi32>], vector<16xf32>,
        %gather3A_1385 = tpu.vector_load_idx %arg13[%broadcast_in_dim3A_1363, %add3A_140] : memref<240x128xf32, #tpu.memory_space<vmem>>[vector<16xi32>, vector<16xi32>], vector<16xf32>,
        %sub3A_1386 = arith.subf %gather3A_1384, %gather3A_1385 : vector<16xf32>
        %abs3A_1387 = math.absf %sub3A_1386 : vector<16xf32>
        %mul3A_1388 = vector.broadcast %squeeze3A_1365 : f32 to vector<16xf32>
        %mul3A_1389 = arith.mulf %abs3A_1387, %mul3A_1388 : vector<16xf32>
        %bitcast3A_1390 = vector.bitcast %mul3A_1389 : vector<16xf32> to vector<16xi32>
        %add3A_1391 = arith.constant 32768 : i32
        %add3A_1392 = vector.broadcast %add3A_1391 : i32 to vector<16xi32>
        %add3A_1393 = arith.addi %bitcast3A_1390, %add3A_1392 : vector<16xi32>
        %and3A_1394 = arith.constant -65536 : i32
        %and3A_1395 = vector.broadcast %and3A_1394 : i32 to vector<16xi32>
        %and3A_1396 = arith.andi %add3A_1393, %and3A_1395 : vector<16xi32>
        %bitcast3A_1397 = vector.bitcast %and3A_1396 : vector<16xi32> to vector<16xf32>
        %mul3A_1398 = arith.mulf %bitcast3A_1397, %bitcast3A_32 : vector<16xf32>
        %add3A_1399 = arith.addf %add3A_1383, %mul3A_1398 : vector<16xf32>
        %gather3A_1400 = tpu.vector_load_idx %arg12[%broadcast_in_dim3A_1363, %add3A_143] : memref<240x128xf32, #tpu.memory_space<vmem>>[vector<16xi32>, vector<16xi32>], vector<16xf32>,
        %gather3A_1401 = tpu.vector_load_idx %arg13[%broadcast_in_dim3A_1363, %add3A_143] : memref<240x128xf32, #tpu.memory_space<vmem>>[vector<16xi32>, vector<16xi32>], vector<16xf32>,
        %sub3A_1402 = arith.subf %gather3A_1400, %gather3A_1401 : vector<16xf32>
        %abs3A_1403 = math.absf %sub3A_1402 : vector<16xf32>
        %mul3A_1404 = vector.broadcast %squeeze3A_1365 : f32 to vector<16xf32>
        %mul3A_1405 = arith.mulf %abs3A_1403, %mul3A_1404 : vector<16xf32>
        %bitcast3A_1406 = vector.bitcast %mul3A_1405 : vector<16xf32> to vector<16xi32>
        %add3A_1407 = arith.constant 32768 : i32
        %add3A_1408 = vector.broadcast %add3A_1407 : i32 to vector<16xi32>
        %add3A_1409 = arith.addi %bitcast3A_1406, %add3A_1408 : vector<16xi32>
        %and3A_1410 = arith.constant -65536 : i32
        %and3A_1411 = vector.broadcast %and3A_1410 : i32 to vector<16xi32>
        %and3A_1412 = arith.andi %add3A_1409, %and3A_1411 : vector<16xi32>
        %bitcast3A_1413 = vector.bitcast %and3A_1412 : vector<16xi32> to vector<16xf32>
        %mul3A_1414 = arith.mulf %bitcast3A_1413, %bitcast3A_49 : vector<16xf32>
        %add3A_1415 = arith.addf %add3A_1399, %mul3A_1414 : vector<16xf32>
        %gather3A_1416 = tpu.vector_load_idx %arg12[%broadcast_in_dim3A_1363, %add3A_146] : memref<240x128xf32, #tpu.memory_space<vmem>>[vector<16xi32>, vector<16xi32>], vector<16xf32>,
        %gather3A_1417 = tpu.vector_load_idx %arg13[%broadcast_in_dim3A_1363, %add3A_146] : memref<240x128xf32, #tpu.memory_space<vmem>>[vector<16xi32>, vector<16xi32>], vector<16xf32>,
        %sub3A_1418 = arith.subf %gather3A_1416, %gather3A_1417 : vector<16xf32>
        %abs3A_1419 = math.absf %sub3A_1418 : vector<16xf32>
        %mul3A_1420 = vector.broadcast %squeeze3A_1365 : f32 to vector<16xf32>
        %mul3A_1421 = arith.mulf %abs3A_1419, %mul3A_1420 : vector<16xf32>
        %bitcast3A_1422 = vector.bitcast %mul3A_1421 : vector<16xf32> to vector<16xi32>
        %add3A_1423 = arith.constant 32768 : i32
        %add3A_1424 = vector.broadcast %add3A_1423 : i32 to vector<16xi32>
        %add3A_1425 = arith.addi %bitcast3A_1422, %add3A_1424 : vector<16xi32>
        %and3A_1426 = arith.constant -65536 : i32
        %and3A_1427 = vector.broadcast %and3A_1426 : i32 to vector<16xi32>
        %and3A_1428 = arith.andi %add3A_1425, %and3A_1427 : vector<16xi32>
        %bitcast3A_1429 = vector.bitcast %and3A_1428 : vector<16xi32> to vector<16xf32>
        %mul3A_1430 = arith.mulf %bitcast3A_1429, %bitcast3A_66 : vector<16xf32>
        %add3A_1431 = arith.addf %add3A_1415, %mul3A_1430 : vector<16xf32>
        %gather3A_1432 = tpu.vector_load_idx %arg12[%broadcast_in_dim3A_1363, %add3A_149] : memref<240x128xf32, #tpu.memory_space<vmem>>[vector<16xi32>, vector<16xi32>], vector<16xf32>,
        %gather3A_1433 = tpu.vector_load_idx %arg13[%broadcast_in_dim3A_1363, %add3A_149] : memref<240x128xf32, #tpu.memory_space<vmem>>[vector<16xi32>, vector<16xi32>], vector<16xf32>,
        %sub3A_1434 = arith.subf %gather3A_1432, %gather3A_1433 : vector<16xf32>
        %abs3A_1435 = math.absf %sub3A_1434 : vector<16xf32>
        %mul3A_1436 = vector.broadcast %squeeze3A_1365 : f32 to vector<16xf32>
        %mul3A_1437 = arith.mulf %abs3A_1435, %mul3A_1436 : vector<16xf32>
        %bitcast3A_1438 = vector.bitcast %mul3A_1437 : vector<16xf32> to vector<16xi32>
        %add3A_1439 = arith.constant 32768 : i32
        %add3A_1440 = vector.broadcast %add3A_1439 : i32 to vector<16xi32>
        %add3A_1441 = arith.addi %bitcast3A_1438, %add3A_1440 : vector<16xi32>
        %and3A_1442 = arith.constant -65536 : i32
        %and3A_1443 = vector.broadcast %and3A_1442 : i32 to vector<16xi32>
        %and3A_1444 = arith.andi %add3A_1441, %and3A_1443 : vector<16xi32>
        %bitcast3A_1445 = vector.bitcast %and3A_1444 : vector<16xi32> to vector<16xf32>
        %mul3A_1446 = arith.mulf %bitcast3A_1445, %bitcast3A_83 : vector<16xf32>
        %add3A_1447 = arith.addf %add3A_1431, %mul3A_1446 : vector<16xf32>
        %gather3A_1448 = tpu.vector_load_idx %arg12[%broadcast_in_dim3A_1363, %add3A_152] : memref<240x128xf32, #tpu.memory_space<vmem>>[vector<16xi32>, vector<16xi32>], vector<16xf32>,
        %gather3A_1449 = tpu.vector_load_idx %arg13[%broadcast_in_dim3A_1363, %add3A_152] : memref<240x128xf32, #tpu.memory_space<vmem>>[vector<16xi32>, vector<16xi32>], vector<16xf32>,
        %sub3A_1450 = arith.subf %gather3A_1448, %gather3A_1449 : vector<16xf32>
        %abs3A_1451 = math.absf %sub3A_1450 : vector<16xf32>
        %mul3A_1452 = vector.broadcast %squeeze3A_1365 : f32 to vector<16xf32>
        %mul3A_1453 = arith.mulf %abs3A_1451, %mul3A_1452 : vector<16xf32>
        %bitcast3A_1454 = vector.bitcast %mul3A_1453 : vector<16xf32> to vector<16xi32>
        %add3A_1455 = arith.constant 32768 : i32
        %add3A_1456 = vector.broadcast %add3A_1455 : i32 to vector<16xi32>
        %add3A_1457 = arith.addi %bitcast3A_1454, %add3A_1456 : vector<16xi32>
        %and3A_1458 = arith.constant -65536 : i32
        %and3A_1459 = vector.broadcast %and3A_1458 : i32 to vector<16xi32>
        %and3A_1460 = arith.andi %add3A_1457, %and3A_1459 : vector<16xi32>
        %bitcast3A_1461 = vector.bitcast %and3A_1460 : vector<16xi32> to vector<16xf32>
        %mul3A_1462 = arith.mulf %bitcast3A_1461, %bitcast3A_100 : vector<16xf32>
        %add3A_1463 = arith.addf %add3A_1447, %mul3A_1462 : vector<16xf32>
        %gather3A_1464 = tpu.vector_load_idx %arg12[%broadcast_in_dim3A_1363, %add3A_155] : memref<240x128xf32, #tpu.memory_space<vmem>>[vector<16xi32>, vector<16xi32>], vector<16xf32>,
        %gather3A_1465 = tpu.vector_load_idx %arg13[%broadcast_in_dim3A_1363, %add3A_155] : memref<240x128xf32, #tpu.memory_space<vmem>>[vector<16xi32>, vector<16xi32>], vector<16xf32>,
        %sub3A_1466 = arith.subf %gather3A_1464, %gather3A_1465 : vector<16xf32>
        %abs3A_1467 = math.absf %sub3A_1466 : vector<16xf32>
        %mul3A_1468 = vector.broadcast %squeeze3A_1365 : f32 to vector<16xf32>
        %mul3A_1469 = arith.mulf %abs3A_1467, %mul3A_1468 : vector<16xf32>
        %bitcast3A_1470 = vector.bitcast %mul3A_1469 : vector<16xf32> to vector<16xi32>
        %add3A_1471 = arith.constant 32768 : i32
        %add3A_1472 = vector.broadcast %add3A_1471 : i32 to vector<16xi32>
        %add3A_1473 = arith.addi %bitcast3A_1470, %add3A_1472 : vector<16xi32>
        %and3A_1474 = arith.constant -65536 : i32
        %and3A_1475 = vector.broadcast %and3A_1474 : i32 to vector<16xi32>
        %and3A_1476 = arith.andi %add3A_1473, %and3A_1475 : vector<16xi32>
        %bitcast3A_1477 = vector.bitcast %and3A_1476 : vector<16xi32> to vector<16xf32>
        %mul3A_1478 = arith.mulf %bitcast3A_1477, %bitcast3A_117 : vector<16xf32>
        %add3A_1479 = arith.addf %add3A_1463, %mul3A_1478 : vector<16xf32>
        %gather3A_1480 = tpu.vector_load_idx %arg12[%broadcast_in_dim3A_1363, %add3A_158] : memref<240x128xf32, #tpu.memory_space<vmem>>[vector<16xi32>, vector<16xi32>], vector<16xf32>,
        %gather3A_1481 = tpu.vector_load_idx %arg13[%broadcast_in_dim3A_1363, %add3A_158] : memref<240x128xf32, #tpu.memory_space<vmem>>[vector<16xi32>, vector<16xi32>], vector<16xf32>,
        %sub3A_1482 = arith.subf %gather3A_1480, %gather3A_1481 : vector<16xf32>
        %abs3A_1483 = math.absf %sub3A_1482 : vector<16xf32>
        %mul3A_1484 = vector.broadcast %squeeze3A_1365 : f32 to vector<16xf32>
        %mul3A_1485 = arith.mulf %abs3A_1483, %mul3A_1484 : vector<16xf32>
        %bitcast3A_1486 = vector.bitcast %mul3A_1485 : vector<16xf32> to vector<16xi32>
        %add3A_1487 = arith.constant 32768 : i32
        %add3A_1488 = vector.broadcast %add3A_1487 : i32 to vector<16xi32>
        %add3A_1489 = arith.addi %bitcast3A_1486, %add3A_1488 : vector<16xi32>
        %and3A_1490 = arith.constant -65536 : i32
        %and3A_1491 = vector.broadcast %and3A_1490 : i32 to vector<16xi32>
        %and3A_1492 = arith.andi %add3A_1489, %and3A_1491 : vector<16xi32>
        %bitcast3A_1493 = vector.bitcast %and3A_1492 : vector<16xi32> to vector<16xf32>
        %mul3A_1494 = arith.mulf %bitcast3A_1493, %bitcast3A_134 : vector<16xf32>
        %add3A_1495 = arith.addf %add3A_1479, %mul3A_1494 : vector<16xf32>
        %swap3A_1496 = arith.constant 136 : index
        %swap3A_1497 = tpu.vector_load %arg17[%swap3A_1496] {strides = array<i32>} : memref<272xf32, #tpu.memory_space<vmem>>, vector<16xf32>,
        tpu.vector_store %arg17[%swap3A_1496], %add3A_1495 {strides = array<i32>} : memref<272xf32, #tpu.memory_space<vmem>>, vector<16xf32>,
        %add3A_1498 = arith.constant 9 : i32
        %add3A_1499 = arith.addi %add3A_257, %add3A_1498 : i32
        %broadcast_in_dim3A_1500 = vector.broadcast %add3A_1499 : i32 to vector<16xi32>
        %slice3A_1501 = vector.extract_strided_slice %abs3A {offsets = [9], sizes = [1], strides = [1]} : vector<16xf32> to vector<1xf32>
        %squeeze3A_1502 = vector.extract %slice3A_1501[0] : f32 from vector<1xf32>
        %broadcast_in_dim3A_1503 = arith.constant 0.000000e+00 : f32
        %broadcast_in_dim3A_1504 = vector.broadcast %broadcast_in_dim3A_1503 : f32 to vector<16xf32>
        %gather3A_1505 = tpu.vector_load_idx %arg12[%broadcast_in_dim3A_1500, %add3A_137] : memref<240x128xf32, #tpu.memory_space<vmem>>[vector<16xi32>, vector<16xi32>], vector<16xf32>,
        %gather3A_1506 = tpu.vector_load_idx %arg13[%broadcast_in_dim3A_1500, %add3A_137] : memref<240x128xf32, #tpu.memory_space<vmem>>[vector<16xi32>, vector<16xi32>], vector<16xf32>,
        %sub3A_1507 = arith.subf %gather3A_1505, %gather3A_1506 : vector<16xf32>
        %abs3A_1508 = math.absf %sub3A_1507 : vector<16xf32>
        %mul3A_1509 = vector.broadcast %squeeze3A_1502 : f32 to vector<16xf32>
        %mul3A_1510 = arith.mulf %abs3A_1508, %mul3A_1509 : vector<16xf32>
        %bitcast3A_1511 = vector.bitcast %mul3A_1510 : vector<16xf32> to vector<16xi32>
        %add3A_1512 = arith.constant 32768 : i32
        %add3A_1513 = vector.broadcast %add3A_1512 : i32 to vector<16xi32>
        %add3A_1514 = arith.addi %bitcast3A_1511, %add3A_1513 : vector<16xi32>
        %and3A_1515 = arith.constant -65536 : i32
        %and3A_1516 = vector.broadcast %and3A_1515 : i32 to vector<16xi32>
        %and3A_1517 = arith.andi %add3A_1514, %and3A_1516 : vector<16xi32>
        %bitcast3A_1518 = vector.bitcast %and3A_1517 : vector<16xi32> to vector<16xf32>
        %mul3A_1519 = arith.mulf %bitcast3A_1518, %bitcast3A_15 : vector<16xf32>
        %add3A_1520 = arith.addf %broadcast_in_dim3A_1504, %mul3A_1519 : vector<16xf32>
        %gather3A_1521 = tpu.vector_load_idx %arg12[%broadcast_in_dim3A_1500, %add3A_140] : memref<240x128xf32, #tpu.memory_space<vmem>>[vector<16xi32>, vector<16xi32>], vector<16xf32>,
        %gather3A_1522 = tpu.vector_load_idx %arg13[%broadcast_in_dim3A_1500, %add3A_140] : memref<240x128xf32, #tpu.memory_space<vmem>>[vector<16xi32>, vector<16xi32>], vector<16xf32>,
        %sub3A_1523 = arith.subf %gather3A_1521, %gather3A_1522 : vector<16xf32>
        %abs3A_1524 = math.absf %sub3A_1523 : vector<16xf32>
        %mul3A_1525 = vector.broadcast %squeeze3A_1502 : f32 to vector<16xf32>
        %mul3A_1526 = arith.mulf %abs3A_1524, %mul3A_1525 : vector<16xf32>
        %bitcast3A_1527 = vector.bitcast %mul3A_1526 : vector<16xf32> to vector<16xi32>
        %add3A_1528 = arith.constant 32768 : i32
        %add3A_1529 = vector.broadcast %add3A_1528 : i32 to vector<16xi32>
        %add3A_1530 = arith.addi %bitcast3A_1527, %add3A_1529 : vector<16xi32>
        %and3A_1531 = arith.constant -65536 : i32
        %and3A_1532 = vector.broadcast %and3A_1531 : i32 to vector<16xi32>
        %and3A_1533 = arith.andi %add3A_1530, %and3A_1532 : vector<16xi32>
        %bitcast3A_1534 = vector.bitcast %and3A_1533 : vector<16xi32> to vector<16xf32>
        %mul3A_1535 = arith.mulf %bitcast3A_1534, %bitcast3A_32 : vector<16xf32>
        %add3A_1536 = arith.addf %add3A_1520, %mul3A_1535 : vector<16xf32>
        %gather3A_1537 = tpu.vector_load_idx %arg12[%broadcast_in_dim3A_1500, %add3A_143] : memref<240x128xf32, #tpu.memory_space<vmem>>[vector<16xi32>, vector<16xi32>], vector<16xf32>,
        %gather3A_1538 = tpu.vector_load_idx %arg13[%broadcast_in_dim3A_1500, %add3A_143] : memref<240x128xf32, #tpu.memory_space<vmem>>[vector<16xi32>, vector<16xi32>], vector<16xf32>,
        %sub3A_1539 = arith.subf %gather3A_1537, %gather3A_1538 : vector<16xf32>
        %abs3A_1540 = math.absf %sub3A_1539 : vector<16xf32>
        %mul3A_1541 = vector.broadcast %squeeze3A_1502 : f32 to vector<16xf32>
        %mul3A_1542 = arith.mulf %abs3A_1540, %mul3A_1541 : vector<16xf32>
        %bitcast3A_1543 = vector.bitcast %mul3A_1542 : vector<16xf32> to vector<16xi32>
        %add3A_1544 = arith.constant 32768 : i32
        %add3A_1545 = vector.broadcast %add3A_1544 : i32 to vector<16xi32>
        %add3A_1546 = arith.addi %bitcast3A_1543, %add3A_1545 : vector<16xi32>
        %and3A_1547 = arith.constant -65536 : i32
        %and3A_1548 = vector.broadcast %and3A_1547 : i32 to vector<16xi32>
        %and3A_1549 = arith.andi %add3A_1546, %and3A_1548 : vector<16xi32>
        %bitcast3A_1550 = vector.bitcast %and3A_1549 : vector<16xi32> to vector<16xf32>
        %mul3A_1551 = arith.mulf %bitcast3A_1550, %bitcast3A_49 : vector<16xf32>
        %add3A_1552 = arith.addf %add3A_1536, %mul3A_1551 : vector<16xf32>
        %gather3A_1553 = tpu.vector_load_idx %arg12[%broadcast_in_dim3A_1500, %add3A_146] : memref<240x128xf32, #tpu.memory_space<vmem>>[vector<16xi32>, vector<16xi32>], vector<16xf32>,
        %gather3A_1554 = tpu.vector_load_idx %arg13[%broadcast_in_dim3A_1500, %add3A_146] : memref<240x128xf32, #tpu.memory_space<vmem>>[vector<16xi32>, vector<16xi32>], vector<16xf32>,
        %sub3A_1555 = arith.subf %gather3A_1553, %gather3A_1554 : vector<16xf32>
        %abs3A_1556 = math.absf %sub3A_1555 : vector<16xf32>
        %mul3A_1557 = vector.broadcast %squeeze3A_1502 : f32 to vector<16xf32>
        %mul3A_1558 = arith.mulf %abs3A_1556, %mul3A_1557 : vector<16xf32>
        %bitcast3A_1559 = vector.bitcast %mul3A_1558 : vector<16xf32> to vector<16xi32>
        %add3A_1560 = arith.constant 32768 : i32
        %add3A_1561 = vector.broadcast %add3A_1560 : i32 to vector<16xi32>
        %add3A_1562 = arith.addi %bitcast3A_1559, %add3A_1561 : vector<16xi32>
        %and3A_1563 = arith.constant -65536 : i32
        %and3A_1564 = vector.broadcast %and3A_1563 : i32 to vector<16xi32>
        %and3A_1565 = arith.andi %add3A_1562, %and3A_1564 : vector<16xi32>
        %bitcast3A_1566 = vector.bitcast %and3A_1565 : vector<16xi32> to vector<16xf32>
        %mul3A_1567 = arith.mulf %bitcast3A_1566, %bitcast3A_66 : vector<16xf32>
        %add3A_1568 = arith.addf %add3A_1552, %mul3A_1567 : vector<16xf32>
        %gather3A_1569 = tpu.vector_load_idx %arg12[%broadcast_in_dim3A_1500, %add3A_149] : memref<240x128xf32, #tpu.memory_space<vmem>>[vector<16xi32>, vector<16xi32>], vector<16xf32>,
        %gather3A_1570 = tpu.vector_load_idx %arg13[%broadcast_in_dim3A_1500, %add3A_149] : memref<240x128xf32, #tpu.memory_space<vmem>>[vector<16xi32>, vector<16xi32>], vector<16xf32>,
        %sub3A_1571 = arith.subf %gather3A_1569, %gather3A_1570 : vector<16xf32>
        %abs3A_1572 = math.absf %sub3A_1571 : vector<16xf32>
        %mul3A_1573 = vector.broadcast %squeeze3A_1502 : f32 to vector<16xf32>
        %mul3A_1574 = arith.mulf %abs3A_1572, %mul3A_1573 : vector<16xf32>
        %bitcast3A_1575 = vector.bitcast %mul3A_1574 : vector<16xf32> to vector<16xi32>
        %add3A_1576 = arith.constant 32768 : i32
        %add3A_1577 = vector.broadcast %add3A_1576 : i32 to vector<16xi32>
        %add3A_1578 = arith.addi %bitcast3A_1575, %add3A_1577 : vector<16xi32>
        %and3A_1579 = arith.constant -65536 : i32
        %and3A_1580 = vector.broadcast %and3A_1579 : i32 to vector<16xi32>
        %and3A_1581 = arith.andi %add3A_1578, %and3A_1580 : vector<16xi32>
        %bitcast3A_1582 = vector.bitcast %and3A_1581 : vector<16xi32> to vector<16xf32>
        %mul3A_1583 = arith.mulf %bitcast3A_1582, %bitcast3A_83 : vector<16xf32>
        %add3A_1584 = arith.addf %add3A_1568, %mul3A_1583 : vector<16xf32>
        %gather3A_1585 = tpu.vector_load_idx %arg12[%broadcast_in_dim3A_1500, %add3A_152] : memref<240x128xf32, #tpu.memory_space<vmem>>[vector<16xi32>, vector<16xi32>], vector<16xf32>,
        %gather3A_1586 = tpu.vector_load_idx %arg13[%broadcast_in_dim3A_1500, %add3A_152] : memref<240x128xf32, #tpu.memory_space<vmem>>[vector<16xi32>, vector<16xi32>], vector<16xf32>,
        %sub3A_1587 = arith.subf %gather3A_1585, %gather3A_1586 : vector<16xf32>
        %abs3A_1588 = math.absf %sub3A_1587 : vector<16xf32>
        %mul3A_1589 = vector.broadcast %squeeze3A_1502 : f32 to vector<16xf32>
        %mul3A_1590 = arith.mulf %abs3A_1588, %mul3A_1589 : vector<16xf32>
        %bitcast3A_1591 = vector.bitcast %mul3A_1590 : vector<16xf32> to vector<16xi32>
        %add3A_1592 = arith.constant 32768 : i32
        %add3A_1593 = vector.broadcast %add3A_1592 : i32 to vector<16xi32>
        %add3A_1594 = arith.addi %bitcast3A_1591, %add3A_1593 : vector<16xi32>
        %and3A_1595 = arith.constant -65536 : i32
        %and3A_1596 = vector.broadcast %and3A_1595 : i32 to vector<16xi32>
        %and3A_1597 = arith.andi %add3A_1594, %and3A_1596 : vector<16xi32>
        %bitcast3A_1598 = vector.bitcast %and3A_1597 : vector<16xi32> to vector<16xf32>
        %mul3A_1599 = arith.mulf %bitcast3A_1598, %bitcast3A_100 : vector<16xf32>
        %add3A_1600 = arith.addf %add3A_1584, %mul3A_1599 : vector<16xf32>
        %gather3A_1601 = tpu.vector_load_idx %arg12[%broadcast_in_dim3A_1500, %add3A_155] : memref<240x128xf32, #tpu.memory_space<vmem>>[vector<16xi32>, vector<16xi32>], vector<16xf32>,
        %gather3A_1602 = tpu.vector_load_idx %arg13[%broadcast_in_dim3A_1500, %add3A_155] : memref<240x128xf32, #tpu.memory_space<vmem>>[vector<16xi32>, vector<16xi32>], vector<16xf32>,
        %sub3A_1603 = arith.subf %gather3A_1601, %gather3A_1602 : vector<16xf32>
        %abs3A_1604 = math.absf %sub3A_1603 : vector<16xf32>
        %mul3A_1605 = vector.broadcast %squeeze3A_1502 : f32 to vector<16xf32>
        %mul3A_1606 = arith.mulf %abs3A_1604, %mul3A_1605 : vector<16xf32>
        %bitcast3A_1607 = vector.bitcast %mul3A_1606 : vector<16xf32> to vector<16xi32>
        %add3A_1608 = arith.constant 32768 : i32
        %add3A_1609 = vector.broadcast %add3A_1608 : i32 to vector<16xi32>
        %add3A_1610 = arith.addi %bitcast3A_1607, %add3A_1609 : vector<16xi32>
        %and3A_1611 = arith.constant -65536 : i32
        %and3A_1612 = vector.broadcast %and3A_1611 : i32 to vector<16xi32>
        %and3A_1613 = arith.andi %add3A_1610, %and3A_1612 : vector<16xi32>
        %bitcast3A_1614 = vector.bitcast %and3A_1613 : vector<16xi32> to vector<16xf32>
        %mul3A_1615 = arith.mulf %bitcast3A_1614, %bitcast3A_117 : vector<16xf32>
        %add3A_1616 = arith.addf %add3A_1600, %mul3A_1615 : vector<16xf32>
        %gather3A_1617 = tpu.vector_load_idx %arg12[%broadcast_in_dim3A_1500, %add3A_158] : memref<240x128xf32, #tpu.memory_space<vmem>>[vector<16xi32>, vector<16xi32>], vector<16xf32>,
        %gather3A_1618 = tpu.vector_load_idx %arg13[%broadcast_in_dim3A_1500, %add3A_158] : memref<240x128xf32, #tpu.memory_space<vmem>>[vector<16xi32>, vector<16xi32>], vector<16xf32>,
        %sub3A_1619 = arith.subf %gather3A_1617, %gather3A_1618 : vector<16xf32>
        %abs3A_1620 = math.absf %sub3A_1619 : vector<16xf32>
        %mul3A_1621 = vector.broadcast %squeeze3A_1502 : f32 to vector<16xf32>
        %mul3A_1622 = arith.mulf %abs3A_1620, %mul3A_1621 : vector<16xf32>
        %bitcast3A_1623 = vector.bitcast %mul3A_1622 : vector<16xf32> to vector<16xi32>
        %add3A_1624 = arith.constant 32768 : i32
        %add3A_1625 = vector.broadcast %add3A_1624 : i32 to vector<16xi32>
        %add3A_1626 = arith.addi %bitcast3A_1623, %add3A_1625 : vector<16xi32>
        %and3A_1627 = arith.constant -65536 : i32
        %and3A_1628 = vector.broadcast %and3A_1627 : i32 to vector<16xi32>
        %and3A_1629 = arith.andi %add3A_1626, %and3A_1628 : vector<16xi32>
        %bitcast3A_1630 = vector.bitcast %and3A_1629 : vector<16xi32> to vector<16xf32>
        %mul3A_1631 = arith.mulf %bitcast3A_1630, %bitcast3A_134 : vector<16xf32>
        %add3A_1632 = arith.addf %add3A_1616, %mul3A_1631 : vector<16xf32>
        %swap3A_1633 = arith.constant 153 : index
        %swap3A_1634 = tpu.vector_load %arg17[%swap3A_1633] {strides = array<i32>} : memref<272xf32, #tpu.memory_space<vmem>>, vector<16xf32>,
        tpu.vector_store %arg17[%swap3A_1633], %add3A_1632 {strides = array<i32>} : memref<272xf32, #tpu.memory_space<vmem>>, vector<16xf32>,
        %add3A_1635 = arith.constant 10 : i32
        %add3A_1636 = arith.addi %add3A_257, %add3A_1635 : i32
        %broadcast_in_dim3A_1637 = vector.broadcast %add3A_1636 : i32 to vector<16xi32>
        %slice3A_1638 = vector.extract_strided_slice %abs3A {offsets = [10], sizes = [1], strides = [1]} : vector<16xf32> to vector<1xf32>
        %squeeze3A_1639 = vector.extract %slice3A_1638[0] : f32 from vector<1xf32>
        %broadcast_in_dim3A_1640 = arith.constant 0.000000e+00 : f32
        %broadcast_in_dim3A_1641 = vector.broadcast %broadcast_in_dim3A_1640 : f32 to vector<16xf32>
        %gather3A_1642 = tpu.vector_load_idx %arg12[%broadcast_in_dim3A_1637, %add3A_137] : memref<240x128xf32, #tpu.memory_space<vmem>>[vector<16xi32>, vector<16xi32>], vector<16xf32>,
        %gather3A_1643 = tpu.vector_load_idx %arg13[%broadcast_in_dim3A_1637, %add3A_137] : memref<240x128xf32, #tpu.memory_space<vmem>>[vector<16xi32>, vector<16xi32>], vector<16xf32>,
        %sub3A_1644 = arith.subf %gather3A_1642, %gather3A_1643 : vector<16xf32>
        %abs3A_1645 = math.absf %sub3A_1644 : vector<16xf32>
        %mul3A_1646 = vector.broadcast %squeeze3A_1639 : f32 to vector<16xf32>
        %mul3A_1647 = arith.mulf %abs3A_1645, %mul3A_1646 : vector<16xf32>
        %bitcast3A_1648 = vector.bitcast %mul3A_1647 : vector<16xf32> to vector<16xi32>
        %add3A_1649 = arith.constant 32768 : i32
        %add3A_1650 = vector.broadcast %add3A_1649 : i32 to vector<16xi32>
        %add3A_1651 = arith.addi %bitcast3A_1648, %add3A_1650 : vector<16xi32>
        %and3A_1652 = arith.constant -65536 : i32
        %and3A_1653 = vector.broadcast %and3A_1652 : i32 to vector<16xi32>
        %and3A_1654 = arith.andi %add3A_1651, %and3A_1653 : vector<16xi32>
        %bitcast3A_1655 = vector.bitcast %and3A_1654 : vector<16xi32> to vector<16xf32>
        %mul3A_1656 = arith.mulf %bitcast3A_1655, %bitcast3A_15 : vector<16xf32>
        %add3A_1657 = arith.addf %broadcast_in_dim3A_1641, %mul3A_1656 : vector<16xf32>
        %gather3A_1658 = tpu.vector_load_idx %arg12[%broadcast_in_dim3A_1637, %add3A_140] : memref<240x128xf32, #tpu.memory_space<vmem>>[vector<16xi32>, vector<16xi32>], vector<16xf32>,
        %gather3A_1659 = tpu.vector_load_idx %arg13[%broadcast_in_dim3A_1637, %add3A_140] : memref<240x128xf32, #tpu.memory_space<vmem>>[vector<16xi32>, vector<16xi32>], vector<16xf32>,
        %sub3A_1660 = arith.subf %gather3A_1658, %gather3A_1659 : vector<16xf32>
        %abs3A_1661 = math.absf %sub3A_1660 : vector<16xf32>
        %mul3A_1662 = vector.broadcast %squeeze3A_1639 : f32 to vector<16xf32>
        %mul3A_1663 = arith.mulf %abs3A_1661, %mul3A_1662 : vector<16xf32>
        %bitcast3A_1664 = vector.bitcast %mul3A_1663 : vector<16xf32> to vector<16xi32>
        %add3A_1665 = arith.constant 32768 : i32
        %add3A_1666 = vector.broadcast %add3A_1665 : i32 to vector<16xi32>
        %add3A_1667 = arith.addi %bitcast3A_1664, %add3A_1666 : vector<16xi32>
        %and3A_1668 = arith.constant -65536 : i32
        %and3A_1669 = vector.broadcast %and3A_1668 : i32 to vector<16xi32>
        %and3A_1670 = arith.andi %add3A_1667, %and3A_1669 : vector<16xi32>
        %bitcast3A_1671 = vector.bitcast %and3A_1670 : vector<16xi32> to vector<16xf32>
        %mul3A_1672 = arith.mulf %bitcast3A_1671, %bitcast3A_32 : vector<16xf32>
        %add3A_1673 = arith.addf %add3A_1657, %mul3A_1672 : vector<16xf32>
        %gather3A_1674 = tpu.vector_load_idx %arg12[%broadcast_in_dim3A_1637, %add3A_143] : memref<240x128xf32, #tpu.memory_space<vmem>>[vector<16xi32>, vector<16xi32>], vector<16xf32>,
        %gather3A_1675 = tpu.vector_load_idx %arg13[%broadcast_in_dim3A_1637, %add3A_143] : memref<240x128xf32, #tpu.memory_space<vmem>>[vector<16xi32>, vector<16xi32>], vector<16xf32>,
        %sub3A_1676 = arith.subf %gather3A_1674, %gather3A_1675 : vector<16xf32>
        %abs3A_1677 = math.absf %sub3A_1676 : vector<16xf32>
        %mul3A_1678 = vector.broadcast %squeeze3A_1639 : f32 to vector<16xf32>
        %mul3A_1679 = arith.mulf %abs3A_1677, %mul3A_1678 : vector<16xf32>
        %bitcast3A_1680 = vector.bitcast %mul3A_1679 : vector<16xf32> to vector<16xi32>
        %add3A_1681 = arith.constant 32768 : i32
        %add3A_1682 = vector.broadcast %add3A_1681 : i32 to vector<16xi32>
        %add3A_1683 = arith.addi %bitcast3A_1680, %add3A_1682 : vector<16xi32>
        %and3A_1684 = arith.constant -65536 : i32
        %and3A_1685 = vector.broadcast %and3A_1684 : i32 to vector<16xi32>
        %and3A_1686 = arith.andi %add3A_1683, %and3A_1685 : vector<16xi32>
        %bitcast3A_1687 = vector.bitcast %and3A_1686 : vector<16xi32> to vector<16xf32>
        %mul3A_1688 = arith.mulf %bitcast3A_1687, %bitcast3A_49 : vector<16xf32>
        %add3A_1689 = arith.addf %add3A_1673, %mul3A_1688 : vector<16xf32>
        %gather3A_1690 = tpu.vector_load_idx %arg12[%broadcast_in_dim3A_1637, %add3A_146] : memref<240x128xf32, #tpu.memory_space<vmem>>[vector<16xi32>, vector<16xi32>], vector<16xf32>,
        %gather3A_1691 = tpu.vector_load_idx %arg13[%broadcast_in_dim3A_1637, %add3A_146] : memref<240x128xf32, #tpu.memory_space<vmem>>[vector<16xi32>, vector<16xi32>], vector<16xf32>,
        %sub3A_1692 = arith.subf %gather3A_1690, %gather3A_1691 : vector<16xf32>
        %abs3A_1693 = math.absf %sub3A_1692 : vector<16xf32>
        %mul3A_1694 = vector.broadcast %squeeze3A_1639 : f32 to vector<16xf32>
        %mul3A_1695 = arith.mulf %abs3A_1693, %mul3A_1694 : vector<16xf32>
        %bitcast3A_1696 = vector.bitcast %mul3A_1695 : vector<16xf32> to vector<16xi32>
        %add3A_1697 = arith.constant 32768 : i32
        %add3A_1698 = vector.broadcast %add3A_1697 : i32 to vector<16xi32>
        %add3A_1699 = arith.addi %bitcast3A_1696, %add3A_1698 : vector<16xi32>
        %and3A_1700 = arith.constant -65536 : i32
        %and3A_1701 = vector.broadcast %and3A_1700 : i32 to vector<16xi32>
        %and3A_1702 = arith.andi %add3A_1699, %and3A_1701 : vector<16xi32>
        %bitcast3A_1703 = vector.bitcast %and3A_1702 : vector<16xi32> to vector<16xf32>
        %mul3A_1704 = arith.mulf %bitcast3A_1703, %bitcast3A_66 : vector<16xf32>
        %add3A_1705 = arith.addf %add3A_1689, %mul3A_1704 : vector<16xf32>
        %gather3A_1706 = tpu.vector_load_idx %arg12[%broadcast_in_dim3A_1637, %add3A_149] : memref<240x128xf32, #tpu.memory_space<vmem>>[vector<16xi32>, vector<16xi32>], vector<16xf32>,
        %gather3A_1707 = tpu.vector_load_idx %arg13[%broadcast_in_dim3A_1637, %add3A_149] : memref<240x128xf32, #tpu.memory_space<vmem>>[vector<16xi32>, vector<16xi32>], vector<16xf32>,
        %sub3A_1708 = arith.subf %gather3A_1706, %gather3A_1707 : vector<16xf32>
        %abs3A_1709 = math.absf %sub3A_1708 : vector<16xf32>
        %mul3A_1710 = vector.broadcast %squeeze3A_1639 : f32 to vector<16xf32>
        %mul3A_1711 = arith.mulf %abs3A_1709, %mul3A_1710 : vector<16xf32>
        %bitcast3A_1712 = vector.bitcast %mul3A_1711 : vector<16xf32> to vector<16xi32>
        %add3A_1713 = arith.constant 32768 : i32
        %add3A_1714 = vector.broadcast %add3A_1713 : i32 to vector<16xi32>
        %add3A_1715 = arith.addi %bitcast3A_1712, %add3A_1714 : vector<16xi32>
        %and3A_1716 = arith.constant -65536 : i32
        %and3A_1717 = vector.broadcast %and3A_1716 : i32 to vector<16xi32>
        %and3A_1718 = arith.andi %add3A_1715, %and3A_1717 : vector<16xi32>
        %bitcast3A_1719 = vector.bitcast %and3A_1718 : vector<16xi32> to vector<16xf32>
        %mul3A_1720 = arith.mulf %bitcast3A_1719, %bitcast3A_83 : vector<16xf32>
        %add3A_1721 = arith.addf %add3A_1705, %mul3A_1720 : vector<16xf32>
        %gather3A_1722 = tpu.vector_load_idx %arg12[%broadcast_in_dim3A_1637, %add3A_152] : memref<240x128xf32, #tpu.memory_space<vmem>>[vector<16xi32>, vector<16xi32>], vector<16xf32>,
        %gather3A_1723 = tpu.vector_load_idx %arg13[%broadcast_in_dim3A_1637, %add3A_152] : memref<240x128xf32, #tpu.memory_space<vmem>>[vector<16xi32>, vector<16xi32>], vector<16xf32>,
        %sub3A_1724 = arith.subf %gather3A_1722, %gather3A_1723 : vector<16xf32>
        %abs3A_1725 = math.absf %sub3A_1724 : vector<16xf32>
        %mul3A_1726 = vector.broadcast %squeeze3A_1639 : f32 to vector<16xf32>
        %mul3A_1727 = arith.mulf %abs3A_1725, %mul3A_1726 : vector<16xf32>
        %bitcast3A_1728 = vector.bitcast %mul3A_1727 : vector<16xf32> to vector<16xi32>
        %add3A_1729 = arith.constant 32768 : i32
        %add3A_1730 = vector.broadcast %add3A_1729 : i32 to vector<16xi32>
        %add3A_1731 = arith.addi %bitcast3A_1728, %add3A_1730 : vector<16xi32>
        %and3A_1732 = arith.constant -65536 : i32
        %and3A_1733 = vector.broadcast %and3A_1732 : i32 to vector<16xi32>
        %and3A_1734 = arith.andi %add3A_1731, %and3A_1733 : vector<16xi32>
        %bitcast3A_1735 = vector.bitcast %and3A_1734 : vector<16xi32> to vector<16xf32>
        %mul3A_1736 = arith.mulf %bitcast3A_1735, %bitcast3A_100 : vector<16xf32>
        %add3A_1737 = arith.addf %add3A_1721, %mul3A_1736 : vector<16xf32>
        %gather3A_1738 = tpu.vector_load_idx %arg12[%broadcast_in_dim3A_1637, %add3A_155] : memref<240x128xf32, #tpu.memory_space<vmem>>[vector<16xi32>, vector<16xi32>], vector<16xf32>,
        %gather3A_1739 = tpu.vector_load_idx %arg13[%broadcast_in_dim3A_1637, %add3A_155] : memref<240x128xf32, #tpu.memory_space<vmem>>[vector<16xi32>, vector<16xi32>], vector<16xf32>,
        %sub3A_1740 = arith.subf %gather3A_1738, %gather3A_1739 : vector<16xf32>
        %abs3A_1741 = math.absf %sub3A_1740 : vector<16xf32>
        %mul3A_1742 = vector.broadcast %squeeze3A_1639 : f32 to vector<16xf32>
        %mul3A_1743 = arith.mulf %abs3A_1741, %mul3A_1742 : vector<16xf32>
        %bitcast3A_1744 = vector.bitcast %mul3A_1743 : vector<16xf32> to vector<16xi32>
        %add3A_1745 = arith.constant 32768 : i32
        %add3A_1746 = vector.broadcast %add3A_1745 : i32 to vector<16xi32>
        %add3A_1747 = arith.addi %bitcast3A_1744, %add3A_1746 : vector<16xi32>
        %and3A_1748 = arith.constant -65536 : i32
        %and3A_1749 = vector.broadcast %and3A_1748 : i32 to vector<16xi32>
        %and3A_1750 = arith.andi %add3A_1747, %and3A_1749 : vector<16xi32>
        %bitcast3A_1751 = vector.bitcast %and3A_1750 : vector<16xi32> to vector<16xf32>
        %mul3A_1752 = arith.mulf %bitcast3A_1751, %bitcast3A_117 : vector<16xf32>
        %add3A_1753 = arith.addf %add3A_1737, %mul3A_1752 : vector<16xf32>
        %gather3A_1754 = tpu.vector_load_idx %arg12[%broadcast_in_dim3A_1637, %add3A_158] : memref<240x128xf32, #tpu.memory_space<vmem>>[vector<16xi32>, vector<16xi32>], vector<16xf32>,
        %gather3A_1755 = tpu.vector_load_idx %arg13[%broadcast_in_dim3A_1637, %add3A_158] : memref<240x128xf32, #tpu.memory_space<vmem>>[vector<16xi32>, vector<16xi32>], vector<16xf32>,
        %sub3A_1756 = arith.subf %gather3A_1754, %gather3A_1755 : vector<16xf32>
        %abs3A_1757 = math.absf %sub3A_1756 : vector<16xf32>
        %mul3A_1758 = vector.broadcast %squeeze3A_1639 : f32 to vector<16xf32>
        %mul3A_1759 = arith.mulf %abs3A_1757, %mul3A_1758 : vector<16xf32>
        %bitcast3A_1760 = vector.bitcast %mul3A_1759 : vector<16xf32> to vector<16xi32>
        %add3A_1761 = arith.constant 32768 : i32
        %add3A_1762 = vector.broadcast %add3A_1761 : i32 to vector<16xi32>
        %add3A_1763 = arith.addi %bitcast3A_1760, %add3A_1762 : vector<16xi32>
        %and3A_1764 = arith.constant -65536 : i32
        %and3A_1765 = vector.broadcast %and3A_1764 : i32 to vector<16xi32>
        %and3A_1766 = arith.andi %add3A_1763, %and3A_1765 : vector<16xi32>
        %bitcast3A_1767 = vector.bitcast %and3A_1766 : vector<16xi32> to vector<16xf32>
        %mul3A_1768 = arith.mulf %bitcast3A_1767, %bitcast3A_134 : vector<16xf32>
        %add3A_1769 = arith.addf %add3A_1753, %mul3A_1768 : vector<16xf32>
        %swap3A_1770 = arith.constant 170 : index
        %swap3A_1771 = tpu.vector_load %arg17[%swap3A_1770] {strides = array<i32>} : memref<272xf32, #tpu.memory_space<vmem>>, vector<16xf32>,
        tpu.vector_store %arg17[%swap3A_1770], %add3A_1769 {strides = array<i32>} : memref<272xf32, #tpu.memory_space<vmem>>, vector<16xf32>,
        %add3A_1772 = arith.constant 11 : i32
        %add3A_1773 = arith.addi %add3A_257, %add3A_1772 : i32
        %broadcast_in_dim3A_1774 = vector.broadcast %add3A_1773 : i32 to vector<16xi32>
        %slice3A_1775 = vector.extract_strided_slice %abs3A {offsets = [11], sizes = [1], strides = [1]} : vector<16xf32> to vector<1xf32>
        %squeeze3A_1776 = vector.extract %slice3A_1775[0] : f32 from vector<1xf32>
        %broadcast_in_dim3A_1777 = arith.constant 0.000000e+00 : f32
        %broadcast_in_dim3A_1778 = vector.broadcast %broadcast_in_dim3A_1777 : f32 to vector<16xf32>
        %gather3A_1779 = tpu.vector_load_idx %arg12[%broadcast_in_dim3A_1774, %add3A_137] : memref<240x128xf32, #tpu.memory_space<vmem>>[vector<16xi32>, vector<16xi32>], vector<16xf32>,
        %gather3A_1780 = tpu.vector_load_idx %arg13[%broadcast_in_dim3A_1774, %add3A_137] : memref<240x128xf32, #tpu.memory_space<vmem>>[vector<16xi32>, vector<16xi32>], vector<16xf32>,
        %sub3A_1781 = arith.subf %gather3A_1779, %gather3A_1780 : vector<16xf32>
        %abs3A_1782 = math.absf %sub3A_1781 : vector<16xf32>
        %mul3A_1783 = vector.broadcast %squeeze3A_1776 : f32 to vector<16xf32>
        %mul3A_1784 = arith.mulf %abs3A_1782, %mul3A_1783 : vector<16xf32>
        %bitcast3A_1785 = vector.bitcast %mul3A_1784 : vector<16xf32> to vector<16xi32>
        %add3A_1786 = arith.constant 32768 : i32
        %add3A_1787 = vector.broadcast %add3A_1786 : i32 to vector<16xi32>
        %add3A_1788 = arith.addi %bitcast3A_1785, %add3A_1787 : vector<16xi32>
        %and3A_1789 = arith.constant -65536 : i32
        %and3A_1790 = vector.broadcast %and3A_1789 : i32 to vector<16xi32>
        %and3A_1791 = arith.andi %add3A_1788, %and3A_1790 : vector<16xi32>
        %bitcast3A_1792 = vector.bitcast %and3A_1791 : vector<16xi32> to vector<16xf32>
        %mul3A_1793 = arith.mulf %bitcast3A_1792, %bitcast3A_15 : vector<16xf32>
        %add3A_1794 = arith.addf %broadcast_in_dim3A_1778, %mul3A_1793 : vector<16xf32>
        %gather3A_1795 = tpu.vector_load_idx %arg12[%broadcast_in_dim3A_1774, %add3A_140] : memref<240x128xf32, #tpu.memory_space<vmem>>[vector<16xi32>, vector<16xi32>], vector<16xf32>,
        %gather3A_1796 = tpu.vector_load_idx %arg13[%broadcast_in_dim3A_1774, %add3A_140] : memref<240x128xf32, #tpu.memory_space<vmem>>[vector<16xi32>, vector<16xi32>], vector<16xf32>,
        %sub3A_1797 = arith.subf %gather3A_1795, %gather3A_1796 : vector<16xf32>
        %abs3A_1798 = math.absf %sub3A_1797 : vector<16xf32>
        %mul3A_1799 = vector.broadcast %squeeze3A_1776 : f32 to vector<16xf32>
        %mul3A_1800 = arith.mulf %abs3A_1798, %mul3A_1799 : vector<16xf32>
        %bitcast3A_1801 = vector.bitcast %mul3A_1800 : vector<16xf32> to vector<16xi32>
        %add3A_1802 = arith.constant 32768 : i32
        %add3A_1803 = vector.broadcast %add3A_1802 : i32 to vector<16xi32>
        %add3A_1804 = arith.addi %bitcast3A_1801, %add3A_1803 : vector<16xi32>
        %and3A_1805 = arith.constant -65536 : i32
        %and3A_1806 = vector.broadcast %and3A_1805 : i32 to vector<16xi32>
        %and3A_1807 = arith.andi %add3A_1804, %and3A_1806 : vector<16xi32>
        %bitcast3A_1808 = vector.bitcast %and3A_1807 : vector<16xi32> to vector<16xf32>
        %mul3A_1809 = arith.mulf %bitcast3A_1808, %bitcast3A_32 : vector<16xf32>
        %add3A_1810 = arith.addf %add3A_1794, %mul3A_1809 : vector<16xf32>
        %gather3A_1811 = tpu.vector_load_idx %arg12[%broadcast_in_dim3A_1774, %add3A_143] : memref<240x128xf32, #tpu.memory_space<vmem>>[vector<16xi32>, vector<16xi32>], vector<16xf32>,
        %gather3A_1812 = tpu.vector_load_idx %arg13[%broadcast_in_dim3A_1774, %add3A_143] : memref<240x128xf32, #tpu.memory_space<vmem>>[vector<16xi32>, vector<16xi32>], vector<16xf32>,
        %sub3A_1813 = arith.subf %gather3A_1811, %gather3A_1812 : vector<16xf32>
        %abs3A_1814 = math.absf %sub3A_1813 : vector<16xf32>
        %mul3A_1815 = vector.broadcast %squeeze3A_1776 : f32 to vector<16xf32>
        %mul3A_1816 = arith.mulf %abs3A_1814, %mul3A_1815 : vector<16xf32>
        %bitcast3A_1817 = vector.bitcast %mul3A_1816 : vector<16xf32> to vector<16xi32>
        %add3A_1818 = arith.constant 32768 : i32
        %add3A_1819 = vector.broadcast %add3A_1818 : i32 to vector<16xi32>
        %add3A_1820 = arith.addi %bitcast3A_1817, %add3A_1819 : vector<16xi32>
        %and3A_1821 = arith.constant -65536 : i32
        %and3A_1822 = vector.broadcast %and3A_1821 : i32 to vector<16xi32>
        %and3A_1823 = arith.andi %add3A_1820, %and3A_1822 : vector<16xi32>
        %bitcast3A_1824 = vector.bitcast %and3A_1823 : vector<16xi32> to vector<16xf32>
        %mul3A_1825 = arith.mulf %bitcast3A_1824, %bitcast3A_49 : vector<16xf32>
        %add3A_1826 = arith.addf %add3A_1810, %mul3A_1825 : vector<16xf32>
        %gather3A_1827 = tpu.vector_load_idx %arg12[%broadcast_in_dim3A_1774, %add3A_146] : memref<240x128xf32, #tpu.memory_space<vmem>>[vector<16xi32>, vector<16xi32>], vector<16xf32>,
        %gather3A_1828 = tpu.vector_load_idx %arg13[%broadcast_in_dim3A_1774, %add3A_146] : memref<240x128xf32, #tpu.memory_space<vmem>>[vector<16xi32>, vector<16xi32>], vector<16xf32>,
        %sub3A_1829 = arith.subf %gather3A_1827, %gather3A_1828 : vector<16xf32>
        %abs3A_1830 = math.absf %sub3A_1829 : vector<16xf32>
        %mul3A_1831 = vector.broadcast %squeeze3A_1776 : f32 to vector<16xf32>
        %mul3A_1832 = arith.mulf %abs3A_1830, %mul3A_1831 : vector<16xf32>
        %bitcast3A_1833 = vector.bitcast %mul3A_1832 : vector<16xf32> to vector<16xi32>
        %add3A_1834 = arith.constant 32768 : i32
        %add3A_1835 = vector.broadcast %add3A_1834 : i32 to vector<16xi32>
        %add3A_1836 = arith.addi %bitcast3A_1833, %add3A_1835 : vector<16xi32>
        %and3A_1837 = arith.constant -65536 : i32
        %and3A_1838 = vector.broadcast %and3A_1837 : i32 to vector<16xi32>
        %and3A_1839 = arith.andi %add3A_1836, %and3A_1838 : vector<16xi32>
        %bitcast3A_1840 = vector.bitcast %and3A_1839 : vector<16xi32> to vector<16xf32>
        %mul3A_1841 = arith.mulf %bitcast3A_1840, %bitcast3A_66 : vector<16xf32>
        %add3A_1842 = arith.addf %add3A_1826, %mul3A_1841 : vector<16xf32>
        %gather3A_1843 = tpu.vector_load_idx %arg12[%broadcast_in_dim3A_1774, %add3A_149] : memref<240x128xf32, #tpu.memory_space<vmem>>[vector<16xi32>, vector<16xi32>], vector<16xf32>,
        %gather3A_1844 = tpu.vector_load_idx %arg13[%broadcast_in_dim3A_1774, %add3A_149] : memref<240x128xf32, #tpu.memory_space<vmem>>[vector<16xi32>, vector<16xi32>], vector<16xf32>,
        %sub3A_1845 = arith.subf %gather3A_1843, %gather3A_1844 : vector<16xf32>
        %abs3A_1846 = math.absf %sub3A_1845 : vector<16xf32>
        %mul3A_1847 = vector.broadcast %squeeze3A_1776 : f32 to vector<16xf32>
        %mul3A_1848 = arith.mulf %abs3A_1846, %mul3A_1847 : vector<16xf32>
        %bitcast3A_1849 = vector.bitcast %mul3A_1848 : vector<16xf32> to vector<16xi32>
        %add3A_1850 = arith.constant 32768 : i32
        %add3A_1851 = vector.broadcast %add3A_1850 : i32 to vector<16xi32>
        %add3A_1852 = arith.addi %bitcast3A_1849, %add3A_1851 : vector<16xi32>
        %and3A_1853 = arith.constant -65536 : i32
        %and3A_1854 = vector.broadcast %and3A_1853 : i32 to vector<16xi32>
        %and3A_1855 = arith.andi %add3A_1852, %and3A_1854 : vector<16xi32>
        %bitcast3A_1856 = vector.bitcast %and3A_1855 : vector<16xi32> to vector<16xf32>
        %mul3A_1857 = arith.mulf %bitcast3A_1856, %bitcast3A_83 : vector<16xf32>
        %add3A_1858 = arith.addf %add3A_1842, %mul3A_1857 : vector<16xf32>
        %gather3A_1859 = tpu.vector_load_idx %arg12[%broadcast_in_dim3A_1774, %add3A_152] : memref<240x128xf32, #tpu.memory_space<vmem>>[vector<16xi32>, vector<16xi32>], vector<16xf32>,
        %gather3A_1860 = tpu.vector_load_idx %arg13[%broadcast_in_dim3A_1774, %add3A_152] : memref<240x128xf32, #tpu.memory_space<vmem>>[vector<16xi32>, vector<16xi32>], vector<16xf32>,
        %sub3A_1861 = arith.subf %gather3A_1859, %gather3A_1860 : vector<16xf32>
        %abs3A_1862 = math.absf %sub3A_1861 : vector<16xf32>
        %mul3A_1863 = vector.broadcast %squeeze3A_1776 : f32 to vector<16xf32>
        %mul3A_1864 = arith.mulf %abs3A_1862, %mul3A_1863 : vector<16xf32>
        %bitcast3A_1865 = vector.bitcast %mul3A_1864 : vector<16xf32> to vector<16xi32>
        %add3A_1866 = arith.constant 32768 : i32
        %add3A_1867 = vector.broadcast %add3A_1866 : i32 to vector<16xi32>
        %add3A_1868 = arith.addi %bitcast3A_1865, %add3A_1867 : vector<16xi32>
        %and3A_1869 = arith.constant -65536 : i32
        %and3A_1870 = vector.broadcast %and3A_1869 : i32 to vector<16xi32>
        %and3A_1871 = arith.andi %add3A_1868, %and3A_1870 : vector<16xi32>
        %bitcast3A_1872 = vector.bitcast %and3A_1871 : vector<16xi32> to vector<16xf32>
        %mul3A_1873 = arith.mulf %bitcast3A_1872, %bitcast3A_100 : vector<16xf32>
        %add3A_1874 = arith.addf %add3A_1858, %mul3A_1873 : vector<16xf32>
        %gather3A_1875 = tpu.vector_load_idx %arg12[%broadcast_in_dim3A_1774, %add3A_155] : memref<240x128xf32, #tpu.memory_space<vmem>>[vector<16xi32>, vector<16xi32>], vector<16xf32>,
        %gather3A_1876 = tpu.vector_load_idx %arg13[%broadcast_in_dim3A_1774, %add3A_155] : memref<240x128xf32, #tpu.memory_space<vmem>>[vector<16xi32>, vector<16xi32>], vector<16xf32>,
        %sub3A_1877 = arith.subf %gather3A_1875, %gather3A_1876 : vector<16xf32>
        %abs3A_1878 = math.absf %sub3A_1877 : vector<16xf32>
        %mul3A_1879 = vector.broadcast %squeeze3A_1776 : f32 to vector<16xf32>
        %mul3A_1880 = arith.mulf %abs3A_1878, %mul3A_1879 : vector<16xf32>
        %bitcast3A_1881 = vector.bitcast %mul3A_1880 : vector<16xf32> to vector<16xi32>
        %add3A_1882 = arith.constant 32768 : i32
        %add3A_1883 = vector.broadcast %add3A_1882 : i32 to vector<16xi32>
        %add3A_1884 = arith.addi %bitcast3A_1881, %add3A_1883 : vector<16xi32>
        %and3A_1885 = arith.constant -65536 : i32
        %and3A_1886 = vector.broadcast %and3A_1885 : i32 to vector<16xi32>
        %and3A_1887 = arith.andi %add3A_1884, %and3A_1886 : vector<16xi32>
        %bitcast3A_1888 = vector.bitcast %and3A_1887 : vector<16xi32> to vector<16xf32>
        %mul3A_1889 = arith.mulf %bitcast3A_1888, %bitcast3A_117 : vector<16xf32>
        %add3A_1890 = arith.addf %add3A_1874, %mul3A_1889 : vector<16xf32>
        %gather3A_1891 = tpu.vector_load_idx %arg12[%broadcast_in_dim3A_1774, %add3A_158] : memref<240x128xf32, #tpu.memory_space<vmem>>[vector<16xi32>, vector<16xi32>], vector<16xf32>,
        %gather3A_1892 = tpu.vector_load_idx %arg13[%broadcast_in_dim3A_1774, %add3A_158] : memref<240x128xf32, #tpu.memory_space<vmem>>[vector<16xi32>, vector<16xi32>], vector<16xf32>,
        %sub3A_1893 = arith.subf %gather3A_1891, %gather3A_1892 : vector<16xf32>
        %abs3A_1894 = math.absf %sub3A_1893 : vector<16xf32>
        %mul3A_1895 = vector.broadcast %squeeze3A_1776 : f32 to vector<16xf32>
        %mul3A_1896 = arith.mulf %abs3A_1894, %mul3A_1895 : vector<16xf32>
        %bitcast3A_1897 = vector.bitcast %mul3A_1896 : vector<16xf32> to vector<16xi32>
        %add3A_1898 = arith.constant 32768 : i32
        %add3A_1899 = vector.broadcast %add3A_1898 : i32 to vector<16xi32>
        %add3A_1900 = arith.addi %bitcast3A_1897, %add3A_1899 : vector<16xi32>
        %and3A_1901 = arith.constant -65536 : i32
        %and3A_1902 = vector.broadcast %and3A_1901 : i32 to vector<16xi32>
        %and3A_1903 = arith.andi %add3A_1900, %and3A_1902 : vector<16xi32>
        %bitcast3A_1904 = vector.bitcast %and3A_1903 : vector<16xi32> to vector<16xf32>
        %mul3A_1905 = arith.mulf %bitcast3A_1904, %bitcast3A_134 : vector<16xf32>
        %add3A_1906 = arith.addf %add3A_1890, %mul3A_1905 : vector<16xf32>
        %swap3A_1907 = arith.constant 187 : index
        %swap3A_1908 = tpu.vector_load %arg17[%swap3A_1907] {strides = array<i32>} : memref<272xf32, #tpu.memory_space<vmem>>, vector<16xf32>,
        tpu.vector_store %arg17[%swap3A_1907], %add3A_1906 {strides = array<i32>} : memref<272xf32, #tpu.memory_space<vmem>>, vector<16xf32>,
        %add3A_1909 = arith.constant 12 : i32
        %add3A_1910 = arith.addi %add3A_257, %add3A_1909 : i32
        %broadcast_in_dim3A_1911 = vector.broadcast %add3A_1910 : i32 to vector<16xi32>
        %slice3A_1912 = vector.extract_strided_slice %abs3A {offsets = [12], sizes = [1], strides = [1]} : vector<16xf32> to vector<1xf32>
        %squeeze3A_1913 = vector.extract %slice3A_1912[0] : f32 from vector<1xf32>
        %broadcast_in_dim3A_1914 = arith.constant 0.000000e+00 : f32
        %broadcast_in_dim3A_1915 = vector.broadcast %broadcast_in_dim3A_1914 : f32 to vector<16xf32>
        %gather3A_1916 = tpu.vector_load_idx %arg12[%broadcast_in_dim3A_1911, %add3A_137] : memref<240x128xf32, #tpu.memory_space<vmem>>[vector<16xi32>, vector<16xi32>], vector<16xf32>,
        %gather3A_1917 = tpu.vector_load_idx %arg13[%broadcast_in_dim3A_1911, %add3A_137] : memref<240x128xf32, #tpu.memory_space<vmem>>[vector<16xi32>, vector<16xi32>], vector<16xf32>,
        %sub3A_1918 = arith.subf %gather3A_1916, %gather3A_1917 : vector<16xf32>
        %abs3A_1919 = math.absf %sub3A_1918 : vector<16xf32>
        %mul3A_1920 = vector.broadcast %squeeze3A_1913 : f32 to vector<16xf32>
        %mul3A_1921 = arith.mulf %abs3A_1919, %mul3A_1920 : vector<16xf32>
        %bitcast3A_1922 = vector.bitcast %mul3A_1921 : vector<16xf32> to vector<16xi32>
        %add3A_1923 = arith.constant 32768 : i32
        %add3A_1924 = vector.broadcast %add3A_1923 : i32 to vector<16xi32>
        %add3A_1925 = arith.addi %bitcast3A_1922, %add3A_1924 : vector<16xi32>
        %and3A_1926 = arith.constant -65536 : i32
        %and3A_1927 = vector.broadcast %and3A_1926 : i32 to vector<16xi32>
        %and3A_1928 = arith.andi %add3A_1925, %and3A_1927 : vector<16xi32>
        %bitcast3A_1929 = vector.bitcast %and3A_1928 : vector<16xi32> to vector<16xf32>
        %mul3A_1930 = arith.mulf %bitcast3A_1929, %bitcast3A_15 : vector<16xf32>
        %add3A_1931 = arith.addf %broadcast_in_dim3A_1915, %mul3A_1930 : vector<16xf32>
        %gather3A_1932 = tpu.vector_load_idx %arg12[%broadcast_in_dim3A_1911, %add3A_140] : memref<240x128xf32, #tpu.memory_space<vmem>>[vector<16xi32>, vector<16xi32>], vector<16xf32>,
        %gather3A_1933 = tpu.vector_load_idx %arg13[%broadcast_in_dim3A_1911, %add3A_140] : memref<240x128xf32, #tpu.memory_space<vmem>>[vector<16xi32>, vector<16xi32>], vector<16xf32>,
        %sub3A_1934 = arith.subf %gather3A_1932, %gather3A_1933 : vector<16xf32>
        %abs3A_1935 = math.absf %sub3A_1934 : vector<16xf32>
        %mul3A_1936 = vector.broadcast %squeeze3A_1913 : f32 to vector<16xf32>
        %mul3A_1937 = arith.mulf %abs3A_1935, %mul3A_1936 : vector<16xf32>
        %bitcast3A_1938 = vector.bitcast %mul3A_1937 : vector<16xf32> to vector<16xi32>
        %add3A_1939 = arith.constant 32768 : i32
        %add3A_1940 = vector.broadcast %add3A_1939 : i32 to vector<16xi32>
        %add3A_1941 = arith.addi %bitcast3A_1938, %add3A_1940 : vector<16xi32>
        %and3A_1942 = arith.constant -65536 : i32
        %and3A_1943 = vector.broadcast %and3A_1942 : i32 to vector<16xi32>
        %and3A_1944 = arith.andi %add3A_1941, %and3A_1943 : vector<16xi32>
        %bitcast3A_1945 = vector.bitcast %and3A_1944 : vector<16xi32> to vector<16xf32>
        %mul3A_1946 = arith.mulf %bitcast3A_1945, %bitcast3A_32 : vector<16xf32>
        %add3A_1947 = arith.addf %add3A_1931, %mul3A_1946 : vector<16xf32>
        %gather3A_1948 = tpu.vector_load_idx %arg12[%broadcast_in_dim3A_1911, %add3A_143] : memref<240x128xf32, #tpu.memory_space<vmem>>[vector<16xi32>, vector<16xi32>], vector<16xf32>,
        %gather3A_1949 = tpu.vector_load_idx %arg13[%broadcast_in_dim3A_1911, %add3A_143] : memref<240x128xf32, #tpu.memory_space<vmem>>[vector<16xi32>, vector<16xi32>], vector<16xf32>,
        %sub3A_1950 = arith.subf %gather3A_1948, %gather3A_1949 : vector<16xf32>
        %abs3A_1951 = math.absf %sub3A_1950 : vector<16xf32>
        %mul3A_1952 = vector.broadcast %squeeze3A_1913 : f32 to vector<16xf32>
        %mul3A_1953 = arith.mulf %abs3A_1951, %mul3A_1952 : vector<16xf32>
        %bitcast3A_1954 = vector.bitcast %mul3A_1953 : vector<16xf32> to vector<16xi32>
        %add3A_1955 = arith.constant 32768 : i32
        %add3A_1956 = vector.broadcast %add3A_1955 : i32 to vector<16xi32>
        %add3A_1957 = arith.addi %bitcast3A_1954, %add3A_1956 : vector<16xi32>
        %and3A_1958 = arith.constant -65536 : i32
        %and3A_1959 = vector.broadcast %and3A_1958 : i32 to vector<16xi32>
        %and3A_1960 = arith.andi %add3A_1957, %and3A_1959 : vector<16xi32>
        %bitcast3A_1961 = vector.bitcast %and3A_1960 : vector<16xi32> to vector<16xf32>
        %mul3A_1962 = arith.mulf %bitcast3A_1961, %bitcast3A_49 : vector<16xf32>
        %add3A_1963 = arith.addf %add3A_1947, %mul3A_1962 : vector<16xf32>
        %gather3A_1964 = tpu.vector_load_idx %arg12[%broadcast_in_dim3A_1911, %add3A_146] : memref<240x128xf32, #tpu.memory_space<vmem>>[vector<16xi32>, vector<16xi32>], vector<16xf32>,
        %gather3A_1965 = tpu.vector_load_idx %arg13[%broadcast_in_dim3A_1911, %add3A_146] : memref<240x128xf32, #tpu.memory_space<vmem>>[vector<16xi32>, vector<16xi32>], vector<16xf32>,
        %sub3A_1966 = arith.subf %gather3A_1964, %gather3A_1965 : vector<16xf32>
        %abs3A_1967 = math.absf %sub3A_1966 : vector<16xf32>
        %mul3A_1968 = vector.broadcast %squeeze3A_1913 : f32 to vector<16xf32>
        %mul3A_1969 = arith.mulf %abs3A_1967, %mul3A_1968 : vector<16xf32>
        %bitcast3A_1970 = vector.bitcast %mul3A_1969 : vector<16xf32> to vector<16xi32>
        %add3A_1971 = arith.constant 32768 : i32
        %add3A_1972 = vector.broadcast %add3A_1971 : i32 to vector<16xi32>
        %add3A_1973 = arith.addi %bitcast3A_1970, %add3A_1972 : vector<16xi32>
        %and3A_1974 = arith.constant -65536 : i32
        %and3A_1975 = vector.broadcast %and3A_1974 : i32 to vector<16xi32>
        %and3A_1976 = arith.andi %add3A_1973, %and3A_1975 : vector<16xi32>
        %bitcast3A_1977 = vector.bitcast %and3A_1976 : vector<16xi32> to vector<16xf32>
        %mul3A_1978 = arith.mulf %bitcast3A_1977, %bitcast3A_66 : vector<16xf32>
        %add3A_1979 = arith.addf %add3A_1963, %mul3A_1978 : vector<16xf32>
        %gather3A_1980 = tpu.vector_load_idx %arg12[%broadcast_in_dim3A_1911, %add3A_149] : memref<240x128xf32, #tpu.memory_space<vmem>>[vector<16xi32>, vector<16xi32>], vector<16xf32>,
        %gather3A_1981 = tpu.vector_load_idx %arg13[%broadcast_in_dim3A_1911, %add3A_149] : memref<240x128xf32, #tpu.memory_space<vmem>>[vector<16xi32>, vector<16xi32>], vector<16xf32>,
        %sub3A_1982 = arith.subf %gather3A_1980, %gather3A_1981 : vector<16xf32>
        %abs3A_1983 = math.absf %sub3A_1982 : vector<16xf32>
        %mul3A_1984 = vector.broadcast %squeeze3A_1913 : f32 to vector<16xf32>
        %mul3A_1985 = arith.mulf %abs3A_1983, %mul3A_1984 : vector<16xf32>
        %bitcast3A_1986 = vector.bitcast %mul3A_1985 : vector<16xf32> to vector<16xi32>
        %add3A_1987 = arith.constant 32768 : i32
        %add3A_1988 = vector.broadcast %add3A_1987 : i32 to vector<16xi32>
        %add3A_1989 = arith.addi %bitcast3A_1986, %add3A_1988 : vector<16xi32>
        %and3A_1990 = arith.constant -65536 : i32
        %and3A_1991 = vector.broadcast %and3A_1990 : i32 to vector<16xi32>
        %and3A_1992 = arith.andi %add3A_1989, %and3A_1991 : vector<16xi32>
        %bitcast3A_1993 = vector.bitcast %and3A_1992 : vector<16xi32> to vector<16xf32>
        %mul3A_1994 = arith.mulf %bitcast3A_1993, %bitcast3A_83 : vector<16xf32>
        %add3A_1995 = arith.addf %add3A_1979, %mul3A_1994 : vector<16xf32>
        %gather3A_1996 = tpu.vector_load_idx %arg12[%broadcast_in_dim3A_1911, %add3A_152] : memref<240x128xf32, #tpu.memory_space<vmem>>[vector<16xi32>, vector<16xi32>], vector<16xf32>,
        %gather3A_1997 = tpu.vector_load_idx %arg13[%broadcast_in_dim3A_1911, %add3A_152] : memref<240x128xf32, #tpu.memory_space<vmem>>[vector<16xi32>, vector<16xi32>], vector<16xf32>,
        %sub3A_1998 = arith.subf %gather3A_1996, %gather3A_1997 : vector<16xf32>
        %abs3A_1999 = math.absf %sub3A_1998 : vector<16xf32>
        %mul3A_2000 = vector.broadcast %squeeze3A_1913 : f32 to vector<16xf32>
        %mul3A_2001 = arith.mulf %abs3A_1999, %mul3A_2000 : vector<16xf32>
        %bitcast3A_2002 = vector.bitcast %mul3A_2001 : vector<16xf32> to vector<16xi32>
        %add3A_2003 = arith.constant 32768 : i32
        %add3A_2004 = vector.broadcast %add3A_2003 : i32 to vector<16xi32>
        %add3A_2005 = arith.addi %bitcast3A_2002, %add3A_2004 : vector<16xi32>
        %and3A_2006 = arith.constant -65536 : i32
        %and3A_2007 = vector.broadcast %and3A_2006 : i32 to vector<16xi32>
        %and3A_2008 = arith.andi %add3A_2005, %and3A_2007 : vector<16xi32>
        %bitcast3A_2009 = vector.bitcast %and3A_2008 : vector<16xi32> to vector<16xf32>
        %mul3A_2010 = arith.mulf %bitcast3A_2009, %bitcast3A_100 : vector<16xf32>
        %add3A_2011 = arith.addf %add3A_1995, %mul3A_2010 : vector<16xf32>
        %gather3A_2012 = tpu.vector_load_idx %arg12[%broadcast_in_dim3A_1911, %add3A_155] : memref<240x128xf32, #tpu.memory_space<vmem>>[vector<16xi32>, vector<16xi32>], vector<16xf32>,
        %gather3A_2013 = tpu.vector_load_idx %arg13[%broadcast_in_dim3A_1911, %add3A_155] : memref<240x128xf32, #tpu.memory_space<vmem>>[vector<16xi32>, vector<16xi32>], vector<16xf32>,
        %sub3A_2014 = arith.subf %gather3A_2012, %gather3A_2013 : vector<16xf32>
        %abs3A_2015 = math.absf %sub3A_2014 : vector<16xf32>
        %mul3A_2016 = vector.broadcast %squeeze3A_1913 : f32 to vector<16xf32>
        %mul3A_2017 = arith.mulf %abs3A_2015, %mul3A_2016 : vector<16xf32>
        %bitcast3A_2018 = vector.bitcast %mul3A_2017 : vector<16xf32> to vector<16xi32>
        %add3A_2019 = arith.constant 32768 : i32
        %add3A_2020 = vector.broadcast %add3A_2019 : i32 to vector<16xi32>
        %add3A_2021 = arith.addi %bitcast3A_2018, %add3A_2020 : vector<16xi32>
        %and3A_2022 = arith.constant -65536 : i32
        %and3A_2023 = vector.broadcast %and3A_2022 : i32 to vector<16xi32>
        %and3A_2024 = arith.andi %add3A_2021, %and3A_2023 : vector<16xi32>
        %bitcast3A_2025 = vector.bitcast %and3A_2024 : vector<16xi32> to vector<16xf32>
        %mul3A_2026 = arith.mulf %bitcast3A_2025, %bitcast3A_117 : vector<16xf32>
        %add3A_2027 = arith.addf %add3A_2011, %mul3A_2026 : vector<16xf32>
        %gather3A_2028 = tpu.vector_load_idx %arg12[%broadcast_in_dim3A_1911, %add3A_158] : memref<240x128xf32, #tpu.memory_space<vmem>>[vector<16xi32>, vector<16xi32>], vector<16xf32>,
        %gather3A_2029 = tpu.vector_load_idx %arg13[%broadcast_in_dim3A_1911, %add3A_158] : memref<240x128xf32, #tpu.memory_space<vmem>>[vector<16xi32>, vector<16xi32>], vector<16xf32>,
        %sub3A_2030 = arith.subf %gather3A_2028, %gather3A_2029 : vector<16xf32>
        %abs3A_2031 = math.absf %sub3A_2030 : vector<16xf32>
        %mul3A_2032 = vector.broadcast %squeeze3A_1913 : f32 to vector<16xf32>
        %mul3A_2033 = arith.mulf %abs3A_2031, %mul3A_2032 : vector<16xf32>
        %bitcast3A_2034 = vector.bitcast %mul3A_2033 : vector<16xf32> to vector<16xi32>
        %add3A_2035 = arith.constant 32768 : i32
        %add3A_2036 = vector.broadcast %add3A_2035 : i32 to vector<16xi32>
        %add3A_2037 = arith.addi %bitcast3A_2034, %add3A_2036 : vector<16xi32>
        %and3A_2038 = arith.constant -65536 : i32
        %and3A_2039 = vector.broadcast %and3A_2038 : i32 to vector<16xi32>
        %and3A_2040 = arith.andi %add3A_2037, %and3A_2039 : vector<16xi32>
        %bitcast3A_2041 = vector.bitcast %and3A_2040 : vector<16xi32> to vector<16xf32>
        %mul3A_2042 = arith.mulf %bitcast3A_2041, %bitcast3A_134 : vector<16xf32>
        %add3A_2043 = arith.addf %add3A_2027, %mul3A_2042 : vector<16xf32>
        %swap3A_2044 = arith.constant 204 : index
        %swap3A_2045 = tpu.vector_load %arg17[%swap3A_2044] {strides = array<i32>} : memref<272xf32, #tpu.memory_space<vmem>>, vector<16xf32>,
        tpu.vector_store %arg17[%swap3A_2044], %add3A_2043 {strides = array<i32>} : memref<272xf32, #tpu.memory_space<vmem>>, vector<16xf32>,
        %add3A_2046 = arith.constant 13 : i32
        %add3A_2047 = arith.addi %add3A_257, %add3A_2046 : i32
        %broadcast_in_dim3A_2048 = vector.broadcast %add3A_2047 : i32 to vector<16xi32>
        %slice3A_2049 = vector.extract_strided_slice %abs3A {offsets = [13], sizes = [1], strides = [1]} : vector<16xf32> to vector<1xf32>
        %squeeze3A_2050 = vector.extract %slice3A_2049[0] : f32 from vector<1xf32>
        %broadcast_in_dim3A_2051 = arith.constant 0.000000e+00 : f32
        %broadcast_in_dim3A_2052 = vector.broadcast %broadcast_in_dim3A_2051 : f32 to vector<16xf32>
        %gather3A_2053 = tpu.vector_load_idx %arg12[%broadcast_in_dim3A_2048, %add3A_137] : memref<240x128xf32, #tpu.memory_space<vmem>>[vector<16xi32>, vector<16xi32>], vector<16xf32>,
        %gather3A_2054 = tpu.vector_load_idx %arg13[%broadcast_in_dim3A_2048, %add3A_137] : memref<240x128xf32, #tpu.memory_space<vmem>>[vector<16xi32>, vector<16xi32>], vector<16xf32>,
        %sub3A_2055 = arith.subf %gather3A_2053, %gather3A_2054 : vector<16xf32>
        %abs3A_2056 = math.absf %sub3A_2055 : vector<16xf32>
        %mul3A_2057 = vector.broadcast %squeeze3A_2050 : f32 to vector<16xf32>
        %mul3A_2058 = arith.mulf %abs3A_2056, %mul3A_2057 : vector<16xf32>
        %bitcast3A_2059 = vector.bitcast %mul3A_2058 : vector<16xf32> to vector<16xi32>
        %add3A_2060 = arith.constant 32768 : i32
        %add3A_2061 = vector.broadcast %add3A_2060 : i32 to vector<16xi32>
        %add3A_2062 = arith.addi %bitcast3A_2059, %add3A_2061 : vector<16xi32>
        %and3A_2063 = arith.constant -65536 : i32
        %and3A_2064 = vector.broadcast %and3A_2063 : i32 to vector<16xi32>
        %and3A_2065 = arith.andi %add3A_2062, %and3A_2064 : vector<16xi32>
        %bitcast3A_2066 = vector.bitcast %and3A_2065 : vector<16xi32> to vector<16xf32>
        %mul3A_2067 = arith.mulf %bitcast3A_2066, %bitcast3A_15 : vector<16xf32>
        %add3A_2068 = arith.addf %broadcast_in_dim3A_2052, %mul3A_2067 : vector<16xf32>
        %gather3A_2069 = tpu.vector_load_idx %arg12[%broadcast_in_dim3A_2048, %add3A_140] : memref<240x128xf32, #tpu.memory_space<vmem>>[vector<16xi32>, vector<16xi32>], vector<16xf32>,
        %gather3A_2070 = tpu.vector_load_idx %arg13[%broadcast_in_dim3A_2048, %add3A_140] : memref<240x128xf32, #tpu.memory_space<vmem>>[vector<16xi32>, vector<16xi32>], vector<16xf32>,
        %sub3A_2071 = arith.subf %gather3A_2069, %gather3A_2070 : vector<16xf32>
        %abs3A_2072 = math.absf %sub3A_2071 : vector<16xf32>
        %mul3A_2073 = vector.broadcast %squeeze3A_2050 : f32 to vector<16xf32>
        %mul3A_2074 = arith.mulf %abs3A_2072, %mul3A_2073 : vector<16xf32>
        %bitcast3A_2075 = vector.bitcast %mul3A_2074 : vector<16xf32> to vector<16xi32>
        %add3A_2076 = arith.constant 32768 : i32
        %add3A_2077 = vector.broadcast %add3A_2076 : i32 to vector<16xi32>
        %add3A_2078 = arith.addi %bitcast3A_2075, %add3A_2077 : vector<16xi32>
        %and3A_2079 = arith.constant -65536 : i32
        %and3A_2080 = vector.broadcast %and3A_2079 : i32 to vector<16xi32>
        %and3A_2081 = arith.andi %add3A_2078, %and3A_2080 : vector<16xi32>
        %bitcast3A_2082 = vector.bitcast %and3A_2081 : vector<16xi32> to vector<16xf32>
        %mul3A_2083 = arith.mulf %bitcast3A_2082, %bitcast3A_32 : vector<16xf32>
        %add3A_2084 = arith.addf %add3A_2068, %mul3A_2083 : vector<16xf32>
        %gather3A_2085 = tpu.vector_load_idx %arg12[%broadcast_in_dim3A_2048, %add3A_143] : memref<240x128xf32, #tpu.memory_space<vmem>>[vector<16xi32>, vector<16xi32>], vector<16xf32>,
        %gather3A_2086 = tpu.vector_load_idx %arg13[%broadcast_in_dim3A_2048, %add3A_143] : memref<240x128xf32, #tpu.memory_space<vmem>>[vector<16xi32>, vector<16xi32>], vector<16xf32>,
        %sub3A_2087 = arith.subf %gather3A_2085, %gather3A_2086 : vector<16xf32>
        %abs3A_2088 = math.absf %sub3A_2087 : vector<16xf32>
        %mul3A_2089 = vector.broadcast %squeeze3A_2050 : f32 to vector<16xf32>
        %mul3A_2090 = arith.mulf %abs3A_2088, %mul3A_2089 : vector<16xf32>
        %bitcast3A_2091 = vector.bitcast %mul3A_2090 : vector<16xf32> to vector<16xi32>
        %add3A_2092 = arith.constant 32768 : i32
        %add3A_2093 = vector.broadcast %add3A_2092 : i32 to vector<16xi32>
        %add3A_2094 = arith.addi %bitcast3A_2091, %add3A_2093 : vector<16xi32>
        %and3A_2095 = arith.constant -65536 : i32
        %and3A_2096 = vector.broadcast %and3A_2095 : i32 to vector<16xi32>
        %and3A_2097 = arith.andi %add3A_2094, %and3A_2096 : vector<16xi32>
        %bitcast3A_2098 = vector.bitcast %and3A_2097 : vector<16xi32> to vector<16xf32>
        %mul3A_2099 = arith.mulf %bitcast3A_2098, %bitcast3A_49 : vector<16xf32>
        %add3A_2100 = arith.addf %add3A_2084, %mul3A_2099 : vector<16xf32>
        %gather3A_2101 = tpu.vector_load_idx %arg12[%broadcast_in_dim3A_2048, %add3A_146] : memref<240x128xf32, #tpu.memory_space<vmem>>[vector<16xi32>, vector<16xi32>], vector<16xf32>,
        %gather3A_2102 = tpu.vector_load_idx %arg13[%broadcast_in_dim3A_2048, %add3A_146] : memref<240x128xf32, #tpu.memory_space<vmem>>[vector<16xi32>, vector<16xi32>], vector<16xf32>,
        %sub3A_2103 = arith.subf %gather3A_2101, %gather3A_2102 : vector<16xf32>
        %abs3A_2104 = math.absf %sub3A_2103 : vector<16xf32>
        %mul3A_2105 = vector.broadcast %squeeze3A_2050 : f32 to vector<16xf32>
        %mul3A_2106 = arith.mulf %abs3A_2104, %mul3A_2105 : vector<16xf32>
        %bitcast3A_2107 = vector.bitcast %mul3A_2106 : vector<16xf32> to vector<16xi32>
        %add3A_2108 = arith.constant 32768 : i32
        %add3A_2109 = vector.broadcast %add3A_2108 : i32 to vector<16xi32>
        %add3A_2110 = arith.addi %bitcast3A_2107, %add3A_2109 : vector<16xi32>
        %and3A_2111 = arith.constant -65536 : i32
        %and3A_2112 = vector.broadcast %and3A_2111 : i32 to vector<16xi32>
        %and3A_2113 = arith.andi %add3A_2110, %and3A_2112 : vector<16xi32>
        %bitcast3A_2114 = vector.bitcast %and3A_2113 : vector<16xi32> to vector<16xf32>
        %mul3A_2115 = arith.mulf %bitcast3A_2114, %bitcast3A_66 : vector<16xf32>
        %add3A_2116 = arith.addf %add3A_2100, %mul3A_2115 : vector<16xf32>
        %gather3A_2117 = tpu.vector_load_idx %arg12[%broadcast_in_dim3A_2048, %add3A_149] : memref<240x128xf32, #tpu.memory_space<vmem>>[vector<16xi32>, vector<16xi32>], vector<16xf32>,
        %gather3A_2118 = tpu.vector_load_idx %arg13[%broadcast_in_dim3A_2048, %add3A_149] : memref<240x128xf32, #tpu.memory_space<vmem>>[vector<16xi32>, vector<16xi32>], vector<16xf32>,
        %sub3A_2119 = arith.subf %gather3A_2117, %gather3A_2118 : vector<16xf32>
        %abs3A_2120 = math.absf %sub3A_2119 : vector<16xf32>
        %mul3A_2121 = vector.broadcast %squeeze3A_2050 : f32 to vector<16xf32>
        %mul3A_2122 = arith.mulf %abs3A_2120, %mul3A_2121 : vector<16xf32>
        %bitcast3A_2123 = vector.bitcast %mul3A_2122 : vector<16xf32> to vector<16xi32>
        %add3A_2124 = arith.constant 32768 : i32
        %add3A_2125 = vector.broadcast %add3A_2124 : i32 to vector<16xi32>
        %add3A_2126 = arith.addi %bitcast3A_2123, %add3A_2125 : vector<16xi32>
        %and3A_2127 = arith.constant -65536 : i32
        %and3A_2128 = vector.broadcast %and3A_2127 : i32 to vector<16xi32>
        %and3A_2129 = arith.andi %add3A_2126, %and3A_2128 : vector<16xi32>
        %bitcast3A_2130 = vector.bitcast %and3A_2129 : vector<16xi32> to vector<16xf32>
        %mul3A_2131 = arith.mulf %bitcast3A_2130, %bitcast3A_83 : vector<16xf32>
        %add3A_2132 = arith.addf %add3A_2116, %mul3A_2131 : vector<16xf32>
        %gather3A_2133 = tpu.vector_load_idx %arg12[%broadcast_in_dim3A_2048, %add3A_152] : memref<240x128xf32, #tpu.memory_space<vmem>>[vector<16xi32>, vector<16xi32>], vector<16xf32>,
        %gather3A_2134 = tpu.vector_load_idx %arg13[%broadcast_in_dim3A_2048, %add3A_152] : memref<240x128xf32, #tpu.memory_space<vmem>>[vector<16xi32>, vector<16xi32>], vector<16xf32>,
        %sub3A_2135 = arith.subf %gather3A_2133, %gather3A_2134 : vector<16xf32>
        %abs3A_2136 = math.absf %sub3A_2135 : vector<16xf32>
        %mul3A_2137 = vector.broadcast %squeeze3A_2050 : f32 to vector<16xf32>
        %mul3A_2138 = arith.mulf %abs3A_2136, %mul3A_2137 : vector<16xf32>
        %bitcast3A_2139 = vector.bitcast %mul3A_2138 : vector<16xf32> to vector<16xi32>
        %add3A_2140 = arith.constant 32768 : i32
        %add3A_2141 = vector.broadcast %add3A_2140 : i32 to vector<16xi32>
        %add3A_2142 = arith.addi %bitcast3A_2139, %add3A_2141 : vector<16xi32>
        %and3A_2143 = arith.constant -65536 : i32
        %and3A_2144 = vector.broadcast %and3A_2143 : i32 to vector<16xi32>
        %and3A_2145 = arith.andi %add3A_2142, %and3A_2144 : vector<16xi32>
        %bitcast3A_2146 = vector.bitcast %and3A_2145 : vector<16xi32> to vector<16xf32>
        %mul3A_2147 = arith.mulf %bitcast3A_2146, %bitcast3A_100 : vector<16xf32>
        %add3A_2148 = arith.addf %add3A_2132, %mul3A_2147 : vector<16xf32>
        %gather3A_2149 = tpu.vector_load_idx %arg12[%broadcast_in_dim3A_2048, %add3A_155] : memref<240x128xf32, #tpu.memory_space<vmem>>[vector<16xi32>, vector<16xi32>], vector<16xf32>,
        %gather3A_2150 = tpu.vector_load_idx %arg13[%broadcast_in_dim3A_2048, %add3A_155] : memref<240x128xf32, #tpu.memory_space<vmem>>[vector<16xi32>, vector<16xi32>], vector<16xf32>,
        %sub3A_2151 = arith.subf %gather3A_2149, %gather3A_2150 : vector<16xf32>
        %abs3A_2152 = math.absf %sub3A_2151 : vector<16xf32>
        %mul3A_2153 = vector.broadcast %squeeze3A_2050 : f32 to vector<16xf32>
        %mul3A_2154 = arith.mulf %abs3A_2152, %mul3A_2153 : vector<16xf32>
        %bitcast3A_2155 = vector.bitcast %mul3A_2154 : vector<16xf32> to vector<16xi32>
        %add3A_2156 = arith.constant 32768 : i32
        %add3A_2157 = vector.broadcast %add3A_2156 : i32 to vector<16xi32>
        %add3A_2158 = arith.addi %bitcast3A_2155, %add3A_2157 : vector<16xi32>
        %and3A_2159 = arith.constant -65536 : i32
        %and3A_2160 = vector.broadcast %and3A_2159 : i32 to vector<16xi32>
        %and3A_2161 = arith.andi %add3A_2158, %and3A_2160 : vector<16xi32>
        %bitcast3A_2162 = vector.bitcast %and3A_2161 : vector<16xi32> to vector<16xf32>
        %mul3A_2163 = arith.mulf %bitcast3A_2162, %bitcast3A_117 : vector<16xf32>
        %add3A_2164 = arith.addf %add3A_2148, %mul3A_2163 : vector<16xf32>
        %gather3A_2165 = tpu.vector_load_idx %arg12[%broadcast_in_dim3A_2048, %add3A_158] : memref<240x128xf32, #tpu.memory_space<vmem>>[vector<16xi32>, vector<16xi32>], vector<16xf32>,
        %gather3A_2166 = tpu.vector_load_idx %arg13[%broadcast_in_dim3A_2048, %add3A_158] : memref<240x128xf32, #tpu.memory_space<vmem>>[vector<16xi32>, vector<16xi32>], vector<16xf32>,
        %sub3A_2167 = arith.subf %gather3A_2165, %gather3A_2166 : vector<16xf32>
        %abs3A_2168 = math.absf %sub3A_2167 : vector<16xf32>
        %mul3A_2169 = vector.broadcast %squeeze3A_2050 : f32 to vector<16xf32>
        %mul3A_2170 = arith.mulf %abs3A_2168, %mul3A_2169 : vector<16xf32>
        %bitcast3A_2171 = vector.bitcast %mul3A_2170 : vector<16xf32> to vector<16xi32>
        %add3A_2172 = arith.constant 32768 : i32
        %add3A_2173 = vector.broadcast %add3A_2172 : i32 to vector<16xi32>
        %add3A_2174 = arith.addi %bitcast3A_2171, %add3A_2173 : vector<16xi32>
        %and3A_2175 = arith.constant -65536 : i32
        %and3A_2176 = vector.broadcast %and3A_2175 : i32 to vector<16xi32>
        %and3A_2177 = arith.andi %add3A_2174, %and3A_2176 : vector<16xi32>
        %bitcast3A_2178 = vector.bitcast %and3A_2177 : vector<16xi32> to vector<16xf32>
        %mul3A_2179 = arith.mulf %bitcast3A_2178, %bitcast3A_134 : vector<16xf32>
        %add3A_2180 = arith.addf %add3A_2164, %mul3A_2179 : vector<16xf32>
        %swap3A_2181 = arith.constant 221 : index
        %swap3A_2182 = tpu.vector_load %arg17[%swap3A_2181] {strides = array<i32>} : memref<272xf32, #tpu.memory_space<vmem>>, vector<16xf32>,
        tpu.vector_store %arg17[%swap3A_2181], %add3A_2180 {strides = array<i32>} : memref<272xf32, #tpu.memory_space<vmem>>, vector<16xf32>,
        %add3A_2183 = arith.constant 14 : i32
        %add3A_2184 = arith.addi %add3A_257, %add3A_2183 : i32
        %broadcast_in_dim3A_2185 = vector.broadcast %add3A_2184 : i32 to vector<16xi32>
        %slice3A_2186 = vector.extract_strided_slice %abs3A {offsets = [14], sizes = [1], strides = [1]} : vector<16xf32> to vector<1xf32>
        %squeeze3A_2187 = vector.extract %slice3A_2186[0] : f32 from vector<1xf32>
        %broadcast_in_dim3A_2188 = arith.constant 0.000000e+00 : f32
        %broadcast_in_dim3A_2189 = vector.broadcast %broadcast_in_dim3A_2188 : f32 to vector<16xf32>
        %gather3A_2190 = tpu.vector_load_idx %arg12[%broadcast_in_dim3A_2185, %add3A_137] : memref<240x128xf32, #tpu.memory_space<vmem>>[vector<16xi32>, vector<16xi32>], vector<16xf32>,
        %gather3A_2191 = tpu.vector_load_idx %arg13[%broadcast_in_dim3A_2185, %add3A_137] : memref<240x128xf32, #tpu.memory_space<vmem>>[vector<16xi32>, vector<16xi32>], vector<16xf32>,
        %sub3A_2192 = arith.subf %gather3A_2190, %gather3A_2191 : vector<16xf32>
        %abs3A_2193 = math.absf %sub3A_2192 : vector<16xf32>
        %mul3A_2194 = vector.broadcast %squeeze3A_2187 : f32 to vector<16xf32>
        %mul3A_2195 = arith.mulf %abs3A_2193, %mul3A_2194 : vector<16xf32>
        %bitcast3A_2196 = vector.bitcast %mul3A_2195 : vector<16xf32> to vector<16xi32>
        %add3A_2197 = arith.constant 32768 : i32
        %add3A_2198 = vector.broadcast %add3A_2197 : i32 to vector<16xi32>
        %add3A_2199 = arith.addi %bitcast3A_2196, %add3A_2198 : vector<16xi32>
        %and3A_2200 = arith.constant -65536 : i32
        %and3A_2201 = vector.broadcast %and3A_2200 : i32 to vector<16xi32>
        %and3A_2202 = arith.andi %add3A_2199, %and3A_2201 : vector<16xi32>
        %bitcast3A_2203 = vector.bitcast %and3A_2202 : vector<16xi32> to vector<16xf32>
        %mul3A_2204 = arith.mulf %bitcast3A_2203, %bitcast3A_15 : vector<16xf32>
        %add3A_2205 = arith.addf %broadcast_in_dim3A_2189, %mul3A_2204 : vector<16xf32>
        %gather3A_2206 = tpu.vector_load_idx %arg12[%broadcast_in_dim3A_2185, %add3A_140] : memref<240x128xf32, #tpu.memory_space<vmem>>[vector<16xi32>, vector<16xi32>], vector<16xf32>,
        %gather3A_2207 = tpu.vector_load_idx %arg13[%broadcast_in_dim3A_2185, %add3A_140] : memref<240x128xf32, #tpu.memory_space<vmem>>[vector<16xi32>, vector<16xi32>], vector<16xf32>,
        %sub3A_2208 = arith.subf %gather3A_2206, %gather3A_2207 : vector<16xf32>
        %abs3A_2209 = math.absf %sub3A_2208 : vector<16xf32>
        %mul3A_2210 = vector.broadcast %squeeze3A_2187 : f32 to vector<16xf32>
        %mul3A_2211 = arith.mulf %abs3A_2209, %mul3A_2210 : vector<16xf32>
        %bitcast3A_2212 = vector.bitcast %mul3A_2211 : vector<16xf32> to vector<16xi32>
        %add3A_2213 = arith.constant 32768 : i32
        %add3A_2214 = vector.broadcast %add3A_2213 : i32 to vector<16xi32>
        %add3A_2215 = arith.addi %bitcast3A_2212, %add3A_2214 : vector<16xi32>
        %and3A_2216 = arith.constant -65536 : i32
        %and3A_2217 = vector.broadcast %and3A_2216 : i32 to vector<16xi32>
        %and3A_2218 = arith.andi %add3A_2215, %and3A_2217 : vector<16xi32>
        %bitcast3A_2219 = vector.bitcast %and3A_2218 : vector<16xi32> to vector<16xf32>
        %mul3A_2220 = arith.mulf %bitcast3A_2219, %bitcast3A_32 : vector<16xf32>
        %add3A_2221 = arith.addf %add3A_2205, %mul3A_2220 : vector<16xf32>
        %gather3A_2222 = tpu.vector_load_idx %arg12[%broadcast_in_dim3A_2185, %add3A_143] : memref<240x128xf32, #tpu.memory_space<vmem>>[vector<16xi32>, vector<16xi32>], vector<16xf32>,
        %gather3A_2223 = tpu.vector_load_idx %arg13[%broadcast_in_dim3A_2185, %add3A_143] : memref<240x128xf32, #tpu.memory_space<vmem>>[vector<16xi32>, vector<16xi32>], vector<16xf32>,
        %sub3A_2224 = arith.subf %gather3A_2222, %gather3A_2223 : vector<16xf32>
        %abs3A_2225 = math.absf %sub3A_2224 : vector<16xf32>
        %mul3A_2226 = vector.broadcast %squeeze3A_2187 : f32 to vector<16xf32>
        %mul3A_2227 = arith.mulf %abs3A_2225, %mul3A_2226 : vector<16xf32>
        %bitcast3A_2228 = vector.bitcast %mul3A_2227 : vector<16xf32> to vector<16xi32>
        %add3A_2229 = arith.constant 32768 : i32
        %add3A_2230 = vector.broadcast %add3A_2229 : i32 to vector<16xi32>
        %add3A_2231 = arith.addi %bitcast3A_2228, %add3A_2230 : vector<16xi32>
        %and3A_2232 = arith.constant -65536 : i32
        %and3A_2233 = vector.broadcast %and3A_2232 : i32 to vector<16xi32>
        %and3A_2234 = arith.andi %add3A_2231, %and3A_2233 : vector<16xi32>
        %bitcast3A_2235 = vector.bitcast %and3A_2234 : vector<16xi32> to vector<16xf32>
        %mul3A_2236 = arith.mulf %bitcast3A_2235, %bitcast3A_49 : vector<16xf32>
        %add3A_2237 = arith.addf %add3A_2221, %mul3A_2236 : vector<16xf32>
        %gather3A_2238 = tpu.vector_load_idx %arg12[%broadcast_in_dim3A_2185, %add3A_146] : memref<240x128xf32, #tpu.memory_space<vmem>>[vector<16xi32>, vector<16xi32>], vector<16xf32>,
        %gather3A_2239 = tpu.vector_load_idx %arg13[%broadcast_in_dim3A_2185, %add3A_146] : memref<240x128xf32, #tpu.memory_space<vmem>>[vector<16xi32>, vector<16xi32>], vector<16xf32>,
        %sub3A_2240 = arith.subf %gather3A_2238, %gather3A_2239 : vector<16xf32>
        %abs3A_2241 = math.absf %sub3A_2240 : vector<16xf32>
        %mul3A_2242 = vector.broadcast %squeeze3A_2187 : f32 to vector<16xf32>
        %mul3A_2243 = arith.mulf %abs3A_2241, %mul3A_2242 : vector<16xf32>
        %bitcast3A_2244 = vector.bitcast %mul3A_2243 : vector<16xf32> to vector<16xi32>
        %add3A_2245 = arith.constant 32768 : i32
        %add3A_2246 = vector.broadcast %add3A_2245 : i32 to vector<16xi32>
        %add3A_2247 = arith.addi %bitcast3A_2244, %add3A_2246 : vector<16xi32>
        %and3A_2248 = arith.constant -65536 : i32
        %and3A_2249 = vector.broadcast %and3A_2248 : i32 to vector<16xi32>
        %and3A_2250 = arith.andi %add3A_2247, %and3A_2249 : vector<16xi32>
        %bitcast3A_2251 = vector.bitcast %and3A_2250 : vector<16xi32> to vector<16xf32>
        %mul3A_2252 = arith.mulf %bitcast3A_2251, %bitcast3A_66 : vector<16xf32>
        %add3A_2253 = arith.addf %add3A_2237, %mul3A_2252 : vector<16xf32>
        %gather3A_2254 = tpu.vector_load_idx %arg12[%broadcast_in_dim3A_2185, %add3A_149] : memref<240x128xf32, #tpu.memory_space<vmem>>[vector<16xi32>, vector<16xi32>], vector<16xf32>,
        %gather3A_2255 = tpu.vector_load_idx %arg13[%broadcast_in_dim3A_2185, %add3A_149] : memref<240x128xf32, #tpu.memory_space<vmem>>[vector<16xi32>, vector<16xi32>], vector<16xf32>,
        %sub3A_2256 = arith.subf %gather3A_2254, %gather3A_2255 : vector<16xf32>
        %abs3A_2257 = math.absf %sub3A_2256 : vector<16xf32>
        %mul3A_2258 = vector.broadcast %squeeze3A_2187 : f32 to vector<16xf32>
        %mul3A_2259 = arith.mulf %abs3A_2257, %mul3A_2258 : vector<16xf32>
        %bitcast3A_2260 = vector.bitcast %mul3A_2259 : vector<16xf32> to vector<16xi32>
        %add3A_2261 = arith.constant 32768 : i32
        %add3A_2262 = vector.broadcast %add3A_2261 : i32 to vector<16xi32>
        %add3A_2263 = arith.addi %bitcast3A_2260, %add3A_2262 : vector<16xi32>
        %and3A_2264 = arith.constant -65536 : i32
        %and3A_2265 = vector.broadcast %and3A_2264 : i32 to vector<16xi32>
        %and3A_2266 = arith.andi %add3A_2263, %and3A_2265 : vector<16xi32>
        %bitcast3A_2267 = vector.bitcast %and3A_2266 : vector<16xi32> to vector<16xf32>
        %mul3A_2268 = arith.mulf %bitcast3A_2267, %bitcast3A_83 : vector<16xf32>
        %add3A_2269 = arith.addf %add3A_2253, %mul3A_2268 : vector<16xf32>
        %gather3A_2270 = tpu.vector_load_idx %arg12[%broadcast_in_dim3A_2185, %add3A_152] : memref<240x128xf32, #tpu.memory_space<vmem>>[vector<16xi32>, vector<16xi32>], vector<16xf32>,
        %gather3A_2271 = tpu.vector_load_idx %arg13[%broadcast_in_dim3A_2185, %add3A_152] : memref<240x128xf32, #tpu.memory_space<vmem>>[vector<16xi32>, vector<16xi32>], vector<16xf32>,
        %sub3A_2272 = arith.subf %gather3A_2270, %gather3A_2271 : vector<16xf32>
        %abs3A_2273 = math.absf %sub3A_2272 : vector<16xf32>
        %mul3A_2274 = vector.broadcast %squeeze3A_2187 : f32 to vector<16xf32>
        %mul3A_2275 = arith.mulf %abs3A_2273, %mul3A_2274 : vector<16xf32>
        %bitcast3A_2276 = vector.bitcast %mul3A_2275 : vector<16xf32> to vector<16xi32>
        %add3A_2277 = arith.constant 32768 : i32
        %add3A_2278 = vector.broadcast %add3A_2277 : i32 to vector<16xi32>
        %add3A_2279 = arith.addi %bitcast3A_2276, %add3A_2278 : vector<16xi32>
        %and3A_2280 = arith.constant -65536 : i32
        %and3A_2281 = vector.broadcast %and3A_2280 : i32 to vector<16xi32>
        %and3A_2282 = arith.andi %add3A_2279, %and3A_2281 : vector<16xi32>
        %bitcast3A_2283 = vector.bitcast %and3A_2282 : vector<16xi32> to vector<16xf32>
        %mul3A_2284 = arith.mulf %bitcast3A_2283, %bitcast3A_100 : vector<16xf32>
        %add3A_2285 = arith.addf %add3A_2269, %mul3A_2284 : vector<16xf32>
        %gather3A_2286 = tpu.vector_load_idx %arg12[%broadcast_in_dim3A_2185, %add3A_155] : memref<240x128xf32, #tpu.memory_space<vmem>>[vector<16xi32>, vector<16xi32>], vector<16xf32>,
        %gather3A_2287 = tpu.vector_load_idx %arg13[%broadcast_in_dim3A_2185, %add3A_155] : memref<240x128xf32, #tpu.memory_space<vmem>>[vector<16xi32>, vector<16xi32>], vector<16xf32>,
        %sub3A_2288 = arith.subf %gather3A_2286, %gather3A_2287 : vector<16xf32>
        %abs3A_2289 = math.absf %sub3A_2288 : vector<16xf32>
        %mul3A_2290 = vector.broadcast %squeeze3A_2187 : f32 to vector<16xf32>
        %mul3A_2291 = arith.mulf %abs3A_2289, %mul3A_2290 : vector<16xf32>
        %bitcast3A_2292 = vector.bitcast %mul3A_2291 : vector<16xf32> to vector<16xi32>
        %add3A_2293 = arith.constant 32768 : i32
        %add3A_2294 = vector.broadcast %add3A_2293 : i32 to vector<16xi32>
        %add3A_2295 = arith.addi %bitcast3A_2292, %add3A_2294 : vector<16xi32>
        %and3A_2296 = arith.constant -65536 : i32
        %and3A_2297 = vector.broadcast %and3A_2296 : i32 to vector<16xi32>
        %and3A_2298 = arith.andi %add3A_2295, %and3A_2297 : vector<16xi32>
        %bitcast3A_2299 = vector.bitcast %and3A_2298 : vector<16xi32> to vector<16xf32>
        %mul3A_2300 = arith.mulf %bitcast3A_2299, %bitcast3A_117 : vector<16xf32>
        %add3A_2301 = arith.addf %add3A_2285, %mul3A_2300 : vector<16xf32>
        %gather3A_2302 = tpu.vector_load_idx %arg12[%broadcast_in_dim3A_2185, %add3A_158] : memref<240x128xf32, #tpu.memory_space<vmem>>[vector<16xi32>, vector<16xi32>], vector<16xf32>,
        %gather3A_2303 = tpu.vector_load_idx %arg13[%broadcast_in_dim3A_2185, %add3A_158] : memref<240x128xf32, #tpu.memory_space<vmem>>[vector<16xi32>, vector<16xi32>], vector<16xf32>,
        %sub3A_2304 = arith.subf %gather3A_2302, %gather3A_2303 : vector<16xf32>
        %abs3A_2305 = math.absf %sub3A_2304 : vector<16xf32>
        %mul3A_2306 = vector.broadcast %squeeze3A_2187 : f32 to vector<16xf32>
        %mul3A_2307 = arith.mulf %abs3A_2305, %mul3A_2306 : vector<16xf32>
        %bitcast3A_2308 = vector.bitcast %mul3A_2307 : vector<16xf32> to vector<16xi32>
        %add3A_2309 = arith.constant 32768 : i32
        %add3A_2310 = vector.broadcast %add3A_2309 : i32 to vector<16xi32>
        %add3A_2311 = arith.addi %bitcast3A_2308, %add3A_2310 : vector<16xi32>
        %and3A_2312 = arith.constant -65536 : i32
        %and3A_2313 = vector.broadcast %and3A_2312 : i32 to vector<16xi32>
        %and3A_2314 = arith.andi %add3A_2311, %and3A_2313 : vector<16xi32>
        %bitcast3A_2315 = vector.bitcast %and3A_2314 : vector<16xi32> to vector<16xf32>
        %mul3A_2316 = arith.mulf %bitcast3A_2315, %bitcast3A_134 : vector<16xf32>
        %add3A_2317 = arith.addf %add3A_2301, %mul3A_2316 : vector<16xf32>
        %swap3A_2318 = arith.constant 238 : index
        %swap3A_2319 = tpu.vector_load %arg17[%swap3A_2318] {strides = array<i32>} : memref<272xf32, #tpu.memory_space<vmem>>, vector<16xf32>,
        tpu.vector_store %arg17[%swap3A_2318], %add3A_2317 {strides = array<i32>} : memref<272xf32, #tpu.memory_space<vmem>>, vector<16xf32>,
        %add3A_2320 = arith.constant 15 : i32
        %add3A_2321 = arith.addi %add3A_257, %add3A_2320 : i32
        %broadcast_in_dim3A_2322 = vector.broadcast %add3A_2321 : i32 to vector<16xi32>
        %slice3A_2323 = vector.extract_strided_slice %abs3A {offsets = [15], sizes = [1], strides = [1]} : vector<16xf32> to vector<1xf32>
        %squeeze3A_2324 = vector.extract %slice3A_2323[0] : f32 from vector<1xf32>
        %broadcast_in_dim3A_2325 = arith.constant 0.000000e+00 : f32
        %broadcast_in_dim3A_2326 = vector.broadcast %broadcast_in_dim3A_2325 : f32 to vector<16xf32>
        %gather3A_2327 = tpu.vector_load_idx %arg12[%broadcast_in_dim3A_2322, %add3A_137] : memref<240x128xf32, #tpu.memory_space<vmem>>[vector<16xi32>, vector<16xi32>], vector<16xf32>,
        %gather3A_2328 = tpu.vector_load_idx %arg13[%broadcast_in_dim3A_2322, %add3A_137] : memref<240x128xf32, #tpu.memory_space<vmem>>[vector<16xi32>, vector<16xi32>], vector<16xf32>,
        %sub3A_2329 = arith.subf %gather3A_2327, %gather3A_2328 : vector<16xf32>
        %abs3A_2330 = math.absf %sub3A_2329 : vector<16xf32>
        %mul3A_2331 = vector.broadcast %squeeze3A_2324 : f32 to vector<16xf32>
        %mul3A_2332 = arith.mulf %abs3A_2330, %mul3A_2331 : vector<16xf32>
        %bitcast3A_2333 = vector.bitcast %mul3A_2332 : vector<16xf32> to vector<16xi32>
        %add3A_2334 = arith.constant 32768 : i32
        %add3A_2335 = vector.broadcast %add3A_2334 : i32 to vector<16xi32>
        %add3A_2336 = arith.addi %bitcast3A_2333, %add3A_2335 : vector<16xi32>
        %and3A_2337 = arith.constant -65536 : i32
        %and3A_2338 = vector.broadcast %and3A_2337 : i32 to vector<16xi32>
        %and3A_2339 = arith.andi %add3A_2336, %and3A_2338 : vector<16xi32>
        %bitcast3A_2340 = vector.bitcast %and3A_2339 : vector<16xi32> to vector<16xf32>
        %mul3A_2341 = arith.mulf %bitcast3A_2340, %bitcast3A_15 : vector<16xf32>
        %add3A_2342 = arith.addf %broadcast_in_dim3A_2326, %mul3A_2341 : vector<16xf32>
        %gather3A_2343 = tpu.vector_load_idx %arg12[%broadcast_in_dim3A_2322, %add3A_140] : memref<240x128xf32, #tpu.memory_space<vmem>>[vector<16xi32>, vector<16xi32>], vector<16xf32>,
        %gather3A_2344 = tpu.vector_load_idx %arg13[%broadcast_in_dim3A_2322, %add3A_140] : memref<240x128xf32, #tpu.memory_space<vmem>>[vector<16xi32>, vector<16xi32>], vector<16xf32>,
        %sub3A_2345 = arith.subf %gather3A_2343, %gather3A_2344 : vector<16xf32>
        %abs3A_2346 = math.absf %sub3A_2345 : vector<16xf32>
        %mul3A_2347 = vector.broadcast %squeeze3A_2324 : f32 to vector<16xf32>
        %mul3A_2348 = arith.mulf %abs3A_2346, %mul3A_2347 : vector<16xf32>
        %bitcast3A_2349 = vector.bitcast %mul3A_2348 : vector<16xf32> to vector<16xi32>
        %add3A_2350 = arith.constant 32768 : i32
        %add3A_2351 = vector.broadcast %add3A_2350 : i32 to vector<16xi32>
        %add3A_2352 = arith.addi %bitcast3A_2349, %add3A_2351 : vector<16xi32>
        %and3A_2353 = arith.constant -65536 : i32
        %and3A_2354 = vector.broadcast %and3A_2353 : i32 to vector<16xi32>
        %and3A_2355 = arith.andi %add3A_2352, %and3A_2354 : vector<16xi32>
        %bitcast3A_2356 = vector.bitcast %and3A_2355 : vector<16xi32> to vector<16xf32>
        %mul3A_2357 = arith.mulf %bitcast3A_2356, %bitcast3A_32 : vector<16xf32>
        %add3A_2358 = arith.addf %add3A_2342, %mul3A_2357 : vector<16xf32>
        %gather3A_2359 = tpu.vector_load_idx %arg12[%broadcast_in_dim3A_2322, %add3A_143] : memref<240x128xf32, #tpu.memory_space<vmem>>[vector<16xi32>, vector<16xi32>], vector<16xf32>,
        %gather3A_2360 = tpu.vector_load_idx %arg13[%broadcast_in_dim3A_2322, %add3A_143] : memref<240x128xf32, #tpu.memory_space<vmem>>[vector<16xi32>, vector<16xi32>], vector<16xf32>,
        %sub3A_2361 = arith.subf %gather3A_2359, %gather3A_2360 : vector<16xf32>
        %abs3A_2362 = math.absf %sub3A_2361 : vector<16xf32>
        %mul3A_2363 = vector.broadcast %squeeze3A_2324 : f32 to vector<16xf32>
        %mul3A_2364 = arith.mulf %abs3A_2362, %mul3A_2363 : vector<16xf32>
        %bitcast3A_2365 = vector.bitcast %mul3A_2364 : vector<16xf32> to vector<16xi32>
        %add3A_2366 = arith.constant 32768 : i32
        %add3A_2367 = vector.broadcast %add3A_2366 : i32 to vector<16xi32>
        %add3A_2368 = arith.addi %bitcast3A_2365, %add3A_2367 : vector<16xi32>
        %and3A_2369 = arith.constant -65536 : i32
        %and3A_2370 = vector.broadcast %and3A_2369 : i32 to vector<16xi32>
        %and3A_2371 = arith.andi %add3A_2368, %and3A_2370 : vector<16xi32>
        %bitcast3A_2372 = vector.bitcast %and3A_2371 : vector<16xi32> to vector<16xf32>
        %mul3A_2373 = arith.mulf %bitcast3A_2372, %bitcast3A_49 : vector<16xf32>
        %add3A_2374 = arith.addf %add3A_2358, %mul3A_2373 : vector<16xf32>
        %gather3A_2375 = tpu.vector_load_idx %arg12[%broadcast_in_dim3A_2322, %add3A_146] : memref<240x128xf32, #tpu.memory_space<vmem>>[vector<16xi32>, vector<16xi32>], vector<16xf32>,
        %gather3A_2376 = tpu.vector_load_idx %arg13[%broadcast_in_dim3A_2322, %add3A_146] : memref<240x128xf32, #tpu.memory_space<vmem>>[vector<16xi32>, vector<16xi32>], vector<16xf32>,
        %sub3A_2377 = arith.subf %gather3A_2375, %gather3A_2376 : vector<16xf32>
        %abs3A_2378 = math.absf %sub3A_2377 : vector<16xf32>
        %mul3A_2379 = vector.broadcast %squeeze3A_2324 : f32 to vector<16xf32>
        %mul3A_2380 = arith.mulf %abs3A_2378, %mul3A_2379 : vector<16xf32>
        %bitcast3A_2381 = vector.bitcast %mul3A_2380 : vector<16xf32> to vector<16xi32>
        %add3A_2382 = arith.constant 32768 : i32
        %add3A_2383 = vector.broadcast %add3A_2382 : i32 to vector<16xi32>
        %add3A_2384 = arith.addi %bitcast3A_2381, %add3A_2383 : vector<16xi32>
        %and3A_2385 = arith.constant -65536 : i32
        %and3A_2386 = vector.broadcast %and3A_2385 : i32 to vector<16xi32>
        %and3A_2387 = arith.andi %add3A_2384, %and3A_2386 : vector<16xi32>
        %bitcast3A_2388 = vector.bitcast %and3A_2387 : vector<16xi32> to vector<16xf32>
        %mul3A_2389 = arith.mulf %bitcast3A_2388, %bitcast3A_66 : vector<16xf32>
        %add3A_2390 = arith.addf %add3A_2374, %mul3A_2389 : vector<16xf32>
        %gather3A_2391 = tpu.vector_load_idx %arg12[%broadcast_in_dim3A_2322, %add3A_149] : memref<240x128xf32, #tpu.memory_space<vmem>>[vector<16xi32>, vector<16xi32>], vector<16xf32>,
        %gather3A_2392 = tpu.vector_load_idx %arg13[%broadcast_in_dim3A_2322, %add3A_149] : memref<240x128xf32, #tpu.memory_space<vmem>>[vector<16xi32>, vector<16xi32>], vector<16xf32>,
        %sub3A_2393 = arith.subf %gather3A_2391, %gather3A_2392 : vector<16xf32>
        %abs3A_2394 = math.absf %sub3A_2393 : vector<16xf32>
        %mul3A_2395 = vector.broadcast %squeeze3A_2324 : f32 to vector<16xf32>
        %mul3A_2396 = arith.mulf %abs3A_2394, %mul3A_2395 : vector<16xf32>
        %bitcast3A_2397 = vector.bitcast %mul3A_2396 : vector<16xf32> to vector<16xi32>
        %add3A_2398 = arith.constant 32768 : i32
        %add3A_2399 = vector.broadcast %add3A_2398 : i32 to vector<16xi32>
        %add3A_2400 = arith.addi %bitcast3A_2397, %add3A_2399 : vector<16xi32>
        %and3A_2401 = arith.constant -65536 : i32
        %and3A_2402 = vector.broadcast %and3A_2401 : i32 to vector<16xi32>
        %and3A_2403 = arith.andi %add3A_2400, %and3A_2402 : vector<16xi32>
        %bitcast3A_2404 = vector.bitcast %and3A_2403 : vector<16xi32> to vector<16xf32>
        %mul3A_2405 = arith.mulf %bitcast3A_2404, %bitcast3A_83 : vector<16xf32>
        %add3A_2406 = arith.addf %add3A_2390, %mul3A_2405 : vector<16xf32>
        %gather3A_2407 = tpu.vector_load_idx %arg12[%broadcast_in_dim3A_2322, %add3A_152] : memref<240x128xf32, #tpu.memory_space<vmem>>[vector<16xi32>, vector<16xi32>], vector<16xf32>,
        %gather3A_2408 = tpu.vector_load_idx %arg13[%broadcast_in_dim3A_2322, %add3A_152] : memref<240x128xf32, #tpu.memory_space<vmem>>[vector<16xi32>, vector<16xi32>], vector<16xf32>,
        %sub3A_2409 = arith.subf %gather3A_2407, %gather3A_2408 : vector<16xf32>
        %abs3A_2410 = math.absf %sub3A_2409 : vector<16xf32>
        %mul3A_2411 = vector.broadcast %squeeze3A_2324 : f32 to vector<16xf32>
        %mul3A_2412 = arith.mulf %abs3A_2410, %mul3A_2411 : vector<16xf32>
        %bitcast3A_2413 = vector.bitcast %mul3A_2412 : vector<16xf32> to vector<16xi32>
        %add3A_2414 = arith.constant 32768 : i32
        %add3A_2415 = vector.broadcast %add3A_2414 : i32 to vector<16xi32>
        %add3A_2416 = arith.addi %bitcast3A_2413, %add3A_2415 : vector<16xi32>
        %and3A_2417 = arith.constant -65536 : i32
        %and3A_2418 = vector.broadcast %and3A_2417 : i32 to vector<16xi32>
        %and3A_2419 = arith.andi %add3A_2416, %and3A_2418 : vector<16xi32>
        %bitcast3A_2420 = vector.bitcast %and3A_2419 : vector<16xi32> to vector<16xf32>
        %mul3A_2421 = arith.mulf %bitcast3A_2420, %bitcast3A_100 : vector<16xf32>
        %add3A_2422 = arith.addf %add3A_2406, %mul3A_2421 : vector<16xf32>
        %gather3A_2423 = tpu.vector_load_idx %arg12[%broadcast_in_dim3A_2322, %add3A_155] : memref<240x128xf32, #tpu.memory_space<vmem>>[vector<16xi32>, vector<16xi32>], vector<16xf32>,
        %gather3A_2424 = tpu.vector_load_idx %arg13[%broadcast_in_dim3A_2322, %add3A_155] : memref<240x128xf32, #tpu.memory_space<vmem>>[vector<16xi32>, vector<16xi32>], vector<16xf32>,
        %sub3A_2425 = arith.subf %gather3A_2423, %gather3A_2424 : vector<16xf32>
        %abs3A_2426 = math.absf %sub3A_2425 : vector<16xf32>
        %mul3A_2427 = vector.broadcast %squeeze3A_2324 : f32 to vector<16xf32>
        %mul3A_2428 = arith.mulf %abs3A_2426, %mul3A_2427 : vector<16xf32>
        %bitcast3A_2429 = vector.bitcast %mul3A_2428 : vector<16xf32> to vector<16xi32>
        %add3A_2430 = arith.constant 32768 : i32
        %add3A_2431 = vector.broadcast %add3A_2430 : i32 to vector<16xi32>
        %add3A_2432 = arith.addi %bitcast3A_2429, %add3A_2431 : vector<16xi32>
        %and3A_2433 = arith.constant -65536 : i32
        %and3A_2434 = vector.broadcast %and3A_2433 : i32 to vector<16xi32>
        %and3A_2435 = arith.andi %add3A_2432, %and3A_2434 : vector<16xi32>
        %bitcast3A_2436 = vector.bitcast %and3A_2435 : vector<16xi32> to vector<16xf32>
        %mul3A_2437 = arith.mulf %bitcast3A_2436, %bitcast3A_117 : vector<16xf32>
        %add3A_2438 = arith.addf %add3A_2422, %mul3A_2437 : vector<16xf32>
        %gather3A_2439 = tpu.vector_load_idx %arg12[%broadcast_in_dim3A_2322, %add3A_158] : memref<240x128xf32, #tpu.memory_space<vmem>>[vector<16xi32>, vector<16xi32>], vector<16xf32>,
        %gather3A_2440 = tpu.vector_load_idx %arg13[%broadcast_in_dim3A_2322, %add3A_158] : memref<240x128xf32, #tpu.memory_space<vmem>>[vector<16xi32>, vector<16xi32>], vector<16xf32>,
        %sub3A_2441 = arith.subf %gather3A_2439, %gather3A_2440 : vector<16xf32>
        %abs3A_2442 = math.absf %sub3A_2441 : vector<16xf32>
        %mul3A_2443 = vector.broadcast %squeeze3A_2324 : f32 to vector<16xf32>
        %mul3A_2444 = arith.mulf %abs3A_2442, %mul3A_2443 : vector<16xf32>
        %bitcast3A_2445 = vector.bitcast %mul3A_2444 : vector<16xf32> to vector<16xi32>
        %add3A_2446 = arith.constant 32768 : i32
        %add3A_2447 = vector.broadcast %add3A_2446 : i32 to vector<16xi32>
        %add3A_2448 = arith.addi %bitcast3A_2445, %add3A_2447 : vector<16xi32>
        %and3A_2449 = arith.constant -65536 : i32
        %and3A_2450 = vector.broadcast %and3A_2449 : i32 to vector<16xi32>
        %and3A_2451 = arith.andi %add3A_2448, %and3A_2450 : vector<16xi32>
        %bitcast3A_2452 = vector.bitcast %and3A_2451 : vector<16xi32> to vector<16xf32>
        %mul3A_2453 = arith.mulf %bitcast3A_2452, %bitcast3A_134 : vector<16xf32>
        %add3A_2454 = arith.addf %add3A_2438, %mul3A_2453 : vector<16xf32>
        %swap3A_2455 = arith.constant 255 : index
        %swap3A_2456 = tpu.vector_load %arg17[%swap3A_2455] {strides = array<i32>} : memref<272xf32, #tpu.memory_space<vmem>>, vector<16xf32>,
        tpu.vector_store %arg17[%swap3A_2455], %add3A_2454 {strides = array<i32>} : memref<272xf32, #tpu.memory_space<vmem>>, vector<16xf32>,
        %gather3A_2457 = tpu.vector_load_idx %arg17[%mul3A_161] : memref<272xf32, #tpu.memory_space<vmem>>[vector<16xi32>], vector<16xf32>,
        %add3A_2458 = arith.constant 1 : i32
        %add3A_2459 = vector.broadcast %add3A_2458 : i32 to vector<16xi32>
        %add3A_2460 = arith.addi %mul3A_161, %add3A_2459 : vector<16xi32>
        %gather3A_2461 = tpu.vector_load_idx %arg17[%add3A_2460] : memref<272xf32, #tpu.memory_space<vmem>>[vector<16xi32>], vector<16xf32>,
        %add3A_2462 = arith.addf %gather3A_2457, %gather3A_2461 : vector<16xf32>
        %add3A_2463 = arith.constant 2 : i32
        %add3A_2464 = vector.broadcast %add3A_2463 : i32 to vector<16xi32>
        %add3A_2465 = arith.addi %mul3A_161, %add3A_2464 : vector<16xi32>
        %gather3A_2466 = tpu.vector_load_idx %arg17[%add3A_2465] : memref<272xf32, #tpu.memory_space<vmem>>[vector<16xi32>], vector<16xf32>,
        %add3A_2467 = arith.addf %add3A_2462, %gather3A_2466 : vector<16xf32>
        %add3A_2468 = arith.constant 3 : i32
        %add3A_2469 = vector.broadcast %add3A_2468 : i32 to vector<16xi32>
        %add3A_2470 = arith.addi %mul3A_161, %add3A_2469 : vector<16xi32>
        %gather3A_2471 = tpu.vector_load_idx %arg17[%add3A_2470] : memref<272xf32, #tpu.memory_space<vmem>>[vector<16xi32>], vector<16xf32>,
        %add3A_2472 = arith.addf %add3A_2467, %gather3A_2471 : vector<16xf32>
        %add3A_2473 = arith.constant 4 : i32
        %add3A_2474 = vector.broadcast %add3A_2473 : i32 to vector<16xi32>
        %add3A_2475 = arith.addi %mul3A_161, %add3A_2474 : vector<16xi32>
        %gather3A_2476 = tpu.vector_load_idx %arg17[%add3A_2475] : memref<272xf32, #tpu.memory_space<vmem>>[vector<16xi32>], vector<16xf32>,
        %add3A_2477 = arith.addf %add3A_2472, %gather3A_2476 : vector<16xf32>
        %add3A_2478 = arith.constant 5 : i32
        %add3A_2479 = vector.broadcast %add3A_2478 : i32 to vector<16xi32>
        %add3A_2480 = arith.addi %mul3A_161, %add3A_2479 : vector<16xi32>
        %gather3A_2481 = tpu.vector_load_idx %arg17[%add3A_2480] : memref<272xf32, #tpu.memory_space<vmem>>[vector<16xi32>], vector<16xf32>,
        %add3A_2482 = arith.addf %add3A_2477, %gather3A_2481 : vector<16xf32>
        %add3A_2483 = arith.constant 6 : i32
        %add3A_2484 = vector.broadcast %add3A_2483 : i32 to vector<16xi32>
        %add3A_2485 = arith.addi %mul3A_161, %add3A_2484 : vector<16xi32>
        %gather3A_2486 = tpu.vector_load_idx %arg17[%add3A_2485] : memref<272xf32, #tpu.memory_space<vmem>>[vector<16xi32>], vector<16xf32>,
        %add3A_2487 = arith.addf %add3A_2482, %gather3A_2486 : vector<16xf32>
        %add3A_2488 = arith.constant 7 : i32
        %add3A_2489 = vector.broadcast %add3A_2488 : i32 to vector<16xi32>
        %add3A_2490 = arith.addi %mul3A_161, %add3A_2489 : vector<16xi32>
        %gather3A_2491 = tpu.vector_load_idx %arg17[%add3A_2490] : memref<272xf32, #tpu.memory_space<vmem>>[vector<16xi32>], vector<16xf32>,
        %add3A_2492 = arith.addf %add3A_2487, %gather3A_2491 : vector<16xf32>
        %add3A_2493 = arith.constant 8 : i32
        %add3A_2494 = vector.broadcast %add3A_2493 : i32 to vector<16xi32>
        %add3A_2495 = arith.addi %mul3A_161, %add3A_2494 : vector<16xi32>
        %gather3A_2496 = tpu.vector_load_idx %arg17[%add3A_2495] : memref<272xf32, #tpu.memory_space<vmem>>[vector<16xi32>], vector<16xf32>,
        %add3A_2497 = arith.addf %add3A_2492, %gather3A_2496 : vector<16xf32>
        %add3A_2498 = arith.constant 9 : i32
        %add3A_2499 = vector.broadcast %add3A_2498 : i32 to vector<16xi32>
        %add3A_2500 = arith.addi %mul3A_161, %add3A_2499 : vector<16xi32>
        %gather3A_2501 = tpu.vector_load_idx %arg17[%add3A_2500] : memref<272xf32, #tpu.memory_space<vmem>>[vector<16xi32>], vector<16xf32>,
        %add3A_2502 = arith.addf %add3A_2497, %gather3A_2501 : vector<16xf32>
        %add3A_2503 = arith.constant 10 : i32
        %add3A_2504 = vector.broadcast %add3A_2503 : i32 to vector<16xi32>
        %add3A_2505 = arith.addi %mul3A_161, %add3A_2504 : vector<16xi32>
        %gather3A_2506 = tpu.vector_load_idx %arg17[%add3A_2505] : memref<272xf32, #tpu.memory_space<vmem>>[vector<16xi32>], vector<16xf32>,
        %add3A_2507 = arith.addf %add3A_2502, %gather3A_2506 : vector<16xf32>
        %add3A_2508 = arith.constant 11 : i32
        %add3A_2509 = vector.broadcast %add3A_2508 : i32 to vector<16xi32>
        %add3A_2510 = arith.addi %mul3A_161, %add3A_2509 : vector<16xi32>
        %gather3A_2511 = tpu.vector_load_idx %arg17[%add3A_2510] : memref<272xf32, #tpu.memory_space<vmem>>[vector<16xi32>], vector<16xf32>,
        %add3A_2512 = arith.addf %add3A_2507, %gather3A_2511 : vector<16xf32>
        %add3A_2513 = arith.constant 12 : i32
        %add3A_2514 = vector.broadcast %add3A_2513 : i32 to vector<16xi32>
        %add3A_2515 = arith.addi %mul3A_161, %add3A_2514 : vector<16xi32>
        %gather3A_2516 = tpu.vector_load_idx %arg17[%add3A_2515] : memref<272xf32, #tpu.memory_space<vmem>>[vector<16xi32>], vector<16xf32>,
        %add3A_2517 = arith.addf %add3A_2512, %gather3A_2516 : vector<16xf32>
        %add3A_2518 = arith.constant 13 : i32
        %add3A_2519 = vector.broadcast %add3A_2518 : i32 to vector<16xi32>
        %add3A_2520 = arith.addi %mul3A_161, %add3A_2519 : vector<16xi32>
        %gather3A_2521 = tpu.vector_load_idx %arg17[%add3A_2520] : memref<272xf32, #tpu.memory_space<vmem>>[vector<16xi32>], vector<16xf32>,
        %add3A_2522 = arith.addf %add3A_2517, %gather3A_2521 : vector<16xf32>
        %add3A_2523 = arith.constant 14 : i32
        %add3A_2524 = vector.broadcast %add3A_2523 : i32 to vector<16xi32>
        %add3A_2525 = arith.addi %mul3A_161, %add3A_2524 : vector<16xi32>
        %gather3A_2526 = tpu.vector_load_idx %arg17[%add3A_2525] : memref<272xf32, #tpu.memory_space<vmem>>[vector<16xi32>], vector<16xf32>,
        %add3A_2527 = arith.addf %add3A_2522, %gather3A_2526 : vector<16xf32>
        %add3A_2528 = arith.constant 15 : i32
        %add3A_2529 = vector.broadcast %add3A_2528 : i32 to vector<16xi32>
        %add3A_2530 = arith.addi %mul3A_161, %add3A_2529 : vector<16xi32>
        %gather3A_2531 = tpu.vector_load_idx %arg17[%add3A_2530] : memref<272xf32, #tpu.memory_space<vmem>>[vector<16xi32>], vector<16xf32>,
        %add3A_2532 = arith.addf %add3A_2527, %gather3A_2531 : vector<16xf32>
        %max3A = arith.constant 0.000000e+00 : f32
        %max3A_2533 = vector.broadcast %max3A : f32 to vector<16xf32>
        %max3A_2534 = arith.maximumf %add3A_2532, %max3A_2533 : vector<16xf32>
        %mul3A_2535 = arith.constant 1.44269502 : f32
        %mul3A_2536 = vector.broadcast %mul3A_2535 : f32 to vector<16xf32>
        %mul3A_2537 = arith.mulf %max3A_2534, %mul3A_2536 : vector<16xf32>
        %add3A_2538 = arith.constant 0x4B000000 : f32
        %add3A_2539 = vector.broadcast %add3A_2538 : f32 to vector<16xf32>
        %add3A_2540 = arith.addf %mul3A_2537, %add3A_2539 : vector<16xf32>
        %sub3A_2541 = arith.constant 0x4B000000 : f32
        %sub3A_2542 = vector.broadcast %sub3A_2541 : f32 to vector<16xf32>
        %sub3A_2543 = arith.subf %add3A_2540, %sub3A_2542 : vector<16xf32>
        %bitcast3A_2544 = vector.bitcast %add3A_2540 : vector<16xf32> to vector<16xi32>
        %sub3A_2545 = arith.constant 1258291200 : i32
        %sub3A_2546 = vector.broadcast %sub3A_2545 : i32 to vector<16xi32>
        %sub3A_2547 = arith.subi %bitcast3A_2544, %sub3A_2546 : vector<16xi32>
        %mul3A_2548 = arith.constant 0.693145751 : f32
        %mul3A_2549 = vector.broadcast %mul3A_2548 : f32 to vector<16xf32>
        %mul3A_2550 = arith.mulf %sub3A_2543, %mul3A_2549 : vector<16xf32>
        %sub3A_2551 = arith.subf %max3A_2534, %mul3A_2550 : vector<16xf32>
        %mul3A_2552 = arith.constant 1.42860677E-6 : f32
        %mul3A_2553 = vector.broadcast %mul3A_2552 : f32 to vector<16xf32>
        %mul3A_2554 = arith.mulf %sub3A_2543, %mul3A_2553 : vector<16xf32>
        %sub3A_2555 = arith.subf %sub3A_2551, %mul3A_2554 : vector<16xf32>
        %mul3A_2556 = arith.constant 1.98412701E-4 : f32
        %mul3A_2557 = vector.broadcast %mul3A_2556 : f32 to vector<16xf32>
        %mul3A_2558 = arith.mulf %mul3A_2557, %sub3A_2555 : vector<16xf32>
        %add3A_2559 = arith.constant 0.00138888892 : f32
        %add3A_2560 = vector.broadcast %add3A_2559 : f32 to vector<16xf32>
        %add3A_2561 = arith.addf %mul3A_2558, %add3A_2560 : vector<16xf32>
        %mul3A_2562 = arith.mulf %add3A_2561, %sub3A_2555 : vector<16xf32>
        %add3A_2563 = arith.constant 0.00833333377 : f32
        %add3A_2564 = vector.broadcast %add3A_2563 : f32 to vector<16xf32>
        %add3A_2565 = arith.addf %mul3A_2562, %add3A_2564 : vector<16xf32>
        %mul3A_2566 = arith.mulf %add3A_2565, %sub3A_2555 : vector<16xf32>
        %add3A_2567 = arith.constant 0.0416666679 : f32
        %add3A_2568 = vector.broadcast %add3A_2567 : f32 to vector<16xf32>
        %add3A_2569 = arith.addf %mul3A_2566, %add3A_2568 : vector<16xf32>
        %mul3A_2570 = arith.mulf %add3A_2569, %sub3A_2555 : vector<16xf32>
        %add3A_2571 = arith.constant 0.166666672 : f32
        %add3A_2572 = vector.broadcast %add3A_2571 : f32 to vector<16xf32>
        %add3A_2573 = arith.addf %mul3A_2570, %add3A_2572 : vector<16xf32>
        %mul3A_2574 = arith.mulf %add3A_2573, %sub3A_2555 : vector<16xf32>
        %add3A_2575 = arith.constant 5.000000e-01 : f32
        %add3A_2576 = vector.broadcast %add3A_2575 : f32 to vector<16xf32>
        %add3A_2577 = arith.addf %mul3A_2574, %add3A_2576 : vector<16xf32>
        %mul3A_2578 = arith.mulf %add3A_2577, %sub3A_2555 : vector<16xf32>
        %add3A_2579 = arith.constant 1.000000e+00 : f32
        %add3A_2580 = vector.broadcast %add3A_2579 : f32 to vector<16xf32>
        %add3A_2581 = arith.addf %mul3A_2578, %add3A_2580 : vector<16xf32>
        %mul3A_2582 = arith.mulf %add3A_2581, %sub3A_2555 : vector<16xf32>
        %add3A_2583 = arith.constant 1.000000e+00 : f32
        %add3A_2584 = vector.broadcast %add3A_2583 : f32 to vector<16xf32>
        %add3A_2585 = arith.addf %mul3A_2582, %add3A_2584 : vector<16xf32>
        %add3A_2586 = arith.constant 127 : i32
        %add3A_2587 = vector.broadcast %add3A_2586 : i32 to vector<16xi32>
        %add3A_2588 = arith.addi %sub3A_2547, %add3A_2587 : vector<16xi32>
        %shift_left3A = arith.constant 23 : i32
        %shift_left3A_2589 = vector.broadcast %shift_left3A : i32 to vector<16xi32>
        %shift_left3A_2590 = arith.shli %add3A_2588, %shift_left3A_2589 : vector<16xi32>
        %bitcast3A_2591 = vector.bitcast %shift_left3A_2590 : vector<16xi32> to vector<16xf32>
        %mul3A_2592 = arith.mulf %add3A_2585, %bitcast3A_2591 : vector<16xf32>
        %mul3A_2593 = arith.constant 16 : i32
        %mul3A_2594 = arith.muli %scan3A_253, %mul3A_2593 : i32
        %add3A_2595 = arith.addi %mul3A_221, %mul3A_2594 : i32
        %get3A_2596 = arith.index_cast %add3A_2595 : i32 to index
        %get3A_2597 = tpu.vector_load %arg11[%get3A_2596] {strides = array<i32>} : memref<10000xf32, #tpu.memory_space<vmem>>, vector<16xf32>,
        %mul3A_2598 = arith.mulf %get3A_2597, %get3A_2597 : vector<16xf32>
        %mul3A_2599 = arith.mulf %mul3A_2598, %mul3A_2598 : vector<16xf32>
        %mul3A_2600 = arith.mulf %mul3A_2599, %mul3A_2599 : vector<16xf32>
        %mul3A_2601 = arith.mulf %mul3A_2600, %mul3A_2600 : vector<16xf32>
        %mul3A_2602 = arith.mulf %mul3A_2601, %mul3A_2600 : vector<16xf32>
        %mul3A_2603 = arith.mulf %mul3A_2602, %get3A_2597 : vector<16xf32>
        %mul3A_2604 = arith.mulf %mul3A_2592, %mul3A_2603 : vector<16xf32>
        %mul3A_2605 = arith.constant 16 : i32
        %mul3A_2606 = arith.muli %scan3A_253, %mul3A_2605 : i32
        %add3A_2607 = arith.addi %mul3A_221, %mul3A_2606 : i32
        %swap3A_2608 = arith.index_cast %add3A_2607 : i32 to index
        %swap3A_2609 = tpu.vector_load %arg16[%swap3A_2608] {strides = array<i32>} : memref<10000xf32, #tpu.memory_space<vmem>>, vector<16xf32>,
        tpu.vector_store %arg16[%swap3A_2608], %mul3A_2604 {strides = array<i32>} : memref<10000xf32, #tpu.memory_space<vmem>>, vector<16xf32>,
        %scan3A_2610 = arith.constant 0 : i32
        scf.yield %scan3A_2610 : i32
      }
      %scan3A_251 = arith.constant 5 : i32
      %scan3A_252 = arith.constant 0 : i32
      scf.yield %scan3A_252 : i32
    }
    %scan3A_217 = arith.constant 125 : i32
    "tpu.region"() ({
      %run_scoped3A = tpu.sem_alloc : memref<!tpu.dma_semaphore, #tpu.memory_space<semaphore_mem>>
      %dma_start3A_218 = tpu.memref_slice %arg8[%mul3A_2] : memref<320000xf32, #tpu.memory_space<hbm>> -> memref<10000xf32, #tpu.memory_space<hbm>>
      %dma_start3A_219 = tpu.memref_slice %arg8[%mul3A_2] : memref<320000xf32, #tpu.memory_space<hbm>> -> memref<10000xf32, #tpu.memory_space<hbm>>
      tpu.enqueue_dma source(%arg16 : memref<10000xf32, #tpu.memory_space<vmem>>) target(%dma_start3A_219 : memref<10000xf32, #tpu.memory_space<hbm>>) target_semaphore(%run_scoped3A : memref<!tpu.dma_semaphore, #tpu.memory_space<semaphore_mem>>)
      %dma_wait3A = tpu.memref_slice %arg8[%mul3A_2] : memref<320000xf32, #tpu.memory_space<hbm>> -> memref<10000xf32, #tpu.memory_space<hbm>>
      %dma_wait3A_220 = tpu.memref_slice %arg8[%mul3A_2] : memref<320000xf32, #tpu.memory_space<hbm>> -> memref<10000xf32, #tpu.memory_space<hbm>>
      tpu.wait_dma2 semaphore(%run_scoped3A : memref<!tpu.dma_semaphore, #tpu.memory_space<semaphore_mem>>) src(%arg16 : memref<10000xf32, #tpu.memory_space<vmem>>) dst(%dma_wait3A_220 : memref<10000xf32, #tpu.memory_space<hbm>>)
      tpu.yield
    }) : () -> ()
    return
  }
}

module attributes {stable_mosaic.version = 14 : i64} {
  func.func @_mm_body(%arg0: i32, %arg1: memref<400x128xf32, #tpu.memory_space<vmem>>, %arg2: memref<128x128xf32, #tpu.memory_space<vmem>>, %arg3: memref<400x128xf32, #tpu.memory_space<vmem>>) attributes {dimension_semantics = [#tpu.dimension_semantics<arbitrary>], iteration_bounds = array<i64: 25>, scalar_prefetch = 0 : i64, scratch_operands = 0 : i64, tpu.core_type = #tpu.core_type<tc>, window_params = [{transform_indices = @transform_0, window_bounds = array<i64: 400, 128>}, {pipeline_mode = #tpu.pipeline_mode<synchronous>, transform_indices = @transform_1, window_bounds = array<i64: 128, 128>}, {transform_indices = @transform_2, window_bounds = array<i64: 400, 128>}]} {
    %get3A = arith.constant 0 : index
    %get3A_0 = arith.constant 0 : index
    %get3A_1 = vector.load %arg1[%get3A, %get3A_0] : memref<400x128xf32, #tpu.memory_space<vmem>>, vector<400x128xf32>
    %get3A_2 = arith.constant 0 : index
    %get3A_3 = arith.constant 0 : index
    %get3A_4 = vector.load %arg2[%get3A_2, %get3A_3] : memref<128x128xf32, #tpu.memory_space<vmem>>, vector<128x128xf32>
    %dot_general3A = arith.constant dense<0.000000e+00> : vector<400x128xf32>
    %dot_general3A_5 = tpu.matmul %get3A_1, %get3A_4, %dot_general3A {dimension_numbers = #tpu.dot_dimension_numbers<[1], [0], [0], [1], [0, 0, 1, 1], [], []>, transpose_lhs_hint = false} : vector<400x128xf32>, vector<128x128xf32>, vector<400x128xf32> -> vector<400x128xf32>
    %swap3A = arith.constant 0 : index
    %swap3A_6 = arith.constant 0 : index
    %swap3A_7 = vector.load %arg3[%swap3A, %swap3A_6] : memref<400x128xf32, #tpu.memory_space<vmem>>, vector<400x128xf32>
    tpu.vector_store %arg3[%swap3A, %swap3A_6], %dot_general3A_5 {strides = array<i32>} : memref<400x128xf32, #tpu.memory_space<vmem>>, vector<400x128xf32>,
    return
  }
  func.func @transform_0(%arg0: i32) -> (i32, i32) {
    %c0_i32 = arith.constant 0 : i32
    %c0_i32_0 = arith.constant 0 : i32
    return %arg0, %c0_i32 : i32, i32
  }
  func.func @transform_1(%arg0: i32) -> (i32, i32) {
    %c0_i32 = arith.constant 0 : i32
    %c0_i32_0 = arith.constant 0 : i32
    %c0_i32_1 = arith.constant 0 : i32
    return %c0_i32, %c0_i32_0 : i32, i32
  }
  func.func @transform_2(%arg0: i32) -> (i32, i32) {
    %c0_i32 = arith.constant 0 : i32
    %c0_i32_0 = arith.constant 0 : i32
    return %arg0, %c0_i32 : i32, i32
  }
}

</mosaic_0001>

<sc_bundles>
// kernel: kernel.5.cloned.1.call-start
scs
__scs_entry_jumppad:
0x0: {  	(pc) =	sbr.rel $0x88, $3  }
0x1: {  	(tag) =	ssettag $0x0;
	lr =	simm.s32 $0x1  }
0x2: {  	[smem:$0x3F99] =	sst lr;
	_ =	strace $0xD0000000  }
0x3: {  	_ = 	snop  }
0x4: {  	_ = 	snop  }
0x5: {  	_ = 	snop  }
0x6: {  	_ = 	snop  }
0x7: {  	_ = 	snop  }
__scs_overlays_trampoline_lowered:
0x8: {  	[smem:$0x3FA8] =	sst s0  }
0x9: {  	[smem:$0x3FA9] =	sst s1  }
0xa: {  	[smem:$0x3FAA] =	sst s2  }
0xb: {  	[smem:$0x3FAB] =	sst s3  }
0xc: {  	[smem:$0x3FAC] =	sst s4  }
0xd: {  	[smem:$0x3FAD] =	sst s5  }
0xe: {  	[smem:$0x3FAE] =	sst s6  }
0xf: {  	[smem:$0x3FAF] =	sst s7  }
0x10: {  	[smem:$0x3FB0] =	sst s8  }
0x11: {  	[smem:$0x3FB1] =	sst s9;
	s0 =	simm.s32 @!p0 $0x0  }
0x12: {  	s1 =	sld [smem:$0x3F97];
	s0 =	simm.s32 @p0 $0x1  }
0x13: {  	[smem:$0x3FB2] =	sst s0;
	s0 =	simm.s32 @!p1 $0x0  }
0x14: {  	s2 =	sld [smem:$0x3F96];
	s0 =	simm.s32 @p1 $0x1  }
0x15: {  	[smem:$0x3FB3] =	sst s0;
	s0 =	simm.s32 @!p2 $0x0  }
0x16: {  	s3 =	sld [smem:$0x3FDB];
	s0 =	simm.s32 @p2 $0x1  }
0x17: {  	s4 =	simm.s32 $0x1BF5;
	[smem:$0x3FB5] =	sst s0  }
0x18: {  	s0 =	sld [smem:$0x3F98];
	_ =	swait.ge [sflag:s4], $0x0  }
0x19: {  	s7 =	sld [smem:$0x3F99]  }
0x1a: {  	s8 =	sadd.s32 $0xFFFFE003, lr  }
0x1b: {  	s9 =	sadd.s32 $0xFFFFFEF7, lr;
	s5 =	simm.s32 $0xFFFFFFFF;
	p2 =	slt.u32 s8, $0xFFFFF086  }
0x1c: {  	p1 =	slt.u32 s9, $0xF7A;
	s5 =	simm.s32 @!p2 $0x0  }
0x1d: {  	s5 =	simm.s32 @p1 $0x1;
	p0 =	seq.s32 s7, s2  }
0x1e: {  	s7 =	smul.u32 @!p0 $0xF7A, s2;
	p2 =	seq.s32 @!p0 s5, $0x0  }
0x1f: {  	s9 =	smul.u32 $0xF7A, s1;
	s8 =	simm.s32 @!p0 $0x1BF5;
	p2 =	por !p2, p0  }
0x20: {  	[sflag:s8] =	ssyncset.s32 @!p0 $0xFFFFF086;
	s6 =	sadd.s32 @!p0 s3, s7;
	s7 =	simm.s32 @!p0 $0x108  }
0x21: {  	s3 =	sadd.s32 s3, s9;
	s6 =	sadd.s32 @!p0 $0x88, s6;
	s7 =	simm.s32 @p2 $0x1082  }
0x22: {  	[simem:s7], [sflag:s8] =	dma.local @!p0 [hbm:s6], $0xF7A  }
0x23: {  	s9 =	sor.u32 $0xD0000000, s2;
	s6 =	simm.s32 $0x108;
	_ =	swait.ge @!p0 [sflag:s8], $0x0  }
0x24: {  	s3 =	sadd.s32 $0x88, s3;
	s6 =	simm.s32 @!p1 $0x1082;
	[sflag:s4] =	ssyncset.s32 $0xFFFFF086  }
0x25: {  	[simem:s6], [sflag:s4] =	dma.local [hbm:s3], $0xF7A  }
0x26: {  	[smem:$0x3F99] =	sst s1;
	(tag) =	ssettag s2;
	_ =	strace s9  }
0x27: {  	s1 =	sld [smem:$0x3FA9]  }
0x28: {  	s2 =	sld [smem:$0x3FAA]  }
0x29: {  	s4 =	sld [smem:$0x3FAC]  }
0x2a: {  	p0 =	seq.s32 s5, $0x0;
	s5 =	sld [smem:$0x3FAD]  }
0x2b: {  	s6 =	sld [smem:$0x3FAE]  }
0x2c: {  	s7 =	sld [smem:$0x3FAF]  }
0x2d: {  	s3 =	simm.s32 $0x108;
	s8 =	sld [smem:$0x3FB0]  }
0x2e: {  	s3 =	simm.s32 @!p0 $0x1082;
	s9 =	sld [smem:$0x3FB1]  }
0x2f: {  	lr =	sadd.s32 s0, s3;
	s0 =	sld [smem:$0x3FA8]  }
0x30: {  	s3 =	sld [smem:$0x3FAB]  }
0x31: {  	[smem:$0x3FB4] =	sst s10  }
0x32: {  	s10 =	sld [smem:$0x3FB2];
	_ =	sdelay $0x3  }
0x33: {  	p0 =	seq.s32 s10, $0x1;
	s10 =	sld [smem:$0x3FB4];
	_ =	sdelay $0x3  }
0x34: {  	[smem:$0x3FB4] =	sst s10  }
0x35: {  	s10 =	sld [smem:$0x3FB3];
	_ =	sdelay $0x3  }
0x36: {  	p1 =	seq.s32 s10, $0x1;
	s10 =	sld [smem:$0x3FB4];
	_ =	sdelay $0x3  }
0x37: {  	[smem:$0x3FB4] =	sst s10  }
0x38: {  	s10 =	sld [smem:$0x3FB5]  }
0x39: {  	_ = 	snop;
	(pc) =	sbr.ind lr, $3  }
0x3a: {  	_ = 	snop  }
0x3b: {  	_ = 	snop  }
0x3c: {  	p2 =	seq.s32 s10, $0x1;
	s10 =	sld [smem:$0x3FB4]  }
0x3d: {  	_ =	shalt  }
0x3e: {  	_ =	shalt  }
0x3f: {  	_ =	shalt  }
0x40: {  	_ =	shalt  }
0x41: {  	_ =	shalt  }
0x42: {  	_ =	shalt  }
0x43: {  	_ =	shalt  }
0x44: {  	_ =	shalt  }
0x45: {  	_ =	shalt  }
0x46: {  	_ =	shalt  }
0x47: {  	_ =	shalt  }
0x48: {  	_ =	shalt  }
0x49: {  	_ =	shalt  }
0x4a: {  	_ =	shalt  }
0x4b: {  	_ =	shalt  }
0x4c: {  	_ =	shalt  }
0x4d: {  	_ =	shalt  }
0x4e: {  	_ =	shalt  }
0x4f: {  	_ =	shalt  }
0x50: {  	_ =	shalt  }
0x51: {  	_ =	shalt  }
0x52: {  	_ =	shalt  }
0x53: {  	_ =	shalt  }
0x54: {  	_ =	shalt  }
0x55: {  	_ =	shalt  }
0x56: {  	_ =	shalt  }
0x57: {  	_ =	shalt  }
0x58: {  	_ =	shalt  }
0x59: {  	_ =	shalt  }
0x5a: {  	_ =	shalt  }
0x5b: {  	_ =	shalt  }
0x5c: {  	_ =	shalt  }
0x5d: {  	_ =	shalt  }
0x5e: {  	_ =	shalt  }
0x5f: {  	_ =	shalt  }
0x60: {  	_ =	shalt  }
0x61: {  	_ =	shalt  }
0x62: {  	_ =	shalt  }
0x63: {  	_ =	shalt  }
0x64: {  	_ =	shalt  }
0x65: {  	_ =	shalt  }
0x66: {  	_ =	shalt  }
0x67: {  	_ =	shalt  }
0x68: {  	_ =	shalt  }
0x69: {  	_ =	shalt  }
0x6a: {  	_ =	shalt  }
0x6b: {  	_ =	shalt  }
0x6c: {  	_ =	shalt  }
0x6d: {  	_ =	shalt  }
0x6e: {  	_ =	shalt  }
0x6f: {  	_ =	shalt  }
0x70: {  	_ =	shalt  }
0x71: {  	_ =	shalt  }
0x72: {  	_ =	shalt  }
0x73: {  	_ =	shalt  }
0x74: {  	_ =	shalt  }
0x75: {  	_ =	shalt  }
0x76: {  	_ =	shalt  }
0x77: {  	_ =	shalt  }
0x78: {  	_ =	shalt  }
0x79: {  	_ =	shalt  }
0x7a: {  	_ =	shalt  }
0x7b: {  	_ =	shalt  }
0x7c: {  	_ =	shalt  }
0x7d: {  	_ =	shalt  }
0x7e: {  	_ =	shalt  }
0x7f: {  	_ =	shalt  }
0x80: {  	_ =	shalt  }
0x81: {  	_ =	shalt  }
0x82: {  	_ =	shalt  }
0x83: {  	_ =	shalt  }
0x84: {  	_ =	shalt  }
0x85: {  	_ =	shalt  }
0x86: {  	_ =	shalt  }
0x87: {  	_ =	shalt  }
.Lfunc_end0:
.L_simem_size_0:
called_computation_lowered:
.L_overlay_start_0:
0x88: {  	s2 =	sld [smem:$0x3FD9]  }
0x89: {  	s3 =	sld [smem:$0x3FFE];
	_ =	sdelay $0x1  }
0x8a: {  	s1 =	srdreg.scid  }
0x8b: {  	s0 =	sand.u32 $0x1, s1  }
0x8c: {  	s17 =	sshll.u32 s0, $0xA;
	s2 =	sadd.s32 s3, s2  }
0x8d: {  	s2 =	sadd.s32 s2, s17  }
0x8e: {  	[smem:$0x3FC0] =	sst s2  }
0x8f: {  	_ = 	snop  }
0x90: {  	s2 =	sld [smem:$0x3FC9]  }
0x91: {  	s18 =	sld [smem:$0x3FC8]  }
0x92: {  	s4 =	sld [smem:$0x3FC7];
	(tm) =	ssettm $0x1  }
0x93: {  	s5 =	sld [smem:$0x3FFB];
	_ =	sdelay $0x3  }
0x94: {  	_ =	strace s5  }
0x95: {  	s5 =	sld [smem:$0x3FFC];
	_ =	sdelay $0x3  }
0x96: {  	_ =	strace s5  }
0x97: {  	s5 =	sld [smem:$0x3FFD];
	_ =	sdelay $0x3  }
0x98: {  	_ =	strace s5  }
0x99: {  	_ =	strace $0x8FFFFFFF  }
0x9a: {  	s19 =	sld [smem:$0x3FDB];
	_ =	sdelay $0x1  }
0x9b: {  	s6 =	simm.s32 $_scs_section_size  }
0x9c: {  	s7 =	simm.s32 $_size__tile_overlayer_lowered;
	s8 =	simm.s32 $_tile_overlayer_lowered  }
0x9d: {  	s22 =	simm.s32 $0x1BFF;
	s21 =	sshll.u32 s8, $0x1;
	s5 =	sadd.s32 s6, s19  }
0x9e: {  	s9 =	simm.s32 $0x0;
	s20 =	sshll.u32 s7, $0x1;
	s7 =	sadd.s32 s21, s5  }
0x9f: {  	[timem:s9], [sflag:s22] =	dma.local [hbm:s7], s20  }
0xa0: {  	_ =	swait.ge [sflag:s22], s20  }
0xa1: {  	s6 =	ssub.s32 $0x0, s20;
	[sflag:s22] =	ssyncset.done $0x0  }
0xa2: {  	[sflag:s22] =	ssyncadd.s32 s6;
	_ =	sdelay $0x1  }
0xa3: {  	s23 =	simm.s32 $0x1B8B  }
0xa4: {  	_ =	swait.ge [sflag:s23], $0x1  }
0xa5: {  	[sflag:s23] =	ssyncset.done $0x0  }
0xa6: {  	s25 =	simm.s32 $0x1B8E;
	s24 =	sld [smem:$0x3FFE];
	[sflag:s23] =	ssyncadd.s32 $0xFFFFFFFF  }
0xa7: {  	s26 =	simm.s32 $execute0_lowered;
	[smem:$0x3FD2] =	sst s25  }
0xa8: {  	s7 =	sshll.u32 s26, $0x1;
	_ =	strace $0x80000046;
	[dreg:$0x1] =	wrdreg $0xFFFFFFFF  }
0xa9: {  	s28 =	simm.s32 $_size_execute0_lowered;
	s5 =	sadd.s32 s5, s7;
	[dreg:$0x0] =	wrdreg $0x0  }
0xaa: {  	s7 =	sshll.u32 s28, $0x1;
	[dreg:$0x2] =	wrdreg s5  }
0xab: {  	[dreg:$0x3] =	wrdreg s7  }
0xac: {  	[dreg:$0x4] =	wrdreg $0xC0  }
0xad: {  	_ =	task [dreg:s9], $0x5FFFF  }
0xae: {  	[dreg:$0x1] =	wrdreg $0xFFFFFFFF  }
0xaf: {  	[dreg:$0x0] =	wrdreg $0x60  }
0xb0: {  	[dreg:$0x2] =	wrdreg s2  }
0xb1: {  	[dreg:$0x3] =	wrdreg s18  }
0xb2: {  	[dreg:$0x4] =	wrdreg s4  }
0xb3: {  	[dreg:$0x5] =	wrdreg s24  }
0xb4: {  	[dreg:$0x6] =	wrdreg $0x9  }
0xb5: {  	_ =	task.clear_ibuf [dreg:s9], $0x7FFFF;
	_ =	strace $0x90000046  }
0xb6: {  	s29 =	simm.s32 $0x9;
	_ =	strace $0x80000048  }
0xb7: {  	_ =	swait.ge [sflag:s29], $0x1  }
0xb8: {  	[sflag:s29] =	ssyncadd.s32 $0xFFFFFFFF  }
0xb9: {  	_ =	strace $0x90000048  }
0xba: {  	_ =	sfence  }
0xbb: {  	s30 =	sld [smem:$0x0];
	_ =	sdelay $0x2  }
0xbc: {  	s31 =	sshll.u32 s1, $0xD;
	s1 =	sshrl.u32 s1, $0x2  }
0xbd: {  	s3 =	sand.u32 $0x4000, s31;
	s1 =	sadd.s32 s1, s30  }
0xbe: {  	s0 =	sor.u32 s3, s0;
	s1 =	sshll.u32 s1, $0x11  }
0xbf: {  	s0 =	sor.u32 s1, s0  }
0xc0: {  	s0 =	sadd.s32 $0x8F2B, s0  }
0xc1: {  	[sflag:s0] =	ssyncadd.remote.s32 $0x1  }
0xc2: {  	_ =	sfence.sel $0xFFFF  }
0xc3: {  	[dreg:$0x0] =	wrdreg $0xFFFFFFFF;
	(pc) =	sbr.abs _section_cstart, $3  }
0xc4: {  	[dreg:$0x1] =	wrdreg $0xFFFFFFFF  }
0xc5: {  	_ =	task.clear_ibuf [dreg:s9], $0x2FFFF;
	_ =	strace $0x9FFFFFFF  }
0xc6: {  	(tm) =	ssettm $0x7FFFFFFF  }
0xc7: {  	_ =	shalt  }
tec
execute0_lowered:
.L_overlay_start_1:
0x0: {  	(tag) =	ssettag $0x1  }
0x1: {  	s1 =	rddreg [dreg:$0x0]  }
0x2: {  	s2 =	rddreg [dreg:$0x1]  }
0x3: {  	s3 =	srdreg.scid;
	s0 =	stileid.u32  }
0x4: {  	s4 =	rddreg [dreg:$0x2];
	s6 =	sand.u32 $0x1, s3;
	s30 =	sshll.u32 s0, $0x1  }
0x5: {  	s7 =	rddreg [dreg:$0x3];
	s8 =	sor.u32 s6, s30  }
0x6: {  	s5 =	simm.s32 $0x0;
	s12 =	simm.s32 $0x0;
	s9 =	smul.u32 $0x1390, s8  }
0x7: {  	[smem:$0x7FF] =	sst s5;
	s6 =	ssub.s32 $0x2, s6;
	s10 =	smul.u32 $0x139, s8  }
0x8: {  	s3 =	rddreg [dreg:$0x4];
	_ =	strace $0x80000047;
	s31 =	sshrl.u32 s6, $0x1  }
0x9: {  	s8 =	ssub.s32 s6, s31;
	s7 =	sadd.s32 s9, s7;
	s11 =	sadd.s32 $0x139, s10  }
0xa: {  	s9 =	simm.s32 $0x7D00;
	v0 =	vmov s10;
	s10 =	simm.s32 $0xBB80;
	s6 =	sadd.s32 $0x600, s7  }
0xb: {  	v2 =	vimm.f32 $0.0e+00;
	s7 =	smax.u32 s8, $0x1;
	s8 =	simm.s32 $0x3E80;
	v1 =	vmov s11;
	s11 =	simm.s32 $0x7  }
.LBB2_1:
0xc: {  	[tilespmem:s5], [sflag:$0x1] =	stream.linear.gather [hbm4b:s1+s5], $0x1F40, $0x38;
	[tilespmem:$0x15800] =	vst v63  }
0xd: {  	_ = 	snop  }
0xe: {  	[tilespmem:s8], [sflag:$0x3] =	stream.linear.gather [hbm4b:s2+s5], $0x1F40, $0x38;
	[tilespmem:$0x15800] =	vst v63  }
0xf: {  	s13 =	simm.s32 $0xBBC0  }
0x10: {  	[tilespmem:s9], [sflag:$0x5] =	stream.linear.gather [hbm4b:s4+s5], $0x1F40, $0x38;
	[tilespmem:$0x15800] =	vst v63  }
0x11: {  	[tilespmem:s13+$0xFFFFFFC0] =	vst v2  }
0x12: {  	[tilespmem:s13+$0x30] =	vst v2  }
0x13: {  	[tilespmem:s13+$0x20] =	vst v2  }
0x14: {  	[tilespmem:s13+$0x10] =	vst v2  }
0x15: {  	[tilespmem:s13+$0x0] =	vst v2  }
0x16: {  	[tilespmem:s13+$0xFFFFFFF0] =	vst v2  }
0x17: {  	s14 =	simm.s32 $0x0;
	p0 =	por $0x0, $0x0;
	[tilespmem:s13+$0xFFFFFFE0] =	vst v2  }
.LBB2_2:
0x18: {  	s14 =	sadd.s32 $0x8, s14;
	[tilespmem:s13+$0xFFFFFFD0] =	vst v2;
	s13 =	sadd.s32 $0x80, s13  }
0x19: {  	[tilespmem:s13+$0xFFFFFFC0] =	vst v2;
	p1 =	slt.u32 s14, $0x9C0  }
0x1a: {  	[tilespmem:s13+$0x30] =	vst v2  }
.Ltmp0:
0x1b: {  	[tilespmem:s13+$0x20] =	vst v2;
	(pc) =	sbr.rel @p1 .LBB2_2-.Ltmp0, $4  }
0x1c: {  	[tilespmem:s13+$0x10] =	vst v2  }
0x1d: {  	[tilespmem:s13+$0x0] =	vst v2  }
0x1e: {  	[tilespmem:s13+$0xFFFFFFF0] =	vst v2  }
0x1f: {  	[tilespmem:s13+$0xFFFFFFE0] =	vst v2  }
0x20: {  	[tilespmem:s13+$0xFFFFFFD0] =	vst v2;
	s13 =	simm.s32 $0x0  }
.LBB2_5:
0x21: {  	s14 =	smov.u32 s13  }
0x22: {  	s13 =	sadd.s32 $0x1, s13;
	p1 =	seq.s32 s14, $0xF  }
0x23: {  	s15 =	sand.u32 @!p1 $0x1, s13;
	s16 =	smul.u32 @!p1 $0x3E8, s13  }
0x24: {  	s14 =	sand.u32 $0x1, s14;
	s20 =	simm.s32 @!p1 $0x0;
	s17 =	smul.u32 @!p1 $0x1F40, s15  }
0x25: {  	s29 =	sadd.s32 $0x1, s14;
	s18 =	sadd.s32 @!p1 $0x1, s15;
	s19 =	sadd.s32 @!p1 s1, s16  }
0x26: {  	[tilespmem:s17], [sflag:s18] =	stream.linear.gather @!p1 [hbm4b:s19+s20], $0x1F40, $0x38;
	[tilespmem:$0x15800] =	vst v63  }
0x27: {  	s21 =	sadd.s32 @!p1 s2, s16;
	s18 =	sadd.s32 @!p1 $0x3E80, s17;
	s19 =	sadd.s32 @!p1 $0x3, s15  }
0x28: {  	[tilespmem:s18], [sflag:s19] =	stream.linear.gather @!p1 [hbm4b:s21+s20], $0x1F40, $0x38;
	[tilespmem:$0x15800] =	vst v63  }
0x29: {  	s16 =	sadd.s32 @!p1 s4, s16;
	s17 =	sadd.s32 @!p1 $0x7D00, s17;
	s15 =	sadd.s32 @!p1 $0x5, s15  }
0x2a: {  	[tilespmem:s17], [sflag:s15] =	stream.linear.gather @!p1 [hbm4b:s16+s20], $0x1F40, $0x38;
	[tilespmem:$0x15800] =	vst v63  }
0x2b: {  	_ =	swait.ge [sflag:s29], $0x1F40  }
0x2c: {  	[sflag:s29] =	ssyncset.done $0x0  }
0x2d: {  	s30 =	sadd.s32 $0x3, s14;
	s16 =	simm.s32 $0x1;
	[sflag:s29] =	ssyncadd.s32 $0xFFFFE0C0  }
0x2e: {  	s16 =	simm.s32 @!p0 $0x0;
	_ =	swait.ge [sflag:s30], $0x1F40  }
0x2f: {  	s16 =	smul.u32 $0x7D00, s16;
	[sflag:s30] =	ssyncset.done $0x0  }
0x30: {  	s31 =	sadd.s32 $0x5, s14;
	[sflag:s30] =	ssyncadd.s32 $0xFFFFE0C0  }
0x31: {  	s16 =	sshrl.u32 s16, $0x2;
	_ =	swait.ge [sflag:s31], $0x1F40  }
0x32: {  	s17 =	simm.s32 $0xFFFFFFFC;
	s14 =	sor.u32 $0x20, s16;
	[sflag:s31] =	ssyncset.done $0x0  }
0x33: {  	s15 =	sadd.s32 $0x3EA0, s16;
	s16 =	sadd.s32 $0x7D20, s16;
	[sflag:s31] =	ssyncadd.s32 $0xFFFFE0C0  }
.LBB2_6:
0x34: {  	v3 =	vld [tilespmem:s14+$0xFFFFFFE0];
	_ =	sdelay $0x1  }
0x35: {  	v4 =	vld [tilespmem:s15+$0xFFFFFFE0];
	_ =	sdelay $0x2  }
0x36: {  	v5 =	vsub.s32 v3, v0;
	vm0 =	vge.s32 v3, v0;
	vm1 =	vlt.s32 v3, v1  }
0x37: {  	vm0 =	vmand vm0, vm1;
	v3 =	vshll.u32 v5, $0x7  }
0x38: {  	v54 =	vld [tilespmem:s16+$0xFFFFFFE0];
	v3 =	vadd.s32 v4, v3;
	_ =	sdelay $0x4  }
0x39: {  	[tilespmem:v3+s10+$0x0] =	vst.idx.add.f32.msk vm0, v54  }
0x3a: {  	v3 =	vld [tilespmem:s14+$0xFFFFFFF0];
	_ =	sdelay $0x1  }
0x3b: {  	v55 =	vld [tilespmem:s15+$0xFFFFFFF0];
	_ =	sdelay $0x2  }
0x3c: {  	v56 =	vsub.s32 v3, v0;
	vm10 =	vge.s32 v3, v0;
	vm11 =	vlt.s32 v3, v1  }
0x3d: {  	vm0 =	vmand vm10, vm11;
	v3 =	vshll.u32 v56, $0x7  }
0x3e: {  	v57 =	vld [tilespmem:s16+$0xFFFFFFF0];
	v3 =	vadd.s32 v55, v3;
	_ =	sdelay $0x4  }
0x3f: {  	[tilespmem:v3+s10+$0x0] =	vst.idx.add.f32.msk vm0, v57  }
0x40: {  	v3 =	vld [tilespmem:s14+$0x0];
	_ =	sdelay $0x1  }
0x41: {  	v58 =	vld [tilespmem:s15+$0x0];
	_ =	sdelay $0x2  }
0x42: {  	v59 =	vsub.s32 v3, v0;
	vm12 =	vge.s32 v3, v0;
	vm13 =	vlt.s32 v3, v1  }
0x43: {  	vm0 =	vmand vm12, vm13;
	v3 =	vshll.u32 v59, $0x7  }
0x44: {  	v60 =	vld [tilespmem:s16+$0x0];
	v3 =	vadd.s32 v58, v3;
	_ =	sdelay $0x4  }
0x45: {  	[tilespmem:v3+s10+$0x0] =	vst.idx.add.f32.msk vm0, v60  }
0x46: {  	v3 =	vld [tilespmem:s14+$0x10];
	_ =	sdelay $0x1  }
0x47: {  	v61 =	vld [tilespmem:s15+$0x10];
	_ =	sdelay $0x2  }
0x48: {  	v62 =	vsub.s32 v3, v0;
	vm14 =	vge.s32 v3, v0;
	vm15 =	vlt.s32 v3, v1  }
0x49: {  	s17 =	sadd.s32 $0x4, s17;
	vm0 =	vmand vm14, vm15;
	v3 =	vshll.u32 v62, $0x7  }
0x4a: {  	p1 =	slt.u32 s17, $0x1F0;
	v63 =	vld [tilespmem:s16+$0x10];
	v3 =	vadd.s32 v61, v3  }
.Ltmp1:
0x4b: {  	_ = 	snop;
	(pc) =	sbr.rel @p1 .LBB2_6-.Ltmp1, $2  }
0x4c: {  	_ =	sdelay $0x2  }
0x4d: {  	s14 =	sadd.s32 $0x40, s14;
	s15 =	sadd.s32 $0x40, s15;
	s16 =	sadd.s32 $0x40, s16;
	[tilespmem:v3+s10+$0x0] =	vst.idx.add.f32.msk vm0, v63  }
0x4e: {  	p1 =	seq.s32 s13, $0x10  }
.Ltmp2:
0x4f: {  	_ = 	snop;
	(pc) =	sbr.rel @!p1 .LBB2_5-.Ltmp2, $2  }
0x50: {  	_ =	sdelay $0x2  }
0x51: {  	p0 =	por !p0, !p0  }
0x52: {  	s12 =	sadd.s32 $0x1, s12  }
0x53: {  	p0 =	sne.s32 s12, s7  }
.Ltmp3:
0x54: {  	_ = 	snop;
	(pc) =	sbr.rel @p0 .LBB2_1-.Ltmp3, $4  }
0x55: {  	[hbm4b:s6+s5] =	stream.linear.scatter [tilespmem:s10], [sflag:$0x7], $0x9C80, $0x38;
	[tilespmem:$0x15800] =	vst v63  }
0x56: {  	_ =	swait.ge [sflag:s11], $0x9C80  }
0x57: {  	[sflag:s11] =	ssyncset.done $0x0  }
0x58: {  	[sflag:s11] =	ssyncadd.s32 $0xFFFF6380  }
0x59: {  	_ =	sfence.sel $0x180000  }
0x5a: {  	[bflag:$0x0] =	sbarrier.arrive $0xFFFF  }
0x5b: {  	p0 =	sne.s32 s0, $0x0;
	_ =	strace $0x90000047  }
0x5c: {  	s0 =	sadd.s32 @!p0 $0x100000, s3;
	[bflag:$0x2] =	sbarrier.arrive $0xFFFF  }
0x5d: {  	[sflag:s0] =	ssyncadd.tile.s32 @!p0 $0x1;
	_ =	shalt  }
.Lfunc_end2:
_tile_overlayer_lowered:
.L_overlay_start_2:
0x5e: {  	(tag) =	ssettag $0x2  }
0x5f: {  	s0 =	rddreg [dreg:$0x0];
	s2 =	stileid.u32  }
0x60: {  	s1 =	rddreg [dreg:$0x1];
	p0 =	sne.s32 s2, $0x0  }
0x61: {  	s3 =	rddreg [dreg:$0x2];
	[bflag:$0x3] =	sbarrier.arrive $0xFFFF;
	s2 =	simm.s32 @!p0 $0x1C07  }
0x62: {  	[timem:s3], [sflag:s2] =	dma.local @!p0 [hbm:s0], s1  }
0x63: {  	s0 =	simm.s32 @!p0 $0x7  }
0x64: {  	_ =	swait.ge @!p0 [sflag:s0], s1  }
0x65: {  	s1 =	ssub.s32 @!p0 $0x0, s1;
	[sflag:s0] =	ssyncset.done @!p0 $0x0  }
0x66: {  	[sflag:s0] =	ssyncadd.s32 @!p0 s1  }
0x67: {  	[bflag:$0x3] =	sbarrier.arrive $0xFFFF  }
0x68: {  	_ =	shalt  }

// kernel: kernel.8.cloned.1.call-start
scs
__scs_entry_jumppad:
0x0: {  	(pc) =	sbr.rel $0x88, $3  }
0x1: {  	(tag) =	ssettag $0x0;
	lr =	simm.s32 $0x1  }
0x2: {  	[smem:$0x3F99] =	sst lr;
	_ =	strace $0xD0000000  }
0x3: {  	_ = 	snop  }
0x4: {  	_ = 	snop  }
0x5: {  	_ = 	snop  }
0x6: {  	_ = 	snop  }
0x7: {  	_ = 	snop  }
__scs_overlays_trampoline_lowered:
0x8: {  	[smem:$0x3FA8] =	sst s0  }
0x9: {  	[smem:$0x3FA9] =	sst s1  }
0xa: {  	[smem:$0x3FAA] =	sst s2  }
0xb: {  	[smem:$0x3FAB] =	sst s3  }
0xc: {  	[smem:$0x3FAC] =	sst s4  }
0xd: {  	[smem:$0x3FAD] =	sst s5  }
0xe: {  	[smem:$0x3FAE] =	sst s6  }
0xf: {  	[smem:$0x3FAF] =	sst s7  }
0x10: {  	[smem:$0x3FB0] =	sst s8  }
0x11: {  	[smem:$0x3FB1] =	sst s9;
	s0 =	simm.s32 @!p0 $0x0  }
0x12: {  	s1 =	sld [smem:$0x3F97];
	s0 =	simm.s32 @p0 $0x1  }
0x13: {  	[smem:$0x3FB2] =	sst s0;
	s0 =	simm.s32 @!p1 $0x0  }
0x14: {  	s2 =	sld [smem:$0x3F96];
	s0 =	simm.s32 @p1 $0x1  }
0x15: {  	[smem:$0x3FB3] =	sst s0;
	s0 =	simm.s32 @!p2 $0x0  }
0x16: {  	s3 =	sld [smem:$0x3FDB];
	s0 =	simm.s32 @p2 $0x1  }
0x17: {  	s4 =	simm.s32 $0x1BF5;
	[smem:$0x3FB5] =	sst s0  }
0x18: {  	s0 =	sld [smem:$0x3F98];
	_ =	swait.ge [sflag:s4], $0x0  }
0x19: {  	s7 =	sld [smem:$0x3F99]  }
0x1a: {  	s8 =	sadd.s32 $0xFFFFE003, lr  }
0x1b: {  	s9 =	sadd.s32 $0xFFFFFEF7, lr;
	s5 =	simm.s32 $0xFFFFFFFF;
	p2 =	slt.u32 s8, $0xFFFFF086  }
0x1c: {  	p1 =	slt.u32 s9, $0xF7A;
	s5 =	simm.s32 @!p2 $0x0  }
0x1d: {  	s5 =	simm.s32 @p1 $0x1;
	p0 =	seq.s32 s7, s2  }
0x1e: {  	s7 =	smul.u32 @!p0 $0xF7A, s2;
	p2 =	seq.s32 @!p0 s5, $0x0  }
0x1f: {  	s9 =	smul.u32 $0xF7A, s1;
	s8 =	simm.s32 @!p0 $0x1BF5;
	p2 =	por !p2, p0  }
0x20: {  	[sflag:s8] =	ssyncset.s32 @!p0 $0xFFFFF086;
	s6 =	sadd.s32 @!p0 s3, s7;
	s7 =	simm.s32 @!p0 $0x108  }
0x21: {  	s3 =	sadd.s32 s3, s9;
	s6 =	sadd.s32 @!p0 $0x88, s6;
	s7 =	simm.s32 @p2 $0x1082  }
0x22: {  	[simem:s7], [sflag:s8] =	dma.local @!p0 [hbm:s6], $0xF7A  }
0x23: {  	s9 =	sor.u32 $0xD0000000, s2;
	s6 =	simm.s32 $0x108;
	_ =	swait.ge @!p0 [sflag:s8], $0x0  }
0x24: {  	s3 =	sadd.s32 $0x88, s3;
	s6 =	simm.s32 @!p1 $0x1082;
	[sflag:s4] =	ssyncset.s32 $0xFFFFF086  }
0x25: {  	[simem:s6], [sflag:s4] =	dma.local [hbm:s3], $0xF7A  }
0x26: {  	[smem:$0x3F99] =	sst s1;
	(tag) =	ssettag s2;
	_ =	strace s9  }
0x27: {  	s1 =	sld [smem:$0x3FA9]  }
0x28: {  	s2 =	sld [smem:$0x3FAA]  }
0x29: {  	s4 =	sld [smem:$0x3FAC]  }
0x2a: {  	p0 =	seq.s32 s5, $0x0;
	s5 =	sld [smem:$0x3FAD]  }
0x2b: {  	s6 =	sld [smem:$0x3FAE]  }
0x2c: {  	s7 =	sld [smem:$0x3FAF]  }
0x2d: {  	s3 =	simm.s32 $0x108;
	s8 =	sld [smem:$0x3FB0]  }
0x2e: {  	s3 =	simm.s32 @!p0 $0x1082;
	s9 =	sld [smem:$0x3FB1]  }
0x2f: {  	lr =	sadd.s32 s0, s3;
	s0 =	sld [smem:$0x3FA8]  }
0x30: {  	s3 =	sld [smem:$0x3FAB]  }
0x31: {  	[smem:$0x3FB4] =	sst s10  }
0x32: {  	s10 =	sld [smem:$0x3FB2];
	_ =	sdelay $0x3  }
0x33: {  	p0 =	seq.s32 s10, $0x1;
	s10 =	sld [smem:$0x3FB4];
	_ =	sdelay $0x3  }
0x34: {  	[smem:$0x3FB4] =	sst s10  }
0x35: {  	s10 =	sld [smem:$0x3FB3];
	_ =	sdelay $0x3  }
0x36: {  	p1 =	seq.s32 s10, $0x1;
	s10 =	sld [smem:$0x3FB4];
	_ =	sdelay $0x3  }
0x37: {  	[smem:$0x3FB4] =	sst s10  }
0x38: {  	s10 =	sld [smem:$0x3FB5]  }
0x39: {  	_ = 	snop;
	(pc) =	sbr.ind lr, $3  }
0x3a: {  	_ = 	snop  }
0x3b: {  	_ = 	snop  }
0x3c: {  	p2 =	seq.s32 s10, $0x1;
	s10 =	sld [smem:$0x3FB4]  }
0x3d: {  	_ =	shalt  }
0x3e: {  	_ =	shalt  }
0x3f: {  	_ =	shalt  }
0x40: {  	_ =	shalt  }
0x41: {  	_ =	shalt  }
0x42: {  	_ =	shalt  }
0x43: {  	_ =	shalt  }
0x44: {  	_ =	shalt  }
0x45: {  	_ =	shalt  }
0x46: {  	_ =	shalt  }
0x47: {  	_ =	shalt  }
0x48: {  	_ =	shalt  }
0x49: {  	_ =	shalt  }
0x4a: {  	_ =	shalt  }
0x4b: {  	_ =	shalt  }
0x4c: {  	_ =	shalt  }
0x4d: {  	_ =	shalt  }
0x4e: {  	_ =	shalt  }
0x4f: {  	_ =	shalt  }
0x50: {  	_ =	shalt  }
0x51: {  	_ =	shalt  }
0x52: {  	_ =	shalt  }
0x53: {  	_ =	shalt  }
0x54: {  	_ =	shalt  }
0x55: {  	_ =	shalt  }
0x56: {  	_ =	shalt  }
0x57: {  	_ =	shalt  }
0x58: {  	_ =	shalt  }
0x59: {  	_ =	shalt  }
0x5a: {  	_ =	shalt  }
0x5b: {  	_ =	shalt  }
0x5c: {  	_ =	shalt  }
0x5d: {  	_ =	shalt  }
0x5e: {  	_ =	shalt  }
0x5f: {  	_ =	shalt  }
0x60: {  	_ =	shalt  }
0x61: {  	_ =	shalt  }
0x62: {  	_ =	shalt  }
0x63: {  	_ =	shalt  }
0x64: {  	_ =	shalt  }
0x65: {  	_ =	shalt  }
0x66: {  	_ =	shalt  }
0x67: {  	_ =	shalt  }
0x68: {  	_ =	shalt  }
0x69: {  	_ =	shalt  }
0x6a: {  	_ =	shalt  }
0x6b: {  	_ =	shalt  }
0x6c: {  	_ =	shalt  }
0x6d: {  	_ =	shalt  }
0x6e: {  	_ =	shalt  }
0x6f: {  	_ =	shalt  }
0x70: {  	_ =	shalt  }
0x71: {  	_ =	shalt  }
0x72: {  	_ =	shalt  }
0x73: {  	_ =	shalt  }
0x74: {  	_ =	shalt  }
0x75: {  	_ =	shalt  }
0x76: {  	_ =	shalt  }
0x77: {  	_ =	shalt  }
0x78: {  	_ =	shalt  }
0x79: {  	_ =	shalt  }
0x7a: {  	_ =	shalt  }
0x7b: {  	_ =	shalt  }
0x7c: {  	_ =	shalt  }
0x7d: {  	_ =	shalt  }
0x7e: {  	_ =	shalt  }
0x7f: {  	_ =	shalt  }
0x80: {  	_ =	shalt  }
0x81: {  	_ =	shalt  }
0x82: {  	_ =	shalt  }
0x83: {  	_ =	shalt  }
0x84: {  	_ =	shalt  }
0x85: {  	_ =	shalt  }
0x86: {  	_ =	shalt  }
0x87: {  	_ =	shalt  }
.Lfunc_end0:
.L_simem_size_0:
called_computation.1_lowered:
.L_overlay_start_0:
0x88: {  	s2 =	sld [smem:$0x3FD9]  }
0x89: {  	s3 =	sld [smem:$0x3FFE];
	_ =	sdelay $0x1  }
0x8a: {  	s1 =	srdreg.scid  }
0x8b: {  	s0 =	sand.u32 $0x1, s1  }
0x8c: {  	s14 =	sshll.u32 s0, $0xA;
	s2 =	sadd.s32 s3, s2  }
0x8d: {  	s2 =	sadd.s32 s2, s14  }
0x8e: {  	[smem:$0x3FC0] =	sst s2  }
0x8f: {  	_ = 	snop  }
0x90: {  	s2 =	sld [smem:$0x3FD0]  }
0x91: {  	s15 =	sld [smem:$0x3FC5]  }
0x92: {  	s4 =	sld [smem:$0x3FC4]  }
0x93: {  	s6 =	simm.s32 $0xA;
	s7 =	simm.s32 $0x10;
	s5 =	sld [smem:$0x3FC2]  }
0x94: {  	[smem:s7], [sflag:s6] =	dma.local [hbm:s2], $0x1  }
0x95: {  	_ =	swait.eq [sflag:s6], $0x1  }
0x96: {  	[sflag:s6] =	ssyncset.done $0x0  }
0x97: {  	s16 =	sld [smem:$0x10];
	[sflag:s6] =	ssyncadd.s32 $0xFFFFFFFF  }
0x98: {  	s17 =	sld [smem:$0x11];
	(tm) =	ssettm $0x1  }
0x99: {  	s18 =	sld [smem:$0x3FFB];
	_ =	sdelay $0x3  }
0x9a: {  	_ =	strace s18  }
0x9b: {  	s7 =	sld [smem:$0x3FFC];
	_ =	sdelay $0x3  }
0x9c: {  	_ =	strace s7  }
0x9d: {  	s7 =	sld [smem:$0x3FFD];
	_ =	sdelay $0x3  }
0x9e: {  	_ =	strace s7  }
0x9f: {  	_ =	strace $0x8FFFFFFF  }
0xa0: {  	s19 =	sld [smem:$0x3FDB];
	_ =	sdelay $0x1  }
0xa1: {  	s8 =	simm.s32 $_scs_section_size  }
0xa2: {  	s9 =	simm.s32 $_size__tile_overlayer_lowered;
	s10 =	simm.s32 $_tile_overlayer_lowered  }
0xa3: {  	s22 =	simm.s32 $0x1BFF;
	s21 =	sshll.u32 s10, $0x1;
	s7 =	sadd.s32 s8, s19  }
0xa4: {  	s11 =	simm.s32 $0x0;
	s20 =	sshll.u32 s9, $0x1;
	s9 =	sadd.s32 s21, s7  }
0xa5: {  	[timem:s11], [sflag:s22] =	dma.local [hbm:s9], s20  }
0xa6: {  	_ =	swait.ge [sflag:s22], s20  }
0xa7: {  	s8 =	ssub.s32 $0x0, s20;
	[sflag:s22] =	ssyncset.done $0x0  }
0xa8: {  	[sflag:s22] =	ssyncadd.s32 s8;
	_ =	sdelay $0x1  }
0xa9: {  	s23 =	simm.s32 $0x1B8B  }
0xaa: {  	_ =	swait.ge [sflag:s23], $0x1  }
0xab: {  	[sflag:s23] =	ssyncset.done $0x0  }
0xac: {  	s25 =	simm.s32 $0x1B8E;
	s24 =	sld [smem:$0x3FFE];
	[sflag:s23] =	ssyncadd.s32 $0xFFFFFFFF  }
0xad: {  	s26 =	simm.s32 $execute0_lowered;
	[smem:$0x3FD2] =	sst s25  }
0xae: {  	s9 =	sshll.u32 s26, $0x1;
	_ =	strace $0x80000049;
	[dreg:$0x1] =	wrdreg $0xFFFFFFFF  }
0xaf: {  	s28 =	simm.s32 $_size_execute0_lowered;
	s7 =	sadd.s32 s7, s9;
	[dreg:$0x0] =	wrdreg $0x0  }
0xb0: {  	s9 =	sshll.u32 s28, $0x1;
	[dreg:$0x2] =	wrdreg s7  }
0xb1: {  	[dreg:$0x3] =	wrdreg s9  }
0xb2: {  	[dreg:$0x4] =	wrdreg $0xC0  }
0xb3: {  	_ =	task [dreg:s11], $0x5FFFF  }
0xb4: {  	[dreg:$0x1] =	wrdreg $0xFFFFFFFF  }
0xb5: {  	[dreg:$0x0] =	wrdreg $0x60  }
0xb6: {  	[dreg:$0x2] =	wrdreg s16  }
0xb7: {  	[dreg:$0x3] =	wrdreg s4  }
0xb8: {  	[dreg:$0x4] =	wrdreg s24  }
0xb9: {  	[dreg:$0x5] =	wrdreg s15  }
0xba: {  	[dreg:$0x6] =	wrdreg s5  }
0xbb: {  	[dreg:$0x7] =	wrdreg s17  }
0xbc: {  	[dreg:$0x8] =	wrdreg $0x9  }
0xbd: {  	_ =	task.clear_ibuf [dreg:s11], $0x9FFFF;
	_ =	strace $0x90000049  }
0xbe: {  	s29 =	simm.s32 $0x9;
	_ =	strace $0x8000004B  }
0xbf: {  	_ =	swait.ge [sflag:s29], $0x1  }
0xc0: {  	[sflag:s29] =	ssyncadd.s32 $0xFFFFFFFF  }
0xc1: {  	_ =	strace $0x9000004B  }
0xc2: {  	_ =	sfence  }
0xc3: {  	s30 =	sld [smem:$0x0];
	_ =	sdelay $0x2  }
0xc4: {  	s31 =	sshll.u32 s1, $0xD;
	s1 =	sshrl.u32 s1, $0x2  }
0xc5: {  	s3 =	sand.u32 $0x4000, s31;
	s1 =	sadd.s32 s1, s30  }
0xc6: {  	s0 =	sor.u32 s3, s0;
	s1 =	sshll.u32 s1, $0x11  }
0xc7: {  	s0 =	sor.u32 s1, s0  }
0xc8: {  	s0 =	sadd.s32 $0x8F2B, s0  }
0xc9: {  	[sflag:s0] =	ssyncadd.remote.s32 $0x1  }
0xca: {  	_ =	sfence.sel $0xFFFF  }
0xcb: {  	[dreg:$0x0] =	wrdreg $0xFFFFFFFF;
	(pc) =	sbr.abs _section_cstart, $3  }
0xcc: {  	[dreg:$0x1] =	wrdreg $0xFFFFFFFF  }
0xcd: {  	_ =	task.clear_ibuf [dreg:s11], $0x2FFFF;
	_ =	strace $0x9FFFFFFF  }
0xce: {  	(tm) =	ssettm $0x7FFFFFFF  }
0xcf: {  	_ =	shalt  }
tec
execute0_lowered:
.L_overlay_start_1:
0x0: {  	(tag) =	ssettag $0x1  }
0x1: {  	s0 =	rddreg [dreg:$0x0]  }
0x2: {  	s1 =	rddreg [dreg:$0x2]  }
0x3: {  	s2 =	rddreg [dreg:$0x3]  }
0x4: {  	s3 =	srdreg.scid;
	s4 =	stileid.u32  }
0x5: {  	s9 =	rddreg [dreg:$0x5];
	s5 =	simm.s32 $0x0;
	v0 =	vlaneseq.u32;
	s11 =	simm.s32 $0x16680  }
0x6: {  	s12 =	simm.s32 $0x7;
	s14 =	simm.s32 $0x50;
	s15 =	simm.s32 $0x7680;
	v1 =	vor.u32 $0x10, v0;
	v2 =	vor.u32 $0x20, v0  }
0x7: {  	s16 =	simm.s32 $0xEE80;
	s18 =	simm.s32 $0x27D0;
	s19 =	simm.s32 $0x11680;
	v3 =	vor.u32 $0x30, v0;
	v4 =	vor.u32 $0x40, v0;
	v5 =	vmul.u32 $0x11, v0  }
0x8: {  	s20 =	simm.s32 $0x1B600;
	s3 =	sand.u32 $0x1, s3;
	s4 =	sshll.u32 s4, $0x1;
	v6 =	vor.u32 $0x50, v0;
	v7 =	vor.u32 $0x60, v0;
	v8 =	vor.u32 $0x70, v0  }
0x9: {  	s21 =	simm.s32 $0x18E80;
	s4 =	sor.u32 s3, s4;
	s3 =	ssub.s32 $0x2, s3;
	v9 =	vadd.s32 $0x1, v5;
	v10 =	vadd.s32 $0x2, v5;
	v11 =	vadd.s32 $0x3, v5  }
0xa: {  	[smem:$0x7FF] =	sst s5;
	s4 =	smul.u32 $0x4E2, s4;
	s6 =	sshrl.u32 s3, $0x1;
	v12 =	vadd.s32 $0x4, v5;
	v13 =	vadd.s32 $0x5, v5;
	v14 =	vadd.s32 $0x6, v5  }
0xb: {  	s22 =	simm.s32 $0x0;
	_ =	strace $0x8000004A;
	v15 =	vadd.s32 $0x7, v5;
	v16 =	vadd.s32 $0x8, v5;
	v17 =	vadd.s32 $0x9, v5;
	s3 =	ssub.s32 s3, s6  }
0xc: {  	v18 =	vadd.s32 $0xA, v5;
	v19 =	vadd.s32 $0xB, v5;
	v20 =	vadd.s32 $0xC, v5;
	s1 =	sadd.s32 s4, s1;
	s8 =	sadd.s32 s2, s4;
	s9 =	sadd.s32 s9, s4  }
0xd: {  	v21 =	vadd.s32 $0xD, v5;
	v22 =	vadd.s32 $0xE, v5;
	v23 =	vadd.s32 $0xF, v5;
	s10 =	smax.u32 s3, $0x1;
	s6 =	sadd.s32 $0x31600, s1;
	s7 =	sadd.s32 $0x27800, s1  }
.LBB2_1:
0xe: {  	s1 =	rddreg [dreg:$0x1]  }
0xf: {  	[tilespmem:s11], [sflag:$0x7] =	stream.linear.gather [hbm4b:s1+s5], $0x2780, $0x38;
	[tilespmem:$0x1B780] =	vst v63  }
0x10: {  	_ =	swait.ge [sflag:s12], $0x2780  }
0x11: {  	[sflag:s12] =	ssyncset.done $0x0  }
0x12: {  	[sflag:s12] =	ssyncadd.s32 $0xFFFFD880  }
0x13: {  	s2 =	simm.s32 $0x18E00;
	s31 =	rddreg [dreg:$0x4]  }
0x14: {  	[tilespmem:s2], [sflag:$0x7] =	stream.linear.gather [hbm4b:s31+s5], $0x80, $0x38;
	[tilespmem:$0x1B780] =	vst v63  }
0x15: {  	_ =	swait.ge [sflag:s12], $0x80  }
0x16: {  	[sflag:s12] =	ssyncset.done $0x0  }
0x17: {  	[sflag:s12] =	ssyncadd.s32 $0xFFFFFF80  }
0x18: {  	[tilespmem:s5], [sflag:$0x7] =	stream.linear.gather [hbm4b:s6+s5], $0x2710, $0x38;
	[tilespmem:$0x1B780] =	vst v63  }
0x19: {  	_ =	swait.ge [sflag:s12], $0x2710  }
0x1a: {  	[sflag:s12] =	ssyncset.done $0x0  }
0x1b: {  	s2 =	simm.s32 $0x2780;
	[sflag:s12] =	ssyncadd.s32 $0xFFFFD8F0  }
0x1c: {  	[tilespmem:s2], [sflag:$0x7] =	stream.linear.gather [hbm4b:s7+s5], $0x2710, $0x38;
	[tilespmem:$0x1B780] =	vst v63  }
0x1d: {  	_ =	swait.ge [sflag:s12], $0x2710  }
0x1e: {  	[sflag:s12] =	ssyncset.done $0x0  }
0x1f: {  	s1 =	simm.s32 $0x4F00;
	[sflag:s12] =	ssyncadd.s32 $0xFFFFD8F0  }
0x20: {  	[tilespmem:s1], [sflag:$0x7] =	stream.linear.gather [hbm4b:s8+s5], $0x2710, $0x38;
	[tilespmem:$0x1B780] =	vst v63  }
0x21: {  	_ =	swait.ge [sflag:s12], $0x2710  }
0x22: {  	[sflag:s12] =	ssyncset.done $0x0  }
0x23: {  	[sflag:s12] =	ssyncadd.s32 $0xFFFFD8F0  }
0x24: {  	v24 =	vld [tilespmem:$0x18E00];
	_ =	sdelay $0x1  }
0x25: {  	v25 =	vld [tilespmem:$0x18E10]  }
0x26: {  	v26 =	vld [tilespmem:$0x18E20]  }
0x27: {  	v27 =	vld [tilespmem:$0x18E30]  }
0x28: {  	v28 =	vshrl.u32 v24, $0x10  }
0x29: {  	v29 =	vld [tilespmem:$0x18E40];
	v28 =	vand.u32 $0x1, v28  }
0x2a: {  	v30 =	vld [tilespmem:$0x18E50];
	v24 =	vadd.s32 v28, v24;
	v28 =	vshrl.u32 v25, $0x10  }
0x2b: {  	v31 =	vshrl.u32 v26, $0x10;
	v24 =	vadd.s32 $0x7FFF, v24;
	v28 =	vand.u32 $0x1, v28  }
0x2c: {  	v33 =	vld [tilespmem:$0x18E70];
	v25 =	vadd.s32 v28, v25;
	v28 =	vand.u32 $0x1, v31;
	v31 =	vshrl.u32 v27, $0x10  }
0x2d: {  	v32 =	vld [tilespmem:$0x18E60];
	v24 =	vand.u32 $0xFFFF0000, v24;
	v26 =	vadd.s32 v28, v26;
	v28 =	vand.u32 $0x1, v31  }
0x2e: {  	v31 =	vshrl.u32 v29, $0x10;
	v25 =	vadd.s32 $0x7FFF, v25;
	v27 =	vadd.s32 v28, v27  }
0x2f: {  	v28 =	vand.u32 $0x1, v31;
	v31 =	vshrl.u32 v30, $0x10;
	v25 =	vand.u32 $0xFFFF0000, v25  }
0x30: {  	[tilespmem:s15], [sflag:$0x1] =	stream.indirect.gather [hbm4b:s0+s14], $0x80, s5, s14, $0xb8;
	v26 =	vadd.s32 $0x7FFF, v26;
	v28 =	vadd.s32 v28, v29;
	v29 =	vand.u32 $0x1, v31;
	[tilespmem:$0x1B780] =	vst v63  }
0x31: {  	v26 =	vand.u32 $0xFFFF0000, v26;
	v31 =	vshrl.u32 v33, $0x10;
	v27 =	vadd.s32 $0x7FFF, v27  }
0x32: {  	[tilespmem:s16], [sflag:$0x4] =	stream.indirect.gather [hbm4b:s0+s14], $0x80, s2, s14, $0xb8;
	v29 =	vadd.s32 v29, v30;
	v30 =	vshrl.u32 v32, $0x10;
	v28 =	vadd.s32 $0x7FFF, v28;
	[tilespmem:$0x1B780] =	vst v63  }
0x33: {  	s3 =	simm.s32 $0x9E80;
	s4 =	simm.s32 $0x0;
	v31 =	vand.u32 $0x1, v31;
	v27 =	vand.u32 $0xFFFF0000, v27;
	v30 =	vand.u32 $0x1, v30  }
0x34: {  	[tilespmem:s3], [sflag:$0x2] =	stream.indirect.gather [hbm4b:s0+s14], $0x80, s14, s14, $0xb8;
	v28 =	vand.u32 $0xFFFF0000, v28;
	v31 =	vadd.s32 v31, v33;
	v30 =	vadd.s32 v30, v32;
	[tilespmem:$0x1B780] =	vst v63  }
0x35: {  	s28 =	simm.s32 $0x0;
	s29 =	simm.s32 $0x0;
	s3 =	simm.s32 $0x18E80;
	v29 =	vadd.s32 $0x7FFF, v29;
	v31 =	vadd.s32 $0x7FFF, v31;
	v30 =	vadd.s32 $0x7FFF, v30  }
0x36: {  	[tilespmem:s19], [sflag:$0x5] =	stream.indirect.gather [hbm4b:s0+s14], $0x80, s18, s14, $0xb8;
	v29 =	vand.u32 $0xFFFF0000, v29;
	v31 =	vand.u32 $0xFFFF0000, v31;
	v30 =	vand.u32 $0xFFFF0000, v30;
	[tilespmem:$0x1B780] =	vst v63  }
.LBB2_2:
0x37: {  	p0 =	sgt.u32 s29, $0x7A  }
0x38: {  	s13 =	sadd.s32 @!p0 $0x2, s29  }
0x39: {  	s23 =	smul.u32 @!p0 $0xAB, s13;
	_ =	sdelay $0x1  }
0x3a: {  	s23 =	sshrl.u32 @!p0 s23, $0x9  }
0x3b: {  	s24 =	smul.u32 $0xAB, s29;
	s23 =	sand.u32 @!p0 $0x7F, s23  }
0x3c: {  	s23 =	smul.u32 @!p0 $0x3, s23  }
0x3d: {  	s24 =	sshrl.u32 s24, $0x9  }
0x3e: {  	s24 =	sand.u32 $0x7F, s24;
	s23 =	ssub.s32 @!p0 s13, s23  }
0x3f: {  	s24 =	smul.u32 $0x3, s24;
	s23 =	sand.u32 @!p0 $0xFF, s23  }
0x40: {  	s25 =	smul.u32 @!p0 $0x2800, s23  }
0x41: {  	s31 =	simm.s32 @!p0 $0x50;
	s24 =	ssub.s32 s29, s24;
	s13 =	smul.u32 @!p0 $0x50, s13  }
0x42: {  	s24 =	sand.u32 $0xFF, s24;
	s30 =	sadd.s32 @!p0 $0x1, s23;
	s26 =	sadd.s32 @!p0 $0x7680, s25  }
0x43: {  	[tilespmem:s26], [sflag:s30] =	stream.indirect.gather @!p0 [hbm4b:s0+s31], $0x80, s13, s31, $0xb8;
	[tilespmem:$0x1B780] =	vst v63  }
0x44: {  	s23 =	sor.u32 @!p0 $0x4, s23;
	s25 =	sadd.s32 @!p0 $0xEE80, s25;
	s13 =	sadd.s32 @!p0 $0x2780, s13  }
0x45: {  	[tilespmem:s25], [sflag:s23] =	stream.indirect.gather @!p0 [hbm4b:s0+s31], $0x80, s13, s31, $0xb8;
	[tilespmem:$0x1B780] =	vst v63  }
0x46: {  	s17 =	sadd.s32 $0x1, s24;
	s25 =	smulhi.u32 $0xAAAAAAAB, s29  }
0x47: {  	_ =	swait.ge [sflag:s17], $0x2800  }
0x48: {  	[sflag:s17] =	ssyncset.done $0x0;
	s23 =	sshrl.u32 s25, $0x1  }
0x49: {  	s26 =	sadd.s32 $0x4, s24;
	[sflag:s17] =	ssyncadd.s32 $0xFFFFD800;
	s23 =	smul.u32 $0xF0, s23  }
0x4a: {  	s24 =	smov.u32 s1;
	s31 =	simm.s32 $0x0;
	_ =	swait.ge [sflag:s26], $0x2800  }
0x4b: {  	s25 =	smov.u32 s3;
	[sflag:s26] =	ssyncset.done $0x0;
	s30 =	ssub.s32 s28, s23  }
0x4c: {  	s23 =	smov.u32 s2;
	[sflag:s26] =	ssyncadd.s32 $0xFFFFD800;
	s26 =	smov.u32 s4  }
.LBB2_3:
0x4d: {  	s13 =	sadd.s32 s31, s30  }
0x4e: {  	s13 =	sshll.u32 s13, $0x7  }
0x4f: {  	v34 =	vor.u32 s13, v0;
	_ =	sdelay $0x1  }
0x50: {  	v35 =	vor.u32 s13, v1  }
0x51: {  	v32 =	vld [tilespmem:s26+$0x0]  }
0x52: {  	v33 =	vld [tilespmem:s23+$0x0];
	v37 =	vor.u32 s13, v2  }
0x53: {  	v36 =	vld.idx.msk [tilespmem:v34+s15+$0x0], $0xffff  }
0x54: {  	v34 =	vld.idx.msk [tilespmem:v34+s16+$0x0], $0xffff  }
0x55: {  	v38 =	vld.idx.msk [tilespmem:v35+s15+$0x0], $0xffff  }
0x56: {  	v39 =	vor.u32 s13, v3;
	v57 =	vld.idx.msk [tilespmem:v35+s16+$0x0], $0xffff  }
0x57: {  	v58 =	vld.idx.msk [tilespmem:v37+s15+$0x0], $0xffff  }
0x58: {  	v61 =	vor.u32 s13, v6;
	v37 =	vld.idx.msk [tilespmem:v37+s16+$0x0], $0xffff  }
0x59: {  	v32 =	vld.idx.msk [tilespmem:v32+s11+$0x0], $0xffff  }
0x5a: {  	v43 =	vor.u32 s13, v7;
	v33 =	vld.idx.msk [tilespmem:v33+s11+$0x0], $0xffff  }
0x5b: {  	v41 =	vld.idx.msk [tilespmem:v39+s15+$0x0], $0xffff  }
0x5c: {  	v60 =	vld.idx.msk [tilespmem:v39+s16+$0x0], $0xffff  }
0x5d: {  	v63 =	vld.idx.msk [tilespmem:v61+s15+$0x0], $0xffff  }
0x5e: {  	v59 =	vor.u32 s13, v4;
	v39 =	vld.idx.msk [tilespmem:v61+s16+$0x0], $0xffff  }
0x5f: {  	v44 =	vld.idx.msk [tilespmem:v43+s15+$0x0], $0xffff;
	v32 =	vsub.f32 v32, v33  }
0x60: {  	v47 =	vld.idx.msk [tilespmem:v43+s16+$0x0], $0xffff  }
0x61: {  	v34 =	vsub.f32 v36, v34;
	v32 =	vand.u32 $0x7FFFFFFF, v32  }
0x62: {  	v40 =	vbroadcast v32, $0x0  }
0x63: {  	v62 =	vor.u32 s13, v8;
	v42 =	vld.idx.msk [tilespmem:v59+s15+$0x0], $0xffff;
	v33 =	vsub.f32 v38, v57;
	v34 =	vand.u32 $0x7FFFFFFF, v34  }
0x64: {  	v35 =	vsub.f32 v58, v37;
	v36 =	vld.idx.msk [tilespmem:v59+s16+$0x0], $0xffff;
	v39 =	vsub.f32 v63, v39;
	v34 =	vmul.f32 v34, v40  }
0x65: {  	v52 =	vsub.f32 v44, v47;
	v38 =	vsub.f32 v41, v60;
	v33 =	vand.u32 $0x7FFFFFFF, v33  }
0x66: {  	v35 =	vand.u32 $0x7FFFFFFF, v35;
	v33 =	vmul.f32 v33, v40;
	v34 =	vadd.s32 $0x8000, v34  }
0x67: {  	v51 =	vand.u32 $0x7FFFFFFF, v39;
	v38 =	vand.u32 $0x7FFFFFFF, v38;
	v34 =	vand.u32 $0xFFFF0000, v34  }
0x68: {  	v35 =	vmul.f32 v35, v40;
	v33 =	vadd.s32 $0x8000, v33;
	v34 =	vmul.f32 v34, v24  }
0x69: {  	v49 =	vld.idx.msk [tilespmem:v62+s15+$0x0], $0xffff;
	v36 =	vsub.f32 v42, v36;
	v38 =	vmul.f32 v38, v40;
	v33 =	vand.u32 $0xFFFF0000, v33  }
0x6a: {  	v37 =	vld.idx.msk [tilespmem:v62+s16+$0x0], $0xffff;
	v35 =	vadd.s32 $0x8000, v35;
	v33 =	vmul.f32 v33, v25;
	v34 =	vadd.f32 $0.0e+00, v34  }
0x6b: {  	v36 =	vand.u32 $0x7FFFFFFF, v36;
	v38 =	vadd.s32 $0x8000, v38;
	v48 =	vand.u32 $0xFFFF0000, v35  }
0x6c: {  	v36 =	vmul.f32 v36, v40;
	v33 =	vadd.f32 v33, v34;
	v34 =	vmul.f32 v48, v26  }
0x6d: {  	v55 =	vand.u32 $0x7FFFFFFF, v52;
	v54 =	vmul.f32 v51, v40;
	v38 =	vand.u32 $0xFFFF0000, v38  }
0x6e: {  	v50 =	vmul.f32 v38, v27;
	v36 =	vadd.s32 $0x8000, v36;
	v33 =	vadd.f32 v34, v33  }
0x6f: {  	v56 =	vmul.f32 v55, v40;
	v35 =	vsub.f32 v49, v37;
	v53 =	vand.u32 $0xFFFF0000, v36  }
0x70: {  	v36 =	vadd.s32 $0x8000, v54;
	v34 =	vmul.f32 v53, v28;
	v33 =	vadd.f32 v50, v33  }
0x71: {  	v58 =	vadd.s32 $0x8000, v56;
	v35 =	vand.u32 $0x7FFFFFFF, v35;
	v57 =	vand.u32 $0xFFFF0000, v36  }
0x72: {  	v35 =	vmul.f32 v35, v40;
	v33 =	vadd.f32 v34, v33;
	v34 =	vmul.f32 v57, v29  }
0x73: {  	v36 =	vand.u32 $0xFFFF0000, v58  }
0x74: {  	v59 =	vmul.f32 v36, v30;
	v35 =	vadd.s32 $0x8000, v35;
	v33 =	vadd.f32 v34, v33  }
0x75: {  	s17 =	sadd.s32 $0x80, s13;
	v35 =	vand.u32 $0xFFFF0000, v35  }
0x76: {  	v61 =	vor.u32 s17, v0;
	v60 =	vmul.f32 v35, v31;
	v33 =	vadd.f32 v59, v33;
	_ =	sdelay $0x1  }
0x77: {  	v62 =	vor.u32 s17, v1;
	v33 =	vadd.f32 v60, v33;
	_ =	sdelay $0x1  }
0x78: {  	v63 =	vor.u32 s17, v2;
	[tilespmem:$0x1B600] =	vst v33  }
0x79: {  	v33 =	vld.idx.msk [tilespmem:v61+s15+$0x0], $0xffff  }
0x7a: {  	v45 =	vor.u32 s17, v3;
	v35 =	vld.idx.msk [tilespmem:v61+s16+$0x0], $0xffff  }
0x7b: {  	v44 =	vld.idx.msk [tilespmem:v62+s15+$0x0], $0xffff  }
0x7c: {  	v47 =	vor.u32 s17, v4;
	v34 =	vld.idx.msk [tilespmem:v62+s16+$0x0], $0xffff  }
0x7d: {  	v46 =	vld.idx.msk [tilespmem:v63+s15+$0x0], $0xffff  }
0x7e: {  	v51 =	vor.u32 s17, v6;
	v36 =	vld.idx.msk [tilespmem:v63+s16+$0x0], $0xffff  }
0x7f: {  	v49 =	vld.idx.msk [tilespmem:v45+s15+$0x0], $0xffff  }
0x80: {  	v53 =	vor.u32 s17, v7;
	v50 =	vld.idx.msk [tilespmem:v45+s16+$0x0], $0xffff  }
0x81: {  	v52 =	vld.idx.msk [tilespmem:v47+s15+$0x0], $0xffff  }
0x82: {  	v54 =	vld.idx.msk [tilespmem:v47+s16+$0x0], $0xffff  }
0x83: {  	v56 =	vld.idx.msk [tilespmem:v51+s15+$0x0], $0xffff  }
0x84: {  	v38 =	vld.idx.msk [tilespmem:v51+s16+$0x0], $0xffff  }
0x85: {  	v57 =	vld.idx.msk [tilespmem:v53+s15+$0x0], $0xffff  }
0x86: {  	v58 =	vld.idx.msk [tilespmem:v53+s16+$0x0], $0xffff;
	v33 =	vsub.f32 v33, v35  }
0x87: {  	v48 =	vbroadcast v32, $0x1  }
0x88: {  	v55 =	vor.u32 s17, v8;
	v34 =	vsub.f32 v44, v34;
	v33 =	vand.u32 $0x7FFFFFFF, v33  }
0x89: {  	v35 =	vsub.f32 v46, v36;
	v37 =	vsub.f32 v49, v50;
	v33 =	vmul.f32 v33, v48  }
0x8a: {  	v36 =	vsub.f32 v52, v54;
	v38 =	vsub.f32 v56, v38;
	v34 =	vand.u32 $0x7FFFFFFF, v34  }
0x8b: {  	v63 =	vsub.f32 v57, v58;
	v34 =	vmul.f32 v34, v48;
	v33 =	vadd.s32 $0x8000, v33  }
0x8c: {  	v35 =	vand.u32 $0x7FFFFFFF, v35;
	v37 =	vand.u32 $0x7FFFFFFF, v37;
	v33 =	vand.u32 $0xFFFF0000, v33  }
0x8d: {  	v35 =	vmul.f32 v35, v48;
	v34 =	vadd.s32 $0x8000, v34;
	v33 =	vmul.f32 v33, v24  }
0x8e: {  	v60 =	vld.idx.msk [tilespmem:v55+s15+$0x0], $0xffff;
	v36 =	vand.u32 $0x7FFFFFFF, v36;
	v37 =	vmul.f32 v37, v48;
	v34 =	vand.u32 $0xFFFF0000, v34  }
0x8f: {  	v39 =	vld.idx.msk [tilespmem:v55+s16+$0x0], $0xffff;
	v35 =	vadd.s32 $0x8000, v35;
	v34 =	vmul.f32 v34, v25;
	v33 =	vadd.f32 $0.0e+00, v33  }
0x90: {  	v62 =	vand.u32 $0x7FFFFFFF, v38;
	v36 =	vmul.f32 v36, v48;
	v59 =	vand.u32 $0xFFFF0000, v35  }
0x91: {  	v37 =	vadd.s32 $0x8000, v37;
	v33 =	vadd.f32 v34, v33;
	v34 =	vmul.f32 v59, v26  }
0x92: {  	v43 =	vand.u32 $0x7FFFFFFF, v63;
	v42 =	vmul.f32 v62, v48;
	v37 =	vand.u32 $0xFFFF0000, v37  }
0x93: {  	v36 =	vadd.s32 $0x8000, v36;
	v61 =	vmul.f32 v37, v27;
	v33 =	vadd.f32 v34, v33  }
0x94: {  	v41 =	vand.u32 $0xFFFF0000, v36;
	v35 =	vsub.f32 v60, v39;
	v37 =	vmul.f32 v43, v48  }
0x95: {  	v36 =	vadd.s32 $0x8000, v42;
	v34 =	vmul.f32 v41, v28;
	v33 =	vadd.f32 v61, v33  }
0x96: {  	v44 =	vand.u32 $0xFFFF0000, v36;
	v35 =	vand.u32 $0x7FFFFFFF, v35;
	v45 =	vadd.s32 $0x8000, v37  }
0x97: {  	v35 =	vmul.f32 v35, v48;
	v33 =	vadd.f32 v34, v33;
	v34 =	vmul.f32 v44, v29  }
0x98: {  	v36 =	vand.u32 $0xFFFF0000, v45  }
0x99: {  	v46 =	vmul.f32 v36, v30;
	v35 =	vadd.s32 $0x8000, v35;
	v33 =	vadd.f32 v34, v33  }
0x9a: {  	s17 =	sadd.s32 $0x100, s13;
	v35 =	vand.u32 $0xFFFF0000, v35  }
0x9b: {  	v48 =	vor.u32 s17, v0;
	v47 =	vmul.f32 v35, v31;
	v33 =	vadd.f32 v46, v33;
	_ =	sdelay $0x1  }
0x9c: {  	v49 =	vor.u32 s17, v1;
	v33 =	vadd.f32 v47, v33;
	_ =	sdelay $0x1  }
0x9d: {  	v50 =	vor.u32 s17, v2;
	[tilespmem:$0x1B611] =	vst v33  }
0x9e: {  	v33 =	vld.idx.msk [tilespmem:v48+s15+$0x0], $0xffff  }
0x9f: {  	v52 =	vor.u32 s17, v3;
	v35 =	vld.idx.msk [tilespmem:v48+s16+$0x0], $0xffff  }
0xa0: {  	v51 =	vld.idx.msk [tilespmem:v49+s15+$0x0], $0xffff  }
0xa1: {  	v54 =	vor.u32 s17, v4;
	v34 =	vld.idx.msk [tilespmem:v49+s16+$0x0], $0xffff  }
0xa2: {  	v53 =	vld.idx.msk [tilespmem:v50+s15+$0x0], $0xffff  }
0xa3: {  	v57 =	vor.u32 s17, v6;
	v36 =	vld.idx.msk [tilespmem:v50+s16+$0x0], $0xffff  }
0xa4: {  	v55 =	vld.idx.msk [tilespmem:v52+s15+$0x0], $0xffff  }
0xa5: {  	v59 =	vor.u32 s17, v7;
	v56 =	vld.idx.msk [tilespmem:v52+s16+$0x0], $0xffff  }
0xa6: {  	v58 =	vld.idx.msk [tilespmem:v54+s15+$0x0], $0xffff  }
0xa7: {  	v60 =	vld.idx.msk [tilespmem:v54+s16+$0x0], $0xffff  }
0xa8: {  	v62 =	vld.idx.msk [tilespmem:v57+s15+$0x0], $0xffff  }
0xa9: {  	v38 =	vld.idx.msk [tilespmem:v57+s16+$0x0], $0xffff  }
0xaa: {  	v63 =	vld.idx.msk [tilespmem:v59+s15+$0x0], $0xffff  }
0xab: {  	v48 =	vld.idx.msk [tilespmem:v59+s16+$0x0], $0xffff;
	v33 =	vsub.f32 v33, v35  }
0xac: {  	v40 =	vbroadcast v32, $0x2  }
0xad: {  	v61 =	vor.u32 s17, v8;
	v34 =	vsub.f32 v51, v34;
	v33 =	vand.u32 $0x7FFFFFFF, v33  }
0xae: {  	v35 =	vsub.f32 v53, v36;
	v37 =	vsub.f32 v55, v56;
	v33 =	vmul.f32 v33, v40  }
0xaf: {  	v36 =	vsub.f32 v58, v60;
	v38 =	vsub.f32 v62, v38;
	v34 =	vand.u32 $0x7FFFFFFF, v34  }
0xb0: {  	v53 =	vsub.f32 v63, v48;
	v34 =	vmul.f32 v34, v40;
	v33 =	vadd.s32 $0x8000, v33  }
0xb1: {  	v35 =	vand.u32 $0x7FFFFFFF, v35;
	v37 =	vand.u32 $0x7FFFFFFF, v37;
	v33 =	vand.u32 $0xFFFF0000, v33  }
0xb2: {  	v35 =	vmul.f32 v35, v40;
	v34 =	vadd.s32 $0x8000, v34;
	v33 =	vmul.f32 v33, v24  }
0xb3: {  	v50 =	vld.idx.msk [tilespmem:v61+s15+$0x0], $0xffff;
	v36 =	vand.u32 $0x7FFFFFFF, v36;
	v37 =	vmul.f32 v37, v40;
	v34 =	vand.u32 $0xFFFF0000, v34  }
0xb4: {  	v39 =	vld.idx.msk [tilespmem:v61+s16+$0x0], $0xffff;
	v35 =	vadd.s32 $0x8000, v35;
	v34 =	vmul.f32 v34, v25;
	v33 =	vadd.f32 $0.0e+00, v33  }
0xb5: {  	v52 =	vand.u32 $0x7FFFFFFF, v38;
	v36 =	vmul.f32 v36, v40;
	v49 =	vand.u32 $0xFFFF0000, v35  }
0xb6: {  	v37 =	vadd.s32 $0x8000, v37;
	v33 =	vadd.f32 v34, v33;
	v34 =	vmul.f32 v49, v26  }
0xb7: {  	v56 =	vand.u32 $0x7FFFFFFF, v53;
	v55 =	vmul.f32 v52, v40;
	v37 =	vand.u32 $0xFFFF0000, v37  }
0xb8: {  	v36 =	vadd.s32 $0x8000, v36;
	v51 =	vmul.f32 v37, v27;
	v33 =	vadd.f32 v34, v33  }
0xb9: {  	v54 =	vand.u32 $0xFFFF0000, v36;
	v35 =	vsub.f32 v50, v39;
	v37 =	vmul.f32 v56, v40  }
0xba: {  	v36 =	vadd.s32 $0x8000, v55;
	v34 =	vmul.f32 v54, v28;
	v33 =	vadd.f32 v51, v33  }
0xbb: {  	v57 =	vand.u32 $0xFFFF0000, v36;
	v35 =	vand.u32 $0x7FFFFFFF, v35;
	v58 =	vadd.s32 $0x8000, v37  }
0xbc: {  	v35 =	vmul.f32 v35, v40;
	v33 =	vadd.f32 v34, v33;
	v34 =	vmul.f32 v57, v29  }
0xbd: {  	v36 =	vand.u32 $0xFFFF0000, v58  }
0xbe: {  	v59 =	vmul.f32 v36, v30;
	v35 =	vadd.s32 $0x8000, v35;
	v33 =	vadd.f32 v34, v33  }
0xbf: {  	s17 =	sadd.s32 $0x180, s13;
	v35 =	vand.u32 $0xFFFF0000, v35  }
0xc0: {  	v61 =	vor.u32 s17, v0;
	v60 =	vmul.f32 v35, v31;
	v33 =	vadd.f32 v59, v33;
	_ =	sdelay $0x1  }
0xc1: {  	v62 =	vor.u32 s17, v1;
	v33 =	vadd.f32 v60, v33;
	_ =	sdelay $0x1  }
0xc2: {  	v63 =	vor.u32 s17, v2;
	[tilespmem:$0x1B622] =	vst v33  }
0xc3: {  	v33 =	vld.idx.msk [tilespmem:v61+s15+$0x0], $0xffff  }
0xc4: {  	v45 =	vor.u32 s17, v3;
	v35 =	vld.idx.msk [tilespmem:v61+s16+$0x0], $0xffff  }
0xc5: {  	v44 =	vld.idx.msk [tilespmem:v62+s15+$0x0], $0xffff  }
0xc6: {  	v47 =	vor.u32 s17, v4;
	v34 =	vld.idx.msk [tilespmem:v62+s16+$0x0], $0xffff  }
0xc7: {  	v46 =	vld.idx.msk [tilespmem:v63+s15+$0x0], $0xffff  }
0xc8: {  	v51 =	vor.u32 s17, v6;
	v36 =	vld.idx.msk [tilespmem:v63+s16+$0x0], $0xffff  }
0xc9: {  	v49 =	vld.idx.msk [tilespmem:v45+s15+$0x0], $0xffff  }
0xca: {  	v53 =	vor.u32 s17, v7;
	v50 =	vld.idx.msk [tilespmem:v45+s16+$0x0], $0xffff  }
0xcb: {  	v52 =	vld.idx.msk [tilespmem:v47+s15+$0x0], $0xffff  }
0xcc: {  	v54 =	vld.idx.msk [tilespmem:v47+s16+$0x0], $0xffff  }
0xcd: {  	v56 =	vld.idx.msk [tilespmem:v51+s15+$0x0], $0xffff  }
0xce: {  	v38 =	vld.idx.msk [tilespmem:v51+s16+$0x0], $0xffff  }
0xcf: {  	v57 =	vld.idx.msk [tilespmem:v53+s15+$0x0], $0xffff  }
0xd0: {  	v58 =	vld.idx.msk [tilespmem:v53+s16+$0x0], $0xffff;
	v33 =	vsub.f32 v33, v35  }
0xd1: {  	v48 =	vbroadcast v32, $0x3  }
0xd2: {  	v55 =	vor.u32 s17, v8;
	v34 =	vsub.f32 v44, v34;
	v33 =	vand.u32 $0x7FFFFFFF, v33  }
0xd3: {  	v35 =	vsub.f32 v46, v36;
	v37 =	vsub.f32 v49, v50;
	v33 =	vmul.f32 v33, v48  }
0xd4: {  	v36 =	vsub.f32 v52, v54;
	v38 =	vsub.f32 v56, v38;
	v34 =	vand.u32 $0x7FFFFFFF, v34  }
0xd5: {  	v63 =	vsub.f32 v57, v58;
	v34 =	vmul.f32 v34, v48;
	v33 =	vadd.s32 $0x8000, v33  }
0xd6: {  	v35 =	vand.u32 $0x7FFFFFFF, v35;
	v37 =	vand.u32 $0x7FFFFFFF, v37;
	v33 =	vand.u32 $0xFFFF0000, v33  }
0xd7: {  	v35 =	vmul.f32 v35, v48;
	v34 =	vadd.s32 $0x8000, v34;
	v33 =	vmul.f32 v33, v24  }
0xd8: {  	v60 =	vld.idx.msk [tilespmem:v55+s15+$0x0], $0xffff;
	v36 =	vand.u32 $0x7FFFFFFF, v36;
	v37 =	vmul.f32 v37, v48;
	v34 =	vand.u32 $0xFFFF0000, v34  }
0xd9: {  	v39 =	vld.idx.msk [tilespmem:v55+s16+$0x0], $0xffff;
	v35 =	vadd.s32 $0x8000, v35;
	v34 =	vmul.f32 v34, v25;
	v33 =	vadd.f32 $0.0e+00, v33  }
0xda: {  	v62 =	vand.u32 $0x7FFFFFFF, v38;
	v36 =	vmul.f32 v36, v48;
	v59 =	vand.u32 $0xFFFF0000, v35  }
0xdb: {  	v37 =	vadd.s32 $0x8000, v37;
	v33 =	vadd.f32 v34, v33;
	v34 =	vmul.f32 v59, v26  }
0xdc: {  	v43 =	vand.u32 $0x7FFFFFFF, v63;
	v42 =	vmul.f32 v62, v48;
	v37 =	vand.u32 $0xFFFF0000, v37  }
0xdd: {  	v36 =	vadd.s32 $0x8000, v36;
	v61 =	vmul.f32 v37, v27;
	v33 =	vadd.f32 v34, v33  }
0xde: {  	v41 =	vand.u32 $0xFFFF0000, v36;
	v35 =	vsub.f32 v60, v39;
	v37 =	vmul.f32 v43, v48  }
0xdf: {  	v36 =	vadd.s32 $0x8000, v42;
	v34 =	vmul.f32 v41, v28;
	v33 =	vadd.f32 v61, v33  }
0xe0: {  	v44 =	vand.u32 $0xFFFF0000, v36;
	v35 =	vand.u32 $0x7FFFFFFF, v35;
	v45 =	vadd.s32 $0x8000, v37  }
0xe1: {  	v35 =	vmul.f32 v35, v48;
	v33 =	vadd.f32 v34, v33;
	v34 =	vmul.f32 v44, v29  }
0xe2: {  	v36 =	vand.u32 $0xFFFF0000, v45  }
0xe3: {  	v46 =	vmul.f32 v36, v30;
	v35 =	vadd.s32 $0x8000, v35;
	v33 =	vadd.f32 v34, v33  }
0xe4: {  	s17 =	sadd.s32 $0x200, s13;
	v35 =	vand.u32 $0xFFFF0000, v35  }
0xe5: {  	v48 =	vor.u32 s17, v0;
	v47 =	vmul.f32 v35, v31;
	v33 =	vadd.f32 v46, v33;
	_ =	sdelay $0x1  }
0xe6: {  	v49 =	vor.u32 s17, v1;
	v33 =	vadd.f32 v47, v33;
	_ =	sdelay $0x1  }
0xe7: {  	v50 =	vor.u32 s17, v2;
	[tilespmem:$0x1B633] =	vst v33  }
0xe8: {  	v33 =	vld.idx.msk [tilespmem:v48+s15+$0x0], $0xffff  }
0xe9: {  	v52 =	vor.u32 s17, v3;
	v35 =	vld.idx.msk [tilespmem:v48+s16+$0x0], $0xffff  }
0xea: {  	v51 =	vld.idx.msk [tilespmem:v49+s15+$0x0], $0xffff  }
0xeb: {  	v54 =	vor.u32 s17, v4;
	v34 =	vld.idx.msk [tilespmem:v49+s16+$0x0], $0xffff  }
0xec: {  	v53 =	vld.idx.msk [tilespmem:v50+s15+$0x0], $0xffff  }
0xed: {  	v57 =	vor.u32 s17, v6;
	v36 =	vld.idx.msk [tilespmem:v50+s16+$0x0], $0xffff  }
0xee: {  	v55 =	vld.idx.msk [tilespmem:v52+s15+$0x0], $0xffff  }
0xef: {  	v59 =	vor.u32 s17, v7;
	v56 =	vld.idx.msk [tilespmem:v52+s16+$0x0], $0xffff  }
0xf0: {  	v58 =	vld.idx.msk [tilespmem:v54+s15+$0x0], $0xffff  }
0xf1: {  	v60 =	vld.idx.msk [tilespmem:v54+s16+$0x0], $0xffff  }
0xf2: {  	v62 =	vld.idx.msk [tilespmem:v57+s15+$0x0], $0xffff  }
0xf3: {  	v38 =	vld.idx.msk [tilespmem:v57+s16+$0x0], $0xffff  }
0xf4: {  	v63 =	vld.idx.msk [tilespmem:v59+s15+$0x0], $0xffff  }
0xf5: {  	v48 =	vld.idx.msk [tilespmem:v59+s16+$0x0], $0xffff;
	v33 =	vsub.f32 v33, v35  }
0xf6: {  	v40 =	vbroadcast v32, $0x4  }
0xf7: {  	v61 =	vor.u32 s17, v8;
	v34 =	vsub.f32 v51, v34;
	v33 =	vand.u32 $0x7FFFFFFF, v33  }
0xf8: {  	v35 =	vsub.f32 v53, v36;
	v37 =	vsub.f32 v55, v56;
	v33 =	vmul.f32 v33, v40  }
0xf9: {  	v36 =	vsub.f32 v58, v60;
	v38 =	vsub.f32 v62, v38;
	v34 =	vand.u32 $0x7FFFFFFF, v34  }
0xfa: {  	v53 =	vsub.f32 v63, v48;
	v34 =	vmul.f32 v34, v40;
	v33 =	vadd.s32 $0x8000, v33  }
0xfb: {  	v35 =	vand.u32 $0x7FFFFFFF, v35;
	v37 =	vand.u32 $0x7FFFFFFF, v37;
	v33 =	vand.u32 $0xFFFF0000, v33  }
0xfc: {  	v35 =	vmul.f32 v35, v40;
	v34 =	vadd.s32 $0x8000, v34;
	v33 =	vmul.f32 v33, v24  }
0xfd: {  	v50 =	vld.idx.msk [tilespmem:v61+s15+$0x0], $0xffff;
	v36 =	vand.u32 $0x7FFFFFFF, v36;
	v37 =	vmul.f32 v37, v40;
	v34 =	vand.u32 $0xFFFF0000, v34  }
0xfe: {  	v39 =	vld.idx.msk [tilespmem:v61+s16+$0x0], $0xffff;
	v35 =	vadd.s32 $0x8000, v35;
	v34 =	vmul.f32 v34, v25;
	v33 =	vadd.f32 $0.0e+00, v33  }
0xff: {  	v52 =	vand.u32 $0x7FFFFFFF, v38;
	v36 =	vmul.f32 v36, v40;
	v49 =	vand.u32 $0xFFFF0000, v35  }
0x100: {  	v37 =	vadd.s32 $0x8000, v37;
	v33 =	vadd.f32 v34, v33;
	v34 =	vmul.f32 v49, v26  }
0x101: {  	v56 =	vand.u32 $0x7FFFFFFF, v53;
	v55 =	vmul.f32 v52, v40;
	v37 =	vand.u32 $0xFFFF0000, v37  }
0x102: {  	v36 =	vadd.s32 $0x8000, v36;
	v51 =	vmul.f32 v37, v27;
	v33 =	vadd.f32 v34, v33  }
0x103: {  	v54 =	vand.u32 $0xFFFF0000, v36;
	v35 =	vsub.f32 v50, v39;
	v37 =	vmul.f32 v56, v40  }
0x104: {  	v36 =	vadd.s32 $0x8000, v55;
	v34 =	vmul.f32 v54, v28;
	v33 =	vadd.f32 v51, v33  }
0x105: {  	v57 =	vand.u32 $0xFFFF0000, v36;
	v35 =	vand.u32 $0x7FFFFFFF, v35;
	v58 =	vadd.s32 $0x8000, v37  }
0x106: {  	v35 =	vmul.f32 v35, v40;
	v33 =	vadd.f32 v34, v33;
	v34 =	vmul.f32 v57, v29  }
0x107: {  	v36 =	vand.u32 $0xFFFF0000, v58  }
0x108: {  	v59 =	vmul.f32 v36, v30;
	v35 =	vadd.s32 $0x8000, v35;
	v33 =	vadd.f32 v34, v33  }
0x109: {  	s17 =	sadd.s32 $0x280, s13;
	v35 =	vand.u32 $0xFFFF0000, v35  }
0x10a: {  	v61 =	vor.u32 s17, v0;
	v60 =	vmul.f32 v35, v31;
	v33 =	vadd.f32 v59, v33;
	_ =	sdelay $0x1  }
0x10b: {  	v62 =	vor.u32 s17, v1;
	v33 =	vadd.f32 v60, v33;
	_ =	sdelay $0x1  }
0x10c: {  	v63 =	vor.u32 s17, v2;
	[tilespmem:$0x1B644] =	vst v33  }
0x10d: {  	v33 =	vld.idx.msk [tilespmem:v61+s15+$0x0], $0xffff  }
0x10e: {  	v45 =	vor.u32 s17, v3;
	v35 =	vld.idx.msk [tilespmem:v61+s16+$0x0], $0xffff  }
0x10f: {  	v44 =	vld.idx.msk [tilespmem:v62+s15+$0x0], $0xffff  }
0x110: {  	v47 =	vor.u32 s17, v4;
	v34 =	vld.idx.msk [tilespmem:v62+s16+$0x0], $0xffff  }
0x111: {  	v46 =	vld.idx.msk [tilespmem:v63+s15+$0x0], $0xffff  }
0x112: {  	v51 =	vor.u32 s17, v6;
	v36 =	vld.idx.msk [tilespmem:v63+s16+$0x0], $0xffff  }
0x113: {  	v49 =	vld.idx.msk [tilespmem:v45+s15+$0x0], $0xffff  }
0x114: {  	v53 =	vor.u32 s17, v7;
	v50 =	vld.idx.msk [tilespmem:v45+s16+$0x0], $0xffff  }
0x115: {  	v52 =	vld.idx.msk [tilespmem:v47+s15+$0x0], $0xffff  }
0x116: {  	v54 =	vld.idx.msk [tilespmem:v47+s16+$0x0], $0xffff  }
0x117: {  	v56 =	vld.idx.msk [tilespmem:v51+s15+$0x0], $0xffff  }
0x118: {  	v38 =	vld.idx.msk [tilespmem:v51+s16+$0x0], $0xffff  }
0x119: {  	v57 =	vld.idx.msk [tilespmem:v53+s15+$0x0], $0xffff  }
0x11a: {  	v58 =	vld.idx.msk [tilespmem:v53+s16+$0x0], $0xffff;
	v33 =	vsub.f32 v33, v35  }
0x11b: {  	v48 =	vbroadcast v32, $0x5  }
0x11c: {  	v55 =	vor.u32 s17, v8;
	v34 =	vsub.f32 v44, v34;
	v33 =	vand.u32 $0x7FFFFFFF, v33  }
0x11d: {  	v35 =	vsub.f32 v46, v36;
	v37 =	vsub.f32 v49, v50;
	v33 =	vmul.f32 v33, v48  }
0x11e: {  	v36 =	vsub.f32 v52, v54;
	v38 =	vsub.f32 v56, v38;
	v34 =	vand.u32 $0x7FFFFFFF, v34  }
0x11f: {  	v63 =	vsub.f32 v57, v58;
	v34 =	vmul.f32 v34, v48;
	v33 =	vadd.s32 $0x8000, v33  }
0x120: {  	v35 =	vand.u32 $0x7FFFFFFF, v35;
	v37 =	vand.u32 $0x7FFFFFFF, v37;
	v33 =	vand.u32 $0xFFFF0000, v33  }
0x121: {  	v35 =	vmul.f32 v35, v48;
	v34 =	vadd.s32 $0x8000, v34;
	v33 =	vmul.f32 v33, v24  }
0x122: {  	v60 =	vld.idx.msk [tilespmem:v55+s15+$0x0], $0xffff;
	v36 =	vand.u32 $0x7FFFFFFF, v36;
	v37 =	vmul.f32 v37, v48;
	v34 =	vand.u32 $0xFFFF0000, v34  }
0x123: {  	v39 =	vld.idx.msk [tilespmem:v55+s16+$0x0], $0xffff;
	v35 =	vadd.s32 $0x8000, v35;
	v34 =	vmul.f32 v34, v25;
	v33 =	vadd.f32 $0.0e+00, v33  }
0x124: {  	v62 =	vand.u32 $0x7FFFFFFF, v38;
	v36 =	vmul.f32 v36, v48;
	v59 =	vand.u32 $0xFFFF0000, v35  }
0x125: {  	v37 =	vadd.s32 $0x8000, v37;
	v33 =	vadd.f32 v34, v33;
	v34 =	vmul.f32 v59, v26  }
0x126: {  	v43 =	vand.u32 $0x7FFFFFFF, v63;
	v42 =	vmul.f32 v62, v48;
	v37 =	vand.u32 $0xFFFF0000, v37  }
0x127: {  	v36 =	vadd.s32 $0x8000, v36;
	v61 =	vmul.f32 v37, v27;
	v33 =	vadd.f32 v34, v33  }
0x128: {  	v41 =	vand.u32 $0xFFFF0000, v36;
	v35 =	vsub.f32 v60, v39;
	v37 =	vmul.f32 v43, v48  }
0x129: {  	v36 =	vadd.s32 $0x8000, v42;
	v34 =	vmul.f32 v41, v28;
	v33 =	vadd.f32 v61, v33  }
0x12a: {  	v44 =	vand.u32 $0xFFFF0000, v36;
	v35 =	vand.u32 $0x7FFFFFFF, v35;
	v45 =	vadd.s32 $0x8000, v37  }
0x12b: {  	v35 =	vmul.f32 v35, v48;
	v33 =	vadd.f32 v34, v33;
	v34 =	vmul.f32 v44, v29  }
0x12c: {  	v36 =	vand.u32 $0xFFFF0000, v45  }
0x12d: {  	v46 =	vmul.f32 v36, v30;
	v35 =	vadd.s32 $0x8000, v35;
	v33 =	vadd.f32 v34, v33  }
0x12e: {  	s17 =	sadd.s32 $0x300, s13;
	v35 =	vand.u32 $0xFFFF0000, v35  }
0x12f: {  	v48 =	vor.u32 s17, v0;
	v47 =	vmul.f32 v35, v31;
	v33 =	vadd.f32 v46, v33;
	_ =	sdelay $0x1  }
0x130: {  	v49 =	vor.u32 s17, v1;
	v33 =	vadd.f32 v47, v33;
	_ =	sdelay $0x1  }
0x131: {  	v50 =	vor.u32 s17, v2;
	[tilespmem:$0x1B655] =	vst v33  }
0x132: {  	v33 =	vld.idx.msk [tilespmem:v48+s15+$0x0], $0xffff  }
0x133: {  	v52 =	vor.u32 s17, v3;
	v35 =	vld.idx.msk [tilespmem:v48+s16+$0x0], $0xffff  }
0x134: {  	v51 =	vld.idx.msk [tilespmem:v49+s15+$0x0], $0xffff  }
0x135: {  	v54 =	vor.u32 s17, v4;
	v34 =	vld.idx.msk [tilespmem:v49+s16+$0x0], $0xffff  }
0x136: {  	v53 =	vld.idx.msk [tilespmem:v50+s15+$0x0], $0xffff  }
0x137: {  	v57 =	vor.u32 s17, v6;
	v36 =	vld.idx.msk [tilespmem:v50+s16+$0x0], $0xffff  }
0x138: {  	v55 =	vld.idx.msk [tilespmem:v52+s15+$0x0], $0xffff  }
0x139: {  	v59 =	vor.u32 s17, v7;
	v56 =	vld.idx.msk [tilespmem:v52+s16+$0x0], $0xffff  }
0x13a: {  	v58 =	vld.idx.msk [tilespmem:v54+s15+$0x0], $0xffff  }
0x13b: {  	v60 =	vld.idx.msk [tilespmem:v54+s16+$0x0], $0xffff  }
0x13c: {  	v62 =	vld.idx.msk [tilespmem:v57+s15+$0x0], $0xffff  }
0x13d: {  	v38 =	vld.idx.msk [tilespmem:v57+s16+$0x0], $0xffff  }
0x13e: {  	v63 =	vld.idx.msk [tilespmem:v59+s15+$0x0], $0xffff  }
0x13f: {  	v48 =	vld.idx.msk [tilespmem:v59+s16+$0x0], $0xffff;
	v33 =	vsub.f32 v33, v35  }
0x140: {  	v40 =	vbroadcast v32, $0x6  }
0x141: {  	v61 =	vor.u32 s17, v8;
	v34 =	vsub.f32 v51, v34;
	v33 =	vand.u32 $0x7FFFFFFF, v33  }
0x142: {  	v35 =	vsub.f32 v53, v36;
	v37 =	vsub.f32 v55, v56;
	v33 =	vmul.f32 v33, v40  }
0x143: {  	v36 =	vsub.f32 v58, v60;
	v38 =	vsub.f32 v62, v38;
	v34 =	vand.u32 $0x7FFFFFFF, v34  }
0x144: {  	v53 =	vsub.f32 v63, v48;
	v34 =	vmul.f32 v34, v40;
	v33 =	vadd.s32 $0x8000, v33  }
0x145: {  	v35 =	vand.u32 $0x7FFFFFFF, v35;
	v37 =	vand.u32 $0x7FFFFFFF, v37;
	v33 =	vand.u32 $0xFFFF0000, v33  }
0x146: {  	v35 =	vmul.f32 v35, v40;
	v34 =	vadd.s32 $0x8000, v34;
	v33 =	vmul.f32 v33, v24  }
0x147: {  	v50 =	vld.idx.msk [tilespmem:v61+s15+$0x0], $0xffff;
	v36 =	vand.u32 $0x7FFFFFFF, v36;
	v37 =	vmul.f32 v37, v40;
	v34 =	vand.u32 $0xFFFF0000, v34  }
0x148: {  	v39 =	vld.idx.msk [tilespmem:v61+s16+$0x0], $0xffff;
	v35 =	vadd.s32 $0x8000, v35;
	v34 =	vmul.f32 v34, v25;
	v33 =	vadd.f32 $0.0e+00, v33  }
0x149: {  	v52 =	vand.u32 $0x7FFFFFFF, v38;
	v36 =	vmul.f32 v36, v40;
	v49 =	vand.u32 $0xFFFF0000, v35  }
0x14a: {  	v37 =	vadd.s32 $0x8000, v37;
	v33 =	vadd.f32 v34, v33;
	v34 =	vmul.f32 v49, v26  }
0x14b: {  	v56 =	vand.u32 $0x7FFFFFFF, v53;
	v55 =	vmul.f32 v52, v40;
	v37 =	vand.u32 $0xFFFF0000, v37  }
0x14c: {  	v36 =	vadd.s32 $0x8000, v36;
	v51 =	vmul.f32 v37, v27;
	v33 =	vadd.f32 v34, v33  }
0x14d: {  	v54 =	vand.u32 $0xFFFF0000, v36;
	v35 =	vsub.f32 v50, v39;
	v37 =	vmul.f32 v56, v40  }
0x14e: {  	v36 =	vadd.s32 $0x8000, v55;
	v34 =	vmul.f32 v54, v28;
	v33 =	vadd.f32 v51, v33  }
0x14f: {  	v57 =	vand.u32 $0xFFFF0000, v36;
	v35 =	vand.u32 $0x7FFFFFFF, v35;
	v58 =	vadd.s32 $0x8000, v37  }
0x150: {  	v35 =	vmul.f32 v35, v40;
	v33 =	vadd.f32 v34, v33;
	v34 =	vmul.f32 v57, v29  }
0x151: {  	v36 =	vand.u32 $0xFFFF0000, v58  }
0x152: {  	v59 =	vmul.f32 v36, v30;
	v35 =	vadd.s32 $0x8000, v35;
	v33 =	vadd.f32 v34, v33  }
0x153: {  	s17 =	sadd.s32 $0x380, s13;
	v35 =	vand.u32 $0xFFFF0000, v35  }
0x154: {  	v61 =	vor.u32 s17, v0;
	v60 =	vmul.f32 v35, v31;
	v33 =	vadd.f32 v59, v33;
	_ =	sdelay $0x1  }
0x155: {  	v62 =	vor.u32 s17, v1;
	v33 =	vadd.f32 v60, v33;
	_ =	sdelay $0x1  }
0x156: {  	v63 =	vor.u32 s17, v2;
	[tilespmem:$0x1B666] =	vst v33  }
0x157: {  	v33 =	vld.idx.msk [tilespmem:v61+s15+$0x0], $0xffff  }
0x158: {  	v45 =	vor.u32 s17, v3;
	v35 =	vld.idx.msk [tilespmem:v61+s16+$0x0], $0xffff  }
0x159: {  	v44 =	vld.idx.msk [tilespmem:v62+s15+$0x0], $0xffff  }
0x15a: {  	v47 =	vor.u32 s17, v4;
	v34 =	vld.idx.msk [tilespmem:v62+s16+$0x0], $0xffff  }
0x15b: {  	v46 =	vld.idx.msk [tilespmem:v63+s15+$0x0], $0xffff  }
0x15c: {  	v51 =	vor.u32 s17, v6;
	v36 =	vld.idx.msk [tilespmem:v63+s16+$0x0], $0xffff  }
0x15d: {  	v49 =	vld.idx.msk [tilespmem:v45+s15+$0x0], $0xffff  }
0x15e: {  	v53 =	vor.u32 s17, v7;
	v50 =	vld.idx.msk [tilespmem:v45+s16+$0x0], $0xffff  }
0x15f: {  	v52 =	vld.idx.msk [tilespmem:v47+s15+$0x0], $0xffff  }
0x160: {  	v54 =	vld.idx.msk [tilespmem:v47+s16+$0x0], $0xffff  }
0x161: {  	v56 =	vld.idx.msk [tilespmem:v51+s15+$0x0], $0xffff  }
0x162: {  	v38 =	vld.idx.msk [tilespmem:v51+s16+$0x0], $0xffff  }
0x163: {  	v57 =	vld.idx.msk [tilespmem:v53+s15+$0x0], $0xffff  }
0x164: {  	v58 =	vld.idx.msk [tilespmem:v53+s16+$0x0], $0xffff;
	v33 =	vsub.f32 v33, v35  }
0x165: {  	v48 =	vbroadcast v32, $0x7  }
0x166: {  	v55 =	vor.u32 s17, v8;
	v34 =	vsub.f32 v44, v34;
	v33 =	vand.u32 $0x7FFFFFFF, v33  }
0x167: {  	v35 =	vsub.f32 v46, v36;
	v37 =	vsub.f32 v49, v50;
	v33 =	vmul.f32 v33, v48  }
0x168: {  	v36 =	vsub.f32 v52, v54;
	v38 =	vsub.f32 v56, v38;
	v34 =	vand.u32 $0x7FFFFFFF, v34  }
0x169: {  	v63 =	vsub.f32 v57, v58;
	v34 =	vmul.f32 v34, v48;
	v33 =	vadd.s32 $0x8000, v33  }
0x16a: {  	v35 =	vand.u32 $0x7FFFFFFF, v35;
	v37 =	vand.u32 $0x7FFFFFFF, v37;
	v33 =	vand.u32 $0xFFFF0000, v33  }
0x16b: {  	v35 =	vmul.f32 v35, v48;
	v34 =	vadd.s32 $0x8000, v34;
	v33 =	vmul.f32 v33, v24  }
0x16c: {  	v60 =	vld.idx.msk [tilespmem:v55+s15+$0x0], $0xffff;
	v36 =	vand.u32 $0x7FFFFFFF, v36;
	v37 =	vmul.f32 v37, v48;
	v34 =	vand.u32 $0xFFFF0000, v34  }
0x16d: {  	v39 =	vld.idx.msk [tilespmem:v55+s16+$0x0], $0xffff;
	v35 =	vadd.s32 $0x8000, v35;
	v34 =	vmul.f32 v34, v25;
	v33 =	vadd.f32 $0.0e+00, v33  }
0x16e: {  	v62 =	vand.u32 $0x7FFFFFFF, v38;
	v36 =	vmul.f32 v36, v48;
	v59 =	vand.u32 $0xFFFF0000, v35  }
0x16f: {  	v37 =	vadd.s32 $0x8000, v37;
	v33 =	vadd.f32 v34, v33;
	v34 =	vmul.f32 v59, v26  }
0x170: {  	v43 =	vand.u32 $0x7FFFFFFF, v63;
	v42 =	vmul.f32 v62, v48;
	v37 =	vand.u32 $0xFFFF0000, v37  }
0x171: {  	v36 =	vadd.s32 $0x8000, v36;
	v61 =	vmul.f32 v37, v27;
	v33 =	vadd.f32 v34, v33  }
0x172: {  	v41 =	vand.u32 $0xFFFF0000, v36;
	v35 =	vsub.f32 v60, v39;
	v37 =	vmul.f32 v43, v48  }
0x173: {  	v36 =	vadd.s32 $0x8000, v42;
	v34 =	vmul.f32 v41, v28;
	v33 =	vadd.f32 v61, v33  }
0x174: {  	v44 =	vand.u32 $0xFFFF0000, v36;
	v35 =	vand.u32 $0x7FFFFFFF, v35;
	v45 =	vadd.s32 $0x8000, v37  }
0x175: {  	v35 =	vmul.f32 v35, v48;
	v33 =	vadd.f32 v34, v33;
	v34 =	vmul.f32 v44, v29  }
0x176: {  	v36 =	vand.u32 $0xFFFF0000, v45  }
0x177: {  	v46 =	vmul.f32 v36, v30;
	v35 =	vadd.s32 $0x8000, v35;
	v33 =	vadd.f32 v34, v33  }
0x178: {  	s17 =	sadd.s32 $0x400, s13;
	v35 =	vand.u32 $0xFFFF0000, v35  }
0x179: {  	v48 =	vor.u32 s17, v0;
	v47 =	vmul.f32 v35, v31;
	v33 =	vadd.f32 v46, v33;
	_ =	sdelay $0x1  }
0x17a: {  	v49 =	vor.u32 s17, v1;
	v33 =	vadd.f32 v47, v33;
	_ =	sdelay $0x1  }
0x17b: {  	v50 =	vor.u32 s17, v2;
	[tilespmem:$0x1B677] =	vst v33  }
0x17c: {  	v33 =	vld.idx.msk [tilespmem:v48+s15+$0x0], $0xffff  }
0x17d: {  	v52 =	vor.u32 s17, v3;
	v35 =	vld.idx.msk [tilespmem:v48+s16+$0x0], $0xffff  }
0x17e: {  	v51 =	vld.idx.msk [tilespmem:v49+s15+$0x0], $0xffff  }
0x17f: {  	v54 =	vor.u32 s17, v4;
	v34 =	vld.idx.msk [tilespmem:v49+s16+$0x0], $0xffff  }
0x180: {  	v53 =	vld.idx.msk [tilespmem:v50+s15+$0x0], $0xffff  }
0x181: {  	v57 =	vor.u32 s17, v6;
	v36 =	vld.idx.msk [tilespmem:v50+s16+$0x0], $0xffff  }
0x182: {  	v55 =	vld.idx.msk [tilespmem:v52+s15+$0x0], $0xffff  }
0x183: {  	v59 =	vor.u32 s17, v7;
	v56 =	vld.idx.msk [tilespmem:v52+s16+$0x0], $0xffff  }
0x184: {  	v58 =	vld.idx.msk [tilespmem:v54+s15+$0x0], $0xffff  }
0x185: {  	v60 =	vld.idx.msk [tilespmem:v54+s16+$0x0], $0xffff  }
0x186: {  	v62 =	vld.idx.msk [tilespmem:v57+s15+$0x0], $0xffff  }
0x187: {  	v38 =	vld.idx.msk [tilespmem:v57+s16+$0x0], $0xffff  }
0x188: {  	v63 =	vld.idx.msk [tilespmem:v59+s15+$0x0], $0xffff  }
0x189: {  	v48 =	vld.idx.msk [tilespmem:v59+s16+$0x0], $0xffff;
	v33 =	vsub.f32 v33, v35  }
0x18a: {  	v40 =	vbroadcast v32, $0x8  }
0x18b: {  	v61 =	vor.u32 s17, v8;
	v34 =	vsub.f32 v51, v34;
	v33 =	vand.u32 $0x7FFFFFFF, v33  }
0x18c: {  	v35 =	vsub.f32 v53, v36;
	v37 =	vsub.f32 v55, v56;
	v33 =	vmul.f32 v33, v40  }
0x18d: {  	v36 =	vsub.f32 v58, v60;
	v38 =	vsub.f32 v62, v38;
	v34 =	vand.u32 $0x7FFFFFFF, v34  }
0x18e: {  	v53 =	vsub.f32 v63, v48;
	v34 =	vmul.f32 v34, v40;
	v33 =	vadd.s32 $0x8000, v33  }
0x18f: {  	v35 =	vand.u32 $0x7FFFFFFF, v35;
	v37 =	vand.u32 $0x7FFFFFFF, v37;
	v33 =	vand.u32 $0xFFFF0000, v33  }
0x190: {  	v35 =	vmul.f32 v35, v40;
	v34 =	vadd.s32 $0x8000, v34;
	v33 =	vmul.f32 v33, v24  }
0x191: {  	v50 =	vld.idx.msk [tilespmem:v61+s15+$0x0], $0xffff;
	v36 =	vand.u32 $0x7FFFFFFF, v36;
	v37 =	vmul.f32 v37, v40;
	v34 =	vand.u32 $0xFFFF0000, v34  }
0x192: {  	v39 =	vld.idx.msk [tilespmem:v61+s16+$0x0], $0xffff;
	v35 =	vadd.s32 $0x8000, v35;
	v34 =	vmul.f32 v34, v25;
	v33 =	vadd.f32 $0.0e+00, v33  }
0x193: {  	v52 =	vand.u32 $0x7FFFFFFF, v38;
	v36 =	vmul.f32 v36, v40;
	v49 =	vand.u32 $0xFFFF0000, v35  }
0x194: {  	v37 =	vadd.s32 $0x8000, v37;
	v33 =	vadd.f32 v34, v33;
	v34 =	vmul.f32 v49, v26  }
0x195: {  	v56 =	vand.u32 $0x7FFFFFFF, v53;
	v55 =	vmul.f32 v52, v40;
	v37 =	vand.u32 $0xFFFF0000, v37  }
0x196: {  	v36 =	vadd.s32 $0x8000, v36;
	v51 =	vmul.f32 v37, v27;
	v33 =	vadd.f32 v34, v33  }
0x197: {  	v54 =	vand.u32 $0xFFFF0000, v36;
	v35 =	vsub.f32 v50, v39;
	v37 =	vmul.f32 v56, v40  }
0x198: {  	v36 =	vadd.s32 $0x8000, v55;
	v34 =	vmul.f32 v54, v28;
	v33 =	vadd.f32 v51, v33  }
0x199: {  	v57 =	vand.u32 $0xFFFF0000, v36;
	v35 =	vand.u32 $0x7FFFFFFF, v35;
	v58 =	vadd.s32 $0x8000, v37  }
0x19a: {  	v35 =	vmul.f32 v35, v40;
	v33 =	vadd.f32 v34, v33;
	v34 =	vmul.f32 v57, v29  }
0x19b: {  	v36 =	vand.u32 $0xFFFF0000, v58  }
0x19c: {  	v59 =	vmul.f32 v36, v30;
	v35 =	vadd.s32 $0x8000, v35;
	v33 =	vadd.f32 v34, v33  }
0x19d: {  	s17 =	sadd.s32 $0x480, s13;
	v35 =	vand.u32 $0xFFFF0000, v35  }
0x19e: {  	v61 =	vor.u32 s17, v0;
	v60 =	vmul.f32 v35, v31;
	v33 =	vadd.f32 v59, v33;
	_ =	sdelay $0x1  }
0x19f: {  	v62 =	vor.u32 s17, v1;
	v33 =	vadd.f32 v60, v33;
	_ =	sdelay $0x1  }
0x1a0: {  	v63 =	vor.u32 s17, v2;
	[tilespmem:$0x1B688] =	vst v33  }
0x1a1: {  	v33 =	vld.idx.msk [tilespmem:v61+s15+$0x0], $0xffff  }
0x1a2: {  	v45 =	vor.u32 s17, v3;
	v35 =	vld.idx.msk [tilespmem:v61+s16+$0x0], $0xffff  }
0x1a3: {  	v44 =	vld.idx.msk [tilespmem:v62+s15+$0x0], $0xffff  }
0x1a4: {  	v47 =	vor.u32 s17, v4;
	v34 =	vld.idx.msk [tilespmem:v62+s16+$0x0], $0xffff  }
0x1a5: {  	v46 =	vld.idx.msk [tilespmem:v63+s15+$0x0], $0xffff  }
0x1a6: {  	v51 =	vor.u32 s17, v6;
	v36 =	vld.idx.msk [tilespmem:v63+s16+$0x0], $0xffff  }
0x1a7: {  	v49 =	vld.idx.msk [tilespmem:v45+s15+$0x0], $0xffff  }
0x1a8: {  	v53 =	vor.u32 s17, v7;
	v50 =	vld.idx.msk [tilespmem:v45+s16+$0x0], $0xffff  }
0x1a9: {  	v52 =	vld.idx.msk [tilespmem:v47+s15+$0x0], $0xffff  }
0x1aa: {  	v54 =	vld.idx.msk [tilespmem:v47+s16+$0x0], $0xffff  }
0x1ab: {  	v56 =	vld.idx.msk [tilespmem:v51+s15+$0x0], $0xffff  }
0x1ac: {  	v38 =	vld.idx.msk [tilespmem:v51+s16+$0x0], $0xffff  }
0x1ad: {  	v57 =	vld.idx.msk [tilespmem:v53+s15+$0x0], $0xffff  }
0x1ae: {  	v58 =	vld.idx.msk [tilespmem:v53+s16+$0x0], $0xffff;
	v33 =	vsub.f32 v33, v35  }
0x1af: {  	v48 =	vbroadcast v32, $0x9  }
0x1b0: {  	v55 =	vor.u32 s17, v8;
	v34 =	vsub.f32 v44, v34;
	v33 =	vand.u32 $0x7FFFFFFF, v33  }
0x1b1: {  	v35 =	vsub.f32 v46, v36;
	v37 =	vsub.f32 v49, v50;
	v33 =	vmul.f32 v33, v48  }
0x1b2: {  	v36 =	vsub.f32 v52, v54;
	v38 =	vsub.f32 v56, v38;
	v34 =	vand.u32 $0x7FFFFFFF, v34  }
0x1b3: {  	v63 =	vsub.f32 v57, v58;
	v34 =	vmul.f32 v34, v48;
	v33 =	vadd.s32 $0x8000, v33  }
0x1b4: {  	v35 =	vand.u32 $0x7FFFFFFF, v35;
	v37 =	vand.u32 $0x7FFFFFFF, v37;
	v33 =	vand.u32 $0xFFFF0000, v33  }
0x1b5: {  	v35 =	vmul.f32 v35, v48;
	v34 =	vadd.s32 $0x8000, v34;
	v33 =	vmul.f32 v33, v24  }
0x1b6: {  	v60 =	vld.idx.msk [tilespmem:v55+s15+$0x0], $0xffff;
	v36 =	vand.u32 $0x7FFFFFFF, v36;
	v37 =	vmul.f32 v37, v48;
	v34 =	vand.u32 $0xFFFF0000, v34  }
0x1b7: {  	v39 =	vld.idx.msk [tilespmem:v55+s16+$0x0], $0xffff;
	v35 =	vadd.s32 $0x8000, v35;
	v34 =	vmul.f32 v34, v25;
	v33 =	vadd.f32 $0.0e+00, v33  }
0x1b8: {  	v62 =	vand.u32 $0x7FFFFFFF, v38;
	v36 =	vmul.f32 v36, v48;
	v59 =	vand.u32 $0xFFFF0000, v35  }
0x1b9: {  	v37 =	vadd.s32 $0x8000, v37;
	v33 =	vadd.f32 v34, v33;
	v34 =	vmul.f32 v59, v26  }
0x1ba: {  	v43 =	vand.u32 $0x7FFFFFFF, v63;
	v42 =	vmul.f32 v62, v48;
	v37 =	vand.u32 $0xFFFF0000, v37  }
0x1bb: {  	v36 =	vadd.s32 $0x8000, v36;
	v61 =	vmul.f32 v37, v27;
	v33 =	vadd.f32 v34, v33  }
0x1bc: {  	v41 =	vand.u32 $0xFFFF0000, v36;
	v35 =	vsub.f32 v60, v39;
	v37 =	vmul.f32 v43, v48  }
0x1bd: {  	v36 =	vadd.s32 $0x8000, v42;
	v34 =	vmul.f32 v41, v28;
	v33 =	vadd.f32 v61, v33  }
0x1be: {  	v44 =	vand.u32 $0xFFFF0000, v36;
	v35 =	vand.u32 $0x7FFFFFFF, v35;
	v45 =	vadd.s32 $0x8000, v37  }
0x1bf: {  	v35 =	vmul.f32 v35, v48;
	v33 =	vadd.f32 v34, v33;
	v34 =	vmul.f32 v44, v29  }
0x1c0: {  	v36 =	vand.u32 $0xFFFF0000, v45  }
0x1c1: {  	v46 =	vmul.f32 v36, v30;
	v35 =	vadd.s32 $0x8000, v35;
	v33 =	vadd.f32 v34, v33  }
0x1c2: {  	s17 =	sadd.s32 $0x500, s13;
	v35 =	vand.u32 $0xFFFF0000, v35  }
0x1c3: {  	v48 =	vor.u32 s17, v0;
	v47 =	vmul.f32 v35, v31;
	v33 =	vadd.f32 v46, v33;
	_ =	sdelay $0x1  }
0x1c4: {  	v49 =	vor.u32 s17, v1;
	v33 =	vadd.f32 v47, v33;
	_ =	sdelay $0x1  }
0x1c5: {  	v50 =	vor.u32 s17, v2;
	[tilespmem:$0x1B699] =	vst v33  }
0x1c6: {  	v33 =	vld.idx.msk [tilespmem:v48+s15+$0x0], $0xffff  }
0x1c7: {  	v52 =	vor.u32 s17, v3;
	v35 =	vld.idx.msk [tilespmem:v48+s16+$0x0], $0xffff  }
0x1c8: {  	v51 =	vld.idx.msk [tilespmem:v49+s15+$0x0], $0xffff  }
0x1c9: {  	v54 =	vor.u32 s17, v4;
	v34 =	vld.idx.msk [tilespmem:v49+s16+$0x0], $0xffff  }
0x1ca: {  	v53 =	vld.idx.msk [tilespmem:v50+s15+$0x0], $0xffff  }
0x1cb: {  	v57 =	vor.u32 s17, v6;
	v36 =	vld.idx.msk [tilespmem:v50+s16+$0x0], $0xffff  }
0x1cc: {  	v55 =	vld.idx.msk [tilespmem:v52+s15+$0x0], $0xffff  }
0x1cd: {  	v59 =	vor.u32 s17, v7;
	v56 =	vld.idx.msk [tilespmem:v52+s16+$0x0], $0xffff  }
0x1ce: {  	v58 =	vld.idx.msk [tilespmem:v54+s15+$0x0], $0xffff  }
0x1cf: {  	v60 =	vld.idx.msk [tilespmem:v54+s16+$0x0], $0xffff  }
0x1d0: {  	v62 =	vld.idx.msk [tilespmem:v57+s15+$0x0], $0xffff  }
0x1d1: {  	v38 =	vld.idx.msk [tilespmem:v57+s16+$0x0], $0xffff  }
0x1d2: {  	v63 =	vld.idx.msk [tilespmem:v59+s15+$0x0], $0xffff  }
0x1d3: {  	v48 =	vld.idx.msk [tilespmem:v59+s16+$0x0], $0xffff;
	v33 =	vsub.f32 v33, v35  }
0x1d4: {  	v40 =	vbroadcast v32, $0xA  }
0x1d5: {  	v61 =	vor.u32 s17, v8;
	v34 =	vsub.f32 v51, v34;
	v33 =	vand.u32 $0x7FFFFFFF, v33  }
0x1d6: {  	v35 =	vsub.f32 v53, v36;
	v37 =	vsub.f32 v55, v56;
	v33 =	vmul.f32 v33, v40  }
0x1d7: {  	v36 =	vsub.f32 v58, v60;
	v38 =	vsub.f32 v62, v38;
	v34 =	vand.u32 $0x7FFFFFFF, v34  }
0x1d8: {  	v53 =	vsub.f32 v63, v48;
	v34 =	vmul.f32 v34, v40;
	v33 =	vadd.s32 $0x8000, v33  }
0x1d9: {  	v35 =	vand.u32 $0x7FFFFFFF, v35;
	v37 =	vand.u32 $0x7FFFFFFF, v37;
	v33 =	vand.u32 $0xFFFF0000, v33  }
0x1da: {  	v35 =	vmul.f32 v35, v40;
	v34 =	vadd.s32 $0x8000, v34;
	v33 =	vmul.f32 v33, v24  }
0x1db: {  	v50 =	vld.idx.msk [tilespmem:v61+s15+$0x0], $0xffff;
	v36 =	vand.u32 $0x7FFFFFFF, v36;
	v37 =	vmul.f32 v37, v40;
	v34 =	vand.u32 $0xFFFF0000, v34  }
0x1dc: {  	v39 =	vld.idx.msk [tilespmem:v61+s16+$0x0], $0xffff;
	v35 =	vadd.s32 $0x8000, v35;
	v34 =	vmul.f32 v34, v25;
	v33 =	vadd.f32 $0.0e+00, v33  }
0x1dd: {  	v52 =	vand.u32 $0x7FFFFFFF, v38;
	v36 =	vmul.f32 v36, v40;
	v49 =	vand.u32 $0xFFFF0000, v35  }
0x1de: {  	v37 =	vadd.s32 $0x8000, v37;
	v33 =	vadd.f32 v34, v33;
	v34 =	vmul.f32 v49, v26  }
0x1df: {  	v56 =	vand.u32 $0x7FFFFFFF, v53;
	v55 =	vmul.f32 v52, v40;
	v37 =	vand.u32 $0xFFFF0000, v37  }
0x1e0: {  	v36 =	vadd.s32 $0x8000, v36;
	v51 =	vmul.f32 v37, v27;
	v33 =	vadd.f32 v34, v33  }
0x1e1: {  	v54 =	vand.u32 $0xFFFF0000, v36;
	v35 =	vsub.f32 v50, v39;
	v37 =	vmul.f32 v56, v40  }
0x1e2: {  	v36 =	vadd.s32 $0x8000, v55;
	v34 =	vmul.f32 v54, v28;
	v33 =	vadd.f32 v51, v33  }
0x1e3: {  	v57 =	vand.u32 $0xFFFF0000, v36;
	v35 =	vand.u32 $0x7FFFFFFF, v35;
	v58 =	vadd.s32 $0x8000, v37  }
0x1e4: {  	v35 =	vmul.f32 v35, v40;
	v33 =	vadd.f32 v34, v33;
	v34 =	vmul.f32 v57, v29  }
0x1e5: {  	v36 =	vand.u32 $0xFFFF0000, v58  }
0x1e6: {  	v59 =	vmul.f32 v36, v30;
	v35 =	vadd.s32 $0x8000, v35;
	v33 =	vadd.f32 v34, v33  }
0x1e7: {  	s17 =	sadd.s32 $0x580, s13;
	v35 =	vand.u32 $0xFFFF0000, v35  }
0x1e8: {  	v61 =	vor.u32 s17, v0;
	v60 =	vmul.f32 v35, v31;
	v33 =	vadd.f32 v59, v33;
	_ =	sdelay $0x1  }
0x1e9: {  	v62 =	vor.u32 s17, v1;
	v33 =	vadd.f32 v60, v33;
	_ =	sdelay $0x1  }
0x1ea: {  	v63 =	vor.u32 s17, v2;
	[tilespmem:$0x1B6AA] =	vst v33  }
0x1eb: {  	v33 =	vld.idx.msk [tilespmem:v61+s15+$0x0], $0xffff  }
0x1ec: {  	v45 =	vor.u32 s17, v3;
	v35 =	vld.idx.msk [tilespmem:v61+s16+$0x0], $0xffff  }
0x1ed: {  	v44 =	vld.idx.msk [tilespmem:v62+s15+$0x0], $0xffff  }
0x1ee: {  	v47 =	vor.u32 s17, v4;
	v34 =	vld.idx.msk [tilespmem:v62+s16+$0x0], $0xffff  }
0x1ef: {  	v46 =	vld.idx.msk [tilespmem:v63+s15+$0x0], $0xffff  }
0x1f0: {  	v51 =	vor.u32 s17, v6;
	v36 =	vld.idx.msk [tilespmem:v63+s16+$0x0], $0xffff  }
0x1f1: {  	v49 =	vld.idx.msk [tilespmem:v45+s15+$0x0], $0xffff  }
0x1f2: {  	v53 =	vor.u32 s17, v7;
	v50 =	vld.idx.msk [tilespmem:v45+s16+$0x0], $0xffff  }
0x1f3: {  	v52 =	vld.idx.msk [tilespmem:v47+s15+$0x0], $0xffff  }
0x1f4: {  	v54 =	vld.idx.msk [tilespmem:v47+s16+$0x0], $0xffff  }
0x1f5: {  	v56 =	vld.idx.msk [tilespmem:v51+s15+$0x0], $0xffff  }
0x1f6: {  	v38 =	vld.idx.msk [tilespmem:v51+s16+$0x0], $0xffff  }
0x1f7: {  	v57 =	vld.idx.msk [tilespmem:v53+s15+$0x0], $0xffff  }
0x1f8: {  	v58 =	vld.idx.msk [tilespmem:v53+s16+$0x0], $0xffff;
	v33 =	vsub.f32 v33, v35  }
0x1f9: {  	v48 =	vbroadcast v32, $0xB  }
0x1fa: {  	v55 =	vor.u32 s17, v8;
	v34 =	vsub.f32 v44, v34;
	v33 =	vand.u32 $0x7FFFFFFF, v33  }
0x1fb: {  	v35 =	vsub.f32 v46, v36;
	v37 =	vsub.f32 v49, v50;
	v33 =	vmul.f32 v33, v48  }
0x1fc: {  	v36 =	vsub.f32 v52, v54;
	v38 =	vsub.f32 v56, v38;
	v34 =	vand.u32 $0x7FFFFFFF, v34  }
0x1fd: {  	v63 =	vsub.f32 v57, v58;
	v34 =	vmul.f32 v34, v48;
	v33 =	vadd.s32 $0x8000, v33  }
0x1fe: {  	v35 =	vand.u32 $0x7FFFFFFF, v35;
	v37 =	vand.u32 $0x7FFFFFFF, v37;
	v33 =	vand.u32 $0xFFFF0000, v33  }
0x1ff: {  	v35 =	vmul.f32 v35, v48;
	v34 =	vadd.s32 $0x8000, v34;
	v33 =	vmul.f32 v33, v24  }
0x200: {  	v60 =	vld.idx.msk [tilespmem:v55+s15+$0x0], $0xffff;
	v36 =	vand.u32 $0x7FFFFFFF, v36;
	v37 =	vmul.f32 v37, v48;
	v34 =	vand.u32 $0xFFFF0000, v34  }
0x201: {  	v39 =	vld.idx.msk [tilespmem:v55+s16+$0x0], $0xffff;
	v35 =	vadd.s32 $0x8000, v35;
	v34 =	vmul.f32 v34, v25;
	v33 =	vadd.f32 $0.0e+00, v33  }
0x202: {  	v62 =	vand.u32 $0x7FFFFFFF, v38;
	v36 =	vmul.f32 v36, v48;
	v59 =	vand.u32 $0xFFFF0000, v35  }
0x203: {  	v37 =	vadd.s32 $0x8000, v37;
	v33 =	vadd.f32 v34, v33;
	v34 =	vmul.f32 v59, v26  }
0x204: {  	v43 =	vand.u32 $0x7FFFFFFF, v63;
	v42 =	vmul.f32 v62, v48;
	v37 =	vand.u32 $0xFFFF0000, v37  }
0x205: {  	v36 =	vadd.s32 $0x8000, v36;
	v61 =	vmul.f32 v37, v27;
	v33 =	vadd.f32 v34, v33  }
0x206: {  	v41 =	vand.u32 $0xFFFF0000, v36;
	v35 =	vsub.f32 v60, v39;
	v37 =	vmul.f32 v43, v48  }
0x207: {  	v36 =	vadd.s32 $0x8000, v42;
	v34 =	vmul.f32 v41, v28;
	v33 =	vadd.f32 v61, v33  }
0x208: {  	v44 =	vand.u32 $0xFFFF0000, v36;
	v35 =	vand.u32 $0x7FFFFFFF, v35;
	v45 =	vadd.s32 $0x8000, v37  }
0x209: {  	v35 =	vmul.f32 v35, v48;
	v33 =	vadd.f32 v34, v33;
	v34 =	vmul.f32 v44, v29  }
0x20a: {  	v36 =	vand.u32 $0xFFFF0000, v45  }
0x20b: {  	v46 =	vmul.f32 v36, v30;
	v35 =	vadd.s32 $0x8000, v35;
	v33 =	vadd.f32 v34, v33  }
0x20c: {  	s17 =	sadd.s32 $0x600, s13;
	v35 =	vand.u32 $0xFFFF0000, v35  }
0x20d: {  	v48 =	vor.u32 s17, v0;
	v47 =	vmul.f32 v35, v31;
	v33 =	vadd.f32 v46, v33;
	_ =	sdelay $0x1  }
0x20e: {  	v49 =	vor.u32 s17, v1;
	v33 =	vadd.f32 v47, v33;
	_ =	sdelay $0x1  }
0x20f: {  	v50 =	vor.u32 s17, v2;
	[tilespmem:$0x1B6BB] =	vst v33  }
0x210: {  	v33 =	vld.idx.msk [tilespmem:v48+s15+$0x0], $0xffff  }
0x211: {  	v52 =	vor.u32 s17, v3;
	v35 =	vld.idx.msk [tilespmem:v48+s16+$0x0], $0xffff  }
0x212: {  	v51 =	vld.idx.msk [tilespmem:v49+s15+$0x0], $0xffff  }
0x213: {  	v54 =	vor.u32 s17, v4;
	v34 =	vld.idx.msk [tilespmem:v49+s16+$0x0], $0xffff  }
0x214: {  	v53 =	vld.idx.msk [tilespmem:v50+s15+$0x0], $0xffff  }
0x215: {  	v57 =	vor.u32 s17, v6;
	v36 =	vld.idx.msk [tilespmem:v50+s16+$0x0], $0xffff  }
0x216: {  	v55 =	vld.idx.msk [tilespmem:v52+s15+$0x0], $0xffff  }
0x217: {  	v59 =	vor.u32 s17, v7;
	v56 =	vld.idx.msk [tilespmem:v52+s16+$0x0], $0xffff  }
0x218: {  	v58 =	vld.idx.msk [tilespmem:v54+s15+$0x0], $0xffff  }
0x219: {  	v60 =	vld.idx.msk [tilespmem:v54+s16+$0x0], $0xffff  }
0x21a: {  	v62 =	vld.idx.msk [tilespmem:v57+s15+$0x0], $0xffff  }
0x21b: {  	v38 =	vld.idx.msk [tilespmem:v57+s16+$0x0], $0xffff  }
0x21c: {  	v63 =	vld.idx.msk [tilespmem:v59+s15+$0x0], $0xffff  }
0x21d: {  	v48 =	vld.idx.msk [tilespmem:v59+s16+$0x0], $0xffff;
	v33 =	vsub.f32 v33, v35  }
0x21e: {  	v40 =	vbroadcast v32, $0xC  }
0x21f: {  	v61 =	vor.u32 s17, v8;
	v34 =	vsub.f32 v51, v34;
	v33 =	vand.u32 $0x7FFFFFFF, v33  }
0x220: {  	v35 =	vsub.f32 v53, v36;
	v37 =	vsub.f32 v55, v56;
	v33 =	vmul.f32 v33, v40  }
0x221: {  	v36 =	vsub.f32 v58, v60;
	v38 =	vsub.f32 v62, v38;
	v34 =	vand.u32 $0x7FFFFFFF, v34  }
0x222: {  	v53 =	vsub.f32 v63, v48;
	v34 =	vmul.f32 v34, v40;
	v33 =	vadd.s32 $0x8000, v33  }
0x223: {  	v35 =	vand.u32 $0x7FFFFFFF, v35;
	v37 =	vand.u32 $0x7FFFFFFF, v37;
	v33 =	vand.u32 $0xFFFF0000, v33  }
0x224: {  	v35 =	vmul.f32 v35, v40;
	v34 =	vadd.s32 $0x8000, v34;
	v33 =	vmul.f32 v33, v24  }
0x225: {  	v50 =	vld.idx.msk [tilespmem:v61+s15+$0x0], $0xffff;
	v36 =	vand.u32 $0x7FFFFFFF, v36;
	v37 =	vmul.f32 v37, v40;
	v34 =	vand.u32 $0xFFFF0000, v34  }
0x226: {  	v39 =	vld.idx.msk [tilespmem:v61+s16+$0x0], $0xffff;
	v35 =	vadd.s32 $0x8000, v35;
	v34 =	vmul.f32 v34, v25;
	v33 =	vadd.f32 $0.0e+00, v33  }
0x227: {  	v52 =	vand.u32 $0x7FFFFFFF, v38;
	v36 =	vmul.f32 v36, v40;
	v49 =	vand.u32 $0xFFFF0000, v35  }
0x228: {  	v37 =	vadd.s32 $0x8000, v37;
	v33 =	vadd.f32 v34, v33;
	v34 =	vmul.f32 v49, v26  }
0x229: {  	v56 =	vand.u32 $0x7FFFFFFF, v53;
	v55 =	vmul.f32 v52, v40;
	v37 =	vand.u32 $0xFFFF0000, v37  }
0x22a: {  	v36 =	vadd.s32 $0x8000, v36;
	v51 =	vmul.f32 v37, v27;
	v33 =	vadd.f32 v34, v33  }
0x22b: {  	v54 =	vand.u32 $0xFFFF0000, v36;
	v35 =	vsub.f32 v50, v39;
	v37 =	vmul.f32 v56, v40  }
0x22c: {  	v36 =	vadd.s32 $0x8000, v55;
	v34 =	vmul.f32 v54, v28;
	v33 =	vadd.f32 v51, v33  }
0x22d: {  	v57 =	vand.u32 $0xFFFF0000, v36;
	v35 =	vand.u32 $0x7FFFFFFF, v35;
	v58 =	vadd.s32 $0x8000, v37  }
0x22e: {  	v35 =	vmul.f32 v35, v40;
	v33 =	vadd.f32 v34, v33;
	v34 =	vmul.f32 v57, v29  }
0x22f: {  	v36 =	vand.u32 $0xFFFF0000, v58  }
0x230: {  	v59 =	vmul.f32 v36, v30;
	v35 =	vadd.s32 $0x8000, v35;
	v33 =	vadd.f32 v34, v33  }
0x231: {  	s17 =	sadd.s32 $0x680, s13;
	v35 =	vand.u32 $0xFFFF0000, v35  }
0x232: {  	v61 =	vor.u32 s17, v0;
	v60 =	vmul.f32 v35, v31;
	v33 =	vadd.f32 v59, v33;
	_ =	sdelay $0x1  }
0x233: {  	v62 =	vor.u32 s17, v1;
	v33 =	vadd.f32 v60, v33;
	_ =	sdelay $0x1  }
0x234: {  	v63 =	vor.u32 s17, v2;
	[tilespmem:$0x1B6CC] =	vst v33  }
0x235: {  	v33 =	vld.idx.msk [tilespmem:v61+s15+$0x0], $0xffff  }
0x236: {  	v45 =	vor.u32 s17, v3;
	v35 =	vld.idx.msk [tilespmem:v61+s16+$0x0], $0xffff  }
0x237: {  	v44 =	vld.idx.msk [tilespmem:v62+s15+$0x0], $0xffff  }
0x238: {  	v47 =	vor.u32 s17, v4;
	v34 =	vld.idx.msk [tilespmem:v62+s16+$0x0], $0xffff  }
0x239: {  	v46 =	vld.idx.msk [tilespmem:v63+s15+$0x0], $0xffff  }
0x23a: {  	v51 =	vor.u32 s17, v6;
	v36 =	vld.idx.msk [tilespmem:v63+s16+$0x0], $0xffff  }
0x23b: {  	v49 =	vld.idx.msk [tilespmem:v45+s15+$0x0], $0xffff  }
0x23c: {  	v53 =	vor.u32 s17, v7;
	v50 =	vld.idx.msk [tilespmem:v45+s16+$0x0], $0xffff  }
0x23d: {  	v52 =	vld.idx.msk [tilespmem:v47+s15+$0x0], $0xffff  }
0x23e: {  	v54 =	vld.idx.msk [tilespmem:v47+s16+$0x0], $0xffff  }
0x23f: {  	v56 =	vld.idx.msk [tilespmem:v51+s15+$0x0], $0xffff  }
0x240: {  	v38 =	vld.idx.msk [tilespmem:v51+s16+$0x0], $0xffff  }
0x241: {  	v57 =	vld.idx.msk [tilespmem:v53+s15+$0x0], $0xffff  }
0x242: {  	v58 =	vld.idx.msk [tilespmem:v53+s16+$0x0], $0xffff;
	v33 =	vsub.f32 v33, v35  }
0x243: {  	v48 =	vbroadcast v32, $0xD  }
0x244: {  	v55 =	vor.u32 s17, v8;
	v34 =	vsub.f32 v44, v34;
	v33 =	vand.u32 $0x7FFFFFFF, v33  }
0x245: {  	v35 =	vsub.f32 v46, v36;
	v37 =	vsub.f32 v49, v50;
	v33 =	vmul.f32 v33, v48  }
0x246: {  	v36 =	vsub.f32 v52, v54;
	v38 =	vsub.f32 v56, v38;
	v34 =	vand.u32 $0x7FFFFFFF, v34  }
0x247: {  	v63 =	vsub.f32 v57, v58;
	v34 =	vmul.f32 v34, v48;
	v33 =	vadd.s32 $0x8000, v33  }
0x248: {  	v35 =	vand.u32 $0x7FFFFFFF, v35;
	v37 =	vand.u32 $0x7FFFFFFF, v37;
	v33 =	vand.u32 $0xFFFF0000, v33  }
0x249: {  	v35 =	vmul.f32 v35, v48;
	v34 =	vadd.s32 $0x8000, v34;
	v33 =	vmul.f32 v33, v24  }
0x24a: {  	v60 =	vld.idx.msk [tilespmem:v55+s15+$0x0], $0xffff;
	v36 =	vand.u32 $0x7FFFFFFF, v36;
	v37 =	vmul.f32 v37, v48;
	v34 =	vand.u32 $0xFFFF0000, v34  }
0x24b: {  	v39 =	vld.idx.msk [tilespmem:v55+s16+$0x0], $0xffff;
	v35 =	vadd.s32 $0x8000, v35;
	v34 =	vmul.f32 v34, v25;
	v33 =	vadd.f32 $0.0e+00, v33  }
0x24c: {  	v62 =	vand.u32 $0x7FFFFFFF, v38;
	v36 =	vmul.f32 v36, v48;
	v59 =	vand.u32 $0xFFFF0000, v35  }
0x24d: {  	v37 =	vadd.s32 $0x8000, v37;
	v33 =	vadd.f32 v34, v33;
	v34 =	vmul.f32 v59, v26  }
0x24e: {  	v43 =	vand.u32 $0x7FFFFFFF, v63;
	v42 =	vmul.f32 v62, v48;
	v37 =	vand.u32 $0xFFFF0000, v37  }
0x24f: {  	v36 =	vadd.s32 $0x8000, v36;
	v61 =	vmul.f32 v37, v27;
	v33 =	vadd.f32 v34, v33  }
0x250: {  	v41 =	vand.u32 $0xFFFF0000, v36;
	v35 =	vsub.f32 v60, v39;
	v37 =	vmul.f32 v43, v48  }
0x251: {  	v36 =	vadd.s32 $0x8000, v42;
	v34 =	vmul.f32 v41, v28;
	v33 =	vadd.f32 v61, v33  }
0x252: {  	v44 =	vand.u32 $0xFFFF0000, v36;
	v35 =	vand.u32 $0x7FFFFFFF, v35;
	v45 =	vadd.s32 $0x8000, v37  }
0x253: {  	v35 =	vmul.f32 v35, v48;
	v33 =	vadd.f32 v34, v33;
	v34 =	vmul.f32 v44, v29  }
0x254: {  	v36 =	vand.u32 $0xFFFF0000, v45  }
0x255: {  	v46 =	vmul.f32 v36, v30;
	v35 =	vadd.s32 $0x8000, v35;
	v33 =	vadd.f32 v34, v33  }
0x256: {  	s17 =	sadd.s32 $0x700, s13;
	v35 =	vand.u32 $0xFFFF0000, v35  }
0x257: {  	v48 =	vor.u32 s17, v0;
	v47 =	vmul.f32 v35, v31;
	v33 =	vadd.f32 v46, v33;
	_ =	sdelay $0x1  }
0x258: {  	v49 =	vor.u32 s17, v1;
	v33 =	vadd.f32 v47, v33;
	_ =	sdelay $0x1  }
0x259: {  	v50 =	vor.u32 s17, v2;
	[tilespmem:$0x1B6DD] =	vst v33  }
0x25a: {  	v33 =	vld.idx.msk [tilespmem:v48+s15+$0x0], $0xffff  }
0x25b: {  	v52 =	vor.u32 s17, v3;
	v35 =	vld.idx.msk [tilespmem:v48+s16+$0x0], $0xffff  }
0x25c: {  	v51 =	vld.idx.msk [tilespmem:v49+s15+$0x0], $0xffff  }
0x25d: {  	v54 =	vor.u32 s17, v4;
	v34 =	vld.idx.msk [tilespmem:v49+s16+$0x0], $0xffff  }
0x25e: {  	v53 =	vld.idx.msk [tilespmem:v50+s15+$0x0], $0xffff  }
0x25f: {  	v57 =	vor.u32 s17, v6;
	v36 =	vld.idx.msk [tilespmem:v50+s16+$0x0], $0xffff  }
0x260: {  	v55 =	vld.idx.msk [tilespmem:v52+s15+$0x0], $0xffff  }
0x261: {  	v59 =	vor.u32 s17, v7;
	v56 =	vld.idx.msk [tilespmem:v52+s16+$0x0], $0xffff  }
0x262: {  	v58 =	vld.idx.msk [tilespmem:v54+s15+$0x0], $0xffff  }
0x263: {  	v60 =	vld.idx.msk [tilespmem:v54+s16+$0x0], $0xffff  }
0x264: {  	v62 =	vld.idx.msk [tilespmem:v57+s15+$0x0], $0xffff  }
0x265: {  	v38 =	vld.idx.msk [tilespmem:v57+s16+$0x0], $0xffff  }
0x266: {  	v63 =	vld.idx.msk [tilespmem:v59+s15+$0x0], $0xffff  }
0x267: {  	v45 =	vld.idx.msk [tilespmem:v59+s16+$0x0], $0xffff;
	v33 =	vsub.f32 v33, v35  }
0x268: {  	v40 =	vbroadcast v32, $0xE  }
0x269: {  	v61 =	vor.u32 s17, v8;
	v34 =	vsub.f32 v51, v34;
	v33 =	vand.u32 $0x7FFFFFFF, v33  }
0x26a: {  	v35 =	vsub.f32 v53, v36;
	v37 =	vsub.f32 v55, v56;
	v33 =	vmul.f32 v33, v40  }
0x26b: {  	v36 =	vsub.f32 v58, v60;
	v38 =	vsub.f32 v62, v38;
	v34 =	vand.u32 $0x7FFFFFFF, v34  }
0x26c: {  	v50 =	vsub.f32 v63, v45;
	v34 =	vmul.f32 v34, v40;
	v33 =	vadd.s32 $0x8000, v33  }
0x26d: {  	v35 =	vand.u32 $0x7FFFFFFF, v35;
	v37 =	vand.u32 $0x7FFFFFFF, v37;
	v33 =	vand.u32 $0xFFFF0000, v33  }
0x26e: {  	v35 =	vmul.f32 v35, v40;
	v34 =	vadd.s32 $0x8000, v34;
	v33 =	vmul.f32 v33, v24  }
0x26f: {  	v47 =	vld.idx.msk [tilespmem:v61+s15+$0x0], $0xffff;
	v36 =	vand.u32 $0x7FFFFFFF, v36;
	v37 =	vmul.f32 v37, v40;
	v34 =	vand.u32 $0xFFFF0000, v34  }
0x270: {  	v39 =	vld.idx.msk [tilespmem:v61+s16+$0x0], $0xffff;
	v35 =	vadd.s32 $0x8000, v35;
	v34 =	vmul.f32 v34, v25;
	v33 =	vadd.f32 $0.0e+00, v33  }
0x271: {  	v49 =	vand.u32 $0x7FFFFFFF, v38;
	v36 =	vmul.f32 v36, v40;
	v46 =	vand.u32 $0xFFFF0000, v35  }
0x272: {  	v37 =	vadd.s32 $0x8000, v37;
	v33 =	vadd.f32 v34, v33;
	v34 =	vmul.f32 v46, v26  }
0x273: {  	v53 =	vand.u32 $0x7FFFFFFF, v50;
	v52 =	vmul.f32 v49, v40;
	v37 =	vand.u32 $0xFFFF0000, v37  }
0x274: {  	v36 =	vadd.s32 $0x8000, v36;
	v48 =	vmul.f32 v37, v27;
	v33 =	vadd.f32 v34, v33  }
0x275: {  	v51 =	vand.u32 $0xFFFF0000, v36;
	v35 =	vsub.f32 v47, v39;
	v37 =	vmul.f32 v53, v40  }
0x276: {  	v36 =	vadd.s32 $0x8000, v52;
	v34 =	vmul.f32 v51, v28;
	v33 =	vadd.f32 v48, v33  }
0x277: {  	v54 =	vand.u32 $0xFFFF0000, v36;
	v35 =	vand.u32 $0x7FFFFFFF, v35;
	v55 =	vadd.s32 $0x8000, v37  }
0x278: {  	v35 =	vmul.f32 v35, v40;
	v33 =	vadd.f32 v34, v33;
	v34 =	vmul.f32 v54, v29  }
0x279: {  	v36 =	vand.u32 $0xFFFF0000, v55  }
0x27a: {  	v56 =	vmul.f32 v36, v30;
	v35 =	vadd.s32 $0x8000, v35;
	v33 =	vadd.f32 v34, v33  }
0x27b: {  	s13 =	sadd.s32 $0x780, s13;
	v35 =	vand.u32 $0xFFFF0000, v35  }
0x27c: {  	v58 =	vor.u32 s13, v0;
	v57 =	vmul.f32 v35, v31;
	v33 =	vadd.f32 v56, v33;
	_ =	sdelay $0x1  }
0x27d: {  	v59 =	vor.u32 s13, v1;
	v33 =	vadd.f32 v57, v33;
	_ =	sdelay $0x1  }
0x27e: {  	v60 =	vor.u32 s13, v2;
	[tilespmem:$0x1B6EE] =	vst v33  }
0x27f: {  	v33 =	vld.idx.msk [tilespmem:v58+s15+$0x0], $0xffff  }
0x280: {  	v62 =	vor.u32 s13, v3;
	v35 =	vld.idx.msk [tilespmem:v58+s16+$0x0], $0xffff  }
0x281: {  	v61 =	vld.idx.msk [tilespmem:v59+s15+$0x0], $0xffff  }
0x282: {  	v45 =	vor.u32 s13, v4;
	v34 =	vld.idx.msk [tilespmem:v59+s16+$0x0], $0xffff  }
0x283: {  	v63 =	vld.idx.msk [tilespmem:v60+s15+$0x0], $0xffff  }
0x284: {  	v48 =	vor.u32 s13, v6;
	v36 =	vld.idx.msk [tilespmem:v60+s16+$0x0], $0xffff  }
0x285: {  	v46 =	vld.idx.msk [tilespmem:v62+s15+$0x0], $0xffff  }
0x286: {  	v50 =	vor.u32 s13, v7;
	v47 =	vld.idx.msk [tilespmem:v62+s16+$0x0], $0xffff  }
0x287: {  	v49 =	vld.idx.msk [tilespmem:v45+s15+$0x0], $0xffff  }
0x288: {  	v51 =	vld.idx.msk [tilespmem:v45+s16+$0x0], $0xffff  }
0x289: {  	v53 =	vld.idx.msk [tilespmem:v48+s15+$0x0], $0xffff  }
0x28a: {  	v38 =	vld.idx.msk [tilespmem:v48+s16+$0x0], $0xffff  }
0x28b: {  	v54 =	vld.idx.msk [tilespmem:v50+s15+$0x0], $0xffff  }
0x28c: {  	v55 =	vld.idx.msk [tilespmem:v50+s16+$0x0], $0xffff  }
0x28d: {  	v33 =	vsub.f32 v33, v35  }
0x28e: {  	v32 =	vbroadcast v32, $0xF;
	v52 =	vor.u32 s13, v8  }
0x28f: {  	v34 =	vsub.f32 v61, v34;
	v35 =	vsub.f32 v63, v36;
	v33 =	vand.u32 $0x7FFFFFFF, v33  }
0x290: {  	v37 =	vsub.f32 v46, v47;
	v36 =	vsub.f32 v49, v51;
	v33 =	vmul.f32 v33, v32  }
0x291: {  	v38 =	vsub.f32 v53, v38;
	v59 =	vsub.f32 v54, v55;
	v34 =	vand.u32 $0x7FFFFFFF, v34  }
0x292: {  	v35 =	vand.u32 $0x7FFFFFFF, v35;
	v34 =	vmul.f32 v34, v32;
	v33 =	vadd.s32 $0x8000, v33  }
0x293: {  	v57 =	vld.idx.msk [tilespmem:v52+s15+$0x0], $0xffff;
	v37 =	vand.u32 $0x7FFFFFFF, v37;
	v36 =	vand.u32 $0x7FFFFFFF, v36;
	v33 =	vand.u32 $0xFFFF0000, v33  }
0x294: {  	v39 =	vld.idx.msk [tilespmem:v52+s16+$0x0], $0xffff;
	v35 =	vmul.f32 v35, v32;
	v34 =	vadd.s32 $0x8000, v34;
	v33 =	vmul.f32 v33, v24  }
0x295: {  	v38 =	vand.u32 $0x7FFFFFFF, v38;
	v37 =	vmul.f32 v37, v32;
	v34 =	vand.u32 $0xFFFF0000, v34  }
0x296: {  	v35 =	vadd.s32 $0x8000, v35;
	v34 =	vmul.f32 v34, v25;
	v33 =	vadd.f32 $0.0e+00, v33  }
0x297: {  	v36 =	vmul.f32 v36, v32;
	v61 =	vmul.f32 v38, v32;
	v56 =	vand.u32 $0xFFFF0000, v35  }
0x298: {  	v37 =	vadd.s32 $0x8000, v37;
	v33 =	vadd.f32 v34, v33;
	v34 =	vmul.f32 v56, v26  }
0x299: {  	v36 =	vadd.s32 $0x8000, v36;
	v37 =	vand.u32 $0xFFFF0000, v37;
	v35 =	vsub.f32 v57, v39  }
0x29a: {  	v58 =	vmul.f32 v37, v27;
	v37 =	vand.u32 $0x7FFFFFFF, v59;
	v33 =	vadd.f32 v34, v33  }
0x29b: {  	v60 =	vand.u32 $0xFFFF0000, v36;
	v36 =	vadd.s32 $0x8000, v61;
	v37 =	vmul.f32 v37, v32  }
0x29c: {  	v35 =	vand.u32 $0x7FFFFFFF, v35;
	v34 =	vmul.f32 v60, v28;
	v33 =	vadd.f32 v58, v33  }
0x29d: {  	v62 =	vand.u32 $0xFFFF0000, v36;
	v32 =	vmul.f32 v35, v32  }
0x29e: {  	v63 =	vadd.s32 $0x8000, v37;
	v33 =	vadd.f32 v34, v33;
	v34 =	vmul.f32 v62, v29  }
0x29f: {  	v40 =	vand.u32 $0xFFFF0000, v63  }
0x2a0: {  	v32 =	vadd.s32 $0x8000, v32;
	v41 =	vmul.f32 v40, v30;
	v33 =	vadd.f32 v34, v33  }
0x2a1: {  	v32 =	vand.u32 $0xFFFF0000, v32  }
0x2a2: {  	v32 =	vmul.f32 v32, v31;
	v33 =	vadd.f32 v41, v33;
	_ =	sdelay $0x1  }
0x2a3: {  	v32 =	vadd.f32 v32, v33;
	_ =	sdelay $0x1  }
0x2a4: {  	[tilespmem:$0x1B6FF] =	vst v32  }
0x2a5: {  	v32 =	vld.idx.msk [tilespmem:v5+s20+$0x0], $0xffff  }
0x2a6: {  	v42 =	vld.idx.msk [tilespmem:v9+s20+$0x0], $0xffff;
	_ =	sdelay $0x1  }
0x2a7: {  	v43 =	vld.idx.msk [tilespmem:v10+s20+$0x0], $0xffff;
	_ =	sdelay $0x1  }
0x2a8: {  	v44 =	vld.idx.msk [tilespmem:v11+s20+$0x0], $0xffff  }
0x2a9: {  	v32 =	vadd.f32 v42, v32  }
0x2aa: {  	v45 =	vld.idx.msk [tilespmem:v12+s20+$0x0], $0xffff  }
0x2ab: {  	v32 =	vadd.f32 v43, v32  }
0x2ac: {  	v46 =	vld.idx.msk [tilespmem:v13+s20+$0x0], $0xffff  }
0x2ad: {  	v32 =	vadd.f32 v44, v32  }
0x2ae: {  	v47 =	vld.idx.msk [tilespmem:v14+s20+$0x0], $0xffff  }
0x2af: {  	v32 =	vadd.f32 v45, v32  }
0x2b0: {  	v48 =	vld.idx.msk [tilespmem:v15+s20+$0x0], $0xffff  }
0x2b1: {  	v32 =	vadd.f32 v46, v32  }
0x2b2: {  	v49 =	vld.idx.msk [tilespmem:v16+s20+$0x0], $0xffff  }
0x2b3: {  	v32 =	vadd.f32 v47, v32  }
0x2b4: {  	v50 =	vld.idx.msk [tilespmem:v17+s20+$0x0], $0xffff  }
0x2b5: {  	v32 =	vadd.f32 v48, v32  }
0x2b6: {  	v51 =	vld.idx.msk [tilespmem:v18+s20+$0x0], $0xffff  }
0x2b7: {  	v32 =	vadd.f32 v49, v32  }
0x2b8: {  	v52 =	vld.idx.msk [tilespmem:v19+s20+$0x0], $0xffff  }
0x2b9: {  	v32 =	vadd.f32 v50, v32  }
0x2ba: {  	v53 =	vld.idx.msk [tilespmem:v20+s20+$0x0], $0xffff  }
0x2bb: {  	v32 =	vadd.f32 v51, v32  }
0x2bc: {  	v54 =	vld.idx.msk [tilespmem:v21+s20+$0x0], $0xffff  }
0x2bd: {  	v32 =	vadd.f32 v52, v32  }
0x2be: {  	v55 =	vld.idx.msk [tilespmem:v22+s20+$0x0], $0xffff  }
0x2bf: {  	v32 =	vadd.f32 v53, v32  }
0x2c0: {  	v56 =	vld.idx.msk [tilespmem:v23+s20+$0x0], $0xffff  }
0x2c1: {  	v32 =	vadd.f32 v54, v32;
	_ =	sdelay $0x1  }
0x2c2: {  	v32 =	vadd.f32 v55, v32;
	_ =	sdelay $0x1  }
0x2c3: {  	v32 =	vadd.f32 v56, v32;
	_ =	sdelay $0x1  }
0x2c4: {  	v32 =	vmax.f32 v32, $0.0e+00  }
0x2c5: {  	v57 =	vmul.f32 $1.442695020e+00, v32;
	_ =	sdelay $0x1  }
0x2c6: {  	v33 =	vadd.f32 $8.388608000e+06, v57;
	_ =	sdelay $0x1  }
0x2c7: {  	v58 =	vadd.f32 $-8.388608000e+06, v33;
	_ =	sdelay $0x1  }
0x2c8: {  	v59 =	vmul.f32 $-6.931457510e-01, v58;
	_ =	sdelay $0x1  }
0x2c9: {  	v34 =	vmul.f32 $-1.428606770e-06, v58;
	v32 =	vadd.f32 v59, v32;
	_ =	sdelay $0x1  }
0x2ca: {  	v32 =	vadd.f32 v34, v32;
	_ =	sdelay $0x1  }
0x2cb: {  	v34 =	vmul.f32 $1.984127010e-04, v32;
	_ =	sdelay $0x1  }
0x2cc: {  	v34 =	vadd.f32 $1.388888920e-03, v34;
	_ =	sdelay $0x1  }
0x2cd: {  	v34 =	vmul.f32 v34, v32;
	_ =	sdelay $0x1  }
0x2ce: {  	v34 =	vadd.f32 $8.333333770e-03, v34;
	_ =	sdelay $0x1  }
0x2cf: {  	v34 =	vmul.f32 v34, v32;
	_ =	sdelay $0x1  }
0x2d0: {  	v34 =	vadd.f32 $4.166666790e-02, v34;
	_ =	sdelay $0x1  }
0x2d1: {  	v34 =	vmul.f32 v34, v32  }
0x2d2: {  	v60 =	vld [tilespmem:s24+$0x0]  }
0x2d3: {  	v34 =	vadd.f32 $1.666666720e-01, v34;
	_ =	sdelay $0x1  }
0x2d4: {  	v34 =	vmul.f32 v34, v32;
	_ =	sdelay $0x1  }
0x2d5: {  	v61 =	vmul.f32 v60, v60;
	v34 =	vadd.f32 $5.000000000e-01, v34;
	_ =	sdelay $0x1  }
0x2d6: {  	v36 =	vmul.f32 v61, v61;
	v34 =	vmul.f32 v34, v32;
	_ =	sdelay $0x1  }
0x2d7: {  	v36 =	vmul.f32 v36, v36;
	v34 =	vadd.f32 $1.000000000e+00, v34;
	_ =	sdelay $0x1  }
0x2d8: {  	v62 =	vmul.f32 v36, v36;
	v32 =	vmul.f32 v34, v32;
	_ =	sdelay $0x1  }
0x2d9: {  	v33 =	vshll.u32 v33, $0x17;
	v34 =	vmul.f32 v62, v36;
	v32 =	vadd.f32 $1.000000000e+00, v32  }
0x2da: {  	p0 =	sne.s32 s31, $0x40;
	v33 =	vadd.s32 $0x3F800000, v33  }
.Ltmp0:
0x2db: {  	v63 =	vmul.f32 v34, v60;
	v32 =	vmul.f32 v33, v32;
	(pc) =	sbr.rel @p0 .LBB2_3-.Ltmp0, $4  }
0x2dc: {  	_ = 	snop  }
0x2dd: {  	v32 =	vmul.f32 v32, v63  }
0x2de: {  	s26 =	sadd.s32 $0x10, s26;
	s23 =	sadd.s32 $0x10, s23  }
0x2df: {  	s31 =	sadd.s32 $0x10, s31;
	s24 =	sadd.s32 $0x10, s24;
	[tilespmem:s25+$0x0] =	vst v32;
	s25 =	sadd.s32 $0x10, s25  }
0x2e0: {  	s29 =	sadd.s32 $0x1, s29  }
0x2e1: {  	p0 =	sne.s32 s29, $0x7D  }
.Ltmp1:
0x2e2: {  	_ = 	snop;
	(pc) =	sbr.rel @p0 .LBB2_2-.Ltmp1, $3  }
0x2e3: {  	_ =	sdelay $0x1  }
0x2e4: {  	s28 =	sadd.s32 $0x50, s28;
	s4 =	sadd.s32 $0x50, s4  }
0x2e5: {  	s2 =	sadd.s32 $0x50, s2;
	s1 =	sadd.s32 $0x50, s1;
	s3 =	sadd.s32 $0x50, s3  }
0x2e6: {  	s22 =	sadd.s32 $0x1, s22  }
0x2e7: {  	p0 =	sne.s32 s22, s10  }
.Ltmp2:
0x2e8: {  	_ = 	snop;
	(pc) =	sbr.rel @p0 .LBB2_1-.Ltmp2, $4  }
0x2e9: {  	[hbm4b:s9+s5] =	stream.linear.scatter [tilespmem:s21], [sflag:$0x7], $0x2710, $0x38;
	[tilespmem:$0x1B780] =	vst v63  }
0x2ea: {  	_ =	swait.ge [sflag:s12], $0x2710  }
0x2eb: {  	[sflag:s12] =	ssyncset.done $0x0  }
0x2ec: {  	[sflag:s12] =	ssyncadd.s32 $0xFFFFD8F0  }
0x2ed: {  	_ =	sfence.sel $0x180000  }
0x2ee: {  	[bflag:$0x0] =	sbarrier.arrive $0xFFFF  }
0x2ef: {  	_ =	strace $0x9000004A  }
0x2f0: {  	s0 =	stileid.u32;
	[bflag:$0x2] =	sbarrier.arrive $0xFFFF  }
0x2f1: {  	p0 =	sne.s32 s0, $0x0;
	s0 =	rddreg [dreg:$0x6]  }
0x2f2: {  	s0 =	sadd.s32 @!p0 $0x100000, s0  }
0x2f3: {  	[sflag:s0] =	ssyncadd.tile.s32 @!p0 $0x1;
	_ =	shalt  }
.Lfunc_end2:
_tile_overlayer_lowered:
.L_overlay_start_2:
0x2f4: {  	(tag) =	ssettag $0x2  }
0x2f5: {  	s0 =	rddreg [dreg:$0x0];
	s2 =	stileid.u32  }
0x2f6: {  	s1 =	rddreg [dreg:$0x1];
	p0 =	sne.s32 s2, $0x0  }
0x2f7: {  	s3 =	rddreg [dreg:$0x2];
	[bflag:$0x3] =	sbarrier.arrive $0xFFFF;
	s2 =	simm.s32 @!p0 $0x1C07  }
0x2f8: {  	[timem:s3], [sflag:s2] =	dma.local @!p0 [hbm:s0], s1  }
0x2f9: {  	s0 =	simm.s32 @!p0 $0x7  }
0x2fa: {  	_ =	swait.ge @!p0 [sflag:s0], s1  }
0x2fb: {  	s1 =	ssub.s32 @!p0 $0x0, s1;
	[sflag:s0] =	ssyncset.done @!p0 $0x0  }
0x2fc: {  	[sflag:s0] =	ssyncadd.s32 @!p0 s1  }
0x2fd: {  	[bflag:$0x3] =	sbarrier.arrive $0xFFFF  }
0x2fe: {  	_ =	shalt  }

</sc_bundles>
